<compile_context>
chip_gen: v7x
topology: tpu7x:2x2x1
jax: 0.10.2.dev20260603
libtpu: 0.0.44.dev20260713+nightly
codegen_flags: <defaults>
</compile_context>

<pallas_src>
import functools

import jax
import jax.numpy as jnp
from jax import lax
from jax.experimental import pallas as pl
from jax.experimental.pallas import tpu as pltpu
from jax.experimental.pallas import tpu_sc as plsc

NC = 2
NS = 16
NW = NC * NS
GW = 16
D = 32
SL = 8


def _make_sc_kernel(B, b_per_w, n_groups):
    mesh = plsc.VectorSubcoreMesh(core_axis_name="c", subcore_axis_name="s")

    @functools.partial(
        pl.kernel,
        mesh=mesh,
        compiler_params=pltpu.CompilerParams(
            use_tc_tiling_on_sc=True, needs_layout_passes=False),
        out_type=jax.ShapeDtypeStruct((B,), jnp.float32),
        scratch_types=[
            pltpu.VMEM((b_per_w,), jnp.int32),
            pltpu.VMEM((b_per_w,), jnp.int32),
            pltpu.VMEM((2, 4, SL, 128), jnp.float32),
            pltpu.VMEM((2, 4, SL, 128), jnp.float32),
            pltpu.VMEM((2, 4, SL, 128), jnp.float32),
            pltpu.VMEM((2, 4, SL, 128), jnp.float32),
            pltpu.VMEM((GW, 128), jnp.float32),
            pltpu.VMEM((GW, 128), jnp.float32),
            pltpu.VMEM((b_per_w,), jnp.float32),
            pltpu.SemaphoreType.DMA,
            pltpu.SemaphoreType.DMA,
        ],
    )
    def sc_kernel(stu_hbm, exer_hbm, th3_hbm, a3_hbm, b2_hbm, out_hbm,
                  sidx, eidx, thA, thB, aA, aB, bA, bB, res, semA, semB):
        wid = lax.axis_index("s") * NC + lax.axis_index("c")
        base = wid * b_per_w
        pltpu.sync_copy(stu_hbm.at[pl.ds(base, b_per_w)], sidx)
        pltpu.sync_copy(exer_hbm.at[pl.ds(base, b_per_w)], eidx)

        lanes = lax.broadcasted_iota(jnp.int32, (GW,), 0)

        def load_idx(ref, g):
            return ref[pl.ds(g * GW, GW)]

        def issue_group(g, th_buf, a_buf, b_buf, sem):
            vs = load_idx(sidx, g)
            ve = load_idx(eidx, g)
            pltpu.async_copy(b2_hbm.at[ve // 128], b_buf, sem)

            @pl.loop(0, GW)
            def _(j):
                m = lanes == j
                sj = jnp.sum(jnp.where(m, vs, 0))
                ej = jnp.sum(jnp.where(m, ve, 0))
                s_start = (sj // GW) * GW
                e_start = (ej // GW) * GW
                half, slot = j // 8, (j % 8) * GW
                pltpu.async_copy(
                    th3_hbm.at[:, :, pl.ds(s_start, GW)],
                    th_buf.at[half, :, :, pl.ds(slot, GW)], sem)
                pltpu.async_copy(
                    a3_hbm.at[:, :, pl.ds(e_start, GW)],
                    a_buf.at[half, :, :, pl.ds(slot, GW)], sem)

        def drain_group(th_buf, a_buf, b_buf, sem):
            dummy3 = th3_hbm.at[:, :, pl.ds(0, 128)]
            for buf in (th_buf, a_buf):
                pltpu.make_async_copy(dummy3, buf.at[0], sem).wait()
                pltpu.make_async_copy(dummy3, buf.at[1], sem).wait()
            pltpu.make_async_copy(b2_hbm.at[pl.ds(0, GW)], b_buf, sem).wait()

        def compute_group(g, th_buf, a_buf, b_buf):
            vs = load_idx(sidx, g)
            ve = load_idx(eidx, g)
            half_v = lanes // 8
            s_lane = (lanes % 8) * GW + lax.rem(vs, GW)
            e_lane = (lanes % 8) * GW + lax.rem(ve, GW)
            b_off = lax.rem(ve, 128)
            zero_v = jnp.zeros((GW,), jnp.int32)

            def dbody(k, acc):
                d = k * 4
                accs = list(acc)
                for u in range(4):
                    dd = d + u
                    d0 = zero_v + dd // SL
                    d1 = zero_v + lax.rem(dd, SL)
                    th_v = plsc.load_gather(th_buf, [half_v, d0, d1, s_lane])
                    a_v = plsc.load_gather(a_buf, [half_v, d0, d1, e_lane])
                    asig = 1.0 / (1.0 + jnp.exp(-a_v))
                    accs[u] = accs[u] + asig * th_v
                return tuple(accs)

            z = jnp.zeros((GW,), jnp.float32)
            a0_, a1_, a2_, a3_ = lax.fori_loop(0, D // 4, dbody, (z, z, z, z))
            acc = (a0_ + a1_) + (a2_ + a3_)
            b_v = plsc.load_gather(b_buf, [lanes, b_off])
            logit = acc - b_v
            res[pl.ds(g * GW, GW)] = 1.0 / (1.0 + jnp.exp(-logit))

        issue_group(0, thA, aA, bA, semA)

        @pl.loop(0, (n_groups - 2) // 2)
        def _(i):
            g = i * 2
            issue_group(g + 1, thB, aB, bB, semB)
            drain_group(thA, aA, bA, semA)
            compute_group(g, thA, aA, bA)
            issue_group(g + 2, thA, aA, bA, semA)
            drain_group(thB, aB, bB, semB)
            compute_group(g + 1, thB, aB, bB)

        issue_group(n_groups - 1, thB, aB, bB, semB)
        drain_group(thA, aA, bA, semA)
        compute_group(n_groups - 2, thA, aA, bA)
        drain_group(thB, aB, bB, semB)
        compute_group(n_groups - 1, thB, aB, bB)

        pltpu.sync_copy(res, out_hbm.at[pl.ds(base, b_per_w)])

    return sc_kernel


def kernel(stu_id, input_exercise, theta_w, a_w, b_w):
    B = stu_id.shape[0]
    b_per_w = B // NW
    n_groups = b_per_w // GW
    stu1 = stu_id.astype(jnp.int32)
    exer1 = input_exercise.astype(jnp.int32)

    th3 = jnp.transpose(theta_w).reshape(4, SL, theta_w.shape[0])
    a3 = jnp.transpose(a_w).reshape(4, SL, a_w.shape[0])

    nb = b_w.shape[0]
    pad = (-nb) % 128
    b_flat = b_w.reshape(nb)
    if pad:
        b_flat = jnp.pad(b_flat, (0, pad))
    b2 = b_flat.reshape((nb + pad) // 128, 128)

    sc_kernel = _make_sc_kernel(B, b_per_w, n_groups)
    return sc_kernel(stu1, exer1, th3, a3, b2)

# --- scband reference (transcript-rebuilt; emitter-appended) ---
"""Pipeline reference for scband-mirtnet-82403242541095 (READ-ONLY COPY).

The authoritative reference and input builder live on the scoring server;
editing this copy changes nothing except your own understanding.
"""

import jax, jax.numpy as jnp
import numpy as np

STUDENT_N = 1000000
EXER_N = 100000
LATENT_DIM = 32
A_RANGE = 1.0
BATCH = 16384

def _xavier_normal(key, shape):
    fan_in, fan_out = shape[1], shape[0]
    std = float(np.sqrt(2.0 / (fan_in + fan_out)))
    return jax.random.normal(key, shape, dtype=jnp.float32) * std

def setup_inputs(seed: int = 0) -> dict:
    key = jax.random.key(seed)
    k1, k2, k3, k4, k5 = jax.random.split(key, 5)
    stu_id = jax.random.randint(k1, (BATCH,), 0, STUDENT_N, dtype=jnp.int64) if jax.config.jax_enable_x64 else jax.random.randint(k1, (BATCH,), 0, STUDENT_N, dtype=jnp.int32)
    input_exercise = jax.random.randint(k2, (BATCH,), 0, EXER_N, dtype=jnp.int64) if jax.config.jax_enable_x64 else jax.random.randint(k2, (BATCH,), 0, EXER_N, dtype=jnp.int32)
    theta_w = _xavier_normal(k3, (STUDENT_N, LATENT_DIM))
    a_w = _xavier_normal(k4, (EXER_N, LATENT_DIM))
    b_w = _xavier_normal(k5, (EXER_N, 1))
    return {"stu_id": stu_id, "input_exercise": input_exercise, "theta_w": theta_w, "a_w": a_w, "b_w": b_w}

def reference(stu_id, input_exercise, theta_w, a_w, b_w):
    theta = jnp.take(theta_w, stu_id, axis=0)            # [B, D]
    a = jnp.take(a_w, input_exercise, axis=0)            # [B, D]
    a = A_RANGE * jax.nn.sigmoid(a)
    b = jnp.squeeze(jnp.take(b_w, input_exercise, axis=0), axis=-1)  # [B]
    logits = jnp.sum(a * theta, axis=-1) - b
    return 1.0 / (1.0 + jnp.exp(-logits))

if __name__ == "__main__":
    import jax
    _d = setup_inputs()
    print(jax.jit(kernel)(*tuple(_d.values())))

</pallas_src>

<mosaic_0001>
#map = affine_map<(d0, d1) -> (0)>
#map1 = affine_map<(d0, d1) -> (0, 0, 0)>
#map2 = affine_map<(d0, d1) -> (0, 0)>
module attributes {stable_mosaic.version = 14 : i64} {
  func.func @sc_kernel(%arg0: i32, %arg1: i32, %arg2: memref<16384xi32, #tpu.memory_space<hbm>>, %arg3: memref<16384xi32, #tpu.memory_space<hbm>>, %arg4: memref<4x8x1000000xf32, #tpu.memory_space<hbm>>, %arg5: memref<4x8x100000xf32, #tpu.memory_space<hbm>>, %arg6: memref<782x128xf32, #tpu.memory_space<hbm>>, %arg7: memref<16384xf32, #tpu.memory_space<hbm>>, %arg8: memref<512xi32, #tpu.memory_space<vmem>>, %arg9: memref<512xi32, #tpu.memory_space<vmem>>, %arg10: memref<2x4x8x128xf32, #tpu.memory_space<vmem>>, %arg11: memref<2x4x8x128xf32, #tpu.memory_space<vmem>>, %arg12: memref<2x4x8x128xf32, #tpu.memory_space<vmem>>, %arg13: memref<2x4x8x128xf32, #tpu.memory_space<vmem>>, %arg14: memref<16x128xf32, #tpu.memory_space<vmem>>, %arg15: memref<16x128xf32, #tpu.memory_space<vmem>>, %arg16: memref<512xf32, #tpu.memory_space<vmem>>, %arg17: memref<!tpu.dma_semaphore, #tpu.memory_space<semaphore_mem>>, %arg18: memref<!tpu.dma_semaphore, #tpu.memory_space<semaphore_mem>>) attributes {dimension_semantics = [#tpu.dimension_semantics<core_parallel>, #tpu.dimension_semantics<subcore_parallel>], iteration_bounds = array<i64: 2, 16>, scalar_prefetch = 0 : i64, scratch_operands = 11 : i64, tpu.core_type = #tpu.core_type<sc_vector_subcore>, window_params = [{transform_indices = #map}, {transform_indices = #map}, {transform_indices = #map1}, {transform_indices = #map1}, {transform_indices = #map2}, {transform_indices = #map}]} {
    %mul3A = arith.constant 2 : i32
    %mul3A_0 = arith.muli %arg1, %mul3A : i32
    %add3A = arith.addi %mul3A_0, %arg0 : i32
    %mul3A_1 = arith.constant 512 : i32
    %mul3A_2 = arith.muli %add3A, %mul3A_1 : i32
    "tpu.region"() ({
      %run_scoped3A = tpu.sem_alloc : memref<!tpu.dma_semaphore, #tpu.memory_space<semaphore_mem>>
      %dma_start3A_485 = tpu.memref_slice %arg2[%mul3A_2] : memref<16384xi32, #tpu.memory_space<hbm>> -> memref<512xi32, #tpu.memory_space<hbm>>
      %dma_start3A_486 = tpu.memref_slice %arg2[%mul3A_2] : memref<16384xi32, #tpu.memory_space<hbm>> -> memref<512xi32, #tpu.memory_space<hbm>>
      tpu.enqueue_dma source(%dma_start3A_486 : memref<512xi32, #tpu.memory_space<hbm>>) target(%arg8 : memref<512xi32, #tpu.memory_space<vmem>>) target_semaphore(%run_scoped3A : memref<!tpu.dma_semaphore, #tpu.memory_space<semaphore_mem>>)
      %dma_wait3A_487 = tpu.memref_slice %arg2[%mul3A_2] : memref<16384xi32, #tpu.memory_space<hbm>> -> memref<512xi32, #tpu.memory_space<hbm>>
      %dma_wait3A_488 = tpu.memref_slice %arg2[%mul3A_2] : memref<16384xi32, #tpu.memory_space<hbm>> -> memref<512xi32, #tpu.memory_space<hbm>>
      tpu.wait_dma2 semaphore(%run_scoped3A : memref<!tpu.dma_semaphore, #tpu.memory_space<semaphore_mem>>) src(%dma_wait3A_488 : memref<512xi32, #tpu.memory_space<hbm>>) dst(%arg8 : memref<512xi32, #tpu.memory_space<vmem>>)
      tpu.yield
    }) : () -> ()
    "tpu.region"() ({
      %run_scoped3A = tpu.sem_alloc : memref<!tpu.dma_semaphore, #tpu.memory_space<semaphore_mem>>
      %dma_start3A_485 = tpu.memref_slice %arg3[%mul3A_2] : memref<16384xi32, #tpu.memory_space<hbm>> -> memref<512xi32, #tpu.memory_space<hbm>>
      %dma_start3A_486 = tpu.memref_slice %arg3[%mul3A_2] : memref<16384xi32, #tpu.memory_space<hbm>> -> memref<512xi32, #tpu.memory_space<hbm>>
      tpu.enqueue_dma source(%dma_start3A_486 : memref<512xi32, #tpu.memory_space<hbm>>) target(%arg9 : memref<512xi32, #tpu.memory_space<vmem>>) target_semaphore(%run_scoped3A : memref<!tpu.dma_semaphore, #tpu.memory_space<semaphore_mem>>)
      %dma_wait3A_487 = tpu.memref_slice %arg3[%mul3A_2] : memref<16384xi32, #tpu.memory_space<hbm>> -> memref<512xi32, #tpu.memory_space<hbm>>
      %dma_wait3A_488 = tpu.memref_slice %arg3[%mul3A_2] : memref<16384xi32, #tpu.memory_space<hbm>> -> memref<512xi32, #tpu.memory_space<hbm>>
      tpu.wait_dma2 semaphore(%run_scoped3A : memref<!tpu.dma_semaphore, #tpu.memory_space<semaphore_mem>>) src(%dma_wait3A_488 : memref<512xi32, #tpu.memory_space<hbm>>) dst(%arg9 : memref<512xi32, #tpu.memory_space<vmem>>)
      tpu.yield
    }) : () -> ()
    %iota3A = tpu.iota {dimensions = array<i32: 0>} : vector<16xi32>
    %get3A = arith.constant 0 : index
    %get3A_3 = tpu.vector_load %arg8[%get3A] {strides = array<i32>} : memref<512xi32, #tpu.memory_space<vmem>>, vector<16xi32>,
    %get3A_4 = arith.constant 0 : index
    %get3A_5 = tpu.vector_load %arg9[%get3A_4] {strides = array<i32>} : memref<512xi32, #tpu.memory_space<vmem>>, vector<16xi32>,
    %jit3A = arith.constant 128 : i32
    %div3A = vector.broadcast %jit3A : i32 to vector<16xi32>
    %div3A_6 = arith.divsi %get3A_5, %div3A : vector<16xi32>
    %sign3A = arith.constant 0 : i32
    %sign3A_7 = vector.broadcast %sign3A : i32 to vector<16xi32>
    %sign3A_8 = arith.cmpi sgt, %get3A_5, %sign3A_7 : vector<16xi32>
    %sign3A_9 = arith.extui %sign3A_8 : vector<16xi1> to vector<16xi32>
    %sign3A_10 = arith.constant 0 : i32
    %sign3A_11 = vector.broadcast %sign3A_10 : i32 to vector<16xi32>
    %sign3A_12 = arith.cmpi slt, %get3A_5, %sign3A_11 : vector<16xi32>
    %sign3A_13 = arith.extui %sign3A_12 : vector<16xi1> to vector<16xi32>
    %sign3A_14 = arith.subi %sign3A_9, %sign3A_13 : vector<16xi32>
    %sign3A_15 = arith.constant 0 : i32
    %sign3A_16 = arith.cmpi sgt, %jit3A, %sign3A_15 : i32
    %sign3A_17 = arith.extui %sign3A_16 : i1 to i32
    %sign3A_18 = arith.constant 0 : i32
    %sign3A_19 = arith.cmpi slt, %jit3A, %sign3A_18 : i32
    %sign3A_20 = arith.extui %sign3A_19 : i1 to i32
    %sign3A_21 = arith.subi %sign3A_17, %sign3A_20 : i32
    %ne3A = vector.broadcast %sign3A_21 : i32 to vector<16xi32>
    %ne3A_22 = arith.cmpi ne, %sign3A_14, %ne3A : vector<16xi32>
    %rem3A = vector.broadcast %jit3A : i32 to vector<16xi32>
    %rem3A_23 = arith.remsi %get3A_5, %rem3A : vector<16xi32>
    %ne3A_24 = arith.constant 0 : i32
    %ne3A_25 = vector.broadcast %ne3A_24 : i32 to vector<16xi32>
    %ne3A_26 = arith.cmpi ne, %rem3A_23, %ne3A_25 : vector<16xi32>
    %and3A = arith.andi %ne3A_22, %ne3A_26 : vector<16xi1>
    %sub3A = arith.constant 1 : i32
    %sub3A_27 = vector.broadcast %sub3A : i32 to vector<16xi32>
    %sub3A_28 = arith.subi %div3A_6, %sub3A_27 : vector<16xi32>
    %select_n3A = arith.select %and3A, %sub3A_28, %div3A_6 : vector<16xi1>, vector<16xi32>
    %dma_start3A = arith.constant 0 : i32
    %dma_start3A_29 = arith.constant 0 : i32
    %dma_start3A_30 = tpu.memref_slice %arg6[%dma_start3A, %dma_start3A_29] : memref<782x128xf32, #tpu.memory_space<hbm>> -> memref<782x128xf32, #tpu.memory_space<hbm>>
    tpu.enqueue_indirect_dma source(%dma_start3A_30 : memref<782x128xf32, #tpu.memory_space<hbm>>) target(%arg14 : memref<16x128xf32, #tpu.memory_space<vmem>>) offsets(%select_n3A : vector<16xi32>) semaphore(%arg17 : memref<!tpu.dma_semaphore, #tpu.memory_space<semaphore_mem>>)
    %scan3A = arith.constant 0 : i32
    %scan3A_31 = arith.constant 16 : i32
    %scan3A_32 = arith.addi %scan3A, %scan3A_31 : i32
    %scan3A_33 = arith.constant 1 : i32
    scf.for %scan3A_485 = %scan3A to %scan3A_32 step %scan3A_33  : i32 {
      %mul3A_486 = arith.constant 1 : i32
      %mul3A_487 = arith.muli %scan3A_485, %mul3A_486 : i32
      %add3A_488 = arith.constant 0 : i32
      %add3A_489 = arith.addi %add3A_488, %mul3A_487 : i32
      %eq3A_490 = vector.broadcast %add3A_489 : i32 to vector<16xi32>
      %eq3A_491 = arith.cmpi eq, %iota3A, %eq3A_490 : vector<16xi32>
      %jit3A_492 = arith.constant 0 : i32
      %broadcast_in_dim3A_493 = vector.broadcast %jit3A_492 : i32 to vector<16xi32>
      %select_n3A_494 = arith.select %eq3A_491, %get3A_3, %broadcast_in_dim3A_493 : vector<16xi1>, vector<16xi32>
      %reduce_sum3A = arith.constant true
      %reduce_sum3A_495 = vector.broadcast %reduce_sum3A : i1 to vector<16xi1>
      %reduce_sum3A_496 = tpu.scan <sum>, %select_n3A_494 masked %reduce_sum3A_495 : vector<16xi32>, vector<16xi1> -> vector<16xi32>
      %reduce_sum3A_497 = vector.extract %reduce_sum3A_496[15] : i32 from vector<16xi32>
      %jit3A_498 = arith.constant 0 : i32
      %broadcast_in_dim3A_499 = vector.broadcast %jit3A_498 : i32 to vector<16xi32>
      %select_n3A_500 = arith.select %eq3A_491, %get3A_5, %broadcast_in_dim3A_499 : vector<16xi1>, vector<16xi32>
      %reduce_sum3A_501 = arith.constant true
      %reduce_sum3A_502 = vector.broadcast %reduce_sum3A_501 : i1 to vector<16xi1>
      %reduce_sum3A_503 = tpu.scan <sum>, %select_n3A_500 masked %reduce_sum3A_502 : vector<16xi32>, vector<16xi1> -> vector<16xi32>
      %reduce_sum3A_504 = vector.extract %reduce_sum3A_503[15] : i32 from vector<16xi32>
      %jit3A_505 = arith.constant 16 : i32
      %div3A_506 = arith.divsi %reduce_sum3A_497, %jit3A_505 : i32
      %sign3A_507 = arith.constant 0 : i32
      %sign3A_508 = arith.cmpi sgt, %reduce_sum3A_497, %sign3A_507 : i32
      %sign3A_509 = arith.extui %sign3A_508 : i1 to i32
      %sign3A_510 = arith.constant 0 : i32
      %sign3A_511 = arith.cmpi slt, %reduce_sum3A_497, %sign3A_510 : i32
      %sign3A_512 = arith.extui %sign3A_511 : i1 to i32
      %sign3A_513 = arith.subi %sign3A_509, %sign3A_512 : i32
      %sign3A_514 = arith.constant 0 : i32
      %sign3A_515 = arith.cmpi sgt, %jit3A_505, %sign3A_514 : i32
      %sign3A_516 = arith.extui %sign3A_515 : i1 to i32
      %sign3A_517 = arith.constant 0 : i32
      %sign3A_518 = arith.cmpi slt, %jit3A_505, %sign3A_517 : i32
      %sign3A_519 = arith.extui %sign3A_518 : i1 to i32
      %sign3A_520 = arith.subi %sign3A_516, %sign3A_519 : i32
      %ne3A_521 = arith.cmpi ne, %sign3A_513, %sign3A_520 : i32
      %rem3A_522 = arith.remsi %reduce_sum3A_497, %jit3A_505 : i32
      %ne3A_523 = arith.constant 0 : i32
      %ne3A_524 = arith.cmpi ne, %rem3A_522, %ne3A_523 : i32
      %and3A_525 = arith.andi %ne3A_521, %ne3A_524 : i1
      %sub3A_526 = arith.constant 1 : i32
      %sub3A_527 = arith.subi %div3A_506, %sub3A_526 : i32
      %select_n3A_528 = arith.select %and3A_525, %sub3A_527, %div3A_506 : i32
      %mul3A_529 = arith.constant 16 : i32
      %mul3A_530 = arith.muli %select_n3A_528, %mul3A_529 : i32
      %jit3A_531 = arith.constant 16 : i32
      %div3A_532 = arith.divsi %reduce_sum3A_504, %jit3A_531 : i32
      %sign3A_533 = arith.constant 0 : i32
      %sign3A_534 = arith.cmpi sgt, %reduce_sum3A_504, %sign3A_533 : i32
      %sign3A_535 = arith.extui %sign3A_534 : i1 to i32
      %sign3A_536 = arith.constant 0 : i32
      %sign3A_537 = arith.cmpi slt, %reduce_sum3A_504, %sign3A_536 : i32
      %sign3A_538 = arith.extui %sign3A_537 : i1 to i32
      %sign3A_539 = arith.subi %sign3A_535, %sign3A_538 : i32
      %sign3A_540 = arith.constant 0 : i32
      %sign3A_541 = arith.cmpi sgt, %jit3A_531, %sign3A_540 : i32
      %sign3A_542 = arith.extui %sign3A_541 : i1 to i32
      %sign3A_543 = arith.constant 0 : i32
      %sign3A_544 = arith.cmpi slt, %jit3A_531, %sign3A_543 : i32
      %sign3A_545 = arith.extui %sign3A_544 : i1 to i32
      %sign3A_546 = arith.subi %sign3A_542, %sign3A_545 : i32
      %ne3A_547 = arith.cmpi ne, %sign3A_539, %sign3A_546 : i32
      %rem3A_548 = arith.remsi %reduce_sum3A_504, %jit3A_531 : i32
      %ne3A_549 = arith.constant 0 : i32
      %ne3A_550 = arith.cmpi ne, %rem3A_548, %ne3A_549 : i32
      %and3A_551 = arith.andi %ne3A_547, %ne3A_550 : i1
      %sub3A_552 = arith.constant 1 : i32
      %sub3A_553 = arith.subi %div3A_532, %sub3A_552 : i32
      %select_n3A_554 = arith.select %and3A_551, %sub3A_553, %div3A_532 : i32
      %mul3A_555 = arith.constant 16 : i32
      %mul3A_556 = arith.muli %select_n3A_554, %mul3A_555 : i32
      %jit3A_557 = arith.constant 8 : i32
      %div3A_558 = arith.divsi %add3A_489, %jit3A_557 : i32
      %sign3A_559 = arith.constant 0 : i32
      %sign3A_560 = arith.cmpi sgt, %add3A_489, %sign3A_559 : i32
      %sign3A_561 = arith.extui %sign3A_560 : i1 to i32
      %sign3A_562 = arith.constant 0 : i32
      %sign3A_563 = arith.cmpi slt, %add3A_489, %sign3A_562 : i32
      %sign3A_564 = arith.extui %sign3A_563 : i1 to i32
      %sign3A_565 = arith.subi %sign3A_561, %sign3A_564 : i32
      %sign3A_566 = arith.constant 0 : i32
      %sign3A_567 = arith.cmpi sgt, %jit3A_557, %sign3A_566 : i32
      %sign3A_568 = arith.extui %sign3A_567 : i1 to i32
      %sign3A_569 = arith.constant 0 : i32
      %sign3A_570 = arith.cmpi slt, %jit3A_557, %sign3A_569 : i32
      %sign3A_571 = arith.extui %sign3A_570 : i1 to i32
      %sign3A_572 = arith.subi %sign3A_568, %sign3A_571 : i32
      %ne3A_573 = arith.cmpi ne, %sign3A_565, %sign3A_572 : i32
      %rem3A_574 = arith.remsi %add3A_489, %jit3A_557 : i32
      %ne3A_575 = arith.constant 0 : i32
      %ne3A_576 = arith.cmpi ne, %rem3A_574, %ne3A_575 : i32
      %and3A_577 = arith.andi %ne3A_573, %ne3A_576 : i1
      %sub3A_578 = arith.constant 1 : i32
      %sub3A_579 = arith.subi %div3A_558, %sub3A_578 : i32
      %select_n3A_580 = arith.select %and3A_577, %sub3A_579, %div3A_558 : i32
      %jit3A_581 = arith.constant 8 : i32
      %eq3A_582 = arith.constant 0 : i32
      %eq3A_583 = arith.cmpi eq, %jit3A_581, %eq3A_582 : i32
      %jit3A_584 = arith.constant 1 : i32
      %select_n3A_585 = arith.select %eq3A_583, %jit3A_584, %jit3A_581 : i32
      %rem3A_586 = arith.remsi %add3A_489, %select_n3A_585 : i32
      %ne3A_587 = arith.constant 0 : i32
      %ne3A_588 = arith.cmpi ne, %rem3A_586, %ne3A_587 : i32
      %lt3A_589 = arith.constant 0 : i32
      %lt3A_590 = arith.cmpi slt, %rem3A_586, %lt3A_589 : i32
      %lt3A_591 = arith.constant 0 : i32
      %lt3A_592 = arith.cmpi slt, %select_n3A_585, %lt3A_591 : i32
      %ne3A_593 = arith.xori %lt3A_590, %lt3A_592 : i1
      %and3A_594 = arith.andi %ne3A_593, %ne3A_588 : i1
      %add3A_595 = arith.addi %rem3A_586, %select_n3A_585 : i32
      %select_n3A_596 = arith.select %and3A_594, %add3A_595, %rem3A_586 : i32
      %mul3A_597 = arith.constant 16 : i32
      %mul3A_598 = arith.muli %select_n3A_596, %mul3A_597 : i32
      %dma_start3A_599 = arith.constant 0 : i32
      %dma_start3A_600 = arith.constant 0 : i32
      %dma_start3A_601 = tpu.memref_slice %arg10[%select_n3A_580, %dma_start3A_599, %dma_start3A_600, %mul3A_598] : memref<2x4x8x128xf32, #tpu.memory_space<vmem>> -> memref<1x4x8x16xf32, #tpu.memory_space<vmem>>
      %dma_start3A_602 = tpu.memref_squeeze %dma_start3A_601 : memref<1x4x8x16xf32, #tpu.memory_space<vmem>> -> memref<4x8x16xf32, #tpu.memory_space<vmem>>
      %dma_start3A_603 = arith.constant 0 : i32
      %dma_start3A_604 = arith.constant 0 : i32
      %dma_start3A_605 = tpu.memref_slice %arg4[%dma_start3A_603, %dma_start3A_604, %mul3A_530] : memref<4x8x1000000xf32, #tpu.memory_space<hbm>> -> memref<4x8x16xf32, #tpu.memory_space<hbm>>
      %dma_start3A_606 = arith.constant 0 : i32
      %dma_start3A_607 = arith.constant 0 : i32
      %dma_start3A_608 = tpu.memref_slice %arg10[%select_n3A_580, %dma_start3A_606, %dma_start3A_607, %mul3A_598] : memref<2x4x8x128xf32, #tpu.memory_space<vmem>> -> memref<1x4x8x16xf32, #tpu.memory_space<vmem>>
      %dma_start3A_609 = tpu.memref_squeeze %dma_start3A_608 : memref<1x4x8x16xf32, #tpu.memory_space<vmem>> -> memref<4x8x16xf32, #tpu.memory_space<vmem>>
      %dma_start3A_610 = arith.constant 0 : i32
      %dma_start3A_611 = arith.constant 0 : i32
      %dma_start3A_612 = tpu.memref_slice %arg4[%dma_start3A_610, %dma_start3A_611, %mul3A_530] : memref<4x8x1000000xf32, #tpu.memory_space<hbm>> -> memref<4x8x16xf32, #tpu.memory_space<hbm>>
      tpu.enqueue_dma source(%dma_start3A_612 : memref<4x8x16xf32, #tpu.memory_space<hbm>>) target(%dma_start3A_609 : memref<4x8x16xf32, #tpu.memory_space<vmem>>) target_semaphore(%arg17 : memref<!tpu.dma_semaphore, #tpu.memory_space<semaphore_mem>>)
      %dma_start3A_613 = arith.constant 0 : i32
      %dma_start3A_614 = arith.constant 0 : i32
      %dma_start3A_615 = tpu.memref_slice %arg12[%select_n3A_580, %dma_start3A_613, %dma_start3A_614, %mul3A_598] : memref<2x4x8x128xf32, #tpu.memory_space<vmem>> -> memref<1x4x8x16xf32, #tpu.memory_space<vmem>>
      %dma_start3A_616 = tpu.memref_squeeze %dma_start3A_615 : memref<1x4x8x16xf32, #tpu.memory_space<vmem>> -> memref<4x8x16xf32, #tpu.memory_space<vmem>>
      %dma_start3A_617 = arith.constant 0 : i32
      %dma_start3A_618 = arith.constant 0 : i32
      %dma_start3A_619 = tpu.memref_slice %arg5[%dma_start3A_617, %dma_start3A_618, %mul3A_556] : memref<4x8x100000xf32, #tpu.memory_space<hbm>> -> memref<4x8x16xf32, #tpu.memory_space<hbm>>
      %dma_start3A_620 = arith.constant 0 : i32
      %dma_start3A_621 = arith.constant 0 : i32
      %dma_start3A_622 = tpu.memref_slice %arg12[%select_n3A_580, %dma_start3A_620, %dma_start3A_621, %mul3A_598] : memref<2x4x8x128xf32, #tpu.memory_space<vmem>> -> memref<1x4x8x16xf32, #tpu.memory_space<vmem>>
      %dma_start3A_623 = tpu.memref_squeeze %dma_start3A_622 : memref<1x4x8x16xf32, #tpu.memory_space<vmem>> -> memref<4x8x16xf32, #tpu.memory_space<vmem>>
      %dma_start3A_624 = arith.constant 0 : i32
      %dma_start3A_625 = arith.constant 0 : i32
      %dma_start3A_626 = tpu.memref_slice %arg5[%dma_start3A_624, %dma_start3A_625, %mul3A_556] : memref<4x8x100000xf32, #tpu.memory_space<hbm>> -> memref<4x8x16xf32, #tpu.memory_space<hbm>>
      tpu.enqueue_dma source(%dma_start3A_626 : memref<4x8x16xf32, #tpu.memory_space<hbm>>) target(%dma_start3A_623 : memref<4x8x16xf32, #tpu.memory_space<vmem>>) target_semaphore(%arg17 : memref<!tpu.dma_semaphore, #tpu.memory_space<semaphore_mem>>)
    }
    %scan3A_34 = arith.constant 16 : i32
    %scan3A_35 = arith.constant 0 : i32
    %scan3A_36 = arith.constant 15 : i32
    %scan3A_37 = arith.addi %scan3A_35, %scan3A_36 : i32
    %scan3A_38 = arith.constant 1 : i32
    scf.for %scan3A_485 = %scan3A_35 to %scan3A_37 step %scan3A_38  : i32 {
      %mul3A_486 = arith.constant 1 : i32
      %mul3A_487 = arith.muli %scan3A_485, %mul3A_486 : i32
      %add3A_488 = arith.constant 0 : i32
      %add3A_489 = arith.addi %add3A_488, %mul3A_487 : i32
      %mul3A_490 = arith.constant 2 : i32
      %mul3A_491 = arith.muli %add3A_489, %mul3A_490 : i32
      %add3A_492 = arith.constant 1 : i32
      %add3A_493 = arith.addi %mul3A_491, %add3A_492 : i32
      %mul3A_494 = arith.constant 16 : i32
      %mul3A_495 = arith.muli %add3A_493, %mul3A_494 : i32
      %get3A_496 = arith.index_cast %mul3A_495 : i32 to index
      %get3A_497 = tpu.vector_load %arg8[%get3A_496] {strides = array<i32>} : memref<512xi32, #tpu.memory_space<vmem>>, vector<16xi32>,
      %mul3A_498 = arith.constant 16 : i32
      %mul3A_499 = arith.muli %add3A_493, %mul3A_498 : i32
      %get3A_500 = arith.index_cast %mul3A_499 : i32 to index
      %get3A_501 = tpu.vector_load %arg9[%get3A_500] {strides = array<i32>} : memref<512xi32, #tpu.memory_space<vmem>>, vector<16xi32>,
      %jit3A_502 = arith.constant 128 : i32
      %div3A_503 = vector.broadcast %jit3A_502 : i32 to vector<16xi32>
      %div3A_504 = arith.divsi %get3A_501, %div3A_503 : vector<16xi32>
      %sign3A_505 = arith.constant 0 : i32
      %sign3A_506 = vector.broadcast %sign3A_505 : i32 to vector<16xi32>
      %sign3A_507 = arith.cmpi sgt, %get3A_501, %sign3A_506 : vector<16xi32>
      %sign3A_508 = arith.extui %sign3A_507 : vector<16xi1> to vector<16xi32>
      %sign3A_509 = arith.constant 0 : i32
      %sign3A_510 = vector.broadcast %sign3A_509 : i32 to vector<16xi32>
      %sign3A_511 = arith.cmpi slt, %get3A_501, %sign3A_510 : vector<16xi32>
      %sign3A_512 = arith.extui %sign3A_511 : vector<16xi1> to vector<16xi32>
      %sign3A_513 = arith.subi %sign3A_508, %sign3A_512 : vector<16xi32>
      %sign3A_514 = arith.constant 0 : i32
      %sign3A_515 = arith.cmpi sgt, %jit3A_502, %sign3A_514 : i32
      %sign3A_516 = arith.extui %sign3A_515 : i1 to i32
      %sign3A_517 = arith.constant 0 : i32
      %sign3A_518 = arith.cmpi slt, %jit3A_502, %sign3A_517 : i32
      %sign3A_519 = arith.extui %sign3A_518 : i1 to i32
      %sign3A_520 = arith.subi %sign3A_516, %sign3A_519 : i32
      %ne3A_521 = vector.broadcast %sign3A_520 : i32 to vector<16xi32>
      %ne3A_522 = arith.cmpi ne, %sign3A_513, %ne3A_521 : vector<16xi32>
      %rem3A_523 = vector.broadcast %jit3A_502 : i32 to vector<16xi32>
      %rem3A_524 = arith.remsi %get3A_501, %rem3A_523 : vector<16xi32>
      %ne3A_525 = arith.constant 0 : i32
      %ne3A_526 = vector.broadcast %ne3A_525 : i32 to vector<16xi32>
      %ne3A_527 = arith.cmpi ne, %rem3A_524, %ne3A_526 : vector<16xi32>
      %and3A_528 = arith.andi %ne3A_522, %ne3A_527 : vector<16xi1>
      %sub3A_529 = arith.constant 1 : i32
      %sub3A_530 = vector.broadcast %sub3A_529 : i32 to vector<16xi32>
      %sub3A_531 = arith.subi %div3A_504, %sub3A_530 : vector<16xi32>
      %select_n3A_532 = arith.select %and3A_528, %sub3A_531, %div3A_504 : vector<16xi1>, vector<16xi32>
      %dma_start3A_533 = arith.constant 0 : i32
      %dma_start3A_534 = arith.constant 0 : i32
      %dma_start3A_535 = tpu.memref_slice %arg6[%dma_start3A_533, %dma_start3A_534] : memref<782x128xf32, #tpu.memory_space<hbm>> -> memref<782x128xf32, #tpu.memory_space<hbm>>
      tpu.enqueue_indirect_dma source(%dma_start3A_535 : memref<782x128xf32, #tpu.memory_space<hbm>>) target(%arg15 : memref<16x128xf32, #tpu.memory_space<vmem>>) offsets(%select_n3A_532 : vector<16xi32>) semaphore(%arg18 : memref<!tpu.dma_semaphore, #tpu.memory_space<semaphore_mem>>)
      %scan3A_536 = arith.constant 0 : i32
      %scan3A_537 = arith.constant 16 : i32
      %scan3A_538 = arith.addi %scan3A_536, %scan3A_537 : i32
      %scan3A_539 = arith.constant 1 : i32
      scf.for %scan3A_1014 = %scan3A_536 to %scan3A_538 step %scan3A_539  : i32 {
        %mul3A_1015 = arith.constant 1 : i32
        %mul3A_1016 = arith.muli %scan3A_1014, %mul3A_1015 : i32
        %add3A_1017 = arith.constant 0 : i32
        %add3A_1018 = arith.addi %add3A_1017, %mul3A_1016 : i32
        %eq3A_1019 = vector.broadcast %add3A_1018 : i32 to vector<16xi32>
        %eq3A_1020 = arith.cmpi eq, %iota3A, %eq3A_1019 : vector<16xi32>
        %jit3A_1021 = arith.constant 0 : i32
        %broadcast_in_dim3A_1022 = vector.broadcast %jit3A_1021 : i32 to vector<16xi32>
        %select_n3A_1023 = arith.select %eq3A_1020, %get3A_497, %broadcast_in_dim3A_1022 : vector<16xi1>, vector<16xi32>
        %reduce_sum3A = arith.constant true
        %reduce_sum3A_1024 = vector.broadcast %reduce_sum3A : i1 to vector<16xi1>
        %reduce_sum3A_1025 = tpu.scan <sum>, %select_n3A_1023 masked %reduce_sum3A_1024 : vector<16xi32>, vector<16xi1> -> vector<16xi32>
        %reduce_sum3A_1026 = vector.extract %reduce_sum3A_1025[15] : i32 from vector<16xi32>
        %jit3A_1027 = arith.constant 0 : i32
        %broadcast_in_dim3A_1028 = vector.broadcast %jit3A_1027 : i32 to vector<16xi32>
        %select_n3A_1029 = arith.select %eq3A_1020, %get3A_501, %broadcast_in_dim3A_1028 : vector<16xi1>, vector<16xi32>
        %reduce_sum3A_1030 = arith.constant true
        %reduce_sum3A_1031 = vector.broadcast %reduce_sum3A_1030 : i1 to vector<16xi1>
        %reduce_sum3A_1032 = tpu.scan <sum>, %select_n3A_1029 masked %reduce_sum3A_1031 : vector<16xi32>, vector<16xi1> -> vector<16xi32>
        %reduce_sum3A_1033 = vector.extract %reduce_sum3A_1032[15] : i32 from vector<16xi32>
        %jit3A_1034 = arith.constant 16 : i32
        %div3A_1035 = arith.divsi %reduce_sum3A_1026, %jit3A_1034 : i32
        %sign3A_1036 = arith.constant 0 : i32
        %sign3A_1037 = arith.cmpi sgt, %reduce_sum3A_1026, %sign3A_1036 : i32
        %sign3A_1038 = arith.extui %sign3A_1037 : i1 to i32
        %sign3A_1039 = arith.constant 0 : i32
        %sign3A_1040 = arith.cmpi slt, %reduce_sum3A_1026, %sign3A_1039 : i32
        %sign3A_1041 = arith.extui %sign3A_1040 : i1 to i32
        %sign3A_1042 = arith.subi %sign3A_1038, %sign3A_1041 : i32
        %sign3A_1043 = arith.constant 0 : i32
        %sign3A_1044 = arith.cmpi sgt, %jit3A_1034, %sign3A_1043 : i32
        %sign3A_1045 = arith.extui %sign3A_1044 : i1 to i32
        %sign3A_1046 = arith.constant 0 : i32
        %sign3A_1047 = arith.cmpi slt, %jit3A_1034, %sign3A_1046 : i32
        %sign3A_1048 = arith.extui %sign3A_1047 : i1 to i32
        %sign3A_1049 = arith.subi %sign3A_1045, %sign3A_1048 : i32
        %ne3A_1050 = arith.cmpi ne, %sign3A_1042, %sign3A_1049 : i32
        %rem3A_1051 = arith.remsi %reduce_sum3A_1026, %jit3A_1034 : i32
        %ne3A_1052 = arith.constant 0 : i32
        %ne3A_1053 = arith.cmpi ne, %rem3A_1051, %ne3A_1052 : i32
        %and3A_1054 = arith.andi %ne3A_1050, %ne3A_1053 : i1
        %sub3A_1055 = arith.constant 1 : i32
        %sub3A_1056 = arith.subi %div3A_1035, %sub3A_1055 : i32
        %select_n3A_1057 = arith.select %and3A_1054, %sub3A_1056, %div3A_1035 : i32
        %mul3A_1058 = arith.constant 16 : i32
        %mul3A_1059 = arith.muli %select_n3A_1057, %mul3A_1058 : i32
        %jit3A_1060 = arith.constant 16 : i32
        %div3A_1061 = arith.divsi %reduce_sum3A_1033, %jit3A_1060 : i32
        %sign3A_1062 = arith.constant 0 : i32
        %sign3A_1063 = arith.cmpi sgt, %reduce_sum3A_1033, %sign3A_1062 : i32
        %sign3A_1064 = arith.extui %sign3A_1063 : i1 to i32
        %sign3A_1065 = arith.constant 0 : i32
        %sign3A_1066 = arith.cmpi slt, %reduce_sum3A_1033, %sign3A_1065 : i32
        %sign3A_1067 = arith.extui %sign3A_1066 : i1 to i32
        %sign3A_1068 = arith.subi %sign3A_1064, %sign3A_1067 : i32
        %sign3A_1069 = arith.constant 0 : i32
        %sign3A_1070 = arith.cmpi sgt, %jit3A_1060, %sign3A_1069 : i32
        %sign3A_1071 = arith.extui %sign3A_1070 : i1 to i32
        %sign3A_1072 = arith.constant 0 : i32
        %sign3A_1073 = arith.cmpi slt, %jit3A_1060, %sign3A_1072 : i32
        %sign3A_1074 = arith.extui %sign3A_1073 : i1 to i32
        %sign3A_1075 = arith.subi %sign3A_1071, %sign3A_1074 : i32
        %ne3A_1076 = arith.cmpi ne, %sign3A_1068, %sign3A_1075 : i32
        %rem3A_1077 = arith.remsi %reduce_sum3A_1033, %jit3A_1060 : i32
        %ne3A_1078 = arith.constant 0 : i32
        %ne3A_1079 = arith.cmpi ne, %rem3A_1077, %ne3A_1078 : i32
        %and3A_1080 = arith.andi %ne3A_1076, %ne3A_1079 : i1
        %sub3A_1081 = arith.constant 1 : i32
        %sub3A_1082 = arith.subi %div3A_1061, %sub3A_1081 : i32
        %select_n3A_1083 = arith.select %and3A_1080, %sub3A_1082, %div3A_1061 : i32
        %mul3A_1084 = arith.constant 16 : i32
        %mul3A_1085 = arith.muli %select_n3A_1083, %mul3A_1084 : i32
        %jit3A_1086 = arith.constant 8 : i32
        %div3A_1087 = arith.divsi %add3A_1018, %jit3A_1086 : i32
        %sign3A_1088 = arith.constant 0 : i32
        %sign3A_1089 = arith.cmpi sgt, %add3A_1018, %sign3A_1088 : i32
        %sign3A_1090 = arith.extui %sign3A_1089 : i1 to i32
        %sign3A_1091 = arith.constant 0 : i32
        %sign3A_1092 = arith.cmpi slt, %add3A_1018, %sign3A_1091 : i32
        %sign3A_1093 = arith.extui %sign3A_1092 : i1 to i32
        %sign3A_1094 = arith.subi %sign3A_1090, %sign3A_1093 : i32
        %sign3A_1095 = arith.constant 0 : i32
        %sign3A_1096 = arith.cmpi sgt, %jit3A_1086, %sign3A_1095 : i32
        %sign3A_1097 = arith.extui %sign3A_1096 : i1 to i32
        %sign3A_1098 = arith.constant 0 : i32
        %sign3A_1099 = arith.cmpi slt, %jit3A_1086, %sign3A_1098 : i32
        %sign3A_1100 = arith.extui %sign3A_1099 : i1 to i32
        %sign3A_1101 = arith.subi %sign3A_1097, %sign3A_1100 : i32
        %ne3A_1102 = arith.cmpi ne, %sign3A_1094, %sign3A_1101 : i32
        %rem3A_1103 = arith.remsi %add3A_1018, %jit3A_1086 : i32
        %ne3A_1104 = arith.constant 0 : i32
        %ne3A_1105 = arith.cmpi ne, %rem3A_1103, %ne3A_1104 : i32
        %and3A_1106 = arith.andi %ne3A_1102, %ne3A_1105 : i1
        %sub3A_1107 = arith.constant 1 : i32
        %sub3A_1108 = arith.subi %div3A_1087, %sub3A_1107 : i32
        %select_n3A_1109 = arith.select %and3A_1106, %sub3A_1108, %div3A_1087 : i32
        %jit3A_1110 = arith.constant 8 : i32
        %eq3A_1111 = arith.constant 0 : i32
        %eq3A_1112 = arith.cmpi eq, %jit3A_1110, %eq3A_1111 : i32
        %jit3A_1113 = arith.constant 1 : i32
        %select_n3A_1114 = arith.select %eq3A_1112, %jit3A_1113, %jit3A_1110 : i32
        %rem3A_1115 = arith.remsi %add3A_1018, %select_n3A_1114 : i32
        %ne3A_1116 = arith.constant 0 : i32
        %ne3A_1117 = arith.cmpi ne, %rem3A_1115, %ne3A_1116 : i32
        %lt3A_1118 = arith.constant 0 : i32
        %lt3A_1119 = arith.cmpi slt, %rem3A_1115, %lt3A_1118 : i32
        %lt3A_1120 = arith.constant 0 : i32
        %lt3A_1121 = arith.cmpi slt, %select_n3A_1114, %lt3A_1120 : i32
        %ne3A_1122 = arith.xori %lt3A_1119, %lt3A_1121 : i1
        %and3A_1123 = arith.andi %ne3A_1122, %ne3A_1117 : i1
        %add3A_1124 = arith.addi %rem3A_1115, %select_n3A_1114 : i32
        %select_n3A_1125 = arith.select %and3A_1123, %add3A_1124, %rem3A_1115 : i32
        %mul3A_1126 = arith.constant 16 : i32
        %mul3A_1127 = arith.muli %select_n3A_1125, %mul3A_1126 : i32
        %dma_start3A_1128 = arith.constant 0 : i32
        %dma_start3A_1129 = arith.constant 0 : i32
        %dma_start3A_1130 = tpu.memref_slice %arg11[%select_n3A_1109, %dma_start3A_1128, %dma_start3A_1129, %mul3A_1127] : memref<2x4x8x128xf32, #tpu.memory_space<vmem>> -> memref<1x4x8x16xf32, #tpu.memory_space<vmem>>
        %dma_start3A_1131 = tpu.memref_squeeze %dma_start3A_1130 : memref<1x4x8x16xf32, #tpu.memory_space<vmem>> -> memref<4x8x16xf32, #tpu.memory_space<vmem>>
        %dma_start3A_1132 = arith.constant 0 : i32
        %dma_start3A_1133 = arith.constant 0 : i32
        %dma_start3A_1134 = tpu.memref_slice %arg4[%dma_start3A_1132, %dma_start3A_1133, %mul3A_1059] : memref<4x8x1000000xf32, #tpu.memory_space<hbm>> -> memref<4x8x16xf32, #tpu.memory_space<hbm>>
        %dma_start3A_1135 = arith.constant 0 : i32
        %dma_start3A_1136 = arith.constant 0 : i32
        %dma_start3A_1137 = tpu.memref_slice %arg11[%select_n3A_1109, %dma_start3A_1135, %dma_start3A_1136, %mul3A_1127] : memref<2x4x8x128xf32, #tpu.memory_space<vmem>> -> memref<1x4x8x16xf32, #tpu.memory_space<vmem>>
        %dma_start3A_1138 = tpu.memref_squeeze %dma_start3A_1137 : memref<1x4x8x16xf32, #tpu.memory_space<vmem>> -> memref<4x8x16xf32, #tpu.memory_space<vmem>>
        %dma_start3A_1139 = arith.constant 0 : i32
        %dma_start3A_1140 = arith.constant 0 : i32
        %dma_start3A_1141 = tpu.memref_slice %arg4[%dma_start3A_1139, %dma_start3A_1140, %mul3A_1059] : memref<4x8x1000000xf32, #tpu.memory_space<hbm>> -> memref<4x8x16xf32, #tpu.memory_space<hbm>>
        tpu.enqueue_dma source(%dma_start3A_1141 : memref<4x8x16xf32, #tpu.memory_space<hbm>>) target(%dma_start3A_1138 : memref<4x8x16xf32, #tpu.memory_space<vmem>>) target_semaphore(%arg18 : memref<!tpu.dma_semaphore, #tpu.memory_space<semaphore_mem>>)
        %dma_start3A_1142 = arith.constant 0 : i32
        %dma_start3A_1143 = arith.constant 0 : i32
        %dma_start3A_1144 = tpu.memref_slice %arg13[%select_n3A_1109, %dma_start3A_1142, %dma_start3A_1143, %mul3A_1127] : memref<2x4x8x128xf32, #tpu.memory_space<vmem>> -> memref<1x4x8x16xf32, #tpu.memory_space<vmem>>
        %dma_start3A_1145 = tpu.memref_squeeze %dma_start3A_1144 : memref<1x4x8x16xf32, #tpu.memory_space<vmem>> -> memref<4x8x16xf32, #tpu.memory_space<vmem>>
        %dma_start3A_1146 = arith.constant 0 : i32
        %dma_start3A_1147 = arith.constant 0 : i32
        %dma_start3A_1148 = tpu.memref_slice %arg5[%dma_start3A_1146, %dma_start3A_1147, %mul3A_1085] : memref<4x8x100000xf32, #tpu.memory_space<hbm>> -> memref<4x8x16xf32, #tpu.memory_space<hbm>>
        %dma_start3A_1149 = arith.constant 0 : i32
        %dma_start3A_1150 = arith.constant 0 : i32
        %dma_start3A_1151 = tpu.memref_slice %arg13[%select_n3A_1109, %dma_start3A_1149, %dma_start3A_1150, %mul3A_1127] : memref<2x4x8x128xf32, #tpu.memory_space<vmem>> -> memref<1x4x8x16xf32, #tpu.memory_space<vmem>>
        %dma_start3A_1152 = tpu.memref_squeeze %dma_start3A_1151 : memref<1x4x8x16xf32, #tpu.memory_space<vmem>> -> memref<4x8x16xf32, #tpu.memory_space<vmem>>
        %dma_start3A_1153 = arith.constant 0 : i32
        %dma_start3A_1154 = arith.constant 0 : i32
        %dma_start3A_1155 = tpu.memref_slice %arg5[%dma_start3A_1153, %dma_start3A_1154, %mul3A_1085] : memref<4x8x100000xf32, #tpu.memory_space<hbm>> -> memref<4x8x16xf32, #tpu.memory_space<hbm>>
        tpu.enqueue_dma source(%dma_start3A_1155 : memref<4x8x16xf32, #tpu.memory_space<hbm>>) target(%dma_start3A_1152 : memref<4x8x16xf32, #tpu.memory_space<vmem>>) target_semaphore(%arg18 : memref<!tpu.dma_semaphore, #tpu.memory_space<semaphore_mem>>)
      }
      %scan3A_540 = arith.constant 16 : i32
      %dma_wait3A_541 = arith.constant 0 : i32
      %dma_wait3A_542 = arith.constant 0 : i32
      %dma_wait3A_543 = arith.constant 0 : i32
      %dma_wait3A_544 = arith.constant 0 : i32
      %dma_wait3A_545 = tpu.memref_slice %arg10[%dma_wait3A_541, %dma_wait3A_542, %dma_wait3A_543, %dma_wait3A_544] : memref<2x4x8x128xf32, #tpu.memory_space<vmem>> -> memref<1x4x8x128xf32, #tpu.memory_space<vmem>>
      %dma_wait3A_546 = tpu.memref_squeeze %dma_wait3A_545 : memref<1x4x8x128xf32, #tpu.memory_space<vmem>> -> memref<4x8x128xf32, #tpu.memory_space<vmem>>
      %dma_wait3A_547 = arith.constant 0 : i32
      %dma_wait3A_548 = arith.constant 0 : i32
      %dma_wait3A_549 = arith.constant 0 : i32
      %dma_wait3A_550 = tpu.memref_slice %arg4[%dma_wait3A_547, %dma_wait3A_548, %dma_wait3A_549] : memref<4x8x1000000xf32, #tpu.memory_space<hbm>> -> memref<4x8x128xf32, #tpu.memory_space<hbm>>
      %dma_wait3A_551 = arith.constant 0 : i32
      %dma_wait3A_552 = arith.constant 0 : i32
      %dma_wait3A_553 = arith.constant 0 : i32
      %dma_wait3A_554 = tpu.memref_slice %arg10[%dma_wait3A_541, %dma_wait3A_551, %dma_wait3A_552, %dma_wait3A_553] : memref<2x4x8x128xf32, #tpu.memory_space<vmem>> -> memref<1x4x8x128xf32, #tpu.memory_space<vmem>>
      %dma_wait3A_555 = tpu.memref_squeeze %dma_wait3A_554 : memref<1x4x8x128xf32, #tpu.memory_space<vmem>> -> memref<4x8x128xf32, #tpu.memory_space<vmem>>
      %dma_wait3A_556 = arith.constant 0 : i32
      %dma_wait3A_557 = arith.constant 0 : i32
      %dma_wait3A_558 = arith.constant 0 : i32
      %dma_wait3A_559 = tpu.memref_slice %arg4[%dma_wait3A_556, %dma_wait3A_557, %dma_wait3A_558] : memref<4x8x1000000xf32, #tpu.memory_space<hbm>> -> memref<4x8x128xf32, #tpu.memory_space<hbm>>
      tpu.wait_dma2 semaphore(%arg17 : memref<!tpu.dma_semaphore, #tpu.memory_space<semaphore_mem>>) src(%dma_wait3A_559 : memref<4x8x128xf32, #tpu.memory_space<hbm>>) dst(%dma_wait3A_555 : memref<4x8x128xf32, #tpu.memory_space<vmem>>)
      %dma_wait3A_560 = arith.constant 1 : i32
      %dma_wait3A_561 = arith.constant 0 : i32
      %dma_wait3A_562 = arith.constant 0 : i32
      %dma_wait3A_563 = arith.constant 0 : i32
      %dma_wait3A_564 = tpu.memref_slice %arg10[%dma_wait3A_560, %dma_wait3A_561, %dma_wait3A_562, %dma_wait3A_563] : memref<2x4x8x128xf32, #tpu.memory_space<vmem>> -> memref<1x4x8x128xf32, #tpu.memory_space<vmem>>
      %dma_wait3A_565 = tpu.memref_squeeze %dma_wait3A_564 : memref<1x4x8x128xf32, #tpu.memory_space<vmem>> -> memref<4x8x128xf32, #tpu.memory_space<vmem>>
      %dma_wait3A_566 = arith.constant 0 : i32
      %dma_wait3A_567 = arith.constant 0 : i32
      %dma_wait3A_568 = arith.constant 0 : i32
      %dma_wait3A_569 = tpu.memref_slice %arg4[%dma_wait3A_566, %dma_wait3A_567, %dma_wait3A_568] : memref<4x8x1000000xf32, #tpu.memory_space<hbm>> -> memref<4x8x128xf32, #tpu.memory_space<hbm>>
      %dma_wait3A_570 = arith.constant 0 : i32
      %dma_wait3A_571 = arith.constant 0 : i32
      %dma_wait3A_572 = arith.constant 0 : i32
      %dma_wait3A_573 = tpu.memref_slice %arg10[%dma_wait3A_560, %dma_wait3A_570, %dma_wait3A_571, %dma_wait3A_572] : memref<2x4x8x128xf32, #tpu.memory_space<vmem>> -> memref<1x4x8x128xf32, #tpu.memory_space<vmem>>
      %dma_wait3A_574 = tpu.memref_squeeze %dma_wait3A_573 : memref<1x4x8x128xf32, #tpu.memory_space<vmem>> -> memref<4x8x128xf32, #tpu.memory_space<vmem>>
      %dma_wait3A_575 = arith.constant 0 : i32
      %dma_wait3A_576 = arith.constant 0 : i32
      %dma_wait3A_577 = arith.constant 0 : i32
      %dma_wait3A_578 = tpu.memref_slice %arg4[%dma_wait3A_575, %dma_wait3A_576, %dma_wait3A_577] : memref<4x8x1000000xf32, #tpu.memory_space<hbm>> -> memref<4x8x128xf32, #tpu.memory_space<hbm>>
      tpu.wait_dma2 semaphore(%arg17 : memref<!tpu.dma_semaphore, #tpu.memory_space<semaphore_mem>>) src(%dma_wait3A_578 : memref<4x8x128xf32, #tpu.memory_space<hbm>>) dst(%dma_wait3A_574 : memref<4x8x128xf32, #tpu.memory_space<vmem>>)
      %dma_wait3A_579 = arith.constant 0 : i32
      %dma_wait3A_580 = arith.constant 0 : i32
      %dma_wait3A_581 = arith.constant 0 : i32
      %dma_wait3A_582 = arith.constant 0 : i32
      %dma_wait3A_583 = tpu.memref_slice %arg12[%dma_wait3A_579, %dma_wait3A_580, %dma_wait3A_581, %dma_wait3A_582] : memref<2x4x8x128xf32, #tpu.memory_space<vmem>> -> memref<1x4x8x128xf32, #tpu.memory_space<vmem>>
      %dma_wait3A_584 = tpu.memref_squeeze %dma_wait3A_583 : memref<1x4x8x128xf32, #tpu.memory_space<vmem>> -> memref<4x8x128xf32, #tpu.memory_space<vmem>>
      %dma_wait3A_585 = arith.constant 0 : i32
      %dma_wait3A_586 = arith.constant 0 : i32
      %dma_wait3A_587 = arith.constant 0 : i32
      %dma_wait3A_588 = tpu.memref_slice %arg4[%dma_wait3A_585, %dma_wait3A_586, %dma_wait3A_587] : memref<4x8x1000000xf32, #tpu.memory_space<hbm>> -> memref<4x8x128xf32, #tpu.memory_space<hbm>>
      %dma_wait3A_589 = arith.constant 0 : i32
      %dma_wait3A_590 = arith.constant 0 : i32
      %dma_wait3A_591 = arith.constant 0 : i32
      %dma_wait3A_592 = tpu.memref_slice %arg12[%dma_wait3A_579, %dma_wait3A_589, %dma_wait3A_590, %dma_wait3A_591] : memref<2x4x8x128xf32, #tpu.memory_space<vmem>> -> memref<1x4x8x128xf32, #tpu.memory_space<vmem>>
      %dma_wait3A_593 = tpu.memref_squeeze %dma_wait3A_592 : memref<1x4x8x128xf32, #tpu.memory_space<vmem>> -> memref<4x8x128xf32, #tpu.memory_space<vmem>>
      %dma_wait3A_594 = arith.constant 0 : i32
      %dma_wait3A_595 = arith.constant 0 : i32
      %dma_wait3A_596 = arith.constant 0 : i32
      %dma_wait3A_597 = tpu.memref_slice %arg4[%dma_wait3A_594, %dma_wait3A_595, %dma_wait3A_596] : memref<4x8x1000000xf32, #tpu.memory_space<hbm>> -> memref<4x8x128xf32, #tpu.memory_space<hbm>>
      tpu.wait_dma2 semaphore(%arg17 : memref<!tpu.dma_semaphore, #tpu.memory_space<semaphore_mem>>) src(%dma_wait3A_597 : memref<4x8x128xf32, #tpu.memory_space<hbm>>) dst(%dma_wait3A_593 : memref<4x8x128xf32, #tpu.memory_space<vmem>>)
      %dma_wait3A_598 = arith.constant 1 : i32
      %dma_wait3A_599 = arith.constant 0 : i32
      %dma_wait3A_600 = arith.constant 0 : i32
      %dma_wait3A_601 = arith.constant 0 : i32
      %dma_wait3A_602 = tpu.memref_slice %arg12[%dma_wait3A_598, %dma_wait3A_599, %dma_wait3A_600, %dma_wait3A_601] : memref<2x4x8x128xf32, #tpu.memory_space<vmem>> -> memref<1x4x8x128xf32, #tpu.memory_space<vmem>>
      %dma_wait3A_603 = tpu.memref_squeeze %dma_wait3A_602 : memref<1x4x8x128xf32, #tpu.memory_space<vmem>> -> memref<4x8x128xf32, #tpu.memory_space<vmem>>
      %dma_wait3A_604 = arith.constant 0 : i32
      %dma_wait3A_605 = arith.constant 0 : i32
      %dma_wait3A_606 = arith.constant 0 : i32
      %dma_wait3A_607 = tpu.memref_slice %arg4[%dma_wait3A_604, %dma_wait3A_605, %dma_wait3A_606] : memref<4x8x1000000xf32, #tpu.memory_space<hbm>> -> memref<4x8x128xf32, #tpu.memory_space<hbm>>
      %dma_wait3A_608 = arith.constant 0 : i32
      %dma_wait3A_609 = arith.constant 0 : i32
      %dma_wait3A_610 = arith.constant 0 : i32
      %dma_wait3A_611 = tpu.memref_slice %arg12[%dma_wait3A_598, %dma_wait3A_608, %dma_wait3A_609, %dma_wait3A_610] : memref<2x4x8x128xf32, #tpu.memory_space<vmem>> -> memref<1x4x8x128xf32, #tpu.memory_space<vmem>>
      %dma_wait3A_612 = tpu.memref_squeeze %dma_wait3A_611 : memref<1x4x8x128xf32, #tpu.memory_space<vmem>> -> memref<4x8x128xf32, #tpu.memory_space<vmem>>
      %dma_wait3A_613 = arith.constant 0 : i32
      %dma_wait3A_614 = arith.constant 0 : i32
      %dma_wait3A_615 = arith.constant 0 : i32
      %dma_wait3A_616 = tpu.memref_slice %arg4[%dma_wait3A_613, %dma_wait3A_614, %dma_wait3A_615] : memref<4x8x1000000xf32, #tpu.memory_space<hbm>> -> memref<4x8x128xf32, #tpu.memory_space<hbm>>
      tpu.wait_dma2 semaphore(%arg17 : memref<!tpu.dma_semaphore, #tpu.memory_space<semaphore_mem>>) src(%dma_wait3A_616 : memref<4x8x128xf32, #tpu.memory_space<hbm>>) dst(%dma_wait3A_612 : memref<4x8x128xf32, #tpu.memory_space<vmem>>)
      %dma_wait3A_617 = arith.constant 0 : i32
      %dma_wait3A_618 = arith.constant 0 : i32
      %dma_wait3A_619 = tpu.memref_slice %arg6[%dma_wait3A_617, %dma_wait3A_618] : memref<782x128xf32, #tpu.memory_space<hbm>> -> memref<16x128xf32, #tpu.memory_space<hbm>>
      %dma_wait3A_620 = arith.constant 0 : i32
      %dma_wait3A_621 = arith.constant 0 : i32
      %dma_wait3A_622 = tpu.memref_slice %arg6[%dma_wait3A_620, %dma_wait3A_621] : memref<782x128xf32, #tpu.memory_space<hbm>> -> memref<16x128xf32, #tpu.memory_space<hbm>>
      tpu.wait_dma2 semaphore(%arg17 : memref<!tpu.dma_semaphore, #tpu.memory_space<semaphore_mem>>) src(%dma_wait3A_622 : memref<16x128xf32, #tpu.memory_space<hbm>>) dst(%arg14 : memref<16x128xf32, #tpu.memory_space<vmem>>)
      %mul3A_623 = arith.constant 16 : i32
      %mul3A_624 = arith.muli %mul3A_491, %mul3A_623 : i32
      %get3A_625 = arith.index_cast %mul3A_624 : i32 to index
      %get3A_626 = tpu.vector_load %arg8[%get3A_625] {strides = array<i32>} : memref<512xi32, #tpu.memory_space<vmem>>, vector<16xi32>,
      %mul3A_627 = arith.constant 16 : i32
      %mul3A_628 = arith.muli %mul3A_491, %mul3A_627 : i32
      %get3A_629 = arith.index_cast %mul3A_628 : i32 to index
      %get3A_630 = tpu.vector_load %arg9[%get3A_629] {strides = array<i32>} : memref<512xi32, #tpu.memory_space<vmem>>, vector<16xi32>,
      %jit3A_631 = arith.constant 8 : i32
      %div3A_632 = vector.broadcast %jit3A_631 : i32 to vector<16xi32>
      %div3A_633 = arith.divsi %iota3A, %div3A_632 : vector<16xi32>
      %sign3A_634 = arith.constant 0 : i32
      %sign3A_635 = vector.broadcast %sign3A_634 : i32 to vector<16xi32>
      %sign3A_636 = arith.cmpi sgt, %iota3A, %sign3A_635 : vector<16xi32>
      %sign3A_637 = arith.extui %sign3A_636 : vector<16xi1> to vector<16xi32>
      %sign3A_638 = arith.constant 0 : i32
      %sign3A_639 = vector.broadcast %sign3A_638 : i32 to vector<16xi32>
      %sign3A_640 = arith.cmpi slt, %iota3A, %sign3A_639 : vector<16xi32>
      %sign3A_641 = arith.extui %sign3A_640 : vector<16xi1> to vector<16xi32>
      %sign3A_642 = arith.subi %sign3A_637, %sign3A_641 : vector<16xi32>
      %sign3A_643 = arith.constant 0 : i32
      %sign3A_644 = arith.cmpi sgt, %jit3A_631, %sign3A_643 : i32
      %sign3A_645 = arith.extui %sign3A_644 : i1 to i32
      %sign3A_646 = arith.constant 0 : i32
      %sign3A_647 = arith.cmpi slt, %jit3A_631, %sign3A_646 : i32
      %sign3A_648 = arith.extui %sign3A_647 : i1 to i32
      %sign3A_649 = arith.subi %sign3A_645, %sign3A_648 : i32
      %ne3A_650 = vector.broadcast %sign3A_649 : i32 to vector<16xi32>
      %ne3A_651 = arith.cmpi ne, %sign3A_642, %ne3A_650 : vector<16xi32>
      %rem3A_652 = vector.broadcast %jit3A_631 : i32 to vector<16xi32>
      %rem3A_653 = arith.remsi %iota3A, %rem3A_652 : vector<16xi32>
      %ne3A_654 = arith.constant 0 : i32
      %ne3A_655 = vector.broadcast %ne3A_654 : i32 to vector<16xi32>
      %ne3A_656 = arith.cmpi ne, %rem3A_653, %ne3A_655 : vector<16xi32>
      %and3A_657 = arith.andi %ne3A_651, %ne3A_656 : vector<16xi1>
      %sub3A_658 = arith.constant 1 : i32
      %sub3A_659 = vector.broadcast %sub3A_658 : i32 to vector<16xi32>
      %sub3A_660 = arith.subi %div3A_633, %sub3A_659 : vector<16xi32>
      %select_n3A_661 = arith.select %and3A_657, %sub3A_660, %div3A_633 : vector<16xi1>, vector<16xi32>
      %jit3A_662 = arith.constant 8 : i32
      %eq3A_663 = arith.constant 0 : i32
      %eq3A_664 = arith.cmpi eq, %jit3A_662, %eq3A_663 : i32
      %jit3A_665 = arith.constant 1 : i32
      %select_n3A_666 = arith.select %eq3A_664, %jit3A_665, %jit3A_662 : i32
      %rem3A_667 = vector.broadcast %select_n3A_666 : i32 to vector<16xi32>
      %rem3A_668 = arith.remsi %iota3A, %rem3A_667 : vector<16xi32>
      %ne3A_669 = arith.constant 0 : i32
      %ne3A_670 = vector.broadcast %ne3A_669 : i32 to vector<16xi32>
      %ne3A_671 = arith.cmpi ne, %rem3A_668, %ne3A_670 : vector<16xi32>
      %lt3A_672 = arith.constant 0 : i32
      %lt3A_673 = vector.broadcast %lt3A_672 : i32 to vector<16xi32>
      %lt3A_674 = arith.cmpi slt, %rem3A_668, %lt3A_673 : vector<16xi32>
      %lt3A_675 = arith.constant 0 : i32
      %lt3A_676 = arith.cmpi slt, %select_n3A_666, %lt3A_675 : i32
      %ne3A_677 = vector.broadcast %lt3A_676 : i1 to vector<16xi1>
      %ne3A_678 = vector.broadcast %ne3A_677 : vector<16xi1> to vector<16xi1>
      %ne3A_679 = arith.xori %lt3A_674, %ne3A_678 : vector<16xi1>
      %and3A_680 = arith.andi %ne3A_679, %ne3A_671 : vector<16xi1>
      %add3A_681 = vector.broadcast %select_n3A_666 : i32 to vector<16xi32>
      %add3A_682 = arith.addi %rem3A_668, %add3A_681 : vector<16xi32>
      %select_n3A_683 = arith.select %and3A_680, %add3A_682, %rem3A_668 : vector<16xi1>, vector<16xi32>
      %mul3A_684 = arith.constant 16 : i32
      %mul3A_685 = vector.broadcast %mul3A_684 : i32 to vector<16xi32>
      %mul3A_686 = arith.muli %select_n3A_683, %mul3A_685 : vector<16xi32>
      %rem3A_687 = arith.constant 16 : i32
      %rem3A_688 = vector.broadcast %rem3A_687 : i32 to vector<16xi32>
      %rem3A_689 = arith.remsi %get3A_626, %rem3A_688 : vector<16xi32>
      %add3A_690 = arith.addi %mul3A_686, %rem3A_689 : vector<16xi32>
      %jit3A_691 = arith.constant 8 : i32
      %eq3A_692 = arith.constant 0 : i32
      %eq3A_693 = arith.cmpi eq, %jit3A_691, %eq3A_692 : i32
      %jit3A_694 = arith.constant 1 : i32
      %select_n3A_695 = arith.select %eq3A_693, %jit3A_694, %jit3A_691 : i32
      %rem3A_696 = vector.broadcast %select_n3A_695 : i32 to vector<16xi32>
      %rem3A_697 = arith.remsi %iota3A, %rem3A_696 : vector<16xi32>
      %ne3A_698 = arith.constant 0 : i32
      %ne3A_699 = vector.broadcast %ne3A_698 : i32 to vector<16xi32>
      %ne3A_700 = arith.cmpi ne, %rem3A_697, %ne3A_699 : vector<16xi32>
      %lt3A_701 = arith.constant 0 : i32
      %lt3A_702 = vector.broadcast %lt3A_701 : i32 to vector<16xi32>
      %lt3A_703 = arith.cmpi slt, %rem3A_697, %lt3A_702 : vector<16xi32>
      %lt3A_704 = arith.constant 0 : i32
      %lt3A_705 = arith.cmpi slt, %select_n3A_695, %lt3A_704 : i32
      %ne3A_706 = vector.broadcast %lt3A_705 : i1 to vector<16xi1>
      %ne3A_707 = vector.broadcast %ne3A_706 : vector<16xi1> to vector<16xi1>
      %ne3A_708 = arith.xori %lt3A_703, %ne3A_707 : vector<16xi1>
      %and3A_709 = arith.andi %ne3A_708, %ne3A_700 : vector<16xi1>
      %add3A_710 = vector.broadcast %select_n3A_695 : i32 to vector<16xi32>
      %add3A_711 = arith.addi %rem3A_697, %add3A_710 : vector<16xi32>
      %select_n3A_712 = arith.select %and3A_709, %add3A_711, %rem3A_697 : vector<16xi1>, vector<16xi32>
      %mul3A_713 = arith.constant 16 : i32
      %mul3A_714 = vector.broadcast %mul3A_713 : i32 to vector<16xi32>
      %mul3A_715 = arith.muli %select_n3A_712, %mul3A_714 : vector<16xi32>
      %rem3A_716 = arith.constant 16 : i32
      %rem3A_717 = vector.broadcast %rem3A_716 : i32 to vector<16xi32>
      %rem3A_718 = arith.remsi %get3A_630, %rem3A_717 : vector<16xi32>
      %add3A_719 = arith.addi %mul3A_715, %rem3A_718 : vector<16xi32>
      %rem3A_720 = arith.constant 128 : i32
      %rem3A_721 = vector.broadcast %rem3A_720 : i32 to vector<16xi32>
      %rem3A_722 = arith.remsi %get3A_630, %rem3A_721 : vector<16xi32>
      %broadcast_in_dim3A_723 = arith.constant 0 : i32
      %broadcast_in_dim3A_724 = vector.broadcast %broadcast_in_dim3A_723 : i32 to vector<16xi32>
      %broadcast_in_dim3A_725 = arith.constant 0.000000e+00 : f32
      %broadcast_in_dim3A_726 = vector.broadcast %broadcast_in_dim3A_725 : f32 to vector<16xf32>
      %scan3A_727 = arith.constant 0 : i32
      %scan3A_728 = arith.constant 8 : i32
      %scan3A_729 = arith.addi %scan3A_727, %scan3A_728 : i32
      %scan3A_730 = arith.constant 1 : i32
      %scan3A_731:4 = scf.for %scan3A_1014 = %scan3A_727 to %scan3A_729 step %scan3A_730 iter_args(%scan3A_1015 = %broadcast_in_dim3A_726, %scan3A_1016 = %broadcast_in_dim3A_726, %scan3A_1017 = %broadcast_in_dim3A_726, %scan3A_1018 = %broadcast_in_dim3A_726) -> (vector<16xf32>, vector<16xf32>, vector<16xf32>, vector<16xf32>)  : i32 {
        %mul3A_1019 = arith.constant 4 : i32
        %mul3A_1020 = arith.muli %scan3A_1014, %mul3A_1019 : i32
        %add3A_1021 = arith.constant 0 : i32
        %add3A_1022 = arith.addi %mul3A_1020, %add3A_1021 : i32
        %jit3A_1023 = arith.constant 8 : i32
        %div3A_1024 = arith.divsi %add3A_1022, %jit3A_1023 : i32
        %sign3A_1025 = arith.constant 0 : i32
        %sign3A_1026 = arith.cmpi sgt, %add3A_1022, %sign3A_1025 : i32
        %sign3A_1027 = arith.extui %sign3A_1026 : i1 to i32
        %sign3A_1028 = arith.constant 0 : i32
        %sign3A_1029 = arith.cmpi slt, %add3A_1022, %sign3A_1028 : i32
        %sign3A_1030 = arith.extui %sign3A_1029 : i1 to i32
        %sign3A_1031 = arith.subi %sign3A_1027, %sign3A_1030 : i32
        %sign3A_1032 = arith.constant 0 : i32
        %sign3A_1033 = arith.cmpi sgt, %jit3A_1023, %sign3A_1032 : i32
        %sign3A_1034 = arith.extui %sign3A_1033 : i1 to i32
        %sign3A_1035 = arith.constant 0 : i32
        %sign3A_1036 = arith.cmpi slt, %jit3A_1023, %sign3A_1035 : i32
        %sign3A_1037 = arith.extui %sign3A_1036 : i1 to i32
        %sign3A_1038 = arith.subi %sign3A_1034, %sign3A_1037 : i32
        %ne3A_1039 = arith.cmpi ne, %sign3A_1031, %sign3A_1038 : i32
        %rem3A_1040 = arith.remsi %add3A_1022, %jit3A_1023 : i32
        %ne3A_1041 = arith.constant 0 : i32
        %ne3A_1042 = arith.cmpi ne, %rem3A_1040, %ne3A_1041 : i32
        %and3A_1043 = arith.andi %ne3A_1039, %ne3A_1042 : i1
        %sub3A_1044 = arith.constant 1 : i32
        %sub3A_1045 = arith.subi %div3A_1024, %sub3A_1044 : i32
        %select_n3A_1046 = arith.select %and3A_1043, %sub3A_1045, %div3A_1024 : i32
        %add3A_1047 = vector.broadcast %select_n3A_1046 : i32 to vector<16xi32>
        %add3A_1048 = arith.addi %broadcast_in_dim3A_724, %add3A_1047 : vector<16xi32>
        %rem3A_1049 = arith.constant 8 : i32
        %rem3A_1050 = arith.remsi %add3A_1022, %rem3A_1049 : i32
        %add3A_1051 = vector.broadcast %rem3A_1050 : i32 to vector<16xi32>
        %add3A_1052 = arith.addi %broadcast_in_dim3A_724, %add3A_1051 : vector<16xi32>
        %gather3A_1053 = tpu.vector_load_idx %arg10[%select_n3A_661, %add3A_1048, %add3A_1052, %add3A_690] : memref<2x4x8x128xf32, #tpu.memory_space<vmem>>[vector<16xi32>, vector<16xi32>, vector<16xi32>, vector<16xi32>], vector<16xf32>,
        %gather3A_1054 = tpu.vector_load_idx %arg12[%select_n3A_661, %add3A_1048, %add3A_1052, %add3A_719] : memref<2x4x8x128xf32, #tpu.memory_space<vmem>>[vector<16xi32>, vector<16xi32>, vector<16xi32>, vector<16xi32>], vector<16xf32>,
        %neg3A_1055 = arith.constant 0.000000e+00 : f32
        %neg3A_1056 = vector.broadcast %neg3A_1055 : f32 to vector<16xf32>
        %neg3A_1057 = arith.subf %neg3A_1056, %gather3A_1054 : vector<16xf32>
        %exp3A_1058 = math.exp %neg3A_1057 : vector<16xf32>
        %add3A_1059 = arith.constant 1.000000e+00 : f32
        %add3A_1060 = vector.broadcast %add3A_1059 : f32 to vector<16xf32>
        %add3A_1061 = arith.addf %add3A_1060, %exp3A_1058 : vector<16xf32>
        %div3A_1062 = arith.constant 1.000000e+00 : f32
        %div3A_1063 = vector.broadcast %div3A_1062 : f32 to vector<16xf32>
        %div3A_1064 = arith.divf %div3A_1063, %add3A_1061 : vector<16xf32>
        %mul3A_1065 = arith.mulf %div3A_1064, %gather3A_1053 : vector<16xf32>
        %add3A_1066 = arith.addf %scan3A_1015, %mul3A_1065 : vector<16xf32>
        %add3A_1067 = arith.constant 1 : i32
        %add3A_1068 = arith.addi %mul3A_1020, %add3A_1067 : i32
        %jit3A_1069 = arith.constant 8 : i32
        %div3A_1070 = arith.divsi %add3A_1068, %jit3A_1069 : i32
        %sign3A_1071 = arith.constant 0 : i32
        %sign3A_1072 = arith.cmpi sgt, %add3A_1068, %sign3A_1071 : i32
        %sign3A_1073 = arith.extui %sign3A_1072 : i1 to i32
        %sign3A_1074 = arith.constant 0 : i32
        %sign3A_1075 = arith.cmpi slt, %add3A_1068, %sign3A_1074 : i32
        %sign3A_1076 = arith.extui %sign3A_1075 : i1 to i32
        %sign3A_1077 = arith.subi %sign3A_1073, %sign3A_1076 : i32
        %sign3A_1078 = arith.constant 0 : i32
        %sign3A_1079 = arith.cmpi sgt, %jit3A_1069, %sign3A_1078 : i32
        %sign3A_1080 = arith.extui %sign3A_1079 : i1 to i32
        %sign3A_1081 = arith.constant 0 : i32
        %sign3A_1082 = arith.cmpi slt, %jit3A_1069, %sign3A_1081 : i32
        %sign3A_1083 = arith.extui %sign3A_1082 : i1 to i32
        %sign3A_1084 = arith.subi %sign3A_1080, %sign3A_1083 : i32
        %ne3A_1085 = arith.cmpi ne, %sign3A_1077, %sign3A_1084 : i32
        %rem3A_1086 = arith.remsi %add3A_1068, %jit3A_1069 : i32
        %ne3A_1087 = arith.constant 0 : i32
        %ne3A_1088 = arith.cmpi ne, %rem3A_1086, %ne3A_1087 : i32
        %and3A_1089 = arith.andi %ne3A_1085, %ne3A_1088 : i1
        %sub3A_1090 = arith.constant 1 : i32
        %sub3A_1091 = arith.subi %div3A_1070, %sub3A_1090 : i32
        %select_n3A_1092 = arith.select %and3A_1089, %sub3A_1091, %div3A_1070 : i32
        %add3A_1093 = vector.broadcast %select_n3A_1092 : i32 to vector<16xi32>
        %add3A_1094 = arith.addi %broadcast_in_dim3A_724, %add3A_1093 : vector<16xi32>
        %rem3A_1095 = arith.constant 8 : i32
        %rem3A_1096 = arith.remsi %add3A_1068, %rem3A_1095 : i32
        %add3A_1097 = vector.broadcast %rem3A_1096 : i32 to vector<16xi32>
        %add3A_1098 = arith.addi %broadcast_in_dim3A_724, %add3A_1097 : vector<16xi32>
        %gather3A_1099 = tpu.vector_load_idx %arg10[%select_n3A_661, %add3A_1094, %add3A_1098, %add3A_690] : memref<2x4x8x128xf32, #tpu.memory_space<vmem>>[vector<16xi32>, vector<16xi32>, vector<16xi32>, vector<16xi32>], vector<16xf32>,
        %gather3A_1100 = tpu.vector_load_idx %arg12[%select_n3A_661, %add3A_1094, %add3A_1098, %add3A_719] : memref<2x4x8x128xf32, #tpu.memory_space<vmem>>[vector<16xi32>, vector<16xi32>, vector<16xi32>, vector<16xi32>], vector<16xf32>,
        %neg3A_1101 = arith.constant 0.000000e+00 : f32
        %neg3A_1102 = vector.broadcast %neg3A_1101 : f32 to vector<16xf32>
        %neg3A_1103 = arith.subf %neg3A_1102, %gather3A_1100 : vector<16xf32>
        %exp3A_1104 = math.exp %neg3A_1103 : vector<16xf32>
        %add3A_1105 = arith.constant 1.000000e+00 : f32
        %add3A_1106 = vector.broadcast %add3A_1105 : f32 to vector<16xf32>
        %add3A_1107 = arith.addf %add3A_1106, %exp3A_1104 : vector<16xf32>
        %div3A_1108 = arith.constant 1.000000e+00 : f32
        %div3A_1109 = vector.broadcast %div3A_1108 : f32 to vector<16xf32>
        %div3A_1110 = arith.divf %div3A_1109, %add3A_1107 : vector<16xf32>
        %mul3A_1111 = arith.mulf %div3A_1110, %gather3A_1099 : vector<16xf32>
        %add3A_1112 = arith.addf %scan3A_1016, %mul3A_1111 : vector<16xf32>
        %add3A_1113 = arith.constant 2 : i32
        %add3A_1114 = arith.addi %mul3A_1020, %add3A_1113 : i32
        %jit3A_1115 = arith.constant 8 : i32
        %div3A_1116 = arith.divsi %add3A_1114, %jit3A_1115 : i32
        %sign3A_1117 = arith.constant 0 : i32
        %sign3A_1118 = arith.cmpi sgt, %add3A_1114, %sign3A_1117 : i32
        %sign3A_1119 = arith.extui %sign3A_1118 : i1 to i32
        %sign3A_1120 = arith.constant 0 : i32
        %sign3A_1121 = arith.cmpi slt, %add3A_1114, %sign3A_1120 : i32
        %sign3A_1122 = arith.extui %sign3A_1121 : i1 to i32
        %sign3A_1123 = arith.subi %sign3A_1119, %sign3A_1122 : i32
        %sign3A_1124 = arith.constant 0 : i32
        %sign3A_1125 = arith.cmpi sgt, %jit3A_1115, %sign3A_1124 : i32
        %sign3A_1126 = arith.extui %sign3A_1125 : i1 to i32
        %sign3A_1127 = arith.constant 0 : i32
        %sign3A_1128 = arith.cmpi slt, %jit3A_1115, %sign3A_1127 : i32
        %sign3A_1129 = arith.extui %sign3A_1128 : i1 to i32
        %sign3A_1130 = arith.subi %sign3A_1126, %sign3A_1129 : i32
        %ne3A_1131 = arith.cmpi ne, %sign3A_1123, %sign3A_1130 : i32
        %rem3A_1132 = arith.remsi %add3A_1114, %jit3A_1115 : i32
        %ne3A_1133 = arith.constant 0 : i32
        %ne3A_1134 = arith.cmpi ne, %rem3A_1132, %ne3A_1133 : i32
        %and3A_1135 = arith.andi %ne3A_1131, %ne3A_1134 : i1
        %sub3A_1136 = arith.constant 1 : i32
        %sub3A_1137 = arith.subi %div3A_1116, %sub3A_1136 : i32
        %select_n3A_1138 = arith.select %and3A_1135, %sub3A_1137, %div3A_1116 : i32
        %add3A_1139 = vector.broadcast %select_n3A_1138 : i32 to vector<16xi32>
        %add3A_1140 = arith.addi %broadcast_in_dim3A_724, %add3A_1139 : vector<16xi32>
        %rem3A_1141 = arith.constant 8 : i32
        %rem3A_1142 = arith.remsi %add3A_1114, %rem3A_1141 : i32
        %add3A_1143 = vector.broadcast %rem3A_1142 : i32 to vector<16xi32>
        %add3A_1144 = arith.addi %broadcast_in_dim3A_724, %add3A_1143 : vector<16xi32>
        %gather3A_1145 = tpu.vector_load_idx %arg10[%select_n3A_661, %add3A_1140, %add3A_1144, %add3A_690] : memref<2x4x8x128xf32, #tpu.memory_space<vmem>>[vector<16xi32>, vector<16xi32>, vector<16xi32>, vector<16xi32>], vector<16xf32>,
        %gather3A_1146 = tpu.vector_load_idx %arg12[%select_n3A_661, %add3A_1140, %add3A_1144, %add3A_719] : memref<2x4x8x128xf32, #tpu.memory_space<vmem>>[vector<16xi32>, vector<16xi32>, vector<16xi32>, vector<16xi32>], vector<16xf32>,
        %neg3A_1147 = arith.constant 0.000000e+00 : f32
        %neg3A_1148 = vector.broadcast %neg3A_1147 : f32 to vector<16xf32>
        %neg3A_1149 = arith.subf %neg3A_1148, %gather3A_1146 : vector<16xf32>
        %exp3A_1150 = math.exp %neg3A_1149 : vector<16xf32>
        %add3A_1151 = arith.constant 1.000000e+00 : f32
        %add3A_1152 = vector.broadcast %add3A_1151 : f32 to vector<16xf32>
        %add3A_1153 = arith.addf %add3A_1152, %exp3A_1150 : vector<16xf32>
        %div3A_1154 = arith.constant 1.000000e+00 : f32
        %div3A_1155 = vector.broadcast %div3A_1154 : f32 to vector<16xf32>
        %div3A_1156 = arith.divf %div3A_1155, %add3A_1153 : vector<16xf32>
        %mul3A_1157 = arith.mulf %div3A_1156, %gather3A_1145 : vector<16xf32>
        %add3A_1158 = arith.addf %scan3A_1017, %mul3A_1157 : vector<16xf32>
        %add3A_1159 = arith.constant 3 : i32
        %add3A_1160 = arith.addi %mul3A_1020, %add3A_1159 : i32
        %jit3A_1161 = arith.constant 8 : i32
        %div3A_1162 = arith.divsi %add3A_1160, %jit3A_1161 : i32
        %sign3A_1163 = arith.constant 0 : i32
        %sign3A_1164 = arith.cmpi sgt, %add3A_1160, %sign3A_1163 : i32
        %sign3A_1165 = arith.extui %sign3A_1164 : i1 to i32
        %sign3A_1166 = arith.constant 0 : i32
        %sign3A_1167 = arith.cmpi slt, %add3A_1160, %sign3A_1166 : i32
        %sign3A_1168 = arith.extui %sign3A_1167 : i1 to i32
        %sign3A_1169 = arith.subi %sign3A_1165, %sign3A_1168 : i32
        %sign3A_1170 = arith.constant 0 : i32
        %sign3A_1171 = arith.cmpi sgt, %jit3A_1161, %sign3A_1170 : i32
        %sign3A_1172 = arith.extui %sign3A_1171 : i1 to i32
        %sign3A_1173 = arith.constant 0 : i32
        %sign3A_1174 = arith.cmpi slt, %jit3A_1161, %sign3A_1173 : i32
        %sign3A_1175 = arith.extui %sign3A_1174 : i1 to i32
        %sign3A_1176 = arith.subi %sign3A_1172, %sign3A_1175 : i32
        %ne3A_1177 = arith.cmpi ne, %sign3A_1169, %sign3A_1176 : i32
        %rem3A_1178 = arith.remsi %add3A_1160, %jit3A_1161 : i32
        %ne3A_1179 = arith.constant 0 : i32
        %ne3A_1180 = arith.cmpi ne, %rem3A_1178, %ne3A_1179 : i32
        %and3A_1181 = arith.andi %ne3A_1177, %ne3A_1180 : i1
        %sub3A_1182 = arith.constant 1 : i32
        %sub3A_1183 = arith.subi %div3A_1162, %sub3A_1182 : i32
        %select_n3A_1184 = arith.select %and3A_1181, %sub3A_1183, %div3A_1162 : i32
        %add3A_1185 = vector.broadcast %select_n3A_1184 : i32 to vector<16xi32>
        %add3A_1186 = arith.addi %broadcast_in_dim3A_724, %add3A_1185 : vector<16xi32>
        %rem3A_1187 = arith.constant 8 : i32
        %rem3A_1188 = arith.remsi %add3A_1160, %rem3A_1187 : i32
        %add3A_1189 = vector.broadcast %rem3A_1188 : i32 to vector<16xi32>
        %add3A_1190 = arith.addi %broadcast_in_dim3A_724, %add3A_1189 : vector<16xi32>
        %gather3A_1191 = tpu.vector_load_idx %arg10[%select_n3A_661, %add3A_1186, %add3A_1190, %add3A_690] : memref<2x4x8x128xf32, #tpu.memory_space<vmem>>[vector<16xi32>, vector<16xi32>, vector<16xi32>, vector<16xi32>], vector<16xf32>,
        %gather3A_1192 = tpu.vector_load_idx %arg12[%select_n3A_661, %add3A_1186, %add3A_1190, %add3A_719] : memref<2x4x8x128xf32, #tpu.memory_space<vmem>>[vector<16xi32>, vector<16xi32>, vector<16xi32>, vector<16xi32>], vector<16xf32>,
        %neg3A_1193 = arith.constant 0.000000e+00 : f32
        %neg3A_1194 = vector.broadcast %neg3A_1193 : f32 to vector<16xf32>
        %neg3A_1195 = arith.subf %neg3A_1194, %gather3A_1192 : vector<16xf32>
        %exp3A_1196 = math.exp %neg3A_1195 : vector<16xf32>
        %add3A_1197 = arith.constant 1.000000e+00 : f32
        %add3A_1198 = vector.broadcast %add3A_1197 : f32 to vector<16xf32>
        %add3A_1199 = arith.addf %add3A_1198, %exp3A_1196 : vector<16xf32>
        %div3A_1200 = arith.constant 1.000000e+00 : f32
        %div3A_1201 = vector.broadcast %div3A_1200 : f32 to vector<16xf32>
        %div3A_1202 = arith.divf %div3A_1201, %add3A_1199 : vector<16xf32>
        %mul3A_1203 = arith.mulf %div3A_1202, %gather3A_1191 : vector<16xf32>
        %add3A_1204 = arith.addf %scan3A_1018, %mul3A_1203 : vector<16xf32>
        scf.yield %add3A_1066, %add3A_1112, %add3A_1158, %add3A_1204 : vector<16xf32>, vector<16xf32>, vector<16xf32>, vector<16xf32>
      }
      %scan3A_732 = arith.constant 8 : i32
      %add3A_733 = arith.addf %scan3A_731#0, %scan3A_731#1 : vector<16xf32>
      %add3A_734 = arith.addf %scan3A_731#2, %scan3A_731#3 : vector<16xf32>
      %add3A_735 = arith.addf %add3A_733, %add3A_734 : vector<16xf32>
      %gather3A_736 = tpu.vector_load_idx %arg14[%iota3A, %rem3A_722] : memref<16x128xf32, #tpu.memory_space<vmem>>[vector<16xi32>, vector<16xi32>], vector<16xf32>,
      %sub3A_737 = arith.subf %add3A_735, %gather3A_736 : vector<16xf32>
      %neg3A_738 = arith.constant 0.000000e+00 : f32
      %neg3A_739 = vector.broadcast %neg3A_738 : f32 to vector<16xf32>
      %neg3A_740 = arith.subf %neg3A_739, %sub3A_737 : vector<16xf32>
      %exp3A_741 = math.exp %neg3A_740 : vector<16xf32>
      %add3A_742 = arith.constant 1.000000e+00 : f32
      %add3A_743 = vector.broadcast %add3A_742 : f32 to vector<16xf32>
      %add3A_744 = arith.addf %add3A_743, %exp3A_741 : vector<16xf32>
      %div3A_745 = arith.constant 1.000000e+00 : f32
      %div3A_746 = vector.broadcast %div3A_745 : f32 to vector<16xf32>
      %div3A_747 = arith.divf %div3A_746, %add3A_744 : vector<16xf32>
      %mul3A_748 = arith.constant 16 : i32
      %mul3A_749 = arith.muli %mul3A_491, %mul3A_748 : i32
      %swap3A_750 = arith.index_cast %mul3A_749 : i32 to index
      %swap3A_751 = tpu.vector_load %arg16[%swap3A_750] {strides = array<i32>} : memref<512xf32, #tpu.memory_space<vmem>>, vector<16xf32>,
      tpu.vector_store %arg16[%swap3A_750], %div3A_747 {strides = array<i32>} : memref<512xf32, #tpu.memory_space<vmem>>, vector<16xf32>,
      %add3A_752 = arith.constant 2 : i32
      %add3A_753 = arith.addi %mul3A_491, %add3A_752 : i32
      %mul3A_754 = arith.constant 16 : i32
      %mul3A_755 = arith.muli %add3A_753, %mul3A_754 : i32
      %get3A_756 = arith.index_cast %mul3A_755 : i32 to index
      %get3A_757 = tpu.vector_load %arg8[%get3A_756] {strides = array<i32>} : memref<512xi32, #tpu.memory_space<vmem>>, vector<16xi32>,
      %mul3A_758 = arith.constant 16 : i32
      %mul3A_759 = arith.muli %add3A_753, %mul3A_758 : i32
      %get3A_760 = arith.index_cast %mul3A_759 : i32 to index
      %get3A_761 = tpu.vector_load %arg9[%get3A_760] {strides = array<i32>} : memref<512xi32, #tpu.memory_space<vmem>>, vector<16xi32>,
      %jit3A_762 = arith.constant 128 : i32
      %div3A_763 = vector.broadcast %jit3A_762 : i32 to vector<16xi32>
      %div3A_764 = arith.divsi %get3A_761, %div3A_763 : vector<16xi32>
      %sign3A_765 = arith.constant 0 : i32
      %sign3A_766 = vector.broadcast %sign3A_765 : i32 to vector<16xi32>
      %sign3A_767 = arith.cmpi sgt, %get3A_761, %sign3A_766 : vector<16xi32>
      %sign3A_768 = arith.extui %sign3A_767 : vector<16xi1> to vector<16xi32>
      %sign3A_769 = arith.constant 0 : i32
      %sign3A_770 = vector.broadcast %sign3A_769 : i32 to vector<16xi32>
      %sign3A_771 = arith.cmpi slt, %get3A_761, %sign3A_770 : vector<16xi32>
      %sign3A_772 = arith.extui %sign3A_771 : vector<16xi1> to vector<16xi32>
      %sign3A_773 = arith.subi %sign3A_768, %sign3A_772 : vector<16xi32>
      %sign3A_774 = arith.constant 0 : i32
      %sign3A_775 = arith.cmpi sgt, %jit3A_762, %sign3A_774 : i32
      %sign3A_776 = arith.extui %sign3A_775 : i1 to i32
      %sign3A_777 = arith.constant 0 : i32
      %sign3A_778 = arith.cmpi slt, %jit3A_762, %sign3A_777 : i32
      %sign3A_779 = arith.extui %sign3A_778 : i1 to i32
      %sign3A_780 = arith.subi %sign3A_776, %sign3A_779 : i32
      %ne3A_781 = vector.broadcast %sign3A_780 : i32 to vector<16xi32>
      %ne3A_782 = arith.cmpi ne, %sign3A_773, %ne3A_781 : vector<16xi32>
      %rem3A_783 = vector.broadcast %jit3A_762 : i32 to vector<16xi32>
      %rem3A_784 = arith.remsi %get3A_761, %rem3A_783 : vector<16xi32>
      %ne3A_785 = arith.constant 0 : i32
      %ne3A_786 = vector.broadcast %ne3A_785 : i32 to vector<16xi32>
      %ne3A_787 = arith.cmpi ne, %rem3A_784, %ne3A_786 : vector<16xi32>
      %and3A_788 = arith.andi %ne3A_782, %ne3A_787 : vector<16xi1>
      %sub3A_789 = arith.constant 1 : i32
      %sub3A_790 = vector.broadcast %sub3A_789 : i32 to vector<16xi32>
      %sub3A_791 = arith.subi %div3A_764, %sub3A_790 : vector<16xi32>
      %select_n3A_792 = arith.select %and3A_788, %sub3A_791, %div3A_764 : vector<16xi1>, vector<16xi32>
      %dma_start3A_793 = arith.constant 0 : i32
      %dma_start3A_794 = arith.constant 0 : i32
      %dma_start3A_795 = tpu.memref_slice %arg6[%dma_start3A_793, %dma_start3A_794] : memref<782x128xf32, #tpu.memory_space<hbm>> -> memref<782x128xf32, #tpu.memory_space<hbm>>
      tpu.enqueue_indirect_dma source(%dma_start3A_795 : memref<782x128xf32, #tpu.memory_space<hbm>>) target(%arg14 : memref<16x128xf32, #tpu.memory_space<vmem>>) offsets(%select_n3A_792 : vector<16xi32>) semaphore(%arg17 : memref<!tpu.dma_semaphore, #tpu.memory_space<semaphore_mem>>)
      %scan3A_796 = arith.constant 0 : i32
      %scan3A_797 = arith.constant 16 : i32
      %scan3A_798 = arith.addi %scan3A_796, %scan3A_797 : i32
      %scan3A_799 = arith.constant 1 : i32
      scf.for %scan3A_1014 = %scan3A_796 to %scan3A_798 step %scan3A_799  : i32 {
        %mul3A_1015 = arith.constant 1 : i32
        %mul3A_1016 = arith.muli %scan3A_1014, %mul3A_1015 : i32
        %add3A_1017 = arith.constant 0 : i32
        %add3A_1018 = arith.addi %add3A_1017, %mul3A_1016 : i32
        %eq3A_1019 = vector.broadcast %add3A_1018 : i32 to vector<16xi32>
        %eq3A_1020 = arith.cmpi eq, %iota3A, %eq3A_1019 : vector<16xi32>
        %jit3A_1021 = arith.constant 0 : i32
        %broadcast_in_dim3A_1022 = vector.broadcast %jit3A_1021 : i32 to vector<16xi32>
        %select_n3A_1023 = arith.select %eq3A_1020, %get3A_757, %broadcast_in_dim3A_1022 : vector<16xi1>, vector<16xi32>
        %reduce_sum3A = arith.constant true
        %reduce_sum3A_1024 = vector.broadcast %reduce_sum3A : i1 to vector<16xi1>
        %reduce_sum3A_1025 = tpu.scan <sum>, %select_n3A_1023 masked %reduce_sum3A_1024 : vector<16xi32>, vector<16xi1> -> vector<16xi32>
        %reduce_sum3A_1026 = vector.extract %reduce_sum3A_1025[15] : i32 from vector<16xi32>
        %jit3A_1027 = arith.constant 0 : i32
        %broadcast_in_dim3A_1028 = vector.broadcast %jit3A_1027 : i32 to vector<16xi32>
        %select_n3A_1029 = arith.select %eq3A_1020, %get3A_761, %broadcast_in_dim3A_1028 : vector<16xi1>, vector<16xi32>
        %reduce_sum3A_1030 = arith.constant true
        %reduce_sum3A_1031 = vector.broadcast %reduce_sum3A_1030 : i1 to vector<16xi1>
        %reduce_sum3A_1032 = tpu.scan <sum>, %select_n3A_1029 masked %reduce_sum3A_1031 : vector<16xi32>, vector<16xi1> -> vector<16xi32>
        %reduce_sum3A_1033 = vector.extract %reduce_sum3A_1032[15] : i32 from vector<16xi32>
        %jit3A_1034 = arith.constant 16 : i32
        %div3A_1035 = arith.divsi %reduce_sum3A_1026, %jit3A_1034 : i32
        %sign3A_1036 = arith.constant 0 : i32
        %sign3A_1037 = arith.cmpi sgt, %reduce_sum3A_1026, %sign3A_1036 : i32
        %sign3A_1038 = arith.extui %sign3A_1037 : i1 to i32
        %sign3A_1039 = arith.constant 0 : i32
        %sign3A_1040 = arith.cmpi slt, %reduce_sum3A_1026, %sign3A_1039 : i32
        %sign3A_1041 = arith.extui %sign3A_1040 : i1 to i32
        %sign3A_1042 = arith.subi %sign3A_1038, %sign3A_1041 : i32
        %sign3A_1043 = arith.constant 0 : i32
        %sign3A_1044 = arith.cmpi sgt, %jit3A_1034, %sign3A_1043 : i32
        %sign3A_1045 = arith.extui %sign3A_1044 : i1 to i32
        %sign3A_1046 = arith.constant 0 : i32
        %sign3A_1047 = arith.cmpi slt, %jit3A_1034, %sign3A_1046 : i32
        %sign3A_1048 = arith.extui %sign3A_1047 : i1 to i32
        %sign3A_1049 = arith.subi %sign3A_1045, %sign3A_1048 : i32
        %ne3A_1050 = arith.cmpi ne, %sign3A_1042, %sign3A_1049 : i32
        %rem3A_1051 = arith.remsi %reduce_sum3A_1026, %jit3A_1034 : i32
        %ne3A_1052 = arith.constant 0 : i32
        %ne3A_1053 = arith.cmpi ne, %rem3A_1051, %ne3A_1052 : i32
        %and3A_1054 = arith.andi %ne3A_1050, %ne3A_1053 : i1
        %sub3A_1055 = arith.constant 1 : i32
        %sub3A_1056 = arith.subi %div3A_1035, %sub3A_1055 : i32
        %select_n3A_1057 = arith.select %and3A_1054, %sub3A_1056, %div3A_1035 : i32
        %mul3A_1058 = arith.constant 16 : i32
        %mul3A_1059 = arith.muli %select_n3A_1057, %mul3A_1058 : i32
        %jit3A_1060 = arith.constant 16 : i32
        %div3A_1061 = arith.divsi %reduce_sum3A_1033, %jit3A_1060 : i32
        %sign3A_1062 = arith.constant 0 : i32
        %sign3A_1063 = arith.cmpi sgt, %reduce_sum3A_1033, %sign3A_1062 : i32
        %sign3A_1064 = arith.extui %sign3A_1063 : i1 to i32
        %sign3A_1065 = arith.constant 0 : i32
        %sign3A_1066 = arith.cmpi slt, %reduce_sum3A_1033, %sign3A_1065 : i32
        %sign3A_1067 = arith.extui %sign3A_1066 : i1 to i32
        %sign3A_1068 = arith.subi %sign3A_1064, %sign3A_1067 : i32
        %sign3A_1069 = arith.constant 0 : i32
        %sign3A_1070 = arith.cmpi sgt, %jit3A_1060, %sign3A_1069 : i32
        %sign3A_1071 = arith.extui %sign3A_1070 : i1 to i32
        %sign3A_1072 = arith.constant 0 : i32
        %sign3A_1073 = arith.cmpi slt, %jit3A_1060, %sign3A_1072 : i32
        %sign3A_1074 = arith.extui %sign3A_1073 : i1 to i32
        %sign3A_1075 = arith.subi %sign3A_1071, %sign3A_1074 : i32
        %ne3A_1076 = arith.cmpi ne, %sign3A_1068, %sign3A_1075 : i32
        %rem3A_1077 = arith.remsi %reduce_sum3A_1033, %jit3A_1060 : i32
        %ne3A_1078 = arith.constant 0 : i32
        %ne3A_1079 = arith.cmpi ne, %rem3A_1077, %ne3A_1078 : i32
        %and3A_1080 = arith.andi %ne3A_1076, %ne3A_1079 : i1
        %sub3A_1081 = arith.constant 1 : i32
        %sub3A_1082 = arith.subi %div3A_1061, %sub3A_1081 : i32
        %select_n3A_1083 = arith.select %and3A_1080, %sub3A_1082, %div3A_1061 : i32
        %mul3A_1084 = arith.constant 16 : i32
        %mul3A_1085 = arith.muli %select_n3A_1083, %mul3A_1084 : i32
        %jit3A_1086 = arith.constant 8 : i32
        %div3A_1087 = arith.divsi %add3A_1018, %jit3A_1086 : i32
        %sign3A_1088 = arith.constant 0 : i32
        %sign3A_1089 = arith.cmpi sgt, %add3A_1018, %sign3A_1088 : i32
        %sign3A_1090 = arith.extui %sign3A_1089 : i1 to i32
        %sign3A_1091 = arith.constant 0 : i32
        %sign3A_1092 = arith.cmpi slt, %add3A_1018, %sign3A_1091 : i32
        %sign3A_1093 = arith.extui %sign3A_1092 : i1 to i32
        %sign3A_1094 = arith.subi %sign3A_1090, %sign3A_1093 : i32
        %sign3A_1095 = arith.constant 0 : i32
        %sign3A_1096 = arith.cmpi sgt, %jit3A_1086, %sign3A_1095 : i32
        %sign3A_1097 = arith.extui %sign3A_1096 : i1 to i32
        %sign3A_1098 = arith.constant 0 : i32
        %sign3A_1099 = arith.cmpi slt, %jit3A_1086, %sign3A_1098 : i32
        %sign3A_1100 = arith.extui %sign3A_1099 : i1 to i32
        %sign3A_1101 = arith.subi %sign3A_1097, %sign3A_1100 : i32
        %ne3A_1102 = arith.cmpi ne, %sign3A_1094, %sign3A_1101 : i32
        %rem3A_1103 = arith.remsi %add3A_1018, %jit3A_1086 : i32
        %ne3A_1104 = arith.constant 0 : i32
        %ne3A_1105 = arith.cmpi ne, %rem3A_1103, %ne3A_1104 : i32
        %and3A_1106 = arith.andi %ne3A_1102, %ne3A_1105 : i1
        %sub3A_1107 = arith.constant 1 : i32
        %sub3A_1108 = arith.subi %div3A_1087, %sub3A_1107 : i32
        %select_n3A_1109 = arith.select %and3A_1106, %sub3A_1108, %div3A_1087 : i32
        %jit3A_1110 = arith.constant 8 : i32
        %eq3A_1111 = arith.constant 0 : i32
        %eq3A_1112 = arith.cmpi eq, %jit3A_1110, %eq3A_1111 : i32
        %jit3A_1113 = arith.constant 1 : i32
        %select_n3A_1114 = arith.select %eq3A_1112, %jit3A_1113, %jit3A_1110 : i32
        %rem3A_1115 = arith.remsi %add3A_1018, %select_n3A_1114 : i32
        %ne3A_1116 = arith.constant 0 : i32
        %ne3A_1117 = arith.cmpi ne, %rem3A_1115, %ne3A_1116 : i32
        %lt3A_1118 = arith.constant 0 : i32
        %lt3A_1119 = arith.cmpi slt, %rem3A_1115, %lt3A_1118 : i32
        %lt3A_1120 = arith.constant 0 : i32
        %lt3A_1121 = arith.cmpi slt, %select_n3A_1114, %lt3A_1120 : i32
        %ne3A_1122 = arith.xori %lt3A_1119, %lt3A_1121 : i1
        %and3A_1123 = arith.andi %ne3A_1122, %ne3A_1117 : i1
        %add3A_1124 = arith.addi %rem3A_1115, %select_n3A_1114 : i32
        %select_n3A_1125 = arith.select %and3A_1123, %add3A_1124, %rem3A_1115 : i32
        %mul3A_1126 = arith.constant 16 : i32
        %mul3A_1127 = arith.muli %select_n3A_1125, %mul3A_1126 : i32
        %dma_start3A_1128 = arith.constant 0 : i32
        %dma_start3A_1129 = arith.constant 0 : i32
        %dma_start3A_1130 = tpu.memref_slice %arg10[%select_n3A_1109, %dma_start3A_1128, %dma_start3A_1129, %mul3A_1127] : memref<2x4x8x128xf32, #tpu.memory_space<vmem>> -> memref<1x4x8x16xf32, #tpu.memory_space<vmem>>
        %dma_start3A_1131 = tpu.memref_squeeze %dma_start3A_1130 : memref<1x4x8x16xf32, #tpu.memory_space<vmem>> -> memref<4x8x16xf32, #tpu.memory_space<vmem>>
        %dma_start3A_1132 = arith.constant 0 : i32
        %dma_start3A_1133 = arith.constant 0 : i32
        %dma_start3A_1134 = tpu.memref_slice %arg4[%dma_start3A_1132, %dma_start3A_1133, %mul3A_1059] : memref<4x8x1000000xf32, #tpu.memory_space<hbm>> -> memref<4x8x16xf32, #tpu.memory_space<hbm>>
        %dma_start3A_1135 = arith.constant 0 : i32
        %dma_start3A_1136 = arith.constant 0 : i32
        %dma_start3A_1137 = tpu.memref_slice %arg10[%select_n3A_1109, %dma_start3A_1135, %dma_start3A_1136, %mul3A_1127] : memref<2x4x8x128xf32, #tpu.memory_space<vmem>> -> memref<1x4x8x16xf32, #tpu.memory_space<vmem>>
        %dma_start3A_1138 = tpu.memref_squeeze %dma_start3A_1137 : memref<1x4x8x16xf32, #tpu.memory_space<vmem>> -> memref<4x8x16xf32, #tpu.memory_space<vmem>>
        %dma_start3A_1139 = arith.constant 0 : i32
        %dma_start3A_1140 = arith.constant 0 : i32
        %dma_start3A_1141 = tpu.memref_slice %arg4[%dma_start3A_1139, %dma_start3A_1140, %mul3A_1059] : memref<4x8x1000000xf32, #tpu.memory_space<hbm>> -> memref<4x8x16xf32, #tpu.memory_space<hbm>>
        tpu.enqueue_dma source(%dma_start3A_1141 : memref<4x8x16xf32, #tpu.memory_space<hbm>>) target(%dma_start3A_1138 : memref<4x8x16xf32, #tpu.memory_space<vmem>>) target_semaphore(%arg17 : memref<!tpu.dma_semaphore, #tpu.memory_space<semaphore_mem>>)
        %dma_start3A_1142 = arith.constant 0 : i32
        %dma_start3A_1143 = arith.constant 0 : i32
        %dma_start3A_1144 = tpu.memref_slice %arg12[%select_n3A_1109, %dma_start3A_1142, %dma_start3A_1143, %mul3A_1127] : memref<2x4x8x128xf32, #tpu.memory_space<vmem>> -> memref<1x4x8x16xf32, #tpu.memory_space<vmem>>
        %dma_start3A_1145 = tpu.memref_squeeze %dma_start3A_1144 : memref<1x4x8x16xf32, #tpu.memory_space<vmem>> -> memref<4x8x16xf32, #tpu.memory_space<vmem>>
        %dma_start3A_1146 = arith.constant 0 : i32
        %dma_start3A_1147 = arith.constant 0 : i32
        %dma_start3A_1148 = tpu.memref_slice %arg5[%dma_start3A_1146, %dma_start3A_1147, %mul3A_1085] : memref<4x8x100000xf32, #tpu.memory_space<hbm>> -> memref<4x8x16xf32, #tpu.memory_space<hbm>>
        %dma_start3A_1149 = arith.constant 0 : i32
        %dma_start3A_1150 = arith.constant 0 : i32
        %dma_start3A_1151 = tpu.memref_slice %arg12[%select_n3A_1109, %dma_start3A_1149, %dma_start3A_1150, %mul3A_1127] : memref<2x4x8x128xf32, #tpu.memory_space<vmem>> -> memref<1x4x8x16xf32, #tpu.memory_space<vmem>>
        %dma_start3A_1152 = tpu.memref_squeeze %dma_start3A_1151 : memref<1x4x8x16xf32, #tpu.memory_space<vmem>> -> memref<4x8x16xf32, #tpu.memory_space<vmem>>
        %dma_start3A_1153 = arith.constant 0 : i32
        %dma_start3A_1154 = arith.constant 0 : i32
        %dma_start3A_1155 = tpu.memref_slice %arg5[%dma_start3A_1153, %dma_start3A_1154, %mul3A_1085] : memref<4x8x100000xf32, #tpu.memory_space<hbm>> -> memref<4x8x16xf32, #tpu.memory_space<hbm>>
        tpu.enqueue_dma source(%dma_start3A_1155 : memref<4x8x16xf32, #tpu.memory_space<hbm>>) target(%dma_start3A_1152 : memref<4x8x16xf32, #tpu.memory_space<vmem>>) target_semaphore(%arg17 : memref<!tpu.dma_semaphore, #tpu.memory_space<semaphore_mem>>)
      }
      %scan3A_800 = arith.constant 16 : i32
      %dma_wait3A_801 = arith.constant 0 : i32
      %dma_wait3A_802 = arith.constant 0 : i32
      %dma_wait3A_803 = arith.constant 0 : i32
      %dma_wait3A_804 = arith.constant 0 : i32
      %dma_wait3A_805 = tpu.memref_slice %arg11[%dma_wait3A_801, %dma_wait3A_802, %dma_wait3A_803, %dma_wait3A_804] : memref<2x4x8x128xf32, #tpu.memory_space<vmem>> -> memref<1x4x8x128xf32, #tpu.memory_space<vmem>>
      %dma_wait3A_806 = tpu.memref_squeeze %dma_wait3A_805 : memref<1x4x8x128xf32, #tpu.memory_space<vmem>> -> memref<4x8x128xf32, #tpu.memory_space<vmem>>
      %dma_wait3A_807 = arith.constant 0 : i32
      %dma_wait3A_808 = arith.constant 0 : i32
      %dma_wait3A_809 = arith.constant 0 : i32
      %dma_wait3A_810 = tpu.memref_slice %arg4[%dma_wait3A_807, %dma_wait3A_808, %dma_wait3A_809] : memref<4x8x1000000xf32, #tpu.memory_space<hbm>> -> memref<4x8x128xf32, #tpu.memory_space<hbm>>
      %dma_wait3A_811 = arith.constant 0 : i32
      %dma_wait3A_812 = arith.constant 0 : i32
      %dma_wait3A_813 = arith.constant 0 : i32
      %dma_wait3A_814 = tpu.memref_slice %arg11[%dma_wait3A_801, %dma_wait3A_811, %dma_wait3A_812, %dma_wait3A_813] : memref<2x4x8x128xf32, #tpu.memory_space<vmem>> -> memref<1x4x8x128xf32, #tpu.memory_space<vmem>>
      %dma_wait3A_815 = tpu.memref_squeeze %dma_wait3A_814 : memref<1x4x8x128xf32, #tpu.memory_space<vmem>> -> memref<4x8x128xf32, #tpu.memory_space<vmem>>
      %dma_wait3A_816 = arith.constant 0 : i32
      %dma_wait3A_817 = arith.constant 0 : i32
      %dma_wait3A_818 = arith.constant 0 : i32
      %dma_wait3A_819 = tpu.memref_slice %arg4[%dma_wait3A_816, %dma_wait3A_817, %dma_wait3A_818] : memref<4x8x1000000xf32, #tpu.memory_space<hbm>> -> memref<4x8x128xf32, #tpu.memory_space<hbm>>
      tpu.wait_dma2 semaphore(%arg18 : memref<!tpu.dma_semaphore, #tpu.memory_space<semaphore_mem>>) src(%dma_wait3A_819 : memref<4x8x128xf32, #tpu.memory_space<hbm>>) dst(%dma_wait3A_815 : memref<4x8x128xf32, #tpu.memory_space<vmem>>)
      %dma_wait3A_820 = arith.constant 1 : i32
      %dma_wait3A_821 = arith.constant 0 : i32
      %dma_wait3A_822 = arith.constant 0 : i32
      %dma_wait3A_823 = arith.constant 0 : i32
      %dma_wait3A_824 = tpu.memref_slice %arg11[%dma_wait3A_820, %dma_wait3A_821, %dma_wait3A_822, %dma_wait3A_823] : memref<2x4x8x128xf32, #tpu.memory_space<vmem>> -> memref<1x4x8x128xf32, #tpu.memory_space<vmem>>
      %dma_wait3A_825 = tpu.memref_squeeze %dma_wait3A_824 : memref<1x4x8x128xf32, #tpu.memory_space<vmem>> -> memref<4x8x128xf32, #tpu.memory_space<vmem>>
      %dma_wait3A_826 = arith.constant 0 : i32
      %dma_wait3A_827 = arith.constant 0 : i32
      %dma_wait3A_828 = arith.constant 0 : i32
      %dma_wait3A_829 = tpu.memref_slice %arg4[%dma_wait3A_826, %dma_wait3A_827, %dma_wait3A_828] : memref<4x8x1000000xf32, #tpu.memory_space<hbm>> -> memref<4x8x128xf32, #tpu.memory_space<hbm>>
      %dma_wait3A_830 = arith.constant 0 : i32
      %dma_wait3A_831 = arith.constant 0 : i32
      %dma_wait3A_832 = arith.constant 0 : i32
      %dma_wait3A_833 = tpu.memref_slice %arg11[%dma_wait3A_820, %dma_wait3A_830, %dma_wait3A_831, %dma_wait3A_832] : memref<2x4x8x128xf32, #tpu.memory_space<vmem>> -> memref<1x4x8x128xf32, #tpu.memory_space<vmem>>
      %dma_wait3A_834 = tpu.memref_squeeze %dma_wait3A_833 : memref<1x4x8x128xf32, #tpu.memory_space<vmem>> -> memref<4x8x128xf32, #tpu.memory_space<vmem>>
      %dma_wait3A_835 = arith.constant 0 : i32
      %dma_wait3A_836 = arith.constant 0 : i32
      %dma_wait3A_837 = arith.constant 0 : i32
      %dma_wait3A_838 = tpu.memref_slice %arg4[%dma_wait3A_835, %dma_wait3A_836, %dma_wait3A_837] : memref<4x8x1000000xf32, #tpu.memory_space<hbm>> -> memref<4x8x128xf32, #tpu.memory_space<hbm>>
      tpu.wait_dma2 semaphore(%arg18 : memref<!tpu.dma_semaphore, #tpu.memory_space<semaphore_mem>>) src(%dma_wait3A_838 : memref<4x8x128xf32, #tpu.memory_space<hbm>>) dst(%dma_wait3A_834 : memref<4x8x128xf32, #tpu.memory_space<vmem>>)
      %dma_wait3A_839 = arith.constant 0 : i32
      %dma_wait3A_840 = arith.constant 0 : i32
      %dma_wait3A_841 = arith.constant 0 : i32
      %dma_wait3A_842 = arith.constant 0 : i32
      %dma_wait3A_843 = tpu.memref_slice %arg13[%dma_wait3A_839, %dma_wait3A_840, %dma_wait3A_841, %dma_wait3A_842] : memref<2x4x8x128xf32, #tpu.memory_space<vmem>> -> memref<1x4x8x128xf32, #tpu.memory_space<vmem>>
      %dma_wait3A_844 = tpu.memref_squeeze %dma_wait3A_843 : memref<1x4x8x128xf32, #tpu.memory_space<vmem>> -> memref<4x8x128xf32, #tpu.memory_space<vmem>>
      %dma_wait3A_845 = arith.constant 0 : i32
      %dma_wait3A_846 = arith.constant 0 : i32
      %dma_wait3A_847 = arith.constant 0 : i32
      %dma_wait3A_848 = tpu.memref_slice %arg4[%dma_wait3A_845, %dma_wait3A_846, %dma_wait3A_847] : memref<4x8x1000000xf32, #tpu.memory_space<hbm>> -> memref<4x8x128xf32, #tpu.memory_space<hbm>>
      %dma_wait3A_849 = arith.constant 0 : i32
      %dma_wait3A_850 = arith.constant 0 : i32
      %dma_wait3A_851 = arith.constant 0 : i32
      %dma_wait3A_852 = tpu.memref_slice %arg13[%dma_wait3A_839, %dma_wait3A_849, %dma_wait3A_850, %dma_wait3A_851] : memref<2x4x8x128xf32, #tpu.memory_space<vmem>> -> memref<1x4x8x128xf32, #tpu.memory_space<vmem>>
      %dma_wait3A_853 = tpu.memref_squeeze %dma_wait3A_852 : memref<1x4x8x128xf32, #tpu.memory_space<vmem>> -> memref<4x8x128xf32, #tpu.memory_space<vmem>>
      %dma_wait3A_854 = arith.constant 0 : i32
      %dma_wait3A_855 = arith.constant 0 : i32
      %dma_wait3A_856 = arith.constant 0 : i32
      %dma_wait3A_857 = tpu.memref_slice %arg4[%dma_wait3A_854, %dma_wait3A_855, %dma_wait3A_856] : memref<4x8x1000000xf32, #tpu.memory_space<hbm>> -> memref<4x8x128xf32, #tpu.memory_space<hbm>>
      tpu.wait_dma2 semaphore(%arg18 : memref<!tpu.dma_semaphore, #tpu.memory_space<semaphore_mem>>) src(%dma_wait3A_857 : memref<4x8x128xf32, #tpu.memory_space<hbm>>) dst(%dma_wait3A_853 : memref<4x8x128xf32, #tpu.memory_space<vmem>>)
      %dma_wait3A_858 = arith.constant 1 : i32
      %dma_wait3A_859 = arith.constant 0 : i32
      %dma_wait3A_860 = arith.constant 0 : i32
      %dma_wait3A_861 = arith.constant 0 : i32
      %dma_wait3A_862 = tpu.memref_slice %arg13[%dma_wait3A_858, %dma_wait3A_859, %dma_wait3A_860, %dma_wait3A_861] : memref<2x4x8x128xf32, #tpu.memory_space<vmem>> -> memref<1x4x8x128xf32, #tpu.memory_space<vmem>>
      %dma_wait3A_863 = tpu.memref_squeeze %dma_wait3A_862 : memref<1x4x8x128xf32, #tpu.memory_space<vmem>> -> memref<4x8x128xf32, #tpu.memory_space<vmem>>
      %dma_wait3A_864 = arith.constant 0 : i32
      %dma_wait3A_865 = arith.constant 0 : i32
      %dma_wait3A_866 = arith.constant 0 : i32
      %dma_wait3A_867 = tpu.memref_slice %arg4[%dma_wait3A_864, %dma_wait3A_865, %dma_wait3A_866] : memref<4x8x1000000xf32, #tpu.memory_space<hbm>> -> memref<4x8x128xf32, #tpu.memory_space<hbm>>
      %dma_wait3A_868 = arith.constant 0 : i32
      %dma_wait3A_869 = arith.constant 0 : i32
      %dma_wait3A_870 = arith.constant 0 : i32
      %dma_wait3A_871 = tpu.memref_slice %arg13[%dma_wait3A_858, %dma_wait3A_868, %dma_wait3A_869, %dma_wait3A_870] : memref<2x4x8x128xf32, #tpu.memory_space<vmem>> -> memref<1x4x8x128xf32, #tpu.memory_space<vmem>>
      %dma_wait3A_872 = tpu.memref_squeeze %dma_wait3A_871 : memref<1x4x8x128xf32, #tpu.memory_space<vmem>> -> memref<4x8x128xf32, #tpu.memory_space<vmem>>
      %dma_wait3A_873 = arith.constant 0 : i32
      %dma_wait3A_874 = arith.constant 0 : i32
      %dma_wait3A_875 = arith.constant 0 : i32
      %dma_wait3A_876 = tpu.memref_slice %arg4[%dma_wait3A_873, %dma_wait3A_874, %dma_wait3A_875] : memref<4x8x1000000xf32, #tpu.memory_space<hbm>> -> memref<4x8x128xf32, #tpu.memory_space<hbm>>
      tpu.wait_dma2 semaphore(%arg18 : memref<!tpu.dma_semaphore, #tpu.memory_space<semaphore_mem>>) src(%dma_wait3A_876 : memref<4x8x128xf32, #tpu.memory_space<hbm>>) dst(%dma_wait3A_872 : memref<4x8x128xf32, #tpu.memory_space<vmem>>)
      %dma_wait3A_877 = arith.constant 0 : i32
      %dma_wait3A_878 = arith.constant 0 : i32
      %dma_wait3A_879 = tpu.memref_slice %arg6[%dma_wait3A_877, %dma_wait3A_878] : memref<782x128xf32, #tpu.memory_space<hbm>> -> memref<16x128xf32, #tpu.memory_space<hbm>>
      %dma_wait3A_880 = arith.constant 0 : i32
      %dma_wait3A_881 = arith.constant 0 : i32
      %dma_wait3A_882 = tpu.memref_slice %arg6[%dma_wait3A_880, %dma_wait3A_881] : memref<782x128xf32, #tpu.memory_space<hbm>> -> memref<16x128xf32, #tpu.memory_space<hbm>>
      tpu.wait_dma2 semaphore(%arg18 : memref<!tpu.dma_semaphore, #tpu.memory_space<semaphore_mem>>) src(%dma_wait3A_882 : memref<16x128xf32, #tpu.memory_space<hbm>>) dst(%arg15 : memref<16x128xf32, #tpu.memory_space<vmem>>)
      %add3A_883 = arith.constant 1 : i32
      %add3A_884 = arith.addi %mul3A_491, %add3A_883 : i32
      %mul3A_885 = arith.constant 16 : i32
      %mul3A_886 = arith.muli %add3A_884, %mul3A_885 : i32
      %get3A_887 = arith.index_cast %mul3A_886 : i32 to index
      %get3A_888 = tpu.vector_load %arg8[%get3A_887] {strides = array<i32>} : memref<512xi32, #tpu.memory_space<vmem>>, vector<16xi32>,
      %mul3A_889 = arith.constant 16 : i32
      %mul3A_890 = arith.muli %add3A_884, %mul3A_889 : i32
      %get3A_891 = arith.index_cast %mul3A_890 : i32 to index
      %get3A_892 = tpu.vector_load %arg9[%get3A_891] {strides = array<i32>} : memref<512xi32, #tpu.memory_space<vmem>>, vector<16xi32>,
      %jit3A_893 = arith.constant 8 : i32
      %div3A_894 = vector.broadcast %jit3A_893 : i32 to vector<16xi32>
      %div3A_895 = arith.divsi %iota3A, %div3A_894 : vector<16xi32>
      %sign3A_896 = arith.constant 0 : i32
      %sign3A_897 = vector.broadcast %sign3A_896 : i32 to vector<16xi32>
      %sign3A_898 = arith.cmpi sgt, %iota3A, %sign3A_897 : vector<16xi32>
      %sign3A_899 = arith.extui %sign3A_898 : vector<16xi1> to vector<16xi32>
      %sign3A_900 = arith.constant 0 : i32
      %sign3A_901 = vector.broadcast %sign3A_900 : i32 to vector<16xi32>
      %sign3A_902 = arith.cmpi slt, %iota3A, %sign3A_901 : vector<16xi32>
      %sign3A_903 = arith.extui %sign3A_902 : vector<16xi1> to vector<16xi32>
      %sign3A_904 = arith.subi %sign3A_899, %sign3A_903 : vector<16xi32>
      %sign3A_905 = arith.constant 0 : i32
      %sign3A_906 = arith.cmpi sgt, %jit3A_893, %sign3A_905 : i32
      %sign3A_907 = arith.extui %sign3A_906 : i1 to i32
      %sign3A_908 = arith.constant 0 : i32
      %sign3A_909 = arith.cmpi slt, %jit3A_893, %sign3A_908 : i32
      %sign3A_910 = arith.extui %sign3A_909 : i1 to i32
      %sign3A_911 = arith.subi %sign3A_907, %sign3A_910 : i32
      %ne3A_912 = vector.broadcast %sign3A_911 : i32 to vector<16xi32>
      %ne3A_913 = arith.cmpi ne, %sign3A_904, %ne3A_912 : vector<16xi32>
      %rem3A_914 = vector.broadcast %jit3A_893 : i32 to vector<16xi32>
      %rem3A_915 = arith.remsi %iota3A, %rem3A_914 : vector<16xi32>
      %ne3A_916 = arith.constant 0 : i32
      %ne3A_917 = vector.broadcast %ne3A_916 : i32 to vector<16xi32>
      %ne3A_918 = arith.cmpi ne, %rem3A_915, %ne3A_917 : vector<16xi32>
      %and3A_919 = arith.andi %ne3A_913, %ne3A_918 : vector<16xi1>
      %sub3A_920 = arith.constant 1 : i32
      %sub3A_921 = vector.broadcast %sub3A_920 : i32 to vector<16xi32>
      %sub3A_922 = arith.subi %div3A_895, %sub3A_921 : vector<16xi32>
      %select_n3A_923 = arith.select %and3A_919, %sub3A_922, %div3A_895 : vector<16xi1>, vector<16xi32>
      %jit3A_924 = arith.constant 8 : i32
      %eq3A_925 = arith.constant 0 : i32
      %eq3A_926 = arith.cmpi eq, %jit3A_924, %eq3A_925 : i32
      %jit3A_927 = arith.constant 1 : i32
      %select_n3A_928 = arith.select %eq3A_926, %jit3A_927, %jit3A_924 : i32
      %rem3A_929 = vector.broadcast %select_n3A_928 : i32 to vector<16xi32>
      %rem3A_930 = arith.remsi %iota3A, %rem3A_929 : vector<16xi32>
      %ne3A_931 = arith.constant 0 : i32
      %ne3A_932 = vector.broadcast %ne3A_931 : i32 to vector<16xi32>
      %ne3A_933 = arith.cmpi ne, %rem3A_930, %ne3A_932 : vector<16xi32>
      %lt3A_934 = arith.constant 0 : i32
      %lt3A_935 = vector.broadcast %lt3A_934 : i32 to vector<16xi32>
      %lt3A_936 = arith.cmpi slt, %rem3A_930, %lt3A_935 : vector<16xi32>
      %lt3A_937 = arith.constant 0 : i32
      %lt3A_938 = arith.cmpi slt, %select_n3A_928, %lt3A_937 : i32
      %ne3A_939 = vector.broadcast %lt3A_938 : i1 to vector<16xi1>
      %ne3A_940 = vector.broadcast %ne3A_939 : vector<16xi1> to vector<16xi1>
      %ne3A_941 = arith.xori %lt3A_936, %ne3A_940 : vector<16xi1>
      %and3A_942 = arith.andi %ne3A_941, %ne3A_933 : vector<16xi1>
      %add3A_943 = vector.broadcast %select_n3A_928 : i32 to vector<16xi32>
      %add3A_944 = arith.addi %rem3A_930, %add3A_943 : vector<16xi32>
      %select_n3A_945 = arith.select %and3A_942, %add3A_944, %rem3A_930 : vector<16xi1>, vector<16xi32>
      %mul3A_946 = arith.constant 16 : i32
      %mul3A_947 = vector.broadcast %mul3A_946 : i32 to vector<16xi32>
      %mul3A_948 = arith.muli %select_n3A_945, %mul3A_947 : vector<16xi32>
      %rem3A_949 = arith.constant 16 : i32
      %rem3A_950 = vector.broadcast %rem3A_949 : i32 to vector<16xi32>
      %rem3A_951 = arith.remsi %get3A_888, %rem3A_950 : vector<16xi32>
      %add3A_952 = arith.addi %mul3A_948, %rem3A_951 : vector<16xi32>
      %jit3A_953 = arith.constant 8 : i32
      %eq3A_954 = arith.constant 0 : i32
      %eq3A_955 = arith.cmpi eq, %jit3A_953, %eq3A_954 : i32
      %jit3A_956 = arith.constant 1 : i32
      %select_n3A_957 = arith.select %eq3A_955, %jit3A_956, %jit3A_953 : i32
      %rem3A_958 = vector.broadcast %select_n3A_957 : i32 to vector<16xi32>
      %rem3A_959 = arith.remsi %iota3A, %rem3A_958 : vector<16xi32>
      %ne3A_960 = arith.constant 0 : i32
      %ne3A_961 = vector.broadcast %ne3A_960 : i32 to vector<16xi32>
      %ne3A_962 = arith.cmpi ne, %rem3A_959, %ne3A_961 : vector<16xi32>
      %lt3A_963 = arith.constant 0 : i32
      %lt3A_964 = vector.broadcast %lt3A_963 : i32 to vector<16xi32>
      %lt3A_965 = arith.cmpi slt, %rem3A_959, %lt3A_964 : vector<16xi32>
      %lt3A_966 = arith.constant 0 : i32
      %lt3A_967 = arith.cmpi slt, %select_n3A_957, %lt3A_966 : i32
      %ne3A_968 = vector.broadcast %lt3A_967 : i1 to vector<16xi1>
      %ne3A_969 = vector.broadcast %ne3A_968 : vector<16xi1> to vector<16xi1>
      %ne3A_970 = arith.xori %lt3A_965, %ne3A_969 : vector<16xi1>
      %and3A_971 = arith.andi %ne3A_970, %ne3A_962 : vector<16xi1>
      %add3A_972 = vector.broadcast %select_n3A_957 : i32 to vector<16xi32>
      %add3A_973 = arith.addi %rem3A_959, %add3A_972 : vector<16xi32>
      %select_n3A_974 = arith.select %and3A_971, %add3A_973, %rem3A_959 : vector<16xi1>, vector<16xi32>
      %mul3A_975 = arith.constant 16 : i32
      %mul3A_976 = vector.broadcast %mul3A_975 : i32 to vector<16xi32>
      %mul3A_977 = arith.muli %select_n3A_974, %mul3A_976 : vector<16xi32>
      %rem3A_978 = arith.constant 16 : i32
      %rem3A_979 = vector.broadcast %rem3A_978 : i32 to vector<16xi32>
      %rem3A_980 = arith.remsi %get3A_892, %rem3A_979 : vector<16xi32>
      %add3A_981 = arith.addi %mul3A_977, %rem3A_980 : vector<16xi32>
      %rem3A_982 = arith.constant 128 : i32
      %rem3A_983 = vector.broadcast %rem3A_982 : i32 to vector<16xi32>
      %rem3A_984 = arith.remsi %get3A_892, %rem3A_983 : vector<16xi32>
      %broadcast_in_dim3A_985 = arith.constant 0 : i32
      %broadcast_in_dim3A_986 = vector.broadcast %broadcast_in_dim3A_985 : i32 to vector<16xi32>
      %broadcast_in_dim3A_987 = arith.constant 0.000000e+00 : f32
      %broadcast_in_dim3A_988 = vector.broadcast %broadcast_in_dim3A_987 : f32 to vector<16xf32>
      %scan3A_989 = arith.constant 0 : i32
      %scan3A_990 = arith.constant 8 : i32
      %scan3A_991 = arith.addi %scan3A_989, %scan3A_990 : i32
      %scan3A_992 = arith.constant 1 : i32
      %scan3A_993:4 = scf.for %scan3A_1014 = %scan3A_989 to %scan3A_991 step %scan3A_992 iter_args(%scan3A_1015 = %broadcast_in_dim3A_988, %scan3A_1016 = %broadcast_in_dim3A_988, %scan3A_1017 = %broadcast_in_dim3A_988, %scan3A_1018 = %broadcast_in_dim3A_988) -> (vector<16xf32>, vector<16xf32>, vector<16xf32>, vector<16xf32>)  : i32 {
        %mul3A_1019 = arith.constant 4 : i32
        %mul3A_1020 = arith.muli %scan3A_1014, %mul3A_1019 : i32
        %add3A_1021 = arith.constant 0 : i32
        %add3A_1022 = arith.addi %mul3A_1020, %add3A_1021 : i32
        %jit3A_1023 = arith.constant 8 : i32
        %div3A_1024 = arith.divsi %add3A_1022, %jit3A_1023 : i32
        %sign3A_1025 = arith.constant 0 : i32
        %sign3A_1026 = arith.cmpi sgt, %add3A_1022, %sign3A_1025 : i32
        %sign3A_1027 = arith.extui %sign3A_1026 : i1 to i32
        %sign3A_1028 = arith.constant 0 : i32
        %sign3A_1029 = arith.cmpi slt, %add3A_1022, %sign3A_1028 : i32
        %sign3A_1030 = arith.extui %sign3A_1029 : i1 to i32
        %sign3A_1031 = arith.subi %sign3A_1027, %sign3A_1030 : i32
        %sign3A_1032 = arith.constant 0 : i32
        %sign3A_1033 = arith.cmpi sgt, %jit3A_1023, %sign3A_1032 : i32
        %sign3A_1034 = arith.extui %sign3A_1033 : i1 to i32
        %sign3A_1035 = arith.constant 0 : i32
        %sign3A_1036 = arith.cmpi slt, %jit3A_1023, %sign3A_1035 : i32
        %sign3A_1037 = arith.extui %sign3A_1036 : i1 to i32
        %sign3A_1038 = arith.subi %sign3A_1034, %sign3A_1037 : i32
        %ne3A_1039 = arith.cmpi ne, %sign3A_1031, %sign3A_1038 : i32
        %rem3A_1040 = arith.remsi %add3A_1022, %jit3A_1023 : i32
        %ne3A_1041 = arith.constant 0 : i32
        %ne3A_1042 = arith.cmpi ne, %rem3A_1040, %ne3A_1041 : i32
        %and3A_1043 = arith.andi %ne3A_1039, %ne3A_1042 : i1
        %sub3A_1044 = arith.constant 1 : i32
        %sub3A_1045 = arith.subi %div3A_1024, %sub3A_1044 : i32
        %select_n3A_1046 = arith.select %and3A_1043, %sub3A_1045, %div3A_1024 : i32
        %add3A_1047 = vector.broadcast %select_n3A_1046 : i32 to vector<16xi32>
        %add3A_1048 = arith.addi %broadcast_in_dim3A_986, %add3A_1047 : vector<16xi32>
        %rem3A_1049 = arith.constant 8 : i32
        %rem3A_1050 = arith.remsi %add3A_1022, %rem3A_1049 : i32
        %add3A_1051 = vector.broadcast %rem3A_1050 : i32 to vector<16xi32>
        %add3A_1052 = arith.addi %broadcast_in_dim3A_986, %add3A_1051 : vector<16xi32>
        %gather3A_1053 = tpu.vector_load_idx %arg11[%select_n3A_923, %add3A_1048, %add3A_1052, %add3A_952] : memref<2x4x8x128xf32, #tpu.memory_space<vmem>>[vector<16xi32>, vector<16xi32>, vector<16xi32>, vector<16xi32>], vector<16xf32>,
        %gather3A_1054 = tpu.vector_load_idx %arg13[%select_n3A_923, %add3A_1048, %add3A_1052, %add3A_981] : memref<2x4x8x128xf32, #tpu.memory_space<vmem>>[vector<16xi32>, vector<16xi32>, vector<16xi32>, vector<16xi32>], vector<16xf32>,
        %neg3A_1055 = arith.constant 0.000000e+00 : f32
        %neg3A_1056 = vector.broadcast %neg3A_1055 : f32 to vector<16xf32>
        %neg3A_1057 = arith.subf %neg3A_1056, %gather3A_1054 : vector<16xf32>
        %exp3A_1058 = math.exp %neg3A_1057 : vector<16xf32>
        %add3A_1059 = arith.constant 1.000000e+00 : f32
        %add3A_1060 = vector.broadcast %add3A_1059 : f32 to vector<16xf32>
        %add3A_1061 = arith.addf %add3A_1060, %exp3A_1058 : vector<16xf32>
        %div3A_1062 = arith.constant 1.000000e+00 : f32
        %div3A_1063 = vector.broadcast %div3A_1062 : f32 to vector<16xf32>
        %div3A_1064 = arith.divf %div3A_1063, %add3A_1061 : vector<16xf32>
        %mul3A_1065 = arith.mulf %div3A_1064, %gather3A_1053 : vector<16xf32>
        %add3A_1066 = arith.addf %scan3A_1015, %mul3A_1065 : vector<16xf32>
        %add3A_1067 = arith.constant 1 : i32
        %add3A_1068 = arith.addi %mul3A_1020, %add3A_1067 : i32
        %jit3A_1069 = arith.constant 8 : i32
        %div3A_1070 = arith.divsi %add3A_1068, %jit3A_1069 : i32
        %sign3A_1071 = arith.constant 0 : i32
        %sign3A_1072 = arith.cmpi sgt, %add3A_1068, %sign3A_1071 : i32
        %sign3A_1073 = arith.extui %sign3A_1072 : i1 to i32
        %sign3A_1074 = arith.constant 0 : i32
        %sign3A_1075 = arith.cmpi slt, %add3A_1068, %sign3A_1074 : i32
        %sign3A_1076 = arith.extui %sign3A_1075 : i1 to i32
        %sign3A_1077 = arith.subi %sign3A_1073, %sign3A_1076 : i32
        %sign3A_1078 = arith.constant 0 : i32
        %sign3A_1079 = arith.cmpi sgt, %jit3A_1069, %sign3A_1078 : i32
        %sign3A_1080 = arith.extui %sign3A_1079 : i1 to i32
        %sign3A_1081 = arith.constant 0 : i32
        %sign3A_1082 = arith.cmpi slt, %jit3A_1069, %sign3A_1081 : i32
        %sign3A_1083 = arith.extui %sign3A_1082 : i1 to i32
        %sign3A_1084 = arith.subi %sign3A_1080, %sign3A_1083 : i32
        %ne3A_1085 = arith.cmpi ne, %sign3A_1077, %sign3A_1084 : i32
        %rem3A_1086 = arith.remsi %add3A_1068, %jit3A_1069 : i32
        %ne3A_1087 = arith.constant 0 : i32
        %ne3A_1088 = arith.cmpi ne, %rem3A_1086, %ne3A_1087 : i32
        %and3A_1089 = arith.andi %ne3A_1085, %ne3A_1088 : i1
        %sub3A_1090 = arith.constant 1 : i32
        %sub3A_1091 = arith.subi %div3A_1070, %sub3A_1090 : i32
        %select_n3A_1092 = arith.select %and3A_1089, %sub3A_1091, %div3A_1070 : i32
        %add3A_1093 = vector.broadcast %select_n3A_1092 : i32 to vector<16xi32>
        %add3A_1094 = arith.addi %broadcast_in_dim3A_986, %add3A_1093 : vector<16xi32>
        %rem3A_1095 = arith.constant 8 : i32
        %rem3A_1096 = arith.remsi %add3A_1068, %rem3A_1095 : i32
        %add3A_1097 = vector.broadcast %rem3A_1096 : i32 to vector<16xi32>
        %add3A_1098 = arith.addi %broadcast_in_dim3A_986, %add3A_1097 : vector<16xi32>
        %gather3A_1099 = tpu.vector_load_idx %arg11[%select_n3A_923, %add3A_1094, %add3A_1098, %add3A_952] : memref<2x4x8x128xf32, #tpu.memory_space<vmem>>[vector<16xi32>, vector<16xi32>, vector<16xi32>, vector<16xi32>], vector<16xf32>,
        %gather3A_1100 = tpu.vector_load_idx %arg13[%select_n3A_923, %add3A_1094, %add3A_1098, %add3A_981] : memref<2x4x8x128xf32, #tpu.memory_space<vmem>>[vector<16xi32>, vector<16xi32>, vector<16xi32>, vector<16xi32>], vector<16xf32>,
        %neg3A_1101 = arith.constant 0.000000e+00 : f32
        %neg3A_1102 = vector.broadcast %neg3A_1101 : f32 to vector<16xf32>
        %neg3A_1103 = arith.subf %neg3A_1102, %gather3A_1100 : vector<16xf32>
        %exp3A_1104 = math.exp %neg3A_1103 : vector<16xf32>
        %add3A_1105 = arith.constant 1.000000e+00 : f32
        %add3A_1106 = vector.broadcast %add3A_1105 : f32 to vector<16xf32>
        %add3A_1107 = arith.addf %add3A_1106, %exp3A_1104 : vector<16xf32>
        %div3A_1108 = arith.constant 1.000000e+00 : f32
        %div3A_1109 = vector.broadcast %div3A_1108 : f32 to vector<16xf32>
        %div3A_1110 = arith.divf %div3A_1109, %add3A_1107 : vector<16xf32>
        %mul3A_1111 = arith.mulf %div3A_1110, %gather3A_1099 : vector<16xf32>
        %add3A_1112 = arith.addf %scan3A_1016, %mul3A_1111 : vector<16xf32>
        %add3A_1113 = arith.constant 2 : i32
        %add3A_1114 = arith.addi %mul3A_1020, %add3A_1113 : i32
        %jit3A_1115 = arith.constant 8 : i32
        %div3A_1116 = arith.divsi %add3A_1114, %jit3A_1115 : i32
        %sign3A_1117 = arith.constant 0 : i32
        %sign3A_1118 = arith.cmpi sgt, %add3A_1114, %sign3A_1117 : i32
        %sign3A_1119 = arith.extui %sign3A_1118 : i1 to i32
        %sign3A_1120 = arith.constant 0 : i32
        %sign3A_1121 = arith.cmpi slt, %add3A_1114, %sign3A_1120 : i32
        %sign3A_1122 = arith.extui %sign3A_1121 : i1 to i32
        %sign3A_1123 = arith.subi %sign3A_1119, %sign3A_1122 : i32
        %sign3A_1124 = arith.constant 0 : i32
        %sign3A_1125 = arith.cmpi sgt, %jit3A_1115, %sign3A_1124 : i32
        %sign3A_1126 = arith.extui %sign3A_1125 : i1 to i32
        %sign3A_1127 = arith.constant 0 : i32
        %sign3A_1128 = arith.cmpi slt, %jit3A_1115, %sign3A_1127 : i32
        %sign3A_1129 = arith.extui %sign3A_1128 : i1 to i32
        %sign3A_1130 = arith.subi %sign3A_1126, %sign3A_1129 : i32
        %ne3A_1131 = arith.cmpi ne, %sign3A_1123, %sign3A_1130 : i32
        %rem3A_1132 = arith.remsi %add3A_1114, %jit3A_1115 : i32
        %ne3A_1133 = arith.constant 0 : i32
        %ne3A_1134 = arith.cmpi ne, %rem3A_1132, %ne3A_1133 : i32
        %and3A_1135 = arith.andi %ne3A_1131, %ne3A_1134 : i1
        %sub3A_1136 = arith.constant 1 : i32
        %sub3A_1137 = arith.subi %div3A_1116, %sub3A_1136 : i32
        %select_n3A_1138 = arith.select %and3A_1135, %sub3A_1137, %div3A_1116 : i32
        %add3A_1139 = vector.broadcast %select_n3A_1138 : i32 to vector<16xi32>
        %add3A_1140 = arith.addi %broadcast_in_dim3A_986, %add3A_1139 : vector<16xi32>
        %rem3A_1141 = arith.constant 8 : i32
        %rem3A_1142 = arith.remsi %add3A_1114, %rem3A_1141 : i32
        %add3A_1143 = vector.broadcast %rem3A_1142 : i32 to vector<16xi32>
        %add3A_1144 = arith.addi %broadcast_in_dim3A_986, %add3A_1143 : vector<16xi32>
        %gather3A_1145 = tpu.vector_load_idx %arg11[%select_n3A_923, %add3A_1140, %add3A_1144, %add3A_952] : memref<2x4x8x128xf32, #tpu.memory_space<vmem>>[vector<16xi32>, vector<16xi32>, vector<16xi32>, vector<16xi32>], vector<16xf32>,
        %gather3A_1146 = tpu.vector_load_idx %arg13[%select_n3A_923, %add3A_1140, %add3A_1144, %add3A_981] : memref<2x4x8x128xf32, #tpu.memory_space<vmem>>[vector<16xi32>, vector<16xi32>, vector<16xi32>, vector<16xi32>], vector<16xf32>,
        %neg3A_1147 = arith.constant 0.000000e+00 : f32
        %neg3A_1148 = vector.broadcast %neg3A_1147 : f32 to vector<16xf32>
        %neg3A_1149 = arith.subf %neg3A_1148, %gather3A_1146 : vector<16xf32>
        %exp3A_1150 = math.exp %neg3A_1149 : vector<16xf32>
        %add3A_1151 = arith.constant 1.000000e+00 : f32
        %add3A_1152 = vector.broadcast %add3A_1151 : f32 to vector<16xf32>
        %add3A_1153 = arith.addf %add3A_1152, %exp3A_1150 : vector<16xf32>
        %div3A_1154 = arith.constant 1.000000e+00 : f32
        %div3A_1155 = vector.broadcast %div3A_1154 : f32 to vector<16xf32>
        %div3A_1156 = arith.divf %div3A_1155, %add3A_1153 : vector<16xf32>
        %mul3A_1157 = arith.mulf %div3A_1156, %gather3A_1145 : vector<16xf32>
        %add3A_1158 = arith.addf %scan3A_1017, %mul3A_1157 : vector<16xf32>
        %add3A_1159 = arith.constant 3 : i32
        %add3A_1160 = arith.addi %mul3A_1020, %add3A_1159 : i32
        %jit3A_1161 = arith.constant 8 : i32
        %div3A_1162 = arith.divsi %add3A_1160, %jit3A_1161 : i32
        %sign3A_1163 = arith.constant 0 : i32
        %sign3A_1164 = arith.cmpi sgt, %add3A_1160, %sign3A_1163 : i32
        %sign3A_1165 = arith.extui %sign3A_1164 : i1 to i32
        %sign3A_1166 = arith.constant 0 : i32
        %sign3A_1167 = arith.cmpi slt, %add3A_1160, %sign3A_1166 : i32
        %sign3A_1168 = arith.extui %sign3A_1167 : i1 to i32
        %sign3A_1169 = arith.subi %sign3A_1165, %sign3A_1168 : i32
        %sign3A_1170 = arith.constant 0 : i32
        %sign3A_1171 = arith.cmpi sgt, %jit3A_1161, %sign3A_1170 : i32
        %sign3A_1172 = arith.extui %sign3A_1171 : i1 to i32
        %sign3A_1173 = arith.constant 0 : i32
        %sign3A_1174 = arith.cmpi slt, %jit3A_1161, %sign3A_1173 : i32
        %sign3A_1175 = arith.extui %sign3A_1174 : i1 to i32
        %sign3A_1176 = arith.subi %sign3A_1172, %sign3A_1175 : i32
        %ne3A_1177 = arith.cmpi ne, %sign3A_1169, %sign3A_1176 : i32
        %rem3A_1178 = arith.remsi %add3A_1160, %jit3A_1161 : i32
        %ne3A_1179 = arith.constant 0 : i32
        %ne3A_1180 = arith.cmpi ne, %rem3A_1178, %ne3A_1179 : i32
        %and3A_1181 = arith.andi %ne3A_1177, %ne3A_1180 : i1
        %sub3A_1182 = arith.constant 1 : i32
        %sub3A_1183 = arith.subi %div3A_1162, %sub3A_1182 : i32
        %select_n3A_1184 = arith.select %and3A_1181, %sub3A_1183, %div3A_1162 : i32
        %add3A_1185 = vector.broadcast %select_n3A_1184 : i32 to vector<16xi32>
        %add3A_1186 = arith.addi %broadcast_in_dim3A_986, %add3A_1185 : vector<16xi32>
        %rem3A_1187 = arith.constant 8 : i32
        %rem3A_1188 = arith.remsi %add3A_1160, %rem3A_1187 : i32
        %add3A_1189 = vector.broadcast %rem3A_1188 : i32 to vector<16xi32>
        %add3A_1190 = arith.addi %broadcast_in_dim3A_986, %add3A_1189 : vector<16xi32>
        %gather3A_1191 = tpu.vector_load_idx %arg11[%select_n3A_923, %add3A_1186, %add3A_1190, %add3A_952] : memref<2x4x8x128xf32, #tpu.memory_space<vmem>>[vector<16xi32>, vector<16xi32>, vector<16xi32>, vector<16xi32>], vector<16xf32>,
        %gather3A_1192 = tpu.vector_load_idx %arg13[%select_n3A_923, %add3A_1186, %add3A_1190, %add3A_981] : memref<2x4x8x128xf32, #tpu.memory_space<vmem>>[vector<16xi32>, vector<16xi32>, vector<16xi32>, vector<16xi32>], vector<16xf32>,
        %neg3A_1193 = arith.constant 0.000000e+00 : f32
        %neg3A_1194 = vector.broadcast %neg3A_1193 : f32 to vector<16xf32>
        %neg3A_1195 = arith.subf %neg3A_1194, %gather3A_1192 : vector<16xf32>
        %exp3A_1196 = math.exp %neg3A_1195 : vector<16xf32>
        %add3A_1197 = arith.constant 1.000000e+00 : f32
        %add3A_1198 = vector.broadcast %add3A_1197 : f32 to vector<16xf32>
        %add3A_1199 = arith.addf %add3A_1198, %exp3A_1196 : vector<16xf32>
        %div3A_1200 = arith.constant 1.000000e+00 : f32
        %div3A_1201 = vector.broadcast %div3A_1200 : f32 to vector<16xf32>
        %div3A_1202 = arith.divf %div3A_1201, %add3A_1199 : vector<16xf32>
        %mul3A_1203 = arith.mulf %div3A_1202, %gather3A_1191 : vector<16xf32>
        %add3A_1204 = arith.addf %scan3A_1018, %mul3A_1203 : vector<16xf32>
        scf.yield %add3A_1066, %add3A_1112, %add3A_1158, %add3A_1204 : vector<16xf32>, vector<16xf32>, vector<16xf32>, vector<16xf32>
      }
      %scan3A_994 = arith.constant 8 : i32
      %add3A_995 = arith.addf %scan3A_993#0, %scan3A_993#1 : vector<16xf32>
      %add3A_996 = arith.addf %scan3A_993#2, %scan3A_993#3 : vector<16xf32>
      %add3A_997 = arith.addf %add3A_995, %add3A_996 : vector<16xf32>
      %gather3A_998 = tpu.vector_load_idx %arg15[%iota3A, %rem3A_984] : memref<16x128xf32, #tpu.memory_space<vmem>>[vector<16xi32>, vector<16xi32>], vector<16xf32>,
      %sub3A_999 = arith.subf %add3A_997, %gather3A_998 : vector<16xf32>
      %neg3A_1000 = arith.constant 0.000000e+00 : f32
      %neg3A_1001 = vector.broadcast %neg3A_1000 : f32 to vector<16xf32>
      %neg3A_1002 = arith.subf %neg3A_1001, %sub3A_999 : vector<16xf32>
      %exp3A_1003 = math.exp %neg3A_1002 : vector<16xf32>
      %add3A_1004 = arith.constant 1.000000e+00 : f32
      %add3A_1005 = vector.broadcast %add3A_1004 : f32 to vector<16xf32>
      %add3A_1006 = arith.addf %add3A_1005, %exp3A_1003 : vector<16xf32>
      %div3A_1007 = arith.constant 1.000000e+00 : f32
      %div3A_1008 = vector.broadcast %div3A_1007 : f32 to vector<16xf32>
      %div3A_1009 = arith.divf %div3A_1008, %add3A_1006 : vector<16xf32>
      %mul3A_1010 = arith.constant 16 : i32
      %mul3A_1011 = arith.muli %add3A_884, %mul3A_1010 : i32
      %swap3A_1012 = arith.index_cast %mul3A_1011 : i32 to index
      %swap3A_1013 = tpu.vector_load %arg16[%swap3A_1012] {strides = array<i32>} : memref<512xf32, #tpu.memory_space<vmem>>, vector<16xf32>,
      tpu.vector_store %arg16[%swap3A_1012], %div3A_1009 {strides = array<i32>} : memref<512xf32, #tpu.memory_space<vmem>>, vector<16xf32>,
    }
    %scan3A_39 = arith.constant 15 : i32
    %get3A_40 = arith.constant 496 : index
    %get3A_41 = tpu.vector_load %arg8[%get3A_40] {strides = array<i32>} : memref<512xi32, #tpu.memory_space<vmem>>, vector<16xi32>,
    %get3A_42 = arith.constant 496 : index
    %get3A_43 = tpu.vector_load %arg9[%get3A_42] {strides = array<i32>} : memref<512xi32, #tpu.memory_space<vmem>>, vector<16xi32>,
    %jit3A_44 = arith.constant 128 : i32
    %div3A_45 = vector.broadcast %jit3A_44 : i32 to vector<16xi32>
    %div3A_46 = arith.divsi %get3A_43, %div3A_45 : vector<16xi32>
    %sign3A_47 = arith.constant 0 : i32
    %sign3A_48 = vector.broadcast %sign3A_47 : i32 to vector<16xi32>
    %sign3A_49 = arith.cmpi sgt, %get3A_43, %sign3A_48 : vector<16xi32>
    %sign3A_50 = arith.extui %sign3A_49 : vector<16xi1> to vector<16xi32>
    %sign3A_51 = arith.constant 0 : i32
    %sign3A_52 = vector.broadcast %sign3A_51 : i32 to vector<16xi32>
    %sign3A_53 = arith.cmpi slt, %get3A_43, %sign3A_52 : vector<16xi32>
    %sign3A_54 = arith.extui %sign3A_53 : vector<16xi1> to vector<16xi32>
    %sign3A_55 = arith.subi %sign3A_50, %sign3A_54 : vector<16xi32>
    %sign3A_56 = arith.constant 0 : i32
    %sign3A_57 = arith.cmpi sgt, %jit3A_44, %sign3A_56 : i32
    %sign3A_58 = arith.extui %sign3A_57 : i1 to i32
    %sign3A_59 = arith.constant 0 : i32
    %sign3A_60 = arith.cmpi slt, %jit3A_44, %sign3A_59 : i32
    %sign3A_61 = arith.extui %sign3A_60 : i1 to i32
    %sign3A_62 = arith.subi %sign3A_58, %sign3A_61 : i32
    %ne3A_63 = vector.broadcast %sign3A_62 : i32 to vector<16xi32>
    %ne3A_64 = arith.cmpi ne, %sign3A_55, %ne3A_63 : vector<16xi32>
    %rem3A_65 = vector.broadcast %jit3A_44 : i32 to vector<16xi32>
    %rem3A_66 = arith.remsi %get3A_43, %rem3A_65 : vector<16xi32>
    %ne3A_67 = arith.constant 0 : i32
    %ne3A_68 = vector.broadcast %ne3A_67 : i32 to vector<16xi32>
    %ne3A_69 = arith.cmpi ne, %rem3A_66, %ne3A_68 : vector<16xi32>
    %and3A_70 = arith.andi %ne3A_64, %ne3A_69 : vector<16xi1>
    %sub3A_71 = arith.constant 1 : i32
    %sub3A_72 = vector.broadcast %sub3A_71 : i32 to vector<16xi32>
    %sub3A_73 = arith.subi %div3A_46, %sub3A_72 : vector<16xi32>
    %select_n3A_74 = arith.select %and3A_70, %sub3A_73, %div3A_46 : vector<16xi1>, vector<16xi32>
    %dma_start3A_75 = arith.constant 0 : i32
    %dma_start3A_76 = arith.constant 0 : i32
    %dma_start3A_77 = tpu.memref_slice %arg6[%dma_start3A_75, %dma_start3A_76] : memref<782x128xf32, #tpu.memory_space<hbm>> -> memref<782x128xf32, #tpu.memory_space<hbm>>
    tpu.enqueue_indirect_dma source(%dma_start3A_77 : memref<782x128xf32, #tpu.memory_space<hbm>>) target(%arg15 : memref<16x128xf32, #tpu.memory_space<vmem>>) offsets(%select_n3A_74 : vector<16xi32>) semaphore(%arg18 : memref<!tpu.dma_semaphore, #tpu.memory_space<semaphore_mem>>)
    %scan3A_78 = arith.constant 0 : i32
    %scan3A_79 = arith.constant 16 : i32
    %scan3A_80 = arith.addi %scan3A_78, %scan3A_79 : i32
    %scan3A_81 = arith.constant 1 : i32
    scf.for %scan3A_485 = %scan3A_78 to %scan3A_80 step %scan3A_81  : i32 {
      %mul3A_486 = arith.constant 1 : i32
      %mul3A_487 = arith.muli %scan3A_485, %mul3A_486 : i32
      %add3A_488 = arith.constant 0 : i32
      %add3A_489 = arith.addi %add3A_488, %mul3A_487 : i32
      %eq3A_490 = vector.broadcast %add3A_489 : i32 to vector<16xi32>
      %eq3A_491 = arith.cmpi eq, %iota3A, %eq3A_490 : vector<16xi32>
      %jit3A_492 = arith.constant 0 : i32
      %broadcast_in_dim3A_493 = vector.broadcast %jit3A_492 : i32 to vector<16xi32>
      %select_n3A_494 = arith.select %eq3A_491, %get3A_41, %broadcast_in_dim3A_493 : vector<16xi1>, vector<16xi32>
      %reduce_sum3A = arith.constant true
      %reduce_sum3A_495 = vector.broadcast %reduce_sum3A : i1 to vector<16xi1>
      %reduce_sum3A_496 = tpu.scan <sum>, %select_n3A_494 masked %reduce_sum3A_495 : vector<16xi32>, vector<16xi1> -> vector<16xi32>
      %reduce_sum3A_497 = vector.extract %reduce_sum3A_496[15] : i32 from vector<16xi32>
      %jit3A_498 = arith.constant 0 : i32
      %broadcast_in_dim3A_499 = vector.broadcast %jit3A_498 : i32 to vector<16xi32>
      %select_n3A_500 = arith.select %eq3A_491, %get3A_43, %broadcast_in_dim3A_499 : vector<16xi1>, vector<16xi32>
      %reduce_sum3A_501 = arith.constant true
      %reduce_sum3A_502 = vector.broadcast %reduce_sum3A_501 : i1 to vector<16xi1>
      %reduce_sum3A_503 = tpu.scan <sum>, %select_n3A_500 masked %reduce_sum3A_502 : vector<16xi32>, vector<16xi1> -> vector<16xi32>
      %reduce_sum3A_504 = vector.extract %reduce_sum3A_503[15] : i32 from vector<16xi32>
      %jit3A_505 = arith.constant 16 : i32
      %div3A_506 = arith.divsi %reduce_sum3A_497, %jit3A_505 : i32
      %sign3A_507 = arith.constant 0 : i32
      %sign3A_508 = arith.cmpi sgt, %reduce_sum3A_497, %sign3A_507 : i32
      %sign3A_509 = arith.extui %sign3A_508 : i1 to i32
      %sign3A_510 = arith.constant 0 : i32
      %sign3A_511 = arith.cmpi slt, %reduce_sum3A_497, %sign3A_510 : i32
      %sign3A_512 = arith.extui %sign3A_511 : i1 to i32
      %sign3A_513 = arith.subi %sign3A_509, %sign3A_512 : i32
      %sign3A_514 = arith.constant 0 : i32
      %sign3A_515 = arith.cmpi sgt, %jit3A_505, %sign3A_514 : i32
      %sign3A_516 = arith.extui %sign3A_515 : i1 to i32
      %sign3A_517 = arith.constant 0 : i32
      %sign3A_518 = arith.cmpi slt, %jit3A_505, %sign3A_517 : i32
      %sign3A_519 = arith.extui %sign3A_518 : i1 to i32
      %sign3A_520 = arith.subi %sign3A_516, %sign3A_519 : i32
      %ne3A_521 = arith.cmpi ne, %sign3A_513, %sign3A_520 : i32
      %rem3A_522 = arith.remsi %reduce_sum3A_497, %jit3A_505 : i32
      %ne3A_523 = arith.constant 0 : i32
      %ne3A_524 = arith.cmpi ne, %rem3A_522, %ne3A_523 : i32
      %and3A_525 = arith.andi %ne3A_521, %ne3A_524 : i1
      %sub3A_526 = arith.constant 1 : i32
      %sub3A_527 = arith.subi %div3A_506, %sub3A_526 : i32
      %select_n3A_528 = arith.select %and3A_525, %sub3A_527, %div3A_506 : i32
      %mul3A_529 = arith.constant 16 : i32
      %mul3A_530 = arith.muli %select_n3A_528, %mul3A_529 : i32
      %jit3A_531 = arith.constant 16 : i32
      %div3A_532 = arith.divsi %reduce_sum3A_504, %jit3A_531 : i32
      %sign3A_533 = arith.constant 0 : i32
      %sign3A_534 = arith.cmpi sgt, %reduce_sum3A_504, %sign3A_533 : i32
      %sign3A_535 = arith.extui %sign3A_534 : i1 to i32
      %sign3A_536 = arith.constant 0 : i32
      %sign3A_537 = arith.cmpi slt, %reduce_sum3A_504, %sign3A_536 : i32
      %sign3A_538 = arith.extui %sign3A_537 : i1 to i32
      %sign3A_539 = arith.subi %sign3A_535, %sign3A_538 : i32
      %sign3A_540 = arith.constant 0 : i32
      %sign3A_541 = arith.cmpi sgt, %jit3A_531, %sign3A_540 : i32
      %sign3A_542 = arith.extui %sign3A_541 : i1 to i32
      %sign3A_543 = arith.constant 0 : i32
      %sign3A_544 = arith.cmpi slt, %jit3A_531, %sign3A_543 : i32
      %sign3A_545 = arith.extui %sign3A_544 : i1 to i32
      %sign3A_546 = arith.subi %sign3A_542, %sign3A_545 : i32
      %ne3A_547 = arith.cmpi ne, %sign3A_539, %sign3A_546 : i32
      %rem3A_548 = arith.remsi %reduce_sum3A_504, %jit3A_531 : i32
      %ne3A_549 = arith.constant 0 : i32
      %ne3A_550 = arith.cmpi ne, %rem3A_548, %ne3A_549 : i32
      %and3A_551 = arith.andi %ne3A_547, %ne3A_550 : i1
      %sub3A_552 = arith.constant 1 : i32
      %sub3A_553 = arith.subi %div3A_532, %sub3A_552 : i32
      %select_n3A_554 = arith.select %and3A_551, %sub3A_553, %div3A_532 : i32
      %mul3A_555 = arith.constant 16 : i32
      %mul3A_556 = arith.muli %select_n3A_554, %mul3A_555 : i32
      %jit3A_557 = arith.constant 8 : i32
      %div3A_558 = arith.divsi %add3A_489, %jit3A_557 : i32
      %sign3A_559 = arith.constant 0 : i32
      %sign3A_560 = arith.cmpi sgt, %add3A_489, %sign3A_559 : i32
      %sign3A_561 = arith.extui %sign3A_560 : i1 to i32
      %sign3A_562 = arith.constant 0 : i32
      %sign3A_563 = arith.cmpi slt, %add3A_489, %sign3A_562 : i32
      %sign3A_564 = arith.extui %sign3A_563 : i1 to i32
      %sign3A_565 = arith.subi %sign3A_561, %sign3A_564 : i32
      %sign3A_566 = arith.constant 0 : i32
      %sign3A_567 = arith.cmpi sgt, %jit3A_557, %sign3A_566 : i32
      %sign3A_568 = arith.extui %sign3A_567 : i1 to i32
      %sign3A_569 = arith.constant 0 : i32
      %sign3A_570 = arith.cmpi slt, %jit3A_557, %sign3A_569 : i32
      %sign3A_571 = arith.extui %sign3A_570 : i1 to i32
      %sign3A_572 = arith.subi %sign3A_568, %sign3A_571 : i32
      %ne3A_573 = arith.cmpi ne, %sign3A_565, %sign3A_572 : i32
      %rem3A_574 = arith.remsi %add3A_489, %jit3A_557 : i32
      %ne3A_575 = arith.constant 0 : i32
      %ne3A_576 = arith.cmpi ne, %rem3A_574, %ne3A_575 : i32
      %and3A_577 = arith.andi %ne3A_573, %ne3A_576 : i1
      %sub3A_578 = arith.constant 1 : i32
      %sub3A_579 = arith.subi %div3A_558, %sub3A_578 : i32
      %select_n3A_580 = arith.select %and3A_577, %sub3A_579, %div3A_558 : i32
      %jit3A_581 = arith.constant 8 : i32
      %eq3A_582 = arith.constant 0 : i32
      %eq3A_583 = arith.cmpi eq, %jit3A_581, %eq3A_582 : i32
      %jit3A_584 = arith.constant 1 : i32
      %select_n3A_585 = arith.select %eq3A_583, %jit3A_584, %jit3A_581 : i32
      %rem3A_586 = arith.remsi %add3A_489, %select_n3A_585 : i32
      %ne3A_587 = arith.constant 0 : i32
      %ne3A_588 = arith.cmpi ne, %rem3A_586, %ne3A_587 : i32
      %lt3A_589 = arith.constant 0 : i32
      %lt3A_590 = arith.cmpi slt, %rem3A_586, %lt3A_589 : i32
      %lt3A_591 = arith.constant 0 : i32
      %lt3A_592 = arith.cmpi slt, %select_n3A_585, %lt3A_591 : i32
      %ne3A_593 = arith.xori %lt3A_590, %lt3A_592 : i1
      %and3A_594 = arith.andi %ne3A_593, %ne3A_588 : i1
      %add3A_595 = arith.addi %rem3A_586, %select_n3A_585 : i32
      %select_n3A_596 = arith.select %and3A_594, %add3A_595, %rem3A_586 : i32
      %mul3A_597 = arith.constant 16 : i32
      %mul3A_598 = arith.muli %select_n3A_596, %mul3A_597 : i32
      %dma_start3A_599 = arith.constant 0 : i32
      %dma_start3A_600 = arith.constant 0 : i32
      %dma_start3A_601 = tpu.memref_slice %arg11[%select_n3A_580, %dma_start3A_599, %dma_start3A_600, %mul3A_598] : memref<2x4x8x128xf32, #tpu.memory_space<vmem>> -> memref<1x4x8x16xf32, #tpu.memory_space<vmem>>
      %dma_start3A_602 = tpu.memref_squeeze %dma_start3A_601 : memref<1x4x8x16xf32, #tpu.memory_space<vmem>> -> memref<4x8x16xf32, #tpu.memory_space<vmem>>
      %dma_start3A_603 = arith.constant 0 : i32
      %dma_start3A_604 = arith.constant 0 : i32
      %dma_start3A_605 = tpu.memref_slice %arg4[%dma_start3A_603, %dma_start3A_604, %mul3A_530] : memref<4x8x1000000xf32, #tpu.memory_space<hbm>> -> memref<4x8x16xf32, #tpu.memory_space<hbm>>
      %dma_start3A_606 = arith.constant 0 : i32
      %dma_start3A_607 = arith.constant 0 : i32
      %dma_start3A_608 = tpu.memref_slice %arg11[%select_n3A_580, %dma_start3A_606, %dma_start3A_607, %mul3A_598] : memref<2x4x8x128xf32, #tpu.memory_space<vmem>> -> memref<1x4x8x16xf32, #tpu.memory_space<vmem>>
      %dma_start3A_609 = tpu.memref_squeeze %dma_start3A_608 : memref<1x4x8x16xf32, #tpu.memory_space<vmem>> -> memref<4x8x16xf32, #tpu.memory_space<vmem>>
      %dma_start3A_610 = arith.constant 0 : i32
      %dma_start3A_611 = arith.constant 0 : i32
      %dma_start3A_612 = tpu.memref_slice %arg4[%dma_start3A_610, %dma_start3A_611, %mul3A_530] : memref<4x8x1000000xf32, #tpu.memory_space<hbm>> -> memref<4x8x16xf32, #tpu.memory_space<hbm>>
      tpu.enqueue_dma source(%dma_start3A_612 : memref<4x8x16xf32, #tpu.memory_space<hbm>>) target(%dma_start3A_609 : memref<4x8x16xf32, #tpu.memory_space<vmem>>) target_semaphore(%arg18 : memref<!tpu.dma_semaphore, #tpu.memory_space<semaphore_mem>>)
      %dma_start3A_613 = arith.constant 0 : i32
      %dma_start3A_614 = arith.constant 0 : i32
      %dma_start3A_615 = tpu.memref_slice %arg13[%select_n3A_580, %dma_start3A_613, %dma_start3A_614, %mul3A_598] : memref<2x4x8x128xf32, #tpu.memory_space<vmem>> -> memref<1x4x8x16xf32, #tpu.memory_space<vmem>>
      %dma_start3A_616 = tpu.memref_squeeze %dma_start3A_615 : memref<1x4x8x16xf32, #tpu.memory_space<vmem>> -> memref<4x8x16xf32, #tpu.memory_space<vmem>>
      %dma_start3A_617 = arith.constant 0 : i32
      %dma_start3A_618 = arith.constant 0 : i32
      %dma_start3A_619 = tpu.memref_slice %arg5[%dma_start3A_617, %dma_start3A_618, %mul3A_556] : memref<4x8x100000xf32, #tpu.memory_space<hbm>> -> memref<4x8x16xf32, #tpu.memory_space<hbm>>
      %dma_start3A_620 = arith.constant 0 : i32
      %dma_start3A_621 = arith.constant 0 : i32
      %dma_start3A_622 = tpu.memref_slice %arg13[%select_n3A_580, %dma_start3A_620, %dma_start3A_621, %mul3A_598] : memref<2x4x8x128xf32, #tpu.memory_space<vmem>> -> memref<1x4x8x16xf32, #tpu.memory_space<vmem>>
      %dma_start3A_623 = tpu.memref_squeeze %dma_start3A_622 : memref<1x4x8x16xf32, #tpu.memory_space<vmem>> -> memref<4x8x16xf32, #tpu.memory_space<vmem>>
      %dma_start3A_624 = arith.constant 0 : i32
      %dma_start3A_625 = arith.constant 0 : i32
      %dma_start3A_626 = tpu.memref_slice %arg5[%dma_start3A_624, %dma_start3A_625, %mul3A_556] : memref<4x8x100000xf32, #tpu.memory_space<hbm>> -> memref<4x8x16xf32, #tpu.memory_space<hbm>>
      tpu.enqueue_dma source(%dma_start3A_626 : memref<4x8x16xf32, #tpu.memory_space<hbm>>) target(%dma_start3A_623 : memref<4x8x16xf32, #tpu.memory_space<vmem>>) target_semaphore(%arg18 : memref<!tpu.dma_semaphore, #tpu.memory_space<semaphore_mem>>)
    }
    %scan3A_82 = arith.constant 16 : i32
    %dma_wait3A = arith.constant 0 : i32
    %dma_wait3A_83 = arith.constant 0 : i32
    %dma_wait3A_84 = arith.constant 0 : i32
    %dma_wait3A_85 = arith.constant 0 : i32
    %dma_wait3A_86 = tpu.memref_slice %arg10[%dma_wait3A, %dma_wait3A_83, %dma_wait3A_84, %dma_wait3A_85] : memref<2x4x8x128xf32, #tpu.memory_space<vmem>> -> memref<1x4x8x128xf32, #tpu.memory_space<vmem>>
    %dma_wait3A_87 = tpu.memref_squeeze %dma_wait3A_86 : memref<1x4x8x128xf32, #tpu.memory_space<vmem>> -> memref<4x8x128xf32, #tpu.memory_space<vmem>>
    %dma_wait3A_88 = arith.constant 0 : i32
    %dma_wait3A_89 = arith.constant 0 : i32
    %dma_wait3A_90 = arith.constant 0 : i32
    %dma_wait3A_91 = tpu.memref_slice %arg4[%dma_wait3A_88, %dma_wait3A_89, %dma_wait3A_90] : memref<4x8x1000000xf32, #tpu.memory_space<hbm>> -> memref<4x8x128xf32, #tpu.memory_space<hbm>>
    %dma_wait3A_92 = arith.constant 0 : i32
    %dma_wait3A_93 = arith.constant 0 : i32
    %dma_wait3A_94 = arith.constant 0 : i32
    %dma_wait3A_95 = tpu.memref_slice %arg10[%dma_wait3A, %dma_wait3A_92, %dma_wait3A_93, %dma_wait3A_94] : memref<2x4x8x128xf32, #tpu.memory_space<vmem>> -> memref<1x4x8x128xf32, #tpu.memory_space<vmem>>
    %dma_wait3A_96 = tpu.memref_squeeze %dma_wait3A_95 : memref<1x4x8x128xf32, #tpu.memory_space<vmem>> -> memref<4x8x128xf32, #tpu.memory_space<vmem>>
    %dma_wait3A_97 = arith.constant 0 : i32
    %dma_wait3A_98 = arith.constant 0 : i32
    %dma_wait3A_99 = arith.constant 0 : i32
    %dma_wait3A_100 = tpu.memref_slice %arg4[%dma_wait3A_97, %dma_wait3A_98, %dma_wait3A_99] : memref<4x8x1000000xf32, #tpu.memory_space<hbm>> -> memref<4x8x128xf32, #tpu.memory_space<hbm>>
    tpu.wait_dma2 semaphore(%arg17 : memref<!tpu.dma_semaphore, #tpu.memory_space<semaphore_mem>>) src(%dma_wait3A_100 : memref<4x8x128xf32, #tpu.memory_space<hbm>>) dst(%dma_wait3A_96 : memref<4x8x128xf32, #tpu.memory_space<vmem>>)
    %dma_wait3A_101 = arith.constant 1 : i32
    %dma_wait3A_102 = arith.constant 0 : i32
    %dma_wait3A_103 = arith.constant 0 : i32
    %dma_wait3A_104 = arith.constant 0 : i32
    %dma_wait3A_105 = tpu.memref_slice %arg10[%dma_wait3A_101, %dma_wait3A_102, %dma_wait3A_103, %dma_wait3A_104] : memref<2x4x8x128xf32, #tpu.memory_space<vmem>> -> memref<1x4x8x128xf32, #tpu.memory_space<vmem>>
    %dma_wait3A_106 = tpu.memref_squeeze %dma_wait3A_105 : memref<1x4x8x128xf32, #tpu.memory_space<vmem>> -> memref<4x8x128xf32, #tpu.memory_space<vmem>>
    %dma_wait3A_107 = arith.constant 0 : i32
    %dma_wait3A_108 = arith.constant 0 : i32
    %dma_wait3A_109 = arith.constant 0 : i32
    %dma_wait3A_110 = tpu.memref_slice %arg4[%dma_wait3A_107, %dma_wait3A_108, %dma_wait3A_109] : memref<4x8x1000000xf32, #tpu.memory_space<hbm>> -> memref<4x8x128xf32, #tpu.memory_space<hbm>>
    %dma_wait3A_111 = arith.constant 0 : i32
    %dma_wait3A_112 = arith.constant 0 : i32
    %dma_wait3A_113 = arith.constant 0 : i32
    %dma_wait3A_114 = tpu.memref_slice %arg10[%dma_wait3A_101, %dma_wait3A_111, %dma_wait3A_112, %dma_wait3A_113] : memref<2x4x8x128xf32, #tpu.memory_space<vmem>> -> memref<1x4x8x128xf32, #tpu.memory_space<vmem>>
    %dma_wait3A_115 = tpu.memref_squeeze %dma_wait3A_114 : memref<1x4x8x128xf32, #tpu.memory_space<vmem>> -> memref<4x8x128xf32, #tpu.memory_space<vmem>>
    %dma_wait3A_116 = arith.constant 0 : i32
    %dma_wait3A_117 = arith.constant 0 : i32
    %dma_wait3A_118 = arith.constant 0 : i32
    %dma_wait3A_119 = tpu.memref_slice %arg4[%dma_wait3A_116, %dma_wait3A_117, %dma_wait3A_118] : memref<4x8x1000000xf32, #tpu.memory_space<hbm>> -> memref<4x8x128xf32, #tpu.memory_space<hbm>>
    tpu.wait_dma2 semaphore(%arg17 : memref<!tpu.dma_semaphore, #tpu.memory_space<semaphore_mem>>) src(%dma_wait3A_119 : memref<4x8x128xf32, #tpu.memory_space<hbm>>) dst(%dma_wait3A_115 : memref<4x8x128xf32, #tpu.memory_space<vmem>>)
    %dma_wait3A_120 = arith.constant 0 : i32
    %dma_wait3A_121 = arith.constant 0 : i32
    %dma_wait3A_122 = arith.constant 0 : i32
    %dma_wait3A_123 = arith.constant 0 : i32
    %dma_wait3A_124 = tpu.memref_slice %arg12[%dma_wait3A_120, %dma_wait3A_121, %dma_wait3A_122, %dma_wait3A_123] : memref<2x4x8x128xf32, #tpu.memory_space<vmem>> -> memref<1x4x8x128xf32, #tpu.memory_space<vmem>>
    %dma_wait3A_125 = tpu.memref_squeeze %dma_wait3A_124 : memref<1x4x8x128xf32, #tpu.memory_space<vmem>> -> memref<4x8x128xf32, #tpu.memory_space<vmem>>
    %dma_wait3A_126 = arith.constant 0 : i32
    %dma_wait3A_127 = arith.constant 0 : i32
    %dma_wait3A_128 = arith.constant 0 : i32
    %dma_wait3A_129 = tpu.memref_slice %arg4[%dma_wait3A_126, %dma_wait3A_127, %dma_wait3A_128] : memref<4x8x1000000xf32, #tpu.memory_space<hbm>> -> memref<4x8x128xf32, #tpu.memory_space<hbm>>
    %dma_wait3A_130 = arith.constant 0 : i32
    %dma_wait3A_131 = arith.constant 0 : i32
    %dma_wait3A_132 = arith.constant 0 : i32
    %dma_wait3A_133 = tpu.memref_slice %arg12[%dma_wait3A_120, %dma_wait3A_130, %dma_wait3A_131, %dma_wait3A_132] : memref<2x4x8x128xf32, #tpu.memory_space<vmem>> -> memref<1x4x8x128xf32, #tpu.memory_space<vmem>>
    %dma_wait3A_134 = tpu.memref_squeeze %dma_wait3A_133 : memref<1x4x8x128xf32, #tpu.memory_space<vmem>> -> memref<4x8x128xf32, #tpu.memory_space<vmem>>
    %dma_wait3A_135 = arith.constant 0 : i32
    %dma_wait3A_136 = arith.constant 0 : i32
    %dma_wait3A_137 = arith.constant 0 : i32
    %dma_wait3A_138 = tpu.memref_slice %arg4[%dma_wait3A_135, %dma_wait3A_136, %dma_wait3A_137] : memref<4x8x1000000xf32, #tpu.memory_space<hbm>> -> memref<4x8x128xf32, #tpu.memory_space<hbm>>
    tpu.wait_dma2 semaphore(%arg17 : memref<!tpu.dma_semaphore, #tpu.memory_space<semaphore_mem>>) src(%dma_wait3A_138 : memref<4x8x128xf32, #tpu.memory_space<hbm>>) dst(%dma_wait3A_134 : memref<4x8x128xf32, #tpu.memory_space<vmem>>)
    %dma_wait3A_139 = arith.constant 1 : i32
    %dma_wait3A_140 = arith.constant 0 : i32
    %dma_wait3A_141 = arith.constant 0 : i32
    %dma_wait3A_142 = arith.constant 0 : i32
    %dma_wait3A_143 = tpu.memref_slice %arg12[%dma_wait3A_139, %dma_wait3A_140, %dma_wait3A_141, %dma_wait3A_142] : memref<2x4x8x128xf32, #tpu.memory_space<vmem>> -> memref<1x4x8x128xf32, #tpu.memory_space<vmem>>
    %dma_wait3A_144 = tpu.memref_squeeze %dma_wait3A_143 : memref<1x4x8x128xf32, #tpu.memory_space<vmem>> -> memref<4x8x128xf32, #tpu.memory_space<vmem>>
    %dma_wait3A_145 = arith.constant 0 : i32
    %dma_wait3A_146 = arith.constant 0 : i32
    %dma_wait3A_147 = arith.constant 0 : i32
    %dma_wait3A_148 = tpu.memref_slice %arg4[%dma_wait3A_145, %dma_wait3A_146, %dma_wait3A_147] : memref<4x8x1000000xf32, #tpu.memory_space<hbm>> -> memref<4x8x128xf32, #tpu.memory_space<hbm>>
    %dma_wait3A_149 = arith.constant 0 : i32
    %dma_wait3A_150 = arith.constant 0 : i32
    %dma_wait3A_151 = arith.constant 0 : i32
    %dma_wait3A_152 = tpu.memref_slice %arg12[%dma_wait3A_139, %dma_wait3A_149, %dma_wait3A_150, %dma_wait3A_151] : memref<2x4x8x128xf32, #tpu.memory_space<vmem>> -> memref<1x4x8x128xf32, #tpu.memory_space<vmem>>
    %dma_wait3A_153 = tpu.memref_squeeze %dma_wait3A_152 : memref<1x4x8x128xf32, #tpu.memory_space<vmem>> -> memref<4x8x128xf32, #tpu.memory_space<vmem>>
    %dma_wait3A_154 = arith.constant 0 : i32
    %dma_wait3A_155 = arith.constant 0 : i32
    %dma_wait3A_156 = arith.constant 0 : i32
    %dma_wait3A_157 = tpu.memref_slice %arg4[%dma_wait3A_154, %dma_wait3A_155, %dma_wait3A_156] : memref<4x8x1000000xf32, #tpu.memory_space<hbm>> -> memref<4x8x128xf32, #tpu.memory_space<hbm>>
    tpu.wait_dma2 semaphore(%arg17 : memref<!tpu.dma_semaphore, #tpu.memory_space<semaphore_mem>>) src(%dma_wait3A_157 : memref<4x8x128xf32, #tpu.memory_space<hbm>>) dst(%dma_wait3A_153 : memref<4x8x128xf32, #tpu.memory_space<vmem>>)
    %dma_wait3A_158 = arith.constant 0 : i32
    %dma_wait3A_159 = arith.constant 0 : i32
    %dma_wait3A_160 = tpu.memref_slice %arg6[%dma_wait3A_158, %dma_wait3A_159] : memref<782x128xf32, #tpu.memory_space<hbm>> -> memref<16x128xf32, #tpu.memory_space<hbm>>
    %dma_wait3A_161 = arith.constant 0 : i32
    %dma_wait3A_162 = arith.constant 0 : i32
    %dma_wait3A_163 = tpu.memref_slice %arg6[%dma_wait3A_161, %dma_wait3A_162] : memref<782x128xf32, #tpu.memory_space<hbm>> -> memref<16x128xf32, #tpu.memory_space<hbm>>
    tpu.wait_dma2 semaphore(%arg17 : memref<!tpu.dma_semaphore, #tpu.memory_space<semaphore_mem>>) src(%dma_wait3A_163 : memref<16x128xf32, #tpu.memory_space<hbm>>) dst(%arg14 : memref<16x128xf32, #tpu.memory_space<vmem>>)
    %get3A_164 = arith.constant 480 : index
    %get3A_165 = tpu.vector_load %arg8[%get3A_164] {strides = array<i32>} : memref<512xi32, #tpu.memory_space<vmem>>, vector<16xi32>,
    %get3A_166 = arith.constant 480 : index
    %get3A_167 = tpu.vector_load %arg9[%get3A_166] {strides = array<i32>} : memref<512xi32, #tpu.memory_space<vmem>>, vector<16xi32>,
    %jit3A_168 = arith.constant 8 : i32
    %div3A_169 = vector.broadcast %jit3A_168 : i32 to vector<16xi32>
    %div3A_170 = arith.divsi %iota3A, %div3A_169 : vector<16xi32>
    %sign3A_171 = arith.constant 0 : i32
    %sign3A_172 = vector.broadcast %sign3A_171 : i32 to vector<16xi32>
    %sign3A_173 = arith.cmpi sgt, %iota3A, %sign3A_172 : vector<16xi32>
    %sign3A_174 = arith.extui %sign3A_173 : vector<16xi1> to vector<16xi32>
    %sign3A_175 = arith.constant 0 : i32
    %sign3A_176 = vector.broadcast %sign3A_175 : i32 to vector<16xi32>
    %sign3A_177 = arith.cmpi slt, %iota3A, %sign3A_176 : vector<16xi32>
    %sign3A_178 = arith.extui %sign3A_177 : vector<16xi1> to vector<16xi32>
    %sign3A_179 = arith.subi %sign3A_174, %sign3A_178 : vector<16xi32>
    %sign3A_180 = arith.constant 0 : i32
    %sign3A_181 = arith.cmpi sgt, %jit3A_168, %sign3A_180 : i32
    %sign3A_182 = arith.extui %sign3A_181 : i1 to i32
    %sign3A_183 = arith.constant 0 : i32
    %sign3A_184 = arith.cmpi slt, %jit3A_168, %sign3A_183 : i32
    %sign3A_185 = arith.extui %sign3A_184 : i1 to i32
    %sign3A_186 = arith.subi %sign3A_182, %sign3A_185 : i32
    %ne3A_187 = vector.broadcast %sign3A_186 : i32 to vector<16xi32>
    %ne3A_188 = arith.cmpi ne, %sign3A_179, %ne3A_187 : vector<16xi32>
    %rem3A_189 = vector.broadcast %jit3A_168 : i32 to vector<16xi32>
    %rem3A_190 = arith.remsi %iota3A, %rem3A_189 : vector<16xi32>
    %ne3A_191 = arith.constant 0 : i32
    %ne3A_192 = vector.broadcast %ne3A_191 : i32 to vector<16xi32>
    %ne3A_193 = arith.cmpi ne, %rem3A_190, %ne3A_192 : vector<16xi32>
    %and3A_194 = arith.andi %ne3A_188, %ne3A_193 : vector<16xi1>
    %sub3A_195 = arith.constant 1 : i32
    %sub3A_196 = vector.broadcast %sub3A_195 : i32 to vector<16xi32>
    %sub3A_197 = arith.subi %div3A_170, %sub3A_196 : vector<16xi32>
    %select_n3A_198 = arith.select %and3A_194, %sub3A_197, %div3A_170 : vector<16xi1>, vector<16xi32>
    %jit3A_199 = arith.constant 8 : i32
    %eq3A = arith.constant 0 : i32
    %eq3A_200 = arith.cmpi eq, %jit3A_199, %eq3A : i32
    %jit3A_201 = arith.constant 1 : i32
    %select_n3A_202 = arith.select %eq3A_200, %jit3A_201, %jit3A_199 : i32
    %rem3A_203 = vector.broadcast %select_n3A_202 : i32 to vector<16xi32>
    %rem3A_204 = arith.remsi %iota3A, %rem3A_203 : vector<16xi32>
    %ne3A_205 = arith.constant 0 : i32
    %ne3A_206 = vector.broadcast %ne3A_205 : i32 to vector<16xi32>
    %ne3A_207 = arith.cmpi ne, %rem3A_204, %ne3A_206 : vector<16xi32>
    %lt3A = arith.constant 0 : i32
    %lt3A_208 = vector.broadcast %lt3A : i32 to vector<16xi32>
    %lt3A_209 = arith.cmpi slt, %rem3A_204, %lt3A_208 : vector<16xi32>
    %lt3A_210 = arith.constant 0 : i32
    %lt3A_211 = arith.cmpi slt, %select_n3A_202, %lt3A_210 : i32
    %ne3A_212 = vector.broadcast %lt3A_211 : i1 to vector<16xi1>
    %ne3A_213 = vector.broadcast %ne3A_212 : vector<16xi1> to vector<16xi1>
    %ne3A_214 = arith.xori %lt3A_209, %ne3A_213 : vector<16xi1>
    %and3A_215 = arith.andi %ne3A_214, %ne3A_207 : vector<16xi1>
    %add3A_216 = vector.broadcast %select_n3A_202 : i32 to vector<16xi32>
    %add3A_217 = arith.addi %rem3A_204, %add3A_216 : vector<16xi32>
    %select_n3A_218 = arith.select %and3A_215, %add3A_217, %rem3A_204 : vector<16xi1>, vector<16xi32>
    %mul3A_219 = arith.constant 16 : i32
    %mul3A_220 = vector.broadcast %mul3A_219 : i32 to vector<16xi32>
    %mul3A_221 = arith.muli %select_n3A_218, %mul3A_220 : vector<16xi32>
    %rem3A_222 = arith.constant 16 : i32
    %rem3A_223 = vector.broadcast %rem3A_222 : i32 to vector<16xi32>
    %rem3A_224 = arith.remsi %get3A_165, %rem3A_223 : vector<16xi32>
    %add3A_225 = arith.addi %mul3A_221, %rem3A_224 : vector<16xi32>
    %jit3A_226 = arith.constant 8 : i32
    %eq3A_227 = arith.constant 0 : i32
    %eq3A_228 = arith.cmpi eq, %jit3A_226, %eq3A_227 : i32
    %jit3A_229 = arith.constant 1 : i32
    %select_n3A_230 = arith.select %eq3A_228, %jit3A_229, %jit3A_226 : i32
    %rem3A_231 = vector.broadcast %select_n3A_230 : i32 to vector<16xi32>
    %rem3A_232 = arith.remsi %iota3A, %rem3A_231 : vector<16xi32>
    %ne3A_233 = arith.constant 0 : i32
    %ne3A_234 = vector.broadcast %ne3A_233 : i32 to vector<16xi32>
    %ne3A_235 = arith.cmpi ne, %rem3A_232, %ne3A_234 : vector<16xi32>
    %lt3A_236 = arith.constant 0 : i32
    %lt3A_237 = vector.broadcast %lt3A_236 : i32 to vector<16xi32>
    %lt3A_238 = arith.cmpi slt, %rem3A_232, %lt3A_237 : vector<16xi32>
    %lt3A_239 = arith.constant 0 : i32
    %lt3A_240 = arith.cmpi slt, %select_n3A_230, %lt3A_239 : i32
    %ne3A_241 = vector.broadcast %lt3A_240 : i1 to vector<16xi1>
    %ne3A_242 = vector.broadcast %ne3A_241 : vector<16xi1> to vector<16xi1>
    %ne3A_243 = arith.xori %lt3A_238, %ne3A_242 : vector<16xi1>
    %and3A_244 = arith.andi %ne3A_243, %ne3A_235 : vector<16xi1>
    %add3A_245 = vector.broadcast %select_n3A_230 : i32 to vector<16xi32>
    %add3A_246 = arith.addi %rem3A_232, %add3A_245 : vector<16xi32>
    %select_n3A_247 = arith.select %and3A_244, %add3A_246, %rem3A_232 : vector<16xi1>, vector<16xi32>
    %mul3A_248 = arith.constant 16 : i32
    %mul3A_249 = vector.broadcast %mul3A_248 : i32 to vector<16xi32>
    %mul3A_250 = arith.muli %select_n3A_247, %mul3A_249 : vector<16xi32>
    %rem3A_251 = arith.constant 16 : i32
    %rem3A_252 = vector.broadcast %rem3A_251 : i32 to vector<16xi32>
    %rem3A_253 = arith.remsi %get3A_167, %rem3A_252 : vector<16xi32>
    %add3A_254 = arith.addi %mul3A_250, %rem3A_253 : vector<16xi32>
    %rem3A_255 = arith.constant 128 : i32
    %rem3A_256 = vector.broadcast %rem3A_255 : i32 to vector<16xi32>
    %rem3A_257 = arith.remsi %get3A_167, %rem3A_256 : vector<16xi32>
    %broadcast_in_dim3A = arith.constant 0 : i32
    %broadcast_in_dim3A_258 = vector.broadcast %broadcast_in_dim3A : i32 to vector<16xi32>
    %broadcast_in_dim3A_259 = arith.constant 0.000000e+00 : f32
    %broadcast_in_dim3A_260 = vector.broadcast %broadcast_in_dim3A_259 : f32 to vector<16xf32>
    %scan3A_261 = arith.constant 0 : i32
    %scan3A_262 = arith.constant 8 : i32
    %scan3A_263 = arith.addi %scan3A_261, %scan3A_262 : i32
    %scan3A_264 = arith.constant 1 : i32
    %scan3A_265:4 = scf.for %scan3A_485 = %scan3A_261 to %scan3A_263 step %scan3A_264 iter_args(%scan3A_486 = %broadcast_in_dim3A_260, %scan3A_487 = %broadcast_in_dim3A_260, %scan3A_488 = %broadcast_in_dim3A_260, %scan3A_489 = %broadcast_in_dim3A_260) -> (vector<16xf32>, vector<16xf32>, vector<16xf32>, vector<16xf32>)  : i32 {
      %mul3A_490 = arith.constant 4 : i32
      %mul3A_491 = arith.muli %scan3A_485, %mul3A_490 : i32
      %add3A_492 = arith.constant 0 : i32
      %add3A_493 = arith.addi %mul3A_491, %add3A_492 : i32
      %jit3A_494 = arith.constant 8 : i32
      %div3A_495 = arith.divsi %add3A_493, %jit3A_494 : i32
      %sign3A_496 = arith.constant 0 : i32
      %sign3A_497 = arith.cmpi sgt, %add3A_493, %sign3A_496 : i32
      %sign3A_498 = arith.extui %sign3A_497 : i1 to i32
      %sign3A_499 = arith.constant 0 : i32
      %sign3A_500 = arith.cmpi slt, %add3A_493, %sign3A_499 : i32
      %sign3A_501 = arith.extui %sign3A_500 : i1 to i32
      %sign3A_502 = arith.subi %sign3A_498, %sign3A_501 : i32
      %sign3A_503 = arith.constant 0 : i32
      %sign3A_504 = arith.cmpi sgt, %jit3A_494, %sign3A_503 : i32
      %sign3A_505 = arith.extui %sign3A_504 : i1 to i32
      %sign3A_506 = arith.constant 0 : i32
      %sign3A_507 = arith.cmpi slt, %jit3A_494, %sign3A_506 : i32
      %sign3A_508 = arith.extui %sign3A_507 : i1 to i32
      %sign3A_509 = arith.subi %sign3A_505, %sign3A_508 : i32
      %ne3A_510 = arith.cmpi ne, %sign3A_502, %sign3A_509 : i32
      %rem3A_511 = arith.remsi %add3A_493, %jit3A_494 : i32
      %ne3A_512 = arith.constant 0 : i32
      %ne3A_513 = arith.cmpi ne, %rem3A_511, %ne3A_512 : i32
      %and3A_514 = arith.andi %ne3A_510, %ne3A_513 : i1
      %sub3A_515 = arith.constant 1 : i32
      %sub3A_516 = arith.subi %div3A_495, %sub3A_515 : i32
      %select_n3A_517 = arith.select %and3A_514, %sub3A_516, %div3A_495 : i32
      %add3A_518 = vector.broadcast %select_n3A_517 : i32 to vector<16xi32>
      %add3A_519 = arith.addi %broadcast_in_dim3A_258, %add3A_518 : vector<16xi32>
      %rem3A_520 = arith.constant 8 : i32
      %rem3A_521 = arith.remsi %add3A_493, %rem3A_520 : i32
      %add3A_522 = vector.broadcast %rem3A_521 : i32 to vector<16xi32>
      %add3A_523 = arith.addi %broadcast_in_dim3A_258, %add3A_522 : vector<16xi32>
      %gather3A_524 = tpu.vector_load_idx %arg10[%select_n3A_198, %add3A_519, %add3A_523, %add3A_225] : memref<2x4x8x128xf32, #tpu.memory_space<vmem>>[vector<16xi32>, vector<16xi32>, vector<16xi32>, vector<16xi32>], vector<16xf32>,
      %gather3A_525 = tpu.vector_load_idx %arg12[%select_n3A_198, %add3A_519, %add3A_523, %add3A_254] : memref<2x4x8x128xf32, #tpu.memory_space<vmem>>[vector<16xi32>, vector<16xi32>, vector<16xi32>, vector<16xi32>], vector<16xf32>,
      %neg3A_526 = arith.constant 0.000000e+00 : f32
      %neg3A_527 = vector.broadcast %neg3A_526 : f32 to vector<16xf32>
      %neg3A_528 = arith.subf %neg3A_527, %gather3A_525 : vector<16xf32>
      %exp3A_529 = math.exp %neg3A_528 : vector<16xf32>
      %add3A_530 = arith.constant 1.000000e+00 : f32
      %add3A_531 = vector.broadcast %add3A_530 : f32 to vector<16xf32>
      %add3A_532 = arith.addf %add3A_531, %exp3A_529 : vector<16xf32>
      %div3A_533 = arith.constant 1.000000e+00 : f32
      %div3A_534 = vector.broadcast %div3A_533 : f32 to vector<16xf32>
      %div3A_535 = arith.divf %div3A_534, %add3A_532 : vector<16xf32>
      %mul3A_536 = arith.mulf %div3A_535, %gather3A_524 : vector<16xf32>
      %add3A_537 = arith.addf %scan3A_486, %mul3A_536 : vector<16xf32>
      %add3A_538 = arith.constant 1 : i32
      %add3A_539 = arith.addi %mul3A_491, %add3A_538 : i32
      %jit3A_540 = arith.constant 8 : i32
      %div3A_541 = arith.divsi %add3A_539, %jit3A_540 : i32
      %sign3A_542 = arith.constant 0 : i32
      %sign3A_543 = arith.cmpi sgt, %add3A_539, %sign3A_542 : i32
      %sign3A_544 = arith.extui %sign3A_543 : i1 to i32
      %sign3A_545 = arith.constant 0 : i32
      %sign3A_546 = arith.cmpi slt, %add3A_539, %sign3A_545 : i32
      %sign3A_547 = arith.extui %sign3A_546 : i1 to i32
      %sign3A_548 = arith.subi %sign3A_544, %sign3A_547 : i32
      %sign3A_549 = arith.constant 0 : i32
      %sign3A_550 = arith.cmpi sgt, %jit3A_540, %sign3A_549 : i32
      %sign3A_551 = arith.extui %sign3A_550 : i1 to i32
      %sign3A_552 = arith.constant 0 : i32
      %sign3A_553 = arith.cmpi slt, %jit3A_540, %sign3A_552 : i32
      %sign3A_554 = arith.extui %sign3A_553 : i1 to i32
      %sign3A_555 = arith.subi %sign3A_551, %sign3A_554 : i32
      %ne3A_556 = arith.cmpi ne, %sign3A_548, %sign3A_555 : i32
      %rem3A_557 = arith.remsi %add3A_539, %jit3A_540 : i32
      %ne3A_558 = arith.constant 0 : i32
      %ne3A_559 = arith.cmpi ne, %rem3A_557, %ne3A_558 : i32
      %and3A_560 = arith.andi %ne3A_556, %ne3A_559 : i1
      %sub3A_561 = arith.constant 1 : i32
      %sub3A_562 = arith.subi %div3A_541, %sub3A_561 : i32
      %select_n3A_563 = arith.select %and3A_560, %sub3A_562, %div3A_541 : i32
      %add3A_564 = vector.broadcast %select_n3A_563 : i32 to vector<16xi32>
      %add3A_565 = arith.addi %broadcast_in_dim3A_258, %add3A_564 : vector<16xi32>
      %rem3A_566 = arith.constant 8 : i32
      %rem3A_567 = arith.remsi %add3A_539, %rem3A_566 : i32
      %add3A_568 = vector.broadcast %rem3A_567 : i32 to vector<16xi32>
      %add3A_569 = arith.addi %broadcast_in_dim3A_258, %add3A_568 : vector<16xi32>
      %gather3A_570 = tpu.vector_load_idx %arg10[%select_n3A_198, %add3A_565, %add3A_569, %add3A_225] : memref<2x4x8x128xf32, #tpu.memory_space<vmem>>[vector<16xi32>, vector<16xi32>, vector<16xi32>, vector<16xi32>], vector<16xf32>,
      %gather3A_571 = tpu.vector_load_idx %arg12[%select_n3A_198, %add3A_565, %add3A_569, %add3A_254] : memref<2x4x8x128xf32, #tpu.memory_space<vmem>>[vector<16xi32>, vector<16xi32>, vector<16xi32>, vector<16xi32>], vector<16xf32>,
      %neg3A_572 = arith.constant 0.000000e+00 : f32
      %neg3A_573 = vector.broadcast %neg3A_572 : f32 to vector<16xf32>
      %neg3A_574 = arith.subf %neg3A_573, %gather3A_571 : vector<16xf32>
      %exp3A_575 = math.exp %neg3A_574 : vector<16xf32>
      %add3A_576 = arith.constant 1.000000e+00 : f32
      %add3A_577 = vector.broadcast %add3A_576 : f32 to vector<16xf32>
      %add3A_578 = arith.addf %add3A_577, %exp3A_575 : vector<16xf32>
      %div3A_579 = arith.constant 1.000000e+00 : f32
      %div3A_580 = vector.broadcast %div3A_579 : f32 to vector<16xf32>
      %div3A_581 = arith.divf %div3A_580, %add3A_578 : vector<16xf32>
      %mul3A_582 = arith.mulf %div3A_581, %gather3A_570 : vector<16xf32>
      %add3A_583 = arith.addf %scan3A_487, %mul3A_582 : vector<16xf32>
      %add3A_584 = arith.constant 2 : i32
      %add3A_585 = arith.addi %mul3A_491, %add3A_584 : i32
      %jit3A_586 = arith.constant 8 : i32
      %div3A_587 = arith.divsi %add3A_585, %jit3A_586 : i32
      %sign3A_588 = arith.constant 0 : i32
      %sign3A_589 = arith.cmpi sgt, %add3A_585, %sign3A_588 : i32
      %sign3A_590 = arith.extui %sign3A_589 : i1 to i32
      %sign3A_591 = arith.constant 0 : i32
      %sign3A_592 = arith.cmpi slt, %add3A_585, %sign3A_591 : i32
      %sign3A_593 = arith.extui %sign3A_592 : i1 to i32
      %sign3A_594 = arith.subi %sign3A_590, %sign3A_593 : i32
      %sign3A_595 = arith.constant 0 : i32
      %sign3A_596 = arith.cmpi sgt, %jit3A_586, %sign3A_595 : i32
      %sign3A_597 = arith.extui %sign3A_596 : i1 to i32
      %sign3A_598 = arith.constant 0 : i32
      %sign3A_599 = arith.cmpi slt, %jit3A_586, %sign3A_598 : i32
      %sign3A_600 = arith.extui %sign3A_599 : i1 to i32
      %sign3A_601 = arith.subi %sign3A_597, %sign3A_600 : i32
      %ne3A_602 = arith.cmpi ne, %sign3A_594, %sign3A_601 : i32
      %rem3A_603 = arith.remsi %add3A_585, %jit3A_586 : i32
      %ne3A_604 = arith.constant 0 : i32
      %ne3A_605 = arith.cmpi ne, %rem3A_603, %ne3A_604 : i32
      %and3A_606 = arith.andi %ne3A_602, %ne3A_605 : i1
      %sub3A_607 = arith.constant 1 : i32
      %sub3A_608 = arith.subi %div3A_587, %sub3A_607 : i32
      %select_n3A_609 = arith.select %and3A_606, %sub3A_608, %div3A_587 : i32
      %add3A_610 = vector.broadcast %select_n3A_609 : i32 to vector<16xi32>
      %add3A_611 = arith.addi %broadcast_in_dim3A_258, %add3A_610 : vector<16xi32>
      %rem3A_612 = arith.constant 8 : i32
      %rem3A_613 = arith.remsi %add3A_585, %rem3A_612 : i32
      %add3A_614 = vector.broadcast %rem3A_613 : i32 to vector<16xi32>
      %add3A_615 = arith.addi %broadcast_in_dim3A_258, %add3A_614 : vector<16xi32>
      %gather3A_616 = tpu.vector_load_idx %arg10[%select_n3A_198, %add3A_611, %add3A_615, %add3A_225] : memref<2x4x8x128xf32, #tpu.memory_space<vmem>>[vector<16xi32>, vector<16xi32>, vector<16xi32>, vector<16xi32>], vector<16xf32>,
      %gather3A_617 = tpu.vector_load_idx %arg12[%select_n3A_198, %add3A_611, %add3A_615, %add3A_254] : memref<2x4x8x128xf32, #tpu.memory_space<vmem>>[vector<16xi32>, vector<16xi32>, vector<16xi32>, vector<16xi32>], vector<16xf32>,
      %neg3A_618 = arith.constant 0.000000e+00 : f32
      %neg3A_619 = vector.broadcast %neg3A_618 : f32 to vector<16xf32>
      %neg3A_620 = arith.subf %neg3A_619, %gather3A_617 : vector<16xf32>
      %exp3A_621 = math.exp %neg3A_620 : vector<16xf32>
      %add3A_622 = arith.constant 1.000000e+00 : f32
      %add3A_623 = vector.broadcast %add3A_622 : f32 to vector<16xf32>
      %add3A_624 = arith.addf %add3A_623, %exp3A_621 : vector<16xf32>
      %div3A_625 = arith.constant 1.000000e+00 : f32
      %div3A_626 = vector.broadcast %div3A_625 : f32 to vector<16xf32>
      %div3A_627 = arith.divf %div3A_626, %add3A_624 : vector<16xf32>
      %mul3A_628 = arith.mulf %div3A_627, %gather3A_616 : vector<16xf32>
      %add3A_629 = arith.addf %scan3A_488, %mul3A_628 : vector<16xf32>
      %add3A_630 = arith.constant 3 : i32
      %add3A_631 = arith.addi %mul3A_491, %add3A_630 : i32
      %jit3A_632 = arith.constant 8 : i32
      %div3A_633 = arith.divsi %add3A_631, %jit3A_632 : i32
      %sign3A_634 = arith.constant 0 : i32
      %sign3A_635 = arith.cmpi sgt, %add3A_631, %sign3A_634 : i32
      %sign3A_636 = arith.extui %sign3A_635 : i1 to i32
      %sign3A_637 = arith.constant 0 : i32
      %sign3A_638 = arith.cmpi slt, %add3A_631, %sign3A_637 : i32
      %sign3A_639 = arith.extui %sign3A_638 : i1 to i32
      %sign3A_640 = arith.subi %sign3A_636, %sign3A_639 : i32
      %sign3A_641 = arith.constant 0 : i32
      %sign3A_642 = arith.cmpi sgt, %jit3A_632, %sign3A_641 : i32
      %sign3A_643 = arith.extui %sign3A_642 : i1 to i32
      %sign3A_644 = arith.constant 0 : i32
      %sign3A_645 = arith.cmpi slt, %jit3A_632, %sign3A_644 : i32
      %sign3A_646 = arith.extui %sign3A_645 : i1 to i32
      %sign3A_647 = arith.subi %sign3A_643, %sign3A_646 : i32
      %ne3A_648 = arith.cmpi ne, %sign3A_640, %sign3A_647 : i32
      %rem3A_649 = arith.remsi %add3A_631, %jit3A_632 : i32
      %ne3A_650 = arith.constant 0 : i32
      %ne3A_651 = arith.cmpi ne, %rem3A_649, %ne3A_650 : i32
      %and3A_652 = arith.andi %ne3A_648, %ne3A_651 : i1
      %sub3A_653 = arith.constant 1 : i32
      %sub3A_654 = arith.subi %div3A_633, %sub3A_653 : i32
      %select_n3A_655 = arith.select %and3A_652, %sub3A_654, %div3A_633 : i32
      %add3A_656 = vector.broadcast %select_n3A_655 : i32 to vector<16xi32>
      %add3A_657 = arith.addi %broadcast_in_dim3A_258, %add3A_656 : vector<16xi32>
      %rem3A_658 = arith.constant 8 : i32
      %rem3A_659 = arith.remsi %add3A_631, %rem3A_658 : i32
      %add3A_660 = vector.broadcast %rem3A_659 : i32 to vector<16xi32>
      %add3A_661 = arith.addi %broadcast_in_dim3A_258, %add3A_660 : vector<16xi32>
      %gather3A_662 = tpu.vector_load_idx %arg10[%select_n3A_198, %add3A_657, %add3A_661, %add3A_225] : memref<2x4x8x128xf32, #tpu.memory_space<vmem>>[vector<16xi32>, vector<16xi32>, vector<16xi32>, vector<16xi32>], vector<16xf32>,
      %gather3A_663 = tpu.vector_load_idx %arg12[%select_n3A_198, %add3A_657, %add3A_661, %add3A_254] : memref<2x4x8x128xf32, #tpu.memory_space<vmem>>[vector<16xi32>, vector<16xi32>, vector<16xi32>, vector<16xi32>], vector<16xf32>,
      %neg3A_664 = arith.constant 0.000000e+00 : f32
      %neg3A_665 = vector.broadcast %neg3A_664 : f32 to vector<16xf32>
      %neg3A_666 = arith.subf %neg3A_665, %gather3A_663 : vector<16xf32>
      %exp3A_667 = math.exp %neg3A_666 : vector<16xf32>
      %add3A_668 = arith.constant 1.000000e+00 : f32
      %add3A_669 = vector.broadcast %add3A_668 : f32 to vector<16xf32>
      %add3A_670 = arith.addf %add3A_669, %exp3A_667 : vector<16xf32>
      %div3A_671 = arith.constant 1.000000e+00 : f32
      %div3A_672 = vector.broadcast %div3A_671 : f32 to vector<16xf32>
      %div3A_673 = arith.divf %div3A_672, %add3A_670 : vector<16xf32>
      %mul3A_674 = arith.mulf %div3A_673, %gather3A_662 : vector<16xf32>
      %add3A_675 = arith.addf %scan3A_489, %mul3A_674 : vector<16xf32>
      scf.yield %add3A_537, %add3A_583, %add3A_629, %add3A_675 : vector<16xf32>, vector<16xf32>, vector<16xf32>, vector<16xf32>
    }
    %scan3A_266 = arith.constant 8 : i32
    %add3A_267 = arith.addf %scan3A_265#0, %scan3A_265#1 : vector<16xf32>
    %add3A_268 = arith.addf %scan3A_265#2, %scan3A_265#3 : vector<16xf32>
    %add3A_269 = arith.addf %add3A_267, %add3A_268 : vector<16xf32>
    %gather3A = tpu.vector_load_idx %arg14[%iota3A, %rem3A_257] : memref<16x128xf32, #tpu.memory_space<vmem>>[vector<16xi32>, vector<16xi32>], vector<16xf32>,
    %sub3A_270 = arith.subf %add3A_269, %gather3A : vector<16xf32>
    %neg3A = arith.constant 0.000000e+00 : f32
    %neg3A_271 = vector.broadcast %neg3A : f32 to vector<16xf32>
    %neg3A_272 = arith.subf %neg3A_271, %sub3A_270 : vector<16xf32>
    %exp3A = math.exp %neg3A_272 : vector<16xf32>
    %add3A_273 = arith.constant 1.000000e+00 : f32
    %add3A_274 = vector.broadcast %add3A_273 : f32 to vector<16xf32>
    %add3A_275 = arith.addf %add3A_274, %exp3A : vector<16xf32>
    %div3A_276 = arith.constant 1.000000e+00 : f32
    %div3A_277 = vector.broadcast %div3A_276 : f32 to vector<16xf32>
    %div3A_278 = arith.divf %div3A_277, %add3A_275 : vector<16xf32>
    %swap3A = arith.constant 480 : index
    %swap3A_279 = tpu.vector_load %arg16[%swap3A] {strides = array<i32>} : memref<512xf32, #tpu.memory_space<vmem>>, vector<16xf32>,
    tpu.vector_store %arg16[%swap3A], %div3A_278 {strides = array<i32>} : memref<512xf32, #tpu.memory_space<vmem>>, vector<16xf32>,
    %dma_wait3A_280 = arith.constant 0 : i32
    %dma_wait3A_281 = arith.constant 0 : i32
    %dma_wait3A_282 = arith.constant 0 : i32
    %dma_wait3A_283 = arith.constant 0 : i32
    %dma_wait3A_284 = tpu.memref_slice %arg11[%dma_wait3A_280, %dma_wait3A_281, %dma_wait3A_282, %dma_wait3A_283] : memref<2x4x8x128xf32, #tpu.memory_space<vmem>> -> memref<1x4x8x128xf32, #tpu.memory_space<vmem>>
    %dma_wait3A_285 = tpu.memref_squeeze %dma_wait3A_284 : memref<1x4x8x128xf32, #tpu.memory_space<vmem>> -> memref<4x8x128xf32, #tpu.memory_space<vmem>>
    %dma_wait3A_286 = arith.constant 0 : i32
    %dma_wait3A_287 = arith.constant 0 : i32
    %dma_wait3A_288 = arith.constant 0 : i32
    %dma_wait3A_289 = tpu.memref_slice %arg4[%dma_wait3A_286, %dma_wait3A_287, %dma_wait3A_288] : memref<4x8x1000000xf32, #tpu.memory_space<hbm>> -> memref<4x8x128xf32, #tpu.memory_space<hbm>>
    %dma_wait3A_290 = arith.constant 0 : i32
    %dma_wait3A_291 = arith.constant 0 : i32
    %dma_wait3A_292 = arith.constant 0 : i32
    %dma_wait3A_293 = tpu.memref_slice %arg11[%dma_wait3A_280, %dma_wait3A_290, %dma_wait3A_291, %dma_wait3A_292] : memref<2x4x8x128xf32, #tpu.memory_space<vmem>> -> memref<1x4x8x128xf32, #tpu.memory_space<vmem>>
    %dma_wait3A_294 = tpu.memref_squeeze %dma_wait3A_293 : memref<1x4x8x128xf32, #tpu.memory_space<vmem>> -> memref<4x8x128xf32, #tpu.memory_space<vmem>>
    %dma_wait3A_295 = arith.constant 0 : i32
    %dma_wait3A_296 = arith.constant 0 : i32
    %dma_wait3A_297 = arith.constant 0 : i32
    %dma_wait3A_298 = tpu.memref_slice %arg4[%dma_wait3A_295, %dma_wait3A_296, %dma_wait3A_297] : memref<4x8x1000000xf32, #tpu.memory_space<hbm>> -> memref<4x8x128xf32, #tpu.memory_space<hbm>>
    tpu.wait_dma2 semaphore(%arg18 : memref<!tpu.dma_semaphore, #tpu.memory_space<semaphore_mem>>) src(%dma_wait3A_298 : memref<4x8x128xf32, #tpu.memory_space<hbm>>) dst(%dma_wait3A_294 : memref<4x8x128xf32, #tpu.memory_space<vmem>>)
    %dma_wait3A_299 = arith.constant 1 : i32
    %dma_wait3A_300 = arith.constant 0 : i32
    %dma_wait3A_301 = arith.constant 0 : i32
    %dma_wait3A_302 = arith.constant 0 : i32
    %dma_wait3A_303 = tpu.memref_slice %arg11[%dma_wait3A_299, %dma_wait3A_300, %dma_wait3A_301, %dma_wait3A_302] : memref<2x4x8x128xf32, #tpu.memory_space<vmem>> -> memref<1x4x8x128xf32, #tpu.memory_space<vmem>>
    %dma_wait3A_304 = tpu.memref_squeeze %dma_wait3A_303 : memref<1x4x8x128xf32, #tpu.memory_space<vmem>> -> memref<4x8x128xf32, #tpu.memory_space<vmem>>
    %dma_wait3A_305 = arith.constant 0 : i32
    %dma_wait3A_306 = arith.constant 0 : i32
    %dma_wait3A_307 = arith.constant 0 : i32
    %dma_wait3A_308 = tpu.memref_slice %arg4[%dma_wait3A_305, %dma_wait3A_306, %dma_wait3A_307] : memref<4x8x1000000xf32, #tpu.memory_space<hbm>> -> memref<4x8x128xf32, #tpu.memory_space<hbm>>
    %dma_wait3A_309 = arith.constant 0 : i32
    %dma_wait3A_310 = arith.constant 0 : i32
    %dma_wait3A_311 = arith.constant 0 : i32
    %dma_wait3A_312 = tpu.memref_slice %arg11[%dma_wait3A_299, %dma_wait3A_309, %dma_wait3A_310, %dma_wait3A_311] : memref<2x4x8x128xf32, #tpu.memory_space<vmem>> -> memref<1x4x8x128xf32, #tpu.memory_space<vmem>>
    %dma_wait3A_313 = tpu.memref_squeeze %dma_wait3A_312 : memref<1x4x8x128xf32, #tpu.memory_space<vmem>> -> memref<4x8x128xf32, #tpu.memory_space<vmem>>
    %dma_wait3A_314 = arith.constant 0 : i32
    %dma_wait3A_315 = arith.constant 0 : i32
    %dma_wait3A_316 = arith.constant 0 : i32
    %dma_wait3A_317 = tpu.memref_slice %arg4[%dma_wait3A_314, %dma_wait3A_315, %dma_wait3A_316] : memref<4x8x1000000xf32, #tpu.memory_space<hbm>> -> memref<4x8x128xf32, #tpu.memory_space<hbm>>
    tpu.wait_dma2 semaphore(%arg18 : memref<!tpu.dma_semaphore, #tpu.memory_space<semaphore_mem>>) src(%dma_wait3A_317 : memref<4x8x128xf32, #tpu.memory_space<hbm>>) dst(%dma_wait3A_313 : memref<4x8x128xf32, #tpu.memory_space<vmem>>)
    %dma_wait3A_318 = arith.constant 0 : i32
    %dma_wait3A_319 = arith.constant 0 : i32
    %dma_wait3A_320 = arith.constant 0 : i32
    %dma_wait3A_321 = arith.constant 0 : i32
    %dma_wait3A_322 = tpu.memref_slice %arg13[%dma_wait3A_318, %dma_wait3A_319, %dma_wait3A_320, %dma_wait3A_321] : memref<2x4x8x128xf32, #tpu.memory_space<vmem>> -> memref<1x4x8x128xf32, #tpu.memory_space<vmem>>
    %dma_wait3A_323 = tpu.memref_squeeze %dma_wait3A_322 : memref<1x4x8x128xf32, #tpu.memory_space<vmem>> -> memref<4x8x128xf32, #tpu.memory_space<vmem>>
    %dma_wait3A_324 = arith.constant 0 : i32
    %dma_wait3A_325 = arith.constant 0 : i32
    %dma_wait3A_326 = arith.constant 0 : i32
    %dma_wait3A_327 = tpu.memref_slice %arg4[%dma_wait3A_324, %dma_wait3A_325, %dma_wait3A_326] : memref<4x8x1000000xf32, #tpu.memory_space<hbm>> -> memref<4x8x128xf32, #tpu.memory_space<hbm>>
    %dma_wait3A_328 = arith.constant 0 : i32
    %dma_wait3A_329 = arith.constant 0 : i32
    %dma_wait3A_330 = arith.constant 0 : i32
    %dma_wait3A_331 = tpu.memref_slice %arg13[%dma_wait3A_318, %dma_wait3A_328, %dma_wait3A_329, %dma_wait3A_330] : memref<2x4x8x128xf32, #tpu.memory_space<vmem>> -> memref<1x4x8x128xf32, #tpu.memory_space<vmem>>
    %dma_wait3A_332 = tpu.memref_squeeze %dma_wait3A_331 : memref<1x4x8x128xf32, #tpu.memory_space<vmem>> -> memref<4x8x128xf32, #tpu.memory_space<vmem>>
    %dma_wait3A_333 = arith.constant 0 : i32
    %dma_wait3A_334 = arith.constant 0 : i32
    %dma_wait3A_335 = arith.constant 0 : i32
    %dma_wait3A_336 = tpu.memref_slice %arg4[%dma_wait3A_333, %dma_wait3A_334, %dma_wait3A_335] : memref<4x8x1000000xf32, #tpu.memory_space<hbm>> -> memref<4x8x128xf32, #tpu.memory_space<hbm>>
    tpu.wait_dma2 semaphore(%arg18 : memref<!tpu.dma_semaphore, #tpu.memory_space<semaphore_mem>>) src(%dma_wait3A_336 : memref<4x8x128xf32, #tpu.memory_space<hbm>>) dst(%dma_wait3A_332 : memref<4x8x128xf32, #tpu.memory_space<vmem>>)
    %dma_wait3A_337 = arith.constant 1 : i32
    %dma_wait3A_338 = arith.constant 0 : i32
    %dma_wait3A_339 = arith.constant 0 : i32
    %dma_wait3A_340 = arith.constant 0 : i32
    %dma_wait3A_341 = tpu.memref_slice %arg13[%dma_wait3A_337, %dma_wait3A_338, %dma_wait3A_339, %dma_wait3A_340] : memref<2x4x8x128xf32, #tpu.memory_space<vmem>> -> memref<1x4x8x128xf32, #tpu.memory_space<vmem>>
    %dma_wait3A_342 = tpu.memref_squeeze %dma_wait3A_341 : memref<1x4x8x128xf32, #tpu.memory_space<vmem>> -> memref<4x8x128xf32, #tpu.memory_space<vmem>>
    %dma_wait3A_343 = arith.constant 0 : i32
    %dma_wait3A_344 = arith.constant 0 : i32
    %dma_wait3A_345 = arith.constant 0 : i32
    %dma_wait3A_346 = tpu.memref_slice %arg4[%dma_wait3A_343, %dma_wait3A_344, %dma_wait3A_345] : memref<4x8x1000000xf32, #tpu.memory_space<hbm>> -> memref<4x8x128xf32, #tpu.memory_space<hbm>>
    %dma_wait3A_347 = arith.constant 0 : i32
    %dma_wait3A_348 = arith.constant 0 : i32
    %dma_wait3A_349 = arith.constant 0 : i32
    %dma_wait3A_350 = tpu.memref_slice %arg13[%dma_wait3A_337, %dma_wait3A_347, %dma_wait3A_348, %dma_wait3A_349] : memref<2x4x8x128xf32, #tpu.memory_space<vmem>> -> memref<1x4x8x128xf32, #tpu.memory_space<vmem>>
    %dma_wait3A_351 = tpu.memref_squeeze %dma_wait3A_350 : memref<1x4x8x128xf32, #tpu.memory_space<vmem>> -> memref<4x8x128xf32, #tpu.memory_space<vmem>>
    %dma_wait3A_352 = arith.constant 0 : i32
    %dma_wait3A_353 = arith.constant 0 : i32
    %dma_wait3A_354 = arith.constant 0 : i32
    %dma_wait3A_355 = tpu.memref_slice %arg4[%dma_wait3A_352, %dma_wait3A_353, %dma_wait3A_354] : memref<4x8x1000000xf32, #tpu.memory_space<hbm>> -> memref<4x8x128xf32, #tpu.memory_space<hbm>>
    tpu.wait_dma2 semaphore(%arg18 : memref<!tpu.dma_semaphore, #tpu.memory_space<semaphore_mem>>) src(%dma_wait3A_355 : memref<4x8x128xf32, #tpu.memory_space<hbm>>) dst(%dma_wait3A_351 : memref<4x8x128xf32, #tpu.memory_space<vmem>>)
    %dma_wait3A_356 = arith.constant 0 : i32
    %dma_wait3A_357 = arith.constant 0 : i32
    %dma_wait3A_358 = tpu.memref_slice %arg6[%dma_wait3A_356, %dma_wait3A_357] : memref<782x128xf32, #tpu.memory_space<hbm>> -> memref<16x128xf32, #tpu.memory_space<hbm>>
    %dma_wait3A_359 = arith.constant 0 : i32
    %dma_wait3A_360 = arith.constant 0 : i32
    %dma_wait3A_361 = tpu.memref_slice %arg6[%dma_wait3A_359, %dma_wait3A_360] : memref<782x128xf32, #tpu.memory_space<hbm>> -> memref<16x128xf32, #tpu.memory_space<hbm>>
    tpu.wait_dma2 semaphore(%arg18 : memref<!tpu.dma_semaphore, #tpu.memory_space<semaphore_mem>>) src(%dma_wait3A_361 : memref<16x128xf32, #tpu.memory_space<hbm>>) dst(%arg15 : memref<16x128xf32, #tpu.memory_space<vmem>>)
    %get3A_362 = arith.constant 496 : index
    %get3A_363 = tpu.vector_load %arg8[%get3A_362] {strides = array<i32>} : memref<512xi32, #tpu.memory_space<vmem>>, vector<16xi32>,
    %get3A_364 = arith.constant 496 : index
    %get3A_365 = tpu.vector_load %arg9[%get3A_364] {strides = array<i32>} : memref<512xi32, #tpu.memory_space<vmem>>, vector<16xi32>,
    %jit3A_366 = arith.constant 8 : i32
    %div3A_367 = vector.broadcast %jit3A_366 : i32 to vector<16xi32>
    %div3A_368 = arith.divsi %iota3A, %div3A_367 : vector<16xi32>
    %sign3A_369 = arith.constant 0 : i32
    %sign3A_370 = vector.broadcast %sign3A_369 : i32 to vector<16xi32>
    %sign3A_371 = arith.cmpi sgt, %iota3A, %sign3A_370 : vector<16xi32>
    %sign3A_372 = arith.extui %sign3A_371 : vector<16xi1> to vector<16xi32>
    %sign3A_373 = arith.constant 0 : i32
    %sign3A_374 = vector.broadcast %sign3A_373 : i32 to vector<16xi32>
    %sign3A_375 = arith.cmpi slt, %iota3A, %sign3A_374 : vector<16xi32>
    %sign3A_376 = arith.extui %sign3A_375 : vector<16xi1> to vector<16xi32>
    %sign3A_377 = arith.subi %sign3A_372, %sign3A_376 : vector<16xi32>
    %sign3A_378 = arith.constant 0 : i32
    %sign3A_379 = arith.cmpi sgt, %jit3A_366, %sign3A_378 : i32
    %sign3A_380 = arith.extui %sign3A_379 : i1 to i32
    %sign3A_381 = arith.constant 0 : i32
    %sign3A_382 = arith.cmpi slt, %jit3A_366, %sign3A_381 : i32
    %sign3A_383 = arith.extui %sign3A_382 : i1 to i32
    %sign3A_384 = arith.subi %sign3A_380, %sign3A_383 : i32
    %ne3A_385 = vector.broadcast %sign3A_384 : i32 to vector<16xi32>
    %ne3A_386 = arith.cmpi ne, %sign3A_377, %ne3A_385 : vector<16xi32>
    %rem3A_387 = vector.broadcast %jit3A_366 : i32 to vector<16xi32>
    %rem3A_388 = arith.remsi %iota3A, %rem3A_387 : vector<16xi32>
    %ne3A_389 = arith.constant 0 : i32
    %ne3A_390 = vector.broadcast %ne3A_389 : i32 to vector<16xi32>
    %ne3A_391 = arith.cmpi ne, %rem3A_388, %ne3A_390 : vector<16xi32>
    %and3A_392 = arith.andi %ne3A_386, %ne3A_391 : vector<16xi1>
    %sub3A_393 = arith.constant 1 : i32
    %sub3A_394 = vector.broadcast %sub3A_393 : i32 to vector<16xi32>
    %sub3A_395 = arith.subi %div3A_368, %sub3A_394 : vector<16xi32>
    %select_n3A_396 = arith.select %and3A_392, %sub3A_395, %div3A_368 : vector<16xi1>, vector<16xi32>
    %jit3A_397 = arith.constant 8 : i32
    %eq3A_398 = arith.constant 0 : i32
    %eq3A_399 = arith.cmpi eq, %jit3A_397, %eq3A_398 : i32
    %jit3A_400 = arith.constant 1 : i32
    %select_n3A_401 = arith.select %eq3A_399, %jit3A_400, %jit3A_397 : i32
    %rem3A_402 = vector.broadcast %select_n3A_401 : i32 to vector<16xi32>
    %rem3A_403 = arith.remsi %iota3A, %rem3A_402 : vector<16xi32>
    %ne3A_404 = arith.constant 0 : i32
    %ne3A_405 = vector.broadcast %ne3A_404 : i32 to vector<16xi32>
    %ne3A_406 = arith.cmpi ne, %rem3A_403, %ne3A_405 : vector<16xi32>
    %lt3A_407 = arith.constant 0 : i32
    %lt3A_408 = vector.broadcast %lt3A_407 : i32 to vector<16xi32>
    %lt3A_409 = arith.cmpi slt, %rem3A_403, %lt3A_408 : vector<16xi32>
    %lt3A_410 = arith.constant 0 : i32
    %lt3A_411 = arith.cmpi slt, %select_n3A_401, %lt3A_410 : i32
    %ne3A_412 = vector.broadcast %lt3A_411 : i1 to vector<16xi1>
    %ne3A_413 = vector.broadcast %ne3A_412 : vector<16xi1> to vector<16xi1>
    %ne3A_414 = arith.xori %lt3A_409, %ne3A_413 : vector<16xi1>
    %and3A_415 = arith.andi %ne3A_414, %ne3A_406 : vector<16xi1>
    %add3A_416 = vector.broadcast %select_n3A_401 : i32 to vector<16xi32>
    %add3A_417 = arith.addi %rem3A_403, %add3A_416 : vector<16xi32>
    %select_n3A_418 = arith.select %and3A_415, %add3A_417, %rem3A_403 : vector<16xi1>, vector<16xi32>
    %mul3A_419 = arith.constant 16 : i32
    %mul3A_420 = vector.broadcast %mul3A_419 : i32 to vector<16xi32>
    %mul3A_421 = arith.muli %select_n3A_418, %mul3A_420 : vector<16xi32>
    %rem3A_422 = arith.constant 16 : i32
    %rem3A_423 = vector.broadcast %rem3A_422 : i32 to vector<16xi32>
    %rem3A_424 = arith.remsi %get3A_363, %rem3A_423 : vector<16xi32>
    %add3A_425 = arith.addi %mul3A_421, %rem3A_424 : vector<16xi32>
    %jit3A_426 = arith.constant 8 : i32
    %eq3A_427 = arith.constant 0 : i32
    %eq3A_428 = arith.cmpi eq, %jit3A_426, %eq3A_427 : i32
    %jit3A_429 = arith.constant 1 : i32
    %select_n3A_430 = arith.select %eq3A_428, %jit3A_429, %jit3A_426 : i32
    %rem3A_431 = vector.broadcast %select_n3A_430 : i32 to vector<16xi32>
    %rem3A_432 = arith.remsi %iota3A, %rem3A_431 : vector<16xi32>
    %ne3A_433 = arith.constant 0 : i32
    %ne3A_434 = vector.broadcast %ne3A_433 : i32 to vector<16xi32>
    %ne3A_435 = arith.cmpi ne, %rem3A_432, %ne3A_434 : vector<16xi32>
    %lt3A_436 = arith.constant 0 : i32
    %lt3A_437 = vector.broadcast %lt3A_436 : i32 to vector<16xi32>
    %lt3A_438 = arith.cmpi slt, %rem3A_432, %lt3A_437 : vector<16xi32>
    %lt3A_439 = arith.constant 0 : i32
    %lt3A_440 = arith.cmpi slt, %select_n3A_430, %lt3A_439 : i32
    %ne3A_441 = vector.broadcast %lt3A_440 : i1 to vector<16xi1>
    %ne3A_442 = vector.broadcast %ne3A_441 : vector<16xi1> to vector<16xi1>
    %ne3A_443 = arith.xori %lt3A_438, %ne3A_442 : vector<16xi1>
    %and3A_444 = arith.andi %ne3A_443, %ne3A_435 : vector<16xi1>
    %add3A_445 = vector.broadcast %select_n3A_430 : i32 to vector<16xi32>
    %add3A_446 = arith.addi %rem3A_432, %add3A_445 : vector<16xi32>
    %select_n3A_447 = arith.select %and3A_444, %add3A_446, %rem3A_432 : vector<16xi1>, vector<16xi32>
    %mul3A_448 = arith.constant 16 : i32
    %mul3A_449 = vector.broadcast %mul3A_448 : i32 to vector<16xi32>
    %mul3A_450 = arith.muli %select_n3A_447, %mul3A_449 : vector<16xi32>
    %rem3A_451 = arith.constant 16 : i32
    %rem3A_452 = vector.broadcast %rem3A_451 : i32 to vector<16xi32>
    %rem3A_453 = arith.remsi %get3A_365, %rem3A_452 : vector<16xi32>
    %add3A_454 = arith.addi %mul3A_450, %rem3A_453 : vector<16xi32>
    %rem3A_455 = arith.constant 128 : i32
    %rem3A_456 = vector.broadcast %rem3A_455 : i32 to vector<16xi32>
    %rem3A_457 = arith.remsi %get3A_365, %rem3A_456 : vector<16xi32>
    %broadcast_in_dim3A_458 = arith.constant 0 : i32
    %broadcast_in_dim3A_459 = vector.broadcast %broadcast_in_dim3A_458 : i32 to vector<16xi32>
    %broadcast_in_dim3A_460 = arith.constant 0.000000e+00 : f32
    %broadcast_in_dim3A_461 = vector.broadcast %broadcast_in_dim3A_460 : f32 to vector<16xf32>
    %scan3A_462 = arith.constant 0 : i32
    %scan3A_463 = arith.constant 8 : i32
    %scan3A_464 = arith.addi %scan3A_462, %scan3A_463 : i32
    %scan3A_465 = arith.constant 1 : i32
    %scan3A_466:4 = scf.for %scan3A_485 = %scan3A_462 to %scan3A_464 step %scan3A_465 iter_args(%scan3A_486 = %broadcast_in_dim3A_461, %scan3A_487 = %broadcast_in_dim3A_461, %scan3A_488 = %broadcast_in_dim3A_461, %scan3A_489 = %broadcast_in_dim3A_461) -> (vector<16xf32>, vector<16xf32>, vector<16xf32>, vector<16xf32>)  : i32 {
      %mul3A_490 = arith.constant 4 : i32
      %mul3A_491 = arith.muli %scan3A_485, %mul3A_490 : i32
      %add3A_492 = arith.constant 0 : i32
      %add3A_493 = arith.addi %mul3A_491, %add3A_492 : i32
      %jit3A_494 = arith.constant 8 : i32
      %div3A_495 = arith.divsi %add3A_493, %jit3A_494 : i32
      %sign3A_496 = arith.constant 0 : i32
      %sign3A_497 = arith.cmpi sgt, %add3A_493, %sign3A_496 : i32
      %sign3A_498 = arith.extui %sign3A_497 : i1 to i32
      %sign3A_499 = arith.constant 0 : i32
      %sign3A_500 = arith.cmpi slt, %add3A_493, %sign3A_499 : i32
      %sign3A_501 = arith.extui %sign3A_500 : i1 to i32
      %sign3A_502 = arith.subi %sign3A_498, %sign3A_501 : i32
      %sign3A_503 = arith.constant 0 : i32
      %sign3A_504 = arith.cmpi sgt, %jit3A_494, %sign3A_503 : i32
      %sign3A_505 = arith.extui %sign3A_504 : i1 to i32
      %sign3A_506 = arith.constant 0 : i32
      %sign3A_507 = arith.cmpi slt, %jit3A_494, %sign3A_506 : i32
      %sign3A_508 = arith.extui %sign3A_507 : i1 to i32
      %sign3A_509 = arith.subi %sign3A_505, %sign3A_508 : i32
      %ne3A_510 = arith.cmpi ne, %sign3A_502, %sign3A_509 : i32
      %rem3A_511 = arith.remsi %add3A_493, %jit3A_494 : i32
      %ne3A_512 = arith.constant 0 : i32
      %ne3A_513 = arith.cmpi ne, %rem3A_511, %ne3A_512 : i32
      %and3A_514 = arith.andi %ne3A_510, %ne3A_513 : i1
      %sub3A_515 = arith.constant 1 : i32
      %sub3A_516 = arith.subi %div3A_495, %sub3A_515 : i32
      %select_n3A_517 = arith.select %and3A_514, %sub3A_516, %div3A_495 : i32
      %add3A_518 = vector.broadcast %select_n3A_517 : i32 to vector<16xi32>
      %add3A_519 = arith.addi %broadcast_in_dim3A_459, %add3A_518 : vector<16xi32>
      %rem3A_520 = arith.constant 8 : i32
      %rem3A_521 = arith.remsi %add3A_493, %rem3A_520 : i32
      %add3A_522 = vector.broadcast %rem3A_521 : i32 to vector<16xi32>
      %add3A_523 = arith.addi %broadcast_in_dim3A_459, %add3A_522 : vector<16xi32>
      %gather3A_524 = tpu.vector_load_idx %arg11[%select_n3A_396, %add3A_519, %add3A_523, %add3A_425] : memref<2x4x8x128xf32, #tpu.memory_space<vmem>>[vector<16xi32>, vector<16xi32>, vector<16xi32>, vector<16xi32>], vector<16xf32>,
      %gather3A_525 = tpu.vector_load_idx %arg13[%select_n3A_396, %add3A_519, %add3A_523, %add3A_454] : memref<2x4x8x128xf32, #tpu.memory_space<vmem>>[vector<16xi32>, vector<16xi32>, vector<16xi32>, vector<16xi32>], vector<16xf32>,
      %neg3A_526 = arith.constant 0.000000e+00 : f32
      %neg3A_527 = vector.broadcast %neg3A_526 : f32 to vector<16xf32>
      %neg3A_528 = arith.subf %neg3A_527, %gather3A_525 : vector<16xf32>
      %exp3A_529 = math.exp %neg3A_528 : vector<16xf32>
      %add3A_530 = arith.constant 1.000000e+00 : f32
      %add3A_531 = vector.broadcast %add3A_530 : f32 to vector<16xf32>
      %add3A_532 = arith.addf %add3A_531, %exp3A_529 : vector<16xf32>
      %div3A_533 = arith.constant 1.000000e+00 : f32
      %div3A_534 = vector.broadcast %div3A_533 : f32 to vector<16xf32>
      %div3A_535 = arith.divf %div3A_534, %add3A_532 : vector<16xf32>
      %mul3A_536 = arith.mulf %div3A_535, %gather3A_524 : vector<16xf32>
      %add3A_537 = arith.addf %scan3A_486, %mul3A_536 : vector<16xf32>
      %add3A_538 = arith.constant 1 : i32
      %add3A_539 = arith.addi %mul3A_491, %add3A_538 : i32
      %jit3A_540 = arith.constant 8 : i32
      %div3A_541 = arith.divsi %add3A_539, %jit3A_540 : i32
      %sign3A_542 = arith.constant 0 : i32
      %sign3A_543 = arith.cmpi sgt, %add3A_539, %sign3A_542 : i32
      %sign3A_544 = arith.extui %sign3A_543 : i1 to i32
      %sign3A_545 = arith.constant 0 : i32
      %sign3A_546 = arith.cmpi slt, %add3A_539, %sign3A_545 : i32
      %sign3A_547 = arith.extui %sign3A_546 : i1 to i32
      %sign3A_548 = arith.subi %sign3A_544, %sign3A_547 : i32
      %sign3A_549 = arith.constant 0 : i32
      %sign3A_550 = arith.cmpi sgt, %jit3A_540, %sign3A_549 : i32
      %sign3A_551 = arith.extui %sign3A_550 : i1 to i32
      %sign3A_552 = arith.constant 0 : i32
      %sign3A_553 = arith.cmpi slt, %jit3A_540, %sign3A_552 : i32
      %sign3A_554 = arith.extui %sign3A_553 : i1 to i32
      %sign3A_555 = arith.subi %sign3A_551, %sign3A_554 : i32
      %ne3A_556 = arith.cmpi ne, %sign3A_548, %sign3A_555 : i32
      %rem3A_557 = arith.remsi %add3A_539, %jit3A_540 : i32
      %ne3A_558 = arith.constant 0 : i32
      %ne3A_559 = arith.cmpi ne, %rem3A_557, %ne3A_558 : i32
      %and3A_560 = arith.andi %ne3A_556, %ne3A_559 : i1
      %sub3A_561 = arith.constant 1 : i32
      %sub3A_562 = arith.subi %div3A_541, %sub3A_561 : i32
      %select_n3A_563 = arith.select %and3A_560, %sub3A_562, %div3A_541 : i32
      %add3A_564 = vector.broadcast %select_n3A_563 : i32 to vector<16xi32>
      %add3A_565 = arith.addi %broadcast_in_dim3A_459, %add3A_564 : vector<16xi32>
      %rem3A_566 = arith.constant 8 : i32
      %rem3A_567 = arith.remsi %add3A_539, %rem3A_566 : i32
      %add3A_568 = vector.broadcast %rem3A_567 : i32 to vector<16xi32>
      %add3A_569 = arith.addi %broadcast_in_dim3A_459, %add3A_568 : vector<16xi32>
      %gather3A_570 = tpu.vector_load_idx %arg11[%select_n3A_396, %add3A_565, %add3A_569, %add3A_425] : memref<2x4x8x128xf32, #tpu.memory_space<vmem>>[vector<16xi32>, vector<16xi32>, vector<16xi32>, vector<16xi32>], vector<16xf32>,
      %gather3A_571 = tpu.vector_load_idx %arg13[%select_n3A_396, %add3A_565, %add3A_569, %add3A_454] : memref<2x4x8x128xf32, #tpu.memory_space<vmem>>[vector<16xi32>, vector<16xi32>, vector<16xi32>, vector<16xi32>], vector<16xf32>,
      %neg3A_572 = arith.constant 0.000000e+00 : f32
      %neg3A_573 = vector.broadcast %neg3A_572 : f32 to vector<16xf32>
      %neg3A_574 = arith.subf %neg3A_573, %gather3A_571 : vector<16xf32>
      %exp3A_575 = math.exp %neg3A_574 : vector<16xf32>
      %add3A_576 = arith.constant 1.000000e+00 : f32
      %add3A_577 = vector.broadcast %add3A_576 : f32 to vector<16xf32>
      %add3A_578 = arith.addf %add3A_577, %exp3A_575 : vector<16xf32>
      %div3A_579 = arith.constant 1.000000e+00 : f32
      %div3A_580 = vector.broadcast %div3A_579 : f32 to vector<16xf32>
      %div3A_581 = arith.divf %div3A_580, %add3A_578 : vector<16xf32>
      %mul3A_582 = arith.mulf %div3A_581, %gather3A_570 : vector<16xf32>
      %add3A_583 = arith.addf %scan3A_487, %mul3A_582 : vector<16xf32>
      %add3A_584 = arith.constant 2 : i32
      %add3A_585 = arith.addi %mul3A_491, %add3A_584 : i32
      %jit3A_586 = arith.constant 8 : i32
      %div3A_587 = arith.divsi %add3A_585, %jit3A_586 : i32
      %sign3A_588 = arith.constant 0 : i32
      %sign3A_589 = arith.cmpi sgt, %add3A_585, %sign3A_588 : i32
      %sign3A_590 = arith.extui %sign3A_589 : i1 to i32
      %sign3A_591 = arith.constant 0 : i32
      %sign3A_592 = arith.cmpi slt, %add3A_585, %sign3A_591 : i32
      %sign3A_593 = arith.extui %sign3A_592 : i1 to i32
      %sign3A_594 = arith.subi %sign3A_590, %sign3A_593 : i32
      %sign3A_595 = arith.constant 0 : i32
      %sign3A_596 = arith.cmpi sgt, %jit3A_586, %sign3A_595 : i32
      %sign3A_597 = arith.extui %sign3A_596 : i1 to i32
      %sign3A_598 = arith.constant 0 : i32
      %sign3A_599 = arith.cmpi slt, %jit3A_586, %sign3A_598 : i32
      %sign3A_600 = arith.extui %sign3A_599 : i1 to i32
      %sign3A_601 = arith.subi %sign3A_597, %sign3A_600 : i32
      %ne3A_602 = arith.cmpi ne, %sign3A_594, %sign3A_601 : i32
      %rem3A_603 = arith.remsi %add3A_585, %jit3A_586 : i32
      %ne3A_604 = arith.constant 0 : i32
      %ne3A_605 = arith.cmpi ne, %rem3A_603, %ne3A_604 : i32
      %and3A_606 = arith.andi %ne3A_602, %ne3A_605 : i1
      %sub3A_607 = arith.constant 1 : i32
      %sub3A_608 = arith.subi %div3A_587, %sub3A_607 : i32
      %select_n3A_609 = arith.select %and3A_606, %sub3A_608, %div3A_587 : i32
      %add3A_610 = vector.broadcast %select_n3A_609 : i32 to vector<16xi32>
      %add3A_611 = arith.addi %broadcast_in_dim3A_459, %add3A_610 : vector<16xi32>
      %rem3A_612 = arith.constant 8 : i32
      %rem3A_613 = arith.remsi %add3A_585, %rem3A_612 : i32
      %add3A_614 = vector.broadcast %rem3A_613 : i32 to vector<16xi32>
      %add3A_615 = arith.addi %broadcast_in_dim3A_459, %add3A_614 : vector<16xi32>
      %gather3A_616 = tpu.vector_load_idx %arg11[%select_n3A_396, %add3A_611, %add3A_615, %add3A_425] : memref<2x4x8x128xf32, #tpu.memory_space<vmem>>[vector<16xi32>, vector<16xi32>, vector<16xi32>, vector<16xi32>], vector<16xf32>,
      %gather3A_617 = tpu.vector_load_idx %arg13[%select_n3A_396, %add3A_611, %add3A_615, %add3A_454] : memref<2x4x8x128xf32, #tpu.memory_space<vmem>>[vector<16xi32>, vector<16xi32>, vector<16xi32>, vector<16xi32>], vector<16xf32>,
      %neg3A_618 = arith.constant 0.000000e+00 : f32
      %neg3A_619 = vector.broadcast %neg3A_618 : f32 to vector<16xf32>
      %neg3A_620 = arith.subf %neg3A_619, %gather3A_617 : vector<16xf32>
      %exp3A_621 = math.exp %neg3A_620 : vector<16xf32>
      %add3A_622 = arith.constant 1.000000e+00 : f32
      %add3A_623 = vector.broadcast %add3A_622 : f32 to vector<16xf32>
      %add3A_624 = arith.addf %add3A_623, %exp3A_621 : vector<16xf32>
      %div3A_625 = arith.constant 1.000000e+00 : f32
      %div3A_626 = vector.broadcast %div3A_625 : f32 to vector<16xf32>
      %div3A_627 = arith.divf %div3A_626, %add3A_624 : vector<16xf32>
      %mul3A_628 = arith.mulf %div3A_627, %gather3A_616 : vector<16xf32>
      %add3A_629 = arith.addf %scan3A_488, %mul3A_628 : vector<16xf32>
      %add3A_630 = arith.constant 3 : i32
      %add3A_631 = arith.addi %mul3A_491, %add3A_630 : i32
      %jit3A_632 = arith.constant 8 : i32
      %div3A_633 = arith.divsi %add3A_631, %jit3A_632 : i32
      %sign3A_634 = arith.constant 0 : i32
      %sign3A_635 = arith.cmpi sgt, %add3A_631, %sign3A_634 : i32
      %sign3A_636 = arith.extui %sign3A_635 : i1 to i32
      %sign3A_637 = arith.constant 0 : i32
      %sign3A_638 = arith.cmpi slt, %add3A_631, %sign3A_637 : i32
      %sign3A_639 = arith.extui %sign3A_638 : i1 to i32
      %sign3A_640 = arith.subi %sign3A_636, %sign3A_639 : i32
      %sign3A_641 = arith.constant 0 : i32
      %sign3A_642 = arith.cmpi sgt, %jit3A_632, %sign3A_641 : i32
      %sign3A_643 = arith.extui %sign3A_642 : i1 to i32
      %sign3A_644 = arith.constant 0 : i32
      %sign3A_645 = arith.cmpi slt, %jit3A_632, %sign3A_644 : i32
      %sign3A_646 = arith.extui %sign3A_645 : i1 to i32
      %sign3A_647 = arith.subi %sign3A_643, %sign3A_646 : i32
      %ne3A_648 = arith.cmpi ne, %sign3A_640, %sign3A_647 : i32
      %rem3A_649 = arith.remsi %add3A_631, %jit3A_632 : i32
      %ne3A_650 = arith.constant 0 : i32
      %ne3A_651 = arith.cmpi ne, %rem3A_649, %ne3A_650 : i32
      %and3A_652 = arith.andi %ne3A_648, %ne3A_651 : i1
      %sub3A_653 = arith.constant 1 : i32
      %sub3A_654 = arith.subi %div3A_633, %sub3A_653 : i32
      %select_n3A_655 = arith.select %and3A_652, %sub3A_654, %div3A_633 : i32
      %add3A_656 = vector.broadcast %select_n3A_655 : i32 to vector<16xi32>
      %add3A_657 = arith.addi %broadcast_in_dim3A_459, %add3A_656 : vector<16xi32>
      %rem3A_658 = arith.constant 8 : i32
      %rem3A_659 = arith.remsi %add3A_631, %rem3A_658 : i32
      %add3A_660 = vector.broadcast %rem3A_659 : i32 to vector<16xi32>
      %add3A_661 = arith.addi %broadcast_in_dim3A_459, %add3A_660 : vector<16xi32>
      %gather3A_662 = tpu.vector_load_idx %arg11[%select_n3A_396, %add3A_657, %add3A_661, %add3A_425] : memref<2x4x8x128xf32, #tpu.memory_space<vmem>>[vector<16xi32>, vector<16xi32>, vector<16xi32>, vector<16xi32>], vector<16xf32>,
      %gather3A_663 = tpu.vector_load_idx %arg13[%select_n3A_396, %add3A_657, %add3A_661, %add3A_454] : memref<2x4x8x128xf32, #tpu.memory_space<vmem>>[vector<16xi32>, vector<16xi32>, vector<16xi32>, vector<16xi32>], vector<16xf32>,
      %neg3A_664 = arith.constant 0.000000e+00 : f32
      %neg3A_665 = vector.broadcast %neg3A_664 : f32 to vector<16xf32>
      %neg3A_666 = arith.subf %neg3A_665, %gather3A_663 : vector<16xf32>
      %exp3A_667 = math.exp %neg3A_666 : vector<16xf32>
      %add3A_668 = arith.constant 1.000000e+00 : f32
      %add3A_669 = vector.broadcast %add3A_668 : f32 to vector<16xf32>
      %add3A_670 = arith.addf %add3A_669, %exp3A_667 : vector<16xf32>
      %div3A_671 = arith.constant 1.000000e+00 : f32
      %div3A_672 = vector.broadcast %div3A_671 : f32 to vector<16xf32>
      %div3A_673 = arith.divf %div3A_672, %add3A_670 : vector<16xf32>
      %mul3A_674 = arith.mulf %div3A_673, %gather3A_662 : vector<16xf32>
      %add3A_675 = arith.addf %scan3A_489, %mul3A_674 : vector<16xf32>
      scf.yield %add3A_537, %add3A_583, %add3A_629, %add3A_675 : vector<16xf32>, vector<16xf32>, vector<16xf32>, vector<16xf32>
    }
    %scan3A_467 = arith.constant 8 : i32
    %add3A_468 = arith.addf %scan3A_466#0, %scan3A_466#1 : vector<16xf32>
    %add3A_469 = arith.addf %scan3A_466#2, %scan3A_466#3 : vector<16xf32>
    %add3A_470 = arith.addf %add3A_468, %add3A_469 : vector<16xf32>
    %gather3A_471 = tpu.vector_load_idx %arg15[%iota3A, %rem3A_457] : memref<16x128xf32, #tpu.memory_space<vmem>>[vector<16xi32>, vector<16xi32>], vector<16xf32>,
    %sub3A_472 = arith.subf %add3A_470, %gather3A_471 : vector<16xf32>
    %neg3A_473 = arith.constant 0.000000e+00 : f32
    %neg3A_474 = vector.broadcast %neg3A_473 : f32 to vector<16xf32>
    %neg3A_475 = arith.subf %neg3A_474, %sub3A_472 : vector<16xf32>
    %exp3A_476 = math.exp %neg3A_475 : vector<16xf32>
    %add3A_477 = arith.constant 1.000000e+00 : f32
    %add3A_478 = vector.broadcast %add3A_477 : f32 to vector<16xf32>
    %add3A_479 = arith.addf %add3A_478, %exp3A_476 : vector<16xf32>
    %div3A_480 = arith.constant 1.000000e+00 : f32
    %div3A_481 = vector.broadcast %div3A_480 : f32 to vector<16xf32>
    %div3A_482 = arith.divf %div3A_481, %add3A_479 : vector<16xf32>
    %swap3A_483 = arith.constant 496 : index
    %swap3A_484 = tpu.vector_load %arg16[%swap3A_483] {strides = array<i32>} : memref<512xf32, #tpu.memory_space<vmem>>, vector<16xf32>,
    tpu.vector_store %arg16[%swap3A_483], %div3A_482 {strides = array<i32>} : memref<512xf32, #tpu.memory_space<vmem>>, vector<16xf32>,
    "tpu.region"() ({
      %run_scoped3A = tpu.sem_alloc : memref<!tpu.dma_semaphore, #tpu.memory_space<semaphore_mem>>
      %dma_start3A_485 = tpu.memref_slice %arg7[%mul3A_2] : memref<16384xf32, #tpu.memory_space<hbm>> -> memref<512xf32, #tpu.memory_space<hbm>>
      %dma_start3A_486 = tpu.memref_slice %arg7[%mul3A_2] : memref<16384xf32, #tpu.memory_space<hbm>> -> memref<512xf32, #tpu.memory_space<hbm>>
      tpu.enqueue_dma source(%arg16 : memref<512xf32, #tpu.memory_space<vmem>>) target(%dma_start3A_486 : memref<512xf32, #tpu.memory_space<hbm>>) target_semaphore(%run_scoped3A : memref<!tpu.dma_semaphore, #tpu.memory_space<semaphore_mem>>)
      %dma_wait3A_487 = tpu.memref_slice %arg7[%mul3A_2] : memref<16384xf32, #tpu.memory_space<hbm>> -> memref<512xf32, #tpu.memory_space<hbm>>
      %dma_wait3A_488 = tpu.memref_slice %arg7[%mul3A_2] : memref<16384xf32, #tpu.memory_space<hbm>> -> memref<512xf32, #tpu.memory_space<hbm>>
      tpu.wait_dma2 semaphore(%run_scoped3A : memref<!tpu.dma_semaphore, #tpu.memory_space<semaphore_mem>>) src(%arg16 : memref<512xf32, #tpu.memory_space<vmem>>) dst(%dma_wait3A_488 : memref<512xf32, #tpu.memory_space<hbm>>)
      tpu.yield
    }) : () -> ()
    return
  }
}

</mosaic_0001>

<sc_bundles>
// kernel: kernel.3.cloned.1.call-start
scs
__scs_entry_jumppad:
0x0: {  	(pc) =	sbr.rel $0x88, $3  }
0x1: {  	(tag) =	ssettag $0x0;
	lr =	simm.s32 $0x1  }
0x2: {  	[smem:$0x3F9C] =	sst lr;
	_ =	strace $0xD0000000  }
0x3: {  	_ = 	snop  }
0x4: {  	_ = 	snop  }
0x5: {  	_ = 	snop  }
0x6: {  	_ = 	snop  }
0x7: {  	_ = 	snop  }
__scs_overlays_trampoline_lowered:
0x8: {  	[smem:$0x3FAB] =	sst s0  }
0x9: {  	[smem:$0x3FAC] =	sst s1  }
0xa: {  	[smem:$0x3FAD] =	sst s2  }
0xb: {  	[smem:$0x3FAE] =	sst s3  }
0xc: {  	[smem:$0x3FAF] =	sst s4  }
0xd: {  	[smem:$0x3FB0] =	sst s5  }
0xe: {  	[smem:$0x3FB1] =	sst s6  }
0xf: {  	[smem:$0x3FB2] =	sst s7  }
0x10: {  	[smem:$0x3FB3] =	sst s8  }
0x11: {  	[smem:$0x3FB4] =	sst s9;
	s0 =	simm.s32 @!p0 $0x0  }
0x12: {  	s1 =	sld [smem:$0x3F9A];
	s0 =	simm.s32 @p0 $0x1  }
0x13: {  	[smem:$0x3FB5] =	sst s0;
	s0 =	simm.s32 @!p1 $0x0  }
0x14: {  	s2 =	sld [smem:$0x3F99];
	s0 =	simm.s32 @p1 $0x1  }
0x15: {  	[smem:$0x3FB6] =	sst s0;
	s0 =	simm.s32 @!p2 $0x0  }
0x16: {  	s3 =	sld [smem:$0x3FDB];
	s0 =	simm.s32 @p2 $0x1  }
0x17: {  	s4 =	simm.s32 $0x1BF5;
	[smem:$0x3FB8] =	sst s0  }
0x18: {  	s0 =	sld [smem:$0x3F9B];
	_ =	swait.ge [sflag:s4], $0x0  }
0x19: {  	s7 =	sld [smem:$0x3F9C]  }
0x1a: {  	s8 =	sadd.s32 $0xFFFFE003, lr  }
0x1b: {  	s9 =	sadd.s32 $0xFFFFFEF7, lr;
	s5 =	simm.s32 $0xFFFFFFFF;
	p2 =	slt.u32 s8, $0xFFFFF086  }
0x1c: {  	p1 =	slt.u32 s9, $0xF7A;
	s5 =	simm.s32 @!p2 $0x0  }
0x1d: {  	s5 =	simm.s32 @p1 $0x1;
	p0 =	seq.s32 s7, s2  }
0x1e: {  	s7 =	smul.u32 @!p0 $0xF7A, s2;
	p2 =	seq.s32 @!p0 s5, $0x0  }
0x1f: {  	s9 =	smul.u32 $0xF7A, s1;
	s8 =	simm.s32 @!p0 $0x1BF5;
	p2 =	por !p2, p0  }
0x20: {  	[sflag:s8] =	ssyncset.s32 @!p0 $0xFFFFF086;
	s6 =	sadd.s32 @!p0 s3, s7;
	s7 =	simm.s32 @!p0 $0x108  }
0x21: {  	s3 =	sadd.s32 s3, s9;
	s6 =	sadd.s32 @!p0 $0x88, s6;
	s7 =	simm.s32 @p2 $0x1082  }
0x22: {  	[simem:s7], [sflag:s8] =	dma.local @!p0 [hbm:s6], $0xF7A  }
0x23: {  	s9 =	sor.u32 $0xD0000000, s2;
	s6 =	simm.s32 $0x108;
	_ =	swait.ge @!p0 [sflag:s8], $0x0  }
0x24: {  	s3 =	sadd.s32 $0x88, s3;
	s6 =	simm.s32 @!p1 $0x1082;
	[sflag:s4] =	ssyncset.s32 $0xFFFFF086  }
0x25: {  	[simem:s6], [sflag:s4] =	dma.local [hbm:s3], $0xF7A  }
0x26: {  	[smem:$0x3F9C] =	sst s1;
	(tag) =	ssettag s2;
	_ =	strace s9  }
0x27: {  	s1 =	sld [smem:$0x3FAC]  }
0x28: {  	s2 =	sld [smem:$0x3FAD]  }
0x29: {  	s4 =	sld [smem:$0x3FAF]  }
0x2a: {  	p0 =	seq.s32 s5, $0x0;
	s5 =	sld [smem:$0x3FB0]  }
0x2b: {  	s6 =	sld [smem:$0x3FB1]  }
0x2c: {  	s7 =	sld [smem:$0x3FB2]  }
0x2d: {  	s3 =	simm.s32 $0x108;
	s8 =	sld [smem:$0x3FB3]  }
0x2e: {  	s3 =	simm.s32 @!p0 $0x1082;
	s9 =	sld [smem:$0x3FB4]  }
0x2f: {  	lr =	sadd.s32 s0, s3;
	s0 =	sld [smem:$0x3FAB]  }
0x30: {  	s3 =	sld [smem:$0x3FAE]  }
0x31: {  	[smem:$0x3FB7] =	sst s10  }
0x32: {  	s10 =	sld [smem:$0x3FB5];
	_ =	sdelay $0x3  }
0x33: {  	p0 =	seq.s32 s10, $0x1;
	s10 =	sld [smem:$0x3FB7];
	_ =	sdelay $0x3  }
0x34: {  	[smem:$0x3FB7] =	sst s10  }
0x35: {  	s10 =	sld [smem:$0x3FB6];
	_ =	sdelay $0x3  }
0x36: {  	p1 =	seq.s32 s10, $0x1;
	s10 =	sld [smem:$0x3FB7];
	_ =	sdelay $0x3  }
0x37: {  	[smem:$0x3FB7] =	sst s10  }
0x38: {  	s10 =	sld [smem:$0x3FB8]  }
0x39: {  	_ = 	snop;
	(pc) =	sbr.ind lr, $3  }
0x3a: {  	_ = 	snop  }
0x3b: {  	_ = 	snop  }
0x3c: {  	p2 =	seq.s32 s10, $0x1;
	s10 =	sld [smem:$0x3FB7]  }
0x3d: {  	_ =	shalt  }
0x3e: {  	_ =	shalt  }
0x3f: {  	_ =	shalt  }
0x40: {  	_ =	shalt  }
0x41: {  	_ =	shalt  }
0x42: {  	_ =	shalt  }
0x43: {  	_ =	shalt  }
0x44: {  	_ =	shalt  }
0x45: {  	_ =	shalt  }
0x46: {  	_ =	shalt  }
0x47: {  	_ =	shalt  }
0x48: {  	_ =	shalt  }
0x49: {  	_ =	shalt  }
0x4a: {  	_ =	shalt  }
0x4b: {  	_ =	shalt  }
0x4c: {  	_ =	shalt  }
0x4d: {  	_ =	shalt  }
0x4e: {  	_ =	shalt  }
0x4f: {  	_ =	shalt  }
0x50: {  	_ =	shalt  }
0x51: {  	_ =	shalt  }
0x52: {  	_ =	shalt  }
0x53: {  	_ =	shalt  }
0x54: {  	_ =	shalt  }
0x55: {  	_ =	shalt  }
0x56: {  	_ =	shalt  }
0x57: {  	_ =	shalt  }
0x58: {  	_ =	shalt  }
0x59: {  	_ =	shalt  }
0x5a: {  	_ =	shalt  }
0x5b: {  	_ =	shalt  }
0x5c: {  	_ =	shalt  }
0x5d: {  	_ =	shalt  }
0x5e: {  	_ =	shalt  }
0x5f: {  	_ =	shalt  }
0x60: {  	_ =	shalt  }
0x61: {  	_ =	shalt  }
0x62: {  	_ =	shalt  }
0x63: {  	_ =	shalt  }
0x64: {  	_ =	shalt  }
0x65: {  	_ =	shalt  }
0x66: {  	_ =	shalt  }
0x67: {  	_ =	shalt  }
0x68: {  	_ =	shalt  }
0x69: {  	_ =	shalt  }
0x6a: {  	_ =	shalt  }
0x6b: {  	_ =	shalt  }
0x6c: {  	_ =	shalt  }
0x6d: {  	_ =	shalt  }
0x6e: {  	_ =	shalt  }
0x6f: {  	_ =	shalt  }
0x70: {  	_ =	shalt  }
0x71: {  	_ =	shalt  }
0x72: {  	_ =	shalt  }
0x73: {  	_ =	shalt  }
0x74: {  	_ =	shalt  }
0x75: {  	_ =	shalt  }
0x76: {  	_ =	shalt  }
0x77: {  	_ =	shalt  }
0x78: {  	_ =	shalt  }
0x79: {  	_ =	shalt  }
0x7a: {  	_ =	shalt  }
0x7b: {  	_ =	shalt  }
0x7c: {  	_ =	shalt  }
0x7d: {  	_ =	shalt  }
0x7e: {  	_ =	shalt  }
0x7f: {  	_ =	shalt  }
0x80: {  	_ =	shalt  }
0x81: {  	_ =	shalt  }
0x82: {  	_ =	shalt  }
0x83: {  	_ =	shalt  }
0x84: {  	_ =	shalt  }
0x85: {  	_ =	shalt  }
0x86: {  	_ =	shalt  }
0x87: {  	_ =	shalt  }
.Lfunc_end0:
.L_simem_size_0:
called_computation_lowered:
.L_overlay_start_0:
0x88: {  	s2 =	sld [smem:$0x3FD9]  }
0x89: {  	s3 =	sld [smem:$0x3FFE];
	_ =	sdelay $0x1  }
0x8a: {  	s1 =	srdreg.scid  }
0x8b: {  	s0 =	sand.u32 $0x1, s1  }
0x8c: {  	s17 =	sshll.u32 s0, $0xA;
	s2 =	sadd.s32 s3, s2  }
0x8d: {  	s2 =	sadd.s32 s2, s17  }
0x8e: {  	[smem:$0x3FC3] =	sst s2  }
0x8f: {  	_ = 	snop  }
0x90: {  	s2 =	sld [smem:$0x3FC9]  }
0x91: {  	s18 =	sld [smem:$0x3FC8]  }
0x92: {  	s4 =	sld [smem:$0x3FC7]  }
0x93: {  	s5 =	sld [smem:$0x3FC6]  }
0x94: {  	s6 =	sld [smem:$0x3FD0];
	(tm) =	ssettm $0x1  }
0x95: {  	s7 =	sld [smem:$0x3FFB];
	_ =	sdelay $0x3  }
0x96: {  	_ =	strace s7  }
0x97: {  	s7 =	sld [smem:$0x3FFC];
	_ =	sdelay $0x3  }
0x98: {  	_ =	strace s7  }
0x99: {  	s7 =	sld [smem:$0x3FFD];
	_ =	sdelay $0x3  }
0x9a: {  	_ =	strace s7  }
0x9b: {  	_ =	strace $0x8FFFFFFF  }
0x9c: {  	s19 =	sld [smem:$0x3FDB];
	_ =	sdelay $0x1  }
0x9d: {  	s8 =	simm.s32 $_scs_section_size  }
0x9e: {  	s9 =	simm.s32 $_size__tile_overlayer_lowered;
	s10 =	simm.s32 $_tile_overlayer_lowered  }
0x9f: {  	s22 =	simm.s32 $0x1BFF;
	s21 =	sshll.u32 s10, $0x1;
	s7 =	sadd.s32 s8, s19  }
0xa0: {  	s11 =	simm.s32 $0x0;
	s20 =	sshll.u32 s9, $0x1;
	s9 =	sadd.s32 s21, s7  }
0xa1: {  	[timem:s11], [sflag:s22] =	dma.local [hbm:s9], s20  }
0xa2: {  	_ =	swait.ge [sflag:s22], s20  }
0xa3: {  	s8 =	ssub.s32 $0x0, s20;
	[sflag:s22] =	ssyncset.done $0x0  }
0xa4: {  	[sflag:s22] =	ssyncadd.s32 s8;
	_ =	sdelay $0x1  }
0xa5: {  	s23 =	simm.s32 $0x1B8B  }
0xa6: {  	_ =	swait.ge [sflag:s23], $0x1  }
0xa7: {  	[sflag:s23] =	ssyncset.done $0x0  }
0xa8: {  	s25 =	simm.s32 $0x1B8E;
	s24 =	sld [smem:$0x3FFE];
	[sflag:s23] =	ssyncadd.s32 $0xFFFFFFFF  }
0xa9: {  	s26 =	simm.s32 $execute0_lowered;
	[smem:$0x3FD2] =	sst s25  }
0xaa: {  	s9 =	sshll.u32 s26, $0x1;
	_ =	strace $0x80000046;
	[dreg:$0x1] =	wrdreg $0xFFFFFFFF  }
0xab: {  	s28 =	simm.s32 $_size_execute0_lowered;
	s7 =	sadd.s32 s7, s9;
	[dreg:$0x0] =	wrdreg $0x0  }
0xac: {  	s9 =	sshll.u32 s28, $0x1;
	[dreg:$0x2] =	wrdreg s7  }
0xad: {  	[dreg:$0x3] =	wrdreg s9  }
0xae: {  	[dreg:$0x4] =	wrdreg $0xC0  }
0xaf: {  	_ =	task [dreg:s11], $0x5FFFF  }
0xb0: {  	[dreg:$0x1] =	wrdreg $0xFFFFFFFF  }
0xb1: {  	[dreg:$0x0] =	wrdreg $0x60  }
0xb2: {  	[dreg:$0x2] =	wrdreg s2  }
0xb3: {  	[dreg:$0x3] =	wrdreg s18  }
0xb4: {  	[dreg:$0x4] =	wrdreg s4  }
0xb5: {  	[dreg:$0x5] =	wrdreg s5  }
0xb6: {  	[dreg:$0x6] =	wrdreg s24  }
0xb7: {  	[dreg:$0x7] =	wrdreg s6  }
0xb8: {  	[dreg:$0x8] =	wrdreg $0x9  }
0xb9: {  	_ =	task.clear_ibuf [dreg:s11], $0x9FFFF;
	_ =	strace $0x90000046  }
0xba: {  	s29 =	simm.s32 $0x9;
	_ =	strace $0x80000048  }
0xbb: {  	_ =	swait.ge [sflag:s29], $0x1  }
0xbc: {  	[sflag:s29] =	ssyncadd.s32 $0xFFFFFFFF  }
0xbd: {  	_ =	strace $0x90000048  }
0xbe: {  	_ =	sfence  }
0xbf: {  	s30 =	sld [smem:$0x0];
	_ =	sdelay $0x2  }
0xc0: {  	s31 =	sshll.u32 s1, $0xD;
	s1 =	sshrl.u32 s1, $0x2  }
0xc1: {  	s3 =	sand.u32 $0x4000, s31;
	s1 =	sadd.s32 s1, s30  }
0xc2: {  	s0 =	sor.u32 s3, s0;
	s1 =	sshll.u32 s1, $0x11  }
0xc3: {  	s0 =	sor.u32 s1, s0  }
0xc4: {  	s0 =	sadd.s32 $0x8F2B, s0  }
0xc5: {  	[sflag:s0] =	ssyncadd.remote.s32 $0x1  }
0xc6: {  	_ =	sfence.sel $0xFFFF  }
0xc7: {  	[dreg:$0x0] =	wrdreg $0xFFFFFFFF;
	(pc) =	sbr.abs _section_cstart, $3  }
0xc8: {  	[dreg:$0x1] =	wrdreg $0xFFFFFFFF  }
0xc9: {  	_ =	task.clear_ibuf [dreg:s11], $0x2FFFF;
	_ =	strace $0x9FFFFFFF  }
0xca: {  	(tm) =	ssettm $0x7FFFFFFF  }
0xcb: {  	_ =	shalt  }
tec
execute0_lowered:
.L_overlay_start_1:
0x0: {  	(tag) =	ssettag $0x1  }
0x1: {  	s0 =	rddreg [dreg:$0x0]  }
0x2: {  	s3 =	rddreg [dreg:$0x1]  }
0x3: {  	s31 =	rddreg [dreg:$0x2]  }
0x4: {  	s30 =	rddreg [dreg:$0x3]  }
0x5: {  	s15 =	rddreg [dreg:$0x4]  }
0x6: {  	s4 =	rddreg [dreg:$0x5];
	s6 =	srdreg.scid  }
0x7: {  	s5 =	simm.s32 $0x0;
	s1 =	stileid.u32;
	s6 =	sand.u32 $0x1, s6  }
0x8: {  	s8 =	sshll.u32 s1, $0x7;
	s7 =	ssub.s32 $0x2, s6;
	s6 =	sshll.u32 s6, $0x6  }
0x9: {  	s16 =	simm.s32 $0x4400;
	[smem:$0x7FF] =	sst s5;
	s6 =	sor.u32 s6, s8  }
0xa: {  	s18 =	simm.s32 $0x2400;
	_ =	strace $0x80000047;
	s0 =	sadd.s32 s0, s6  }
0xb: {  	s9 =	sshrl.u32 s7, $0x1;
	s26 =	sadd.s32 s3, s6;
	[dreg:$0xa] =	wrdreg s0  }
0xc: {  	v0 =	vimm.s32 $0x0;
	v1 =	vlaneseq.u32;
	s7 =	ssub.s32 s7, s9;
	s28 =	sadd.s32 s4, s6;
	[dreg:$0xb] =	wrdreg s26  }
0xd: {  	vm0 =	vmmov $0xffff;
	s19 =	simm.s32 $0x6400;
	v2 =	vand.u32 $0x7, v1;
	v3 =	vshrl.u32 v1, $0x3;
	[dreg:$0xc] =	wrdreg s28;
	s29 =	smax.u32 s7, $0x1  }
0xe: {  	s2 =	simm.s32 $0x0;
	s1 =	simm.s32 $0x3;
	v4 =	vmul.u32 $0x80, v1;
	v2 =	vmul.u32 $0x10, v2;
	v3 =	vmul.u32 $0x1000, v3;
	[dreg:$0xd] =	wrdreg s29  }
.LBB2_1:
0xf: {  	[dreg:$0xe] =	wrdreg s2  }
0x10: {  	s0 =	rddreg [dreg:$0xa]  }
0x11: {  	[tilespmem:s5], [sflag:$0x3] =	stream.linear.gather [hbm4b:s0+s5], $0x200, $0x38;
	[tilespmem:$0x9600] =	vst v63  }
0x12: {  	_ =	swait.ge [sflag:s1], $0x200  }
0x13: {  	[sflag:s1] =	ssyncset.done $0x0  }
0x14: {  	s20 =	simm.s32 $0x200;
	s17 =	rddreg [dreg:$0xb];
	[sflag:s1] =	ssyncadd.s32 $0xFFFFFE00  }
0x15: {  	[tilespmem:s20], [sflag:$0x3] =	stream.linear.gather [hbm4b:s17+s5], $0x200, $0x38;
	[tilespmem:$0x9600] =	vst v63  }
0x16: {  	_ =	swait.ge [sflag:s1], $0x200  }
0x17: {  	[sflag:s1] =	ssyncset.done $0x0  }
0x18: {  	[sflag:s1] =	ssyncadd.s32 $0xFFFFFE00  }
0x19: {  	v5 =	vld [tilespmem:$0x200]  }
0x1a: {  	v6 =	vld [tilespmem:$0x0];
	_ =	sdelay $0x1  }
0x1b: {  	v7 =	vmov s5  }
0x1c: {  	vm1 =	veq.s32 v7, v1  }
0x1d: {  	v7 =	vnsel vm1, $0x0, v5  }
0x1e: {  	v8 =	vnsel vm1, $0x0, v6;
	(xrf0) =	vadd.scan.msk.s32 $0xffff, v7  }
0x1f: {  	(xrf0) =	vadd.scan.msk.s32 $0xffff, v8;
	_ =	sdelay $0x4  }
0x20: {  	v7, _, _ =	vpop (xrf0)  }
0x21: {  	(v2sf) =	vpush v7, $0xF;
	v7, _, _ =	vpop (xrf0)  }
0x22: {  	(v2sf) =	vpush v7, $0xF;
	_ =	sdelay $0x3  }
0x23: {  	v8 =	vand.u32 $0x7F, v5;
	v7 =	vshra.s32 v5, $0x1F  }
0x24: {  	vm1 =	vlt.s32 v5, $0x1;
	vm2 =	vne.s32 v8, $0x0;
	v7 =	vshrl.u32 v7, $0x19  }
0x25: {  	vm1 =	vmand vm1, vm2;
	v7 =	vadd.s32 v7, v5  }
0x26: {  	v8 =	vsel vm1, $0xFFFFFFFF, v0;
	v7 =	vshra.s32 v7, $0x7  }
0x27: {  	v7 =	vadd.s32 v8, v7;
	_ =	sdelay $0x3  }
0x28: {  	s21 =	simm.s32 $0x8400  }
0x29: {  	[tilespmem:s21], [sflag:$0x1] =	stream.indirect_vreg.gather [hbm4b:s15+s5], $0x80, v7, vm0, $0xb8;
	[tilespmem:$0x9600] =	vst v63  }
0x2a: {  	s4 =	spop (v2sf)  }
0x2b: {  	s22 =	spop (v2sf)  }
0x2c: {  	s3 =	sand.u32 $0xF, s22  }
0x2d: {  	s6 =	sshra.s32 s22, $0x1F;
	p1 =	slt.s32 s22, $0x1;
	p0 =	sne.s32 s3, $0x0  }
0x2e: {  	s23 =	sshrl.u32 s6, $0x1C;
	p0 =	por !p1, !p0  }
0x2f: {  	s3 =	simm.s32 $0x1;
	s0 =	sadd.s32 s23, s22;
	p0 =	por !p0, !p0  }
0x30: {  	s0 =	sshra.s32 s0, $0x4;
	s3 =	simm.s32 @!p0 $0x0  }
0x31: {  	s0 =	ssub.s32 s0, s3  }
0x32: {  	s3 =	sshll.u32 s0, $0x7;
	s0 =	sshll.u32 s0, $0x4  }
0x33: {  	s3 =	sand.u32 $0xFFFFFC00, s3;
	s0 =	sand.u32 $0x70, s0  }
0x34: {  	s24 =	sand.u32 $0x1000, s5;
	s25 =	sand.u32 $0x70, s5;
	s0 =	sor.u32 s0, s3  }
0x35: {  	s23 =	sor.u32 s25, s24;
	s0 =	sshrl.u32 s0, $0x3  }
0x36: {  	s3 =	sor.u32 $0x400, s23;
	s0 =	sadd.s32 s31, s0  }
0x37: {  	[tilespmem:s3], [sflag:$0x1] =	stream.linear.gather [hbm4b:s0+s5], $0x10, $0x38;
	[tilespmem:$0x9600] =	vst v63  }
0x38: {  	p5 =	slt.s32 s4, $0x1;
	s6 =	sor.u32 $0x480, s23;
	s26 =	sadd.s32 $0x10, s0  }
0x39: {  	[tilespmem:s6], [sflag:$0x1] =	stream.linear.gather [hbm4b:s26+s5], $0x10, $0x38;
	[tilespmem:$0x9600] =	vst v63  }
0x3a: {  	s14 =	sand.u32 $0xF, s4;
	s29 =	sor.u32 $0x500, s23;
	s28 =	sadd.s32 $0x20, s0  }
0x3b: {  	[tilespmem:s29], [sflag:$0x1] =	stream.linear.gather [hbm4b:s28+s5], $0x10, $0x38;
	[tilespmem:$0x9600] =	vst v63  }
0x3c: {  	p6 =	sne.s32 s14, $0x0;
	s2 =	sor.u32 $0x580, s23;
	s1 =	sadd.s32 $0x30, s0  }
0x3d: {  	[tilespmem:s2], [sflag:$0x1] =	stream.linear.gather [hbm4b:s1+s5], $0x10, $0x38;
	[tilespmem:$0x9600] =	vst v63  }
0x3e: {  	s24 =	sshra.s32 s4, $0x1F;
	s7 =	sor.u32 $0x600, s23;
	s6 =	sadd.s32 $0x40, s0  }
0x3f: {  	[tilespmem:s7], [sflag:$0x1] =	stream.linear.gather [hbm4b:s6+s5], $0x10, $0x38;
	[tilespmem:$0x9600] =	vst v63  }
0x40: {  	s9 =	sor.u32 $0x680, s23;
	s11 =	sor.u32 $0x700, s23;
	s8 =	sadd.s32 $0x50, s0  }
0x41: {  	[tilespmem:s9], [sflag:$0x1] =	stream.linear.gather [hbm4b:s8+s5], $0x10, $0x38;
	[tilespmem:$0x9600] =	vst v63  }
0x42: {  	s13 =	sor.u32 $0x780, s23;
	s20 =	sor.u32 $0x880, s23;
	s10 =	sadd.s32 $0x60, s0  }
0x43: {  	[tilespmem:s11], [sflag:$0x1] =	stream.linear.gather [hbm4b:s10+s5], $0x10, $0x38;
	[tilespmem:$0x9600] =	vst v63  }
0x44: {  	s22 =	sor.u32 $0x900, s23;
	p0 =	por !p5, !p6;
	s12 =	sadd.s32 $0x70, s0  }
0x45: {  	[tilespmem:s13], [sflag:$0x1] =	stream.linear.gather [hbm4b:s12+s5], $0x10, $0x38;
	[tilespmem:$0x9600] =	vst v63  }
0x46: {  	p0 =	por !p0, !p0;
	s15 =	sadd.s32 $0xF4280, s0;
	s7 =	sor.u32 $0x800, s23  }
0x47: {  	[tilespmem:s7], [sflag:$0x1] =	stream.linear.gather [hbm4b:s15+s5], $0x10, $0x38;
	[tilespmem:$0x9600] =	vst v63  }
0x48: {  	s31 =	sadd.s32 $0x5000, s23;
	s3 =	sshrl.u32 s24, $0x1C;
	s17 =	sadd.s32 $0x10, s15  }
0x49: {  	[tilespmem:s20], [sflag:$0x1] =	stream.linear.gather [hbm4b:s17+s5], $0x10, $0x38;
	[tilespmem:$0x9600] =	vst v63  }
0x4a: {  	s24 =	sor.u32 $0xE00, s23;
	s21 =	sadd.s32 $0x20, s15;
	s25 =	sadd.s32 $0x30, s15  }
0x4b: {  	[tilespmem:s22], [sflag:$0x1] =	stream.linear.gather [hbm4b:s21+s5], $0x10, $0x38;
	[tilespmem:$0x9600] =	vst v63  }
0x4c: {  	s3 =	sadd.s32 s3, s4;
	s26 =	sadd.s32 $0x40, s15;
	s8 =	sor.u32 $0x980, s23  }
0x4d: {  	[tilespmem:s8], [sflag:$0x1] =	stream.linear.gather [hbm4b:s25+s5], $0x10, $0x38;
	[tilespmem:$0x9600] =	vst v63  }
0x4e: {  	s3 =	sshra.s32 s3, $0x4;
	s28 =	sor.u32 $0xA00, s23;
	s29 =	sadd.s32 $0x50, s15  }
0x4f: {  	[tilespmem:s28], [sflag:$0x1] =	stream.linear.gather [hbm4b:s26+s5], $0x10, $0x38;
	[tilespmem:$0x9600] =	vst v63  }
0x50: {  	s1 =	sor.u32 $0xA80, s23;
	s2 =	sadd.s32 $0x60, s15;
	s6 =	sadd.s32 $0x70, s15  }
0x51: {  	[tilespmem:s1], [sflag:$0x1] =	stream.linear.gather [hbm4b:s29+s5], $0x10, $0x38;
	[tilespmem:$0x9600] =	vst v63  }
0x52: {  	s9 =	sor.u32 $0xB00, s23;
	s10 =	sadd.s32 $0x1E8500, s0;
	s11 =	sor.u32 $0xC00, s23  }
0x53: {  	[tilespmem:s9], [sflag:$0x1] =	stream.linear.gather [hbm4b:s2+s5], $0x10, $0x38;
	[tilespmem:$0x9600] =	vst v63  }
0x54: {  	s14 =	sadd.s32 $0x20, s10;
	s7 =	simm.s32 $0x1;
	s9 =	sor.u32 $0xB80, s23  }
0x55: {  	[tilespmem:s9], [sflag:$0x1] =	stream.linear.gather [hbm4b:s6+s5], $0x10, $0x38;
	[tilespmem:$0x9600] =	vst v63  }
0x56: {  	s4 =	sadd.s32 $0x70, s10;
	s12 =	sadd.s32 $0x10, s10;
	s7 =	simm.s32 @!p0 $0x0  }
0x57: {  	[tilespmem:s11], [sflag:$0x1] =	stream.linear.gather [hbm4b:s10+s5], $0x10, $0x38;
	[tilespmem:$0x9600] =	vst v63  }
0x58: {  	s13 =	sor.u32 $0xC80, s23;
	s15 =	sor.u32 $0xD00, s23;
	s3 =	ssub.s32 s3, s7  }
0x59: {  	[tilespmem:s13], [sflag:$0x1] =	stream.linear.gather [hbm4b:s12+s5], $0x10, $0x38;
	[tilespmem:$0x9600] =	vst v63  }
0x5a: {  	s20 =	sadd.s32 $0x30, s10;
	s7 =	sadd.s32 $0x1000, s23;
	s17 =	sshll.u32 s3, $0x4  }
0x5b: {  	[tilespmem:s15], [sflag:$0x1] =	stream.linear.gather [hbm4b:s14+s5], $0x10, $0x38;
	[tilespmem:$0x9600] =	vst v63  }
0x5c: {  	s3 =	sshll.u32 s3, $0x7;
	s21 =	sor.u32 $0xD80, s23;
	s22 =	sadd.s32 $0x40, s10  }
0x5d: {  	[tilespmem:s21], [sflag:$0x1] =	stream.linear.gather [hbm4b:s20+s5], $0x10, $0x38;
	[tilespmem:$0x9600] =	vst v63  }
0x5e: {  	s3 =	sand.u32 $0xFFFFFC00, s3;
	s25 =	sadd.s32 $0x50, s10;
	s26 =	sor.u32 $0xE80, s23  }
0x5f: {  	[tilespmem:s24], [sflag:$0x1] =	stream.linear.gather [hbm4b:s22+s5], $0x10, $0x38;
	[tilespmem:$0x9600] =	vst v63  }
0x60: {  	s28 =	sadd.s32 $0x60, s10;
	s29 =	sor.u32 $0xF00, s23;
	s1 =	sor.u32 $0xF80, s23  }
0x61: {  	[tilespmem:s26], [sflag:$0x1] =	stream.linear.gather [hbm4b:s25+s5], $0x10, $0x38;
	[tilespmem:$0x9600] =	vst v63  }
0x62: {  	s2 =	sadd.s32 $0x2DC780, s0;
	s0 =	simm.s32 $0x1;
	s6 =	sand.u32 $0x70, s17  }
0x63: {  	[tilespmem:s29], [sflag:$0x1] =	stream.linear.gather [hbm4b:s28+s5], $0x10, $0x38;
	[tilespmem:$0x9600] =	vst v63  }
0x64: {  	s8 =	sadd.s32 $0x10, s2;
	s9 =	sadd.s32 $0x1080, s23;
	s3 =	sor.u32 s6, s3  }
0x65: {  	[tilespmem:s1], [sflag:$0x1] =	stream.linear.gather [hbm4b:s4+s5], $0x10, $0x38;
	[tilespmem:$0x9600] =	vst v63  }
0x66: {  	s17 =	sadd.s32 $0x50, s2;
	s6 =	sor.u32 $0x4E80, s23;
	s3 =	sshrl.u32 s3, $0x3  }
0x67: {  	[tilespmem:s7], [sflag:$0x1] =	stream.linear.gather [hbm4b:s2+s5], $0x10, $0x38;
	[tilespmem:$0x9600] =	vst v63  }
0x68: {  	s10 =	sadd.s32 $0x20, s2;
	s11 =	sadd.s32 $0x1100, s23;
	s12 =	sadd.s32 $0x30, s2  }
0x69: {  	[tilespmem:s9], [sflag:$0x1] =	stream.linear.gather [hbm4b:s8+s5], $0x10, $0x38;
	[tilespmem:$0x9600] =	vst v63  }
0x6a: {  	s13 =	sadd.s32 $0x1180, s23;
	s14 =	sadd.s32 $0x40, s2;
	s15 =	sadd.s32 $0x1200, s23  }
0x6b: {  	[tilespmem:s11], [sflag:$0x1] =	stream.linear.gather [hbm4b:s10+s5], $0x10, $0x38;
	[tilespmem:$0x9600] =	vst v63  }
0x6c: {  	s20 =	sadd.s32 $0x1280, s23;
	s21 =	sadd.s32 $0x60, s2;
	s24 =	simm.s32 $0x200  }
0x6d: {  	[tilespmem:s13], [sflag:$0x1] =	stream.linear.gather [hbm4b:s12+s5], $0x10, $0x38;
	[tilespmem:$0x9600] =	vst v63  }
0x6e: {  	s22 =	sadd.s32 $0x1300, s23;
	s25 =	simm.s32 $0x10;
	s26 =	sadd.s32 $0x1380, s23  }
0x6f: {  	[tilespmem:s15], [sflag:$0x1] =	stream.linear.gather [hbm4b:s14+s5], $0x10, $0x38;
	[tilespmem:$0x9600] =	vst v63  }
0x70: {  	s28 =	sor.u32 $0x4400, s23;
	s29 =	sor.u32 $0x4480, s23;
	s4 =	sadd.s32 $0x70, s2  }
0x71: {  	[tilespmem:s20], [sflag:$0x1] =	stream.linear.gather [hbm4b:s17+s5], $0x10, $0x38;
	[tilespmem:$0x9600] =	vst v63  }
0x72: {  	s7 =	sor.u32 $0x4E00, s23;
	s8 =	sadd.s32 s30, s3;
	s3 =	sor.u32 $0x4500, s23  }
0x73: {  	[tilespmem:s22], [sflag:$0x1] =	stream.linear.gather [hbm4b:s21+s5], $0x10, $0x38;
	[tilespmem:$0x9600] =	vst v63  }
0x74: {  	s30 =	sadd.s32 $0x10, s8;
	s9 =	sadd.s32 $0x20, s8;
	s10 =	sadd.s32 $0x5180, s23  }
0x75: {  	[tilespmem:s26], [sflag:$0x1] =	stream.linear.gather [hbm4b:s4+s5], $0x10, $0x38;
	[tilespmem:$0x9600] =	vst v63  }
0x76: {  	s11 =	sor.u32 $0x4F00, s23;
	s12 =	sadd.s32 $0x5100, s23;
	s14 =	sadd.s32 $0x5200, s23  }
0x77: {  	[tilespmem:s28], [sflag:$0x1] =	stream.linear.gather [hbm4b:s8+s5], $0x10, $0x38;
	[tilespmem:$0x9600] =	vst v63  }
0x78: {  	s15 =	sadd.s32 $0x5080, s23;
	s22 =	simm.s32 $0x0;
	s4 =	sor.u32 $0x4F80, s23  }
0x79: {  	[tilespmem:s29], [sflag:$0x1] =	stream.linear.gather [hbm4b:s30+s5], $0x10, $0x38;
	[tilespmem:$0x9600] =	vst v63  }
.LBB2_2:
0x7a: {  	[dreg:$0x9] =	wrdreg s12  }
0x7b: {  	[dreg:$0x8] =	wrdreg s10  }
0x7c: {  	[tilespmem:s3], [sflag:$0x1] =	stream.linear.gather [hbm4b:s9+s22], $0x10, $0x38;
	[tilespmem:$0x9600] =	vst v63  }
0x7d: {  	[dreg:$0x7] =	wrdreg s14;
	v7 =	vmov s0;
	s28 =	smov.u32 s0  }
0x7e: {  	s3 =	sadd.s32 $0x30, s8;
	s29 =	sor.u32 $0x4580, s23;
	s20 =	sor.u32 $0x4D80, s23;
	vm1 =	veq.s32 v7, v1  }
0x7f: {  	v8 =	vnsel vm1, $0x0, v5;
	[tilespmem:s29], [sflag:$0x1] =	stream.linear.gather [hbm4b:s3+s22], $0x10, $0x38;
	[tilespmem:$0x9600] =	vst v63  }
0x80: {  	s1 =	sadd.s32 $0x40, s8;
	s2 =	sor.u32 $0x4600, s23;
	s9 =	sor.u32 $0x4D00, s23;
	(xrf0) =	vadd.scan.msk.s32 $0xffff, v8  }
0x81: {  	v7 =	vnsel vm1, $0x0, v6;
	[tilespmem:s2], [sflag:$0x1] =	stream.linear.gather [hbm4b:s1+s22], $0x10, $0x38;
	[tilespmem:$0x9600] =	vst v63  }
0x82: {  	s10 =	sadd.s32 $0x50, s8;
	s13 =	sor.u32 $0x4680, s23;
	s12 =	sor.u32 $0x4C80, s23;
	(xrf0) =	vadd.scan.msk.s32 $0xffff, v7  }
0x83: {  	[tilespmem:s13], [sflag:$0x1] =	stream.linear.gather [hbm4b:s10+s22], $0x10, $0x38;
	[tilespmem:$0x9600] =	vst v63  }
0x84: {  	s14 =	sadd.s32 $0x60, s8;
	s17 =	sor.u32 $0x4700, s23;
	s21 =	sadd.s32 $0x70, s8  }
0x85: {  	[tilespmem:s17], [sflag:$0x1] =	stream.linear.gather [hbm4b:s14+s22], $0x10, $0x38;
	[tilespmem:$0x9600] =	vst v63  }
0x86: {  	s26 =	sor.u32 $0x4780, s23;
	s28 =	sor.u32 $0x4800, s23;
	s3 =	sadd.s32 $0x30E00, s8;
	v7, _, _ =	vpop (xrf0)  }
0x87: {  	(v2sf) =	vpush v7, $0xF;
	[tilespmem:s26], [sflag:$0x1] =	stream.linear.gather [hbm4b:s21+s22], $0x10, $0x38;
	[tilespmem:$0x9600] =	vst v63  }
0x88: {  	s1 =	sor.u32 $0x4B00, s23;
	s2 =	sor.u32 $0x4880, s23;
	v7, _, _ =	vpop (xrf0);
	s21 =	sadd.s32 $0x18700, s8  }
0x89: {  	(v2sf) =	vpush v7, $0xF;
	[tilespmem:s28], [sflag:$0x1] =	stream.linear.gather [hbm4b:s21+s22], $0x10, $0x38;
	[tilespmem:$0x9600] =	vst v63  }
0x8a: {  	s13 =	sor.u32 $0x4C00, s23;
	s17 =	sor.u32 $0x4B80, s23;
	s29 =	sadd.s32 $0x10, s21  }
0x8b: {  	[tilespmem:s2], [sflag:$0x1] =	stream.linear.gather [hbm4b:s29+s22], $0x10, $0x38;
	[tilespmem:$0x9600] =	vst v63  }
0x8c: {  	s14 =	sadd.s32 $0x70, s3;
	s26 =	sadd.s32 $0x20, s21;
	s28 =	sor.u32 $0x4900, s23  }
0x8d: {  	[tilespmem:s28], [sflag:$0x1] =	stream.linear.gather [hbm4b:s26+s22], $0x10, $0x38;
	[tilespmem:$0x9600] =	vst v63  }
0x8e: {  	s8 =	sadd.s32 $0x49500, s8;
	s29 =	sadd.s32 $0x30, s21;
	s26 =	sor.u32 $0x4980, s23  }
0x8f: {  	[tilespmem:s26], [sflag:$0x1] =	stream.linear.gather [hbm4b:s29+s22], $0x10, $0x38;
	[tilespmem:$0x9600] =	vst v63  }
0x90: {  	s10 =	sadd.s32 $0x20, s8;
	s28 =	sor.u32 $0x4A00, s23;
	s26 =	sadd.s32 $0x40, s21  }
0x91: {  	[tilespmem:s28], [sflag:$0x1] =	stream.linear.gather [hbm4b:s26+s22], $0x10, $0x38;
	[tilespmem:$0x9600] =	vst v63  }
0x92: {  	s2 =	sadd.s32 $0x70, s21;
	s29 =	sadd.s32 $0x50, s21;
	s28 =	sor.u32 $0x4A80, s23  }
0x93: {  	[tilespmem:s28], [sflag:$0x1] =	stream.linear.gather [hbm4b:s29+s22], $0x10, $0x38;
	[tilespmem:$0x9600] =	vst v63  }
0x94: {  	s26 =	sadd.s32 $0x10, s3;
	s29 =	sadd.s32 $0x60, s21;
	s28 =	sadd.s32 $0x30, s3  }
0x95: {  	[tilespmem:s1], [sflag:$0x1] =	stream.linear.gather [hbm4b:s29+s22], $0x10, $0x38;
	[tilespmem:$0x9600] =	vst v63  }
0x96: {  	s21 =	sadd.s32 $0x30, s8;
	s29 =	sadd.s32 $0x20, s3;
	s1 =	spop (v2sf)  }
0x97: {  	[tilespmem:s17], [sflag:$0x1] =	stream.linear.gather [hbm4b:s2+s22], $0x10, $0x38;
	[tilespmem:$0x9600] =	vst v63  }
0x98: {  	p1 =	slt.s32 s1, $0x1;
	s2 =	sand.u32 $0xF, s1;
	s17 =	spop (v2sf)  }
0x99: {  	s30 =	sand.u32 $0xF, s17;
	p2 =	sne.s32 s2, $0x0;
	p6 =	slt.s32 s17, $0x1  }
0x9a: {  	[tilespmem:s13], [sflag:$0x1] =	stream.linear.gather [hbm4b:s3+s22], $0x10, $0x38;
	[tilespmem:$0x9600] =	vst v63  }
0x9b: {  	s13 =	sshra.s32 s17, $0x1F;
	p0 =	sne.s32 s30, $0x0;
	p1 =	por !p1, !p2  }
0x9c: {  	s13 =	sshrl.u32 s13, $0x1C;
	p1 =	por !p1, !p1;
	p0 =	por !p6, !p0  }
0x9d: {  	[tilespmem:s12], [sflag:$0x1] =	stream.linear.gather [hbm4b:s26+s22], $0x10, $0x38;
	[tilespmem:$0x9600] =	vst v63  }
0x9e: {  	s2 =	sadd.s32 s13, s17;
	s26 =	sshra.s32 s1, $0x1F;
	s12 =	simm.s32 $0x1  }
0x9f: {  	p0 =	por !p0, !p0;
	s17 =	rddreg [dreg:$0x9];
	s12 =	simm.s32 @!p1 $0x0  }
0xa0: {  	[tilespmem:s9], [sflag:$0x1] =	stream.linear.gather [hbm4b:s29+s22], $0x10, $0x38;
	[tilespmem:$0x9600] =	vst v63  }
0xa1: {  	s2 =	sshra.s32 s2, $0x4;
	s9 =	sshrl.u32 s26, $0x1C;
	s29 =	sadd.s32 $0x40, s3  }
0xa2: {  	[tilespmem:s20], [sflag:$0x1] =	stream.linear.gather [hbm4b:s28+s22], $0x10, $0x38;
	[tilespmem:$0x9600] =	vst v63  }
0xa3: {  	s26 =	rddreg [dreg:$0x8];
	s1 =	sadd.s32 s9, s1;
	s9 =	sadd.s32 $0x50, s3  }
0xa4: {  	[tilespmem:s7], [sflag:$0x1] =	stream.linear.gather [hbm4b:s29+s22], $0x10, $0x38;
	[tilespmem:$0x9600] =	vst v63  }
0xa5: {  	s3 =	sadd.s32 $0x60, s3;
	s1 =	sshra.s32 s1, $0x4;
	s20 =	sadd.s32 $0x40, s8  }
0xa6: {  	[tilespmem:s6], [sflag:$0x1] =	stream.linear.gather [hbm4b:s9+s22], $0x10, $0x38;
	[tilespmem:$0x9600] =	vst v63  }
0xa7: {  	s28 =	sadd.s32 $0x50, s8;
	s1 =	ssub.s32 s1, s12;
	s12 =	sadd.s32 $0x10, s8  }
0xa8: {  	[tilespmem:s11], [sflag:$0x1] =	stream.linear.gather [hbm4b:s3+s22], $0x10, $0x38;
	[tilespmem:$0x9600] =	vst v63  }
0xa9: {  	s13 =	sshll.u32 s1, $0x4;
	s1 =	sshll.u32 s1, $0x7;
	s29 =	sadd.s32 $0x5280, s23  }
0xaa: {  	[tilespmem:s4], [sflag:$0x1] =	stream.linear.gather [hbm4b:s14+s22], $0x10, $0x38;
	[tilespmem:$0x9600] =	vst v63  }
0xab: {  	s1 =	sand.u32 $0xFFFFFC00, s1;
	s9 =	rddreg [dreg:$0x7];
	s11 =	sadd.s32 $0x5300, s23  }
0xac: {  	[tilespmem:s31], [sflag:$0x1] =	stream.linear.gather [hbm4b:s8+s22], $0x10, $0x38;
	[tilespmem:$0x9600] =	vst v63  }
0xad: {  	s4 =	simm.s32 $0x1;
	s14 =	sand.u32 $0x70, s13;
	s13 =	sadd.s32 $0x5380, s23  }
0xae: {  	[tilespmem:s15], [sflag:$0x1] =	stream.linear.gather [hbm4b:s12+s22], $0x10, $0x38;
	[tilespmem:$0x9600] =	vst v63  }
0xaf: {  	s4 =	simm.s32 @!p0 $0x0;
	s1 =	sor.u32 s14, s1;
	p0 =	sne.s32 s0, $0xF  }
0xb0: {  	[tilespmem:s17], [sflag:$0x1] =	stream.linear.gather [hbm4b:s10+s22], $0x10, $0x38;
	[tilespmem:$0x9600] =	vst v63  }
0xb1: {  	s14 =	sand.u32 $0x1000, s24;
	s2 =	ssub.s32 s2, s4;
	s4 =	sshrl.u32 s1, $0x3  }
0xb2: {  	[tilespmem:s26], [sflag:$0x1] =	stream.linear.gather [hbm4b:s21+s22], $0x10, $0x38;
	[tilespmem:$0x9600] =	vst v63  }
0xb3: {  	s15 =	sshll.u32 s2, $0x7;
	s2 =	sshll.u32 s2, $0x4;
	s12 =	sadd.s32 $0x70, s8  }
0xb4: {  	[tilespmem:s9], [sflag:$0x1] =	stream.linear.gather [hbm4b:s20+s22], $0x10, $0x38;
	[tilespmem:$0x9600] =	vst v63  }
0xb5: {  	s3 =	sand.u32 $0xFFFFFC00, s15;
	s2 =	sand.u32 $0x70, s2;
	s15 =	sand.u32 $0x70, s25  }
0xb6: {  	[tilespmem:s29], [sflag:$0x1] =	stream.linear.gather [hbm4b:s28+s22], $0x10, $0x38;
	[tilespmem:$0x9600] =	vst v63  }
0xb7: {  	s2 =	sor.u32 s2, s3;
	s10 =	sadd.s32 $0x60, s8;
	s23 =	sor.u32 s15, s14  }
0xb8: {  	[tilespmem:s11], [sflag:$0x1] =	stream.linear.gather [hbm4b:s10+s22], $0x10, $0x38;
	[tilespmem:$0x9600] =	vst v63  }
0xb9: {  	s17 =	rddreg [dreg:$0x2];
	s2 =	sshrl.u32 s2, $0x3;
	s1 =	sor.u32 $0x400, s23  }
0xba: {  	[tilespmem:s13], [sflag:$0x1] =	stream.linear.gather [hbm4b:s12+s22], $0x10, $0x38;
	[tilespmem:$0x9600] =	vst v63  }
0xbb: {  	s20 =	sadd.s32 $0x1, s0;
	s0 =	sadd.s32 s17, s2;
	s22 =	simm.s32 $0x0  }
0xbc: {  	[tilespmem:s1], [sflag:$0x1] =	stream.linear.gather [hbm4b:s0+s22], $0x10, $0x38;
	[tilespmem:$0x9600] =	vst v63  }
0xbd: {  	s21 =	sor.u32 $0x480, s23;
	s2 =	sadd.s32 $0x10, s0  }
0xbe: {  	[tilespmem:s21], [sflag:$0x1] =	stream.linear.gather [hbm4b:s2+s22], $0x10, $0x38;
	[tilespmem:$0x9600] =	vst v63  }
0xbf: {  	s6 =	sor.u32 $0x500, s23;
	s26 =	sadd.s32 $0x20, s0  }
0xc0: {  	[tilespmem:s6], [sflag:$0x1] =	stream.linear.gather [hbm4b:s26+s22], $0x10, $0x38;
	[tilespmem:$0x9600] =	vst v63  }
0xc1: {  	s28 =	sadd.s32 $0x30, s0;
	s29 =	sor.u32 $0x580, s23  }
0xc2: {  	[tilespmem:s29], [sflag:$0x1] =	stream.linear.gather [hbm4b:s28+s22], $0x10, $0x38;
	[tilespmem:$0x9600] =	vst v63  }
0xc3: {  	s8 =	sor.u32 $0x600, s23;
	s7 =	sadd.s32 $0x40, s0  }
0xc4: {  	[tilespmem:s8], [sflag:$0x1] =	stream.linear.gather [hbm4b:s7+s22], $0x10, $0x38;
	[tilespmem:$0x9600] =	vst v63  }
0xc5: {  	s9 =	sadd.s32 $0x50, s0;
	s10 =	sor.u32 $0x680, s23  }
0xc6: {  	[tilespmem:s10], [sflag:$0x1] =	stream.linear.gather [hbm4b:s9+s22], $0x10, $0x38;
	[tilespmem:$0x9600] =	vst v63  }
0xc7: {  	s11 =	sadd.s32 $0x60, s0;
	s12 =	sor.u32 $0x700, s23  }
0xc8: {  	[tilespmem:s12], [sflag:$0x1] =	stream.linear.gather [hbm4b:s11+s22], $0x10, $0x38;
	[tilespmem:$0x9600] =	vst v63  }
0xc9: {  	s14 =	sor.u32 $0x780, s23;
	s13 =	sadd.s32 $0x70, s0  }
0xca: {  	[tilespmem:s14], [sflag:$0x1] =	stream.linear.gather [hbm4b:s13+s22], $0x10, $0x38;
	[tilespmem:$0x9600] =	vst v63  }
0xcb: {  	s17 =	sor.u32 $0x800, s23;
	s15 =	sadd.s32 $0xF4280, s0  }
0xcc: {  	[tilespmem:s17], [sflag:$0x1] =	stream.linear.gather [hbm4b:s15+s22], $0x10, $0x38;
	[tilespmem:$0x9600] =	vst v63  }
0xcd: {  	s21 =	sadd.s32 $0x10, s15;
	s26 =	sor.u32 $0x880, s23  }
0xce: {  	[tilespmem:s26], [sflag:$0x1] =	stream.linear.gather [hbm4b:s21+s22], $0x10, $0x38;
	[tilespmem:$0x9600] =	vst v63  }
0xcf: {  	s28 =	sadd.s32 $0x20, s15;
	s29 =	sor.u32 $0x900, s23  }
0xd0: {  	[tilespmem:s29], [sflag:$0x1] =	stream.linear.gather [hbm4b:s28+s22], $0x10, $0x38;
	[tilespmem:$0x9600] =	vst v63  }
0xd1: {  	s3 =	sadd.s32 $0x30, s15;
	s8 =	sor.u32 $0x980, s23  }
0xd2: {  	[tilespmem:s8], [sflag:$0x1] =	stream.linear.gather [hbm4b:s3+s22], $0x10, $0x38;
	[tilespmem:$0x9600] =	vst v63  }
0xd3: {  	s9 =	sadd.s32 $0x40, s15;
	s10 =	sor.u32 $0xA00, s23  }
0xd4: {  	[tilespmem:s10], [sflag:$0x1] =	stream.linear.gather [hbm4b:s9+s22], $0x10, $0x38;
	[tilespmem:$0x9600] =	vst v63  }
0xd5: {  	s11 =	sadd.s32 $0x50, s15;
	s12 =	sor.u32 $0xA80, s23  }
0xd6: {  	[tilespmem:s12], [sflag:$0x1] =	stream.linear.gather [hbm4b:s11+s22], $0x10, $0x38;
	[tilespmem:$0x9600] =	vst v63  }
0xd7: {  	s13 =	sadd.s32 $0x60, s15;
	s14 =	sor.u32 $0xB00, s23  }
0xd8: {  	[tilespmem:s14], [sflag:$0x1] =	stream.linear.gather [hbm4b:s13+s22], $0x10, $0x38;
	[tilespmem:$0x9600] =	vst v63  }
0xd9: {  	s1 =	sadd.s32 $0x70, s15;
	s15 =	sor.u32 $0xB80, s23  }
0xda: {  	[tilespmem:s15], [sflag:$0x1] =	stream.linear.gather [hbm4b:s1+s22], $0x10, $0x38;
	[tilespmem:$0x9600] =	vst v63  }
0xdb: {  	s17 =	sor.u32 $0xC00, s23;
	s3 =	sadd.s32 $0x1E8500, s0  }
0xdc: {  	[tilespmem:s17], [sflag:$0x1] =	stream.linear.gather [hbm4b:s3+s22], $0x10, $0x38;
	[tilespmem:$0x9600] =	vst v63  }
0xdd: {  	s26 =	sor.u32 $0xC80, s23;
	s21 =	sadd.s32 $0x10, s3  }
0xde: {  	[tilespmem:s26], [sflag:$0x1] =	stream.linear.gather [hbm4b:s21+s22], $0x10, $0x38;
	[tilespmem:$0x9600] =	vst v63  }
0xdf: {  	s29 =	sor.u32 $0xD00, s23;
	s28 =	sadd.s32 $0x20, s3  }
0xe0: {  	[tilespmem:s29], [sflag:$0x1] =	stream.linear.gather [hbm4b:s28+s22], $0x10, $0x38;
	[tilespmem:$0x9600] =	vst v63  }
0xe1: {  	s8 =	sadd.s32 $0x30, s3;
	s9 =	sor.u32 $0xD80, s23  }
0xe2: {  	[tilespmem:s9], [sflag:$0x1] =	stream.linear.gather [hbm4b:s8+s22], $0x10, $0x38;
	[tilespmem:$0x9600] =	vst v63  }
0xe3: {  	s10 =	sadd.s32 $0x40, s3;
	s11 =	sor.u32 $0xE00, s23  }
0xe4: {  	[tilespmem:s11], [sflag:$0x1] =	stream.linear.gather [hbm4b:s10+s22], $0x10, $0x38;
	[tilespmem:$0x9600] =	vst v63  }
0xe5: {  	s30 =	rddreg [dreg:$0x3];
	s12 =	sadd.s32 $0x50, s3;
	s13 =	sor.u32 $0xE80, s23  }
0xe6: {  	[tilespmem:s13], [sflag:$0x1] =	stream.linear.gather [hbm4b:s12+s22], $0x10, $0x38;
	[tilespmem:$0x9600] =	vst v63  }
0xe7: {  	s24 =	sadd.s32 $0x200, s24;
	s14 =	sadd.s32 $0x60, s3;
	s15 =	sor.u32 $0xF00, s23  }
0xe8: {  	[tilespmem:s15], [sflag:$0x1] =	stream.linear.gather [hbm4b:s14+s22], $0x10, $0x38;
	[tilespmem:$0x9600] =	vst v63  }
0xe9: {  	s25 =	sadd.s32 $0x10, s25;
	s17 =	sadd.s32 $0x70, s3;
	s21 =	sor.u32 $0xF80, s23  }
0xea: {  	[tilespmem:s21], [sflag:$0x1] =	stream.linear.gather [hbm4b:s17+s22], $0x10, $0x38;
	[tilespmem:$0x9600] =	vst v63  }
0xeb: {  	s31 =	sadd.s32 $0x5000, s23;
	s0 =	sadd.s32 $0x2DC780, s0;
	s26 =	sadd.s32 $0x1000, s23  }
0xec: {  	[tilespmem:s26], [sflag:$0x1] =	stream.linear.gather [hbm4b:s0+s22], $0x10, $0x38;
	[tilespmem:$0x9600] =	vst v63  }
0xed: {  	s7 =	sadd.s32 $0x1100, s23;
	s28 =	sadd.s32 $0x10, s0;
	s29 =	sadd.s32 $0x1080, s23  }
0xee: {  	[tilespmem:s29], [sflag:$0x1] =	stream.linear.gather [hbm4b:s28+s22], $0x10, $0x38;
	[tilespmem:$0x9600] =	vst v63  }
0xef: {  	s6 =	sadd.s32 $0x20, s0;
	s3 =	sor.u32 $0x4500, s23;
	s8 =	sadd.s32 $0x30, s0  }
0xf0: {  	[tilespmem:s7], [sflag:$0x1] =	stream.linear.gather [hbm4b:s6+s22], $0x10, $0x38;
	[tilespmem:$0x9600] =	vst v63  }
0xf1: {  	s9 =	sadd.s32 $0x1180, s23;
	s10 =	sadd.s32 $0x40, s0;
	s11 =	sadd.s32 $0x1200, s23  }
0xf2: {  	[tilespmem:s9], [sflag:$0x1] =	stream.linear.gather [hbm4b:s8+s22], $0x10, $0x38;
	[tilespmem:$0x9600] =	vst v63  }
0xf3: {  	s12 =	sadd.s32 $0x50, s0;
	s13 =	sadd.s32 $0x1280, s23;
	s14 =	sadd.s32 $0x5200, s23  }
0xf4: {  	[tilespmem:s11], [sflag:$0x1] =	stream.linear.gather [hbm4b:s10+s22], $0x10, $0x38;
	[tilespmem:$0x9600] =	vst v63  }
0xf5: {  	s15 =	sadd.s32 $0x60, s0;
	s17 =	sadd.s32 $0x1300, s23;
	s21 =	sadd.s32 $0x1380, s23  }
0xf6: {  	[tilespmem:s13], [sflag:$0x1] =	stream.linear.gather [hbm4b:s12+s22], $0x10, $0x38;
	[tilespmem:$0x9600] =	vst v63  }
0xf7: {  	s0 =	sadd.s32 $0x70, s0;
	s26 =	sor.u32 $0x4400, s23;
	s28 =	sor.u32 $0x4480, s23  }
0xf8: {  	[tilespmem:s17], [sflag:$0x1] =	stream.linear.gather [hbm4b:s15+s22], $0x10, $0x38;
	[tilespmem:$0x9600] =	vst v63  }
0xf9: {  	s7 =	sor.u32 $0x4E00, s23;
	s6 =	sor.u32 $0x4E80, s23;
	s8 =	sadd.s32 s30, s4  }
0xfa: {  	[tilespmem:s21], [sflag:$0x1] =	stream.linear.gather [hbm4b:s0+s22], $0x10, $0x38;
	[tilespmem:$0x9600] =	vst v63  }
.Ltmp0:
0xfb: {  	s4 =	sor.u32 $0x4F80, s23;
	s29 =	sadd.s32 $0x10, s8;
	(pc) =	sbr.rel @p0 .LBB2_2-.Ltmp0, $4  }
0xfc: {  	s9 =	sadd.s32 $0x20, s8;
	s10 =	sadd.s32 $0x5180, s23;
	s11 =	sor.u32 $0x4F00, s23  }
0xfd: {  	[tilespmem:s26], [sflag:$0x1] =	stream.linear.gather [hbm4b:s8+s22], $0x10, $0x38;
	[tilespmem:$0x9600] =	vst v63  }
0xfe: {  	s12 =	sadd.s32 $0x5100, s23;
	s15 =	sadd.s32 $0x5080, s23;
	s0 =	smov.u32 s20  }
0xff: {  	[tilespmem:s28], [sflag:$0x1] =	stream.linear.gather [hbm4b:s29+s22], $0x10, $0x38;
	[tilespmem:$0x9600] =	vst v63  }
0x100: {  	[tilespmem:s3], [sflag:$0x1] =	stream.linear.gather [hbm4b:s9+s22], $0x10, $0x38;
	[tilespmem:$0x9600] =	vst v63  }
0x101: {  	s0 =	sadd.s32 $0x30, s8;
	s1 =	sor.u32 $0x4580, s23  }
0x102: {  	[tilespmem:s1], [sflag:$0x1] =	stream.linear.gather [hbm4b:s0+s22], $0x10, $0x38;
	[tilespmem:$0x9600] =	vst v63  }
0x103: {  	s21 =	sadd.s32 $0x40, s8;
	s24 =	sor.u32 $0x4600, s23  }
0x104: {  	[tilespmem:s24], [sflag:$0x1] =	stream.linear.gather [hbm4b:s21+s22], $0x10, $0x38;
	[tilespmem:$0x9600] =	vst v63  }
0x105: {  	s25 =	sadd.s32 $0x50, s8;
	s26 =	sor.u32 $0x4680, s23  }
0x106: {  	[tilespmem:s26], [sflag:$0x1] =	stream.linear.gather [hbm4b:s25+s22], $0x10, $0x38;
	[tilespmem:$0x9600] =	vst v63  }
0x107: {  	s28 =	sadd.s32 $0x60, s8;
	s29 =	sor.u32 $0x4700, s23  }
0x108: {  	[tilespmem:s29], [sflag:$0x1] =	stream.linear.gather [hbm4b:s28+s22], $0x10, $0x38;
	[tilespmem:$0x9600] =	vst v63  }
0x109: {  	s2 =	sadd.s32 $0x70, s8;
	s3 =	sor.u32 $0x4780, s23  }
0x10a: {  	[tilespmem:s3], [sflag:$0x1] =	stream.linear.gather [hbm4b:s2+s22], $0x10, $0x38;
	[tilespmem:$0x9600] =	vst v63  }
0x10b: {  	s9 =	sor.u32 $0x4800, s23;
	s0 =	sadd.s32 $0x18700, s8  }
0x10c: {  	[tilespmem:s9], [sflag:$0x1] =	stream.linear.gather [hbm4b:s0+s22], $0x10, $0x38;
	[tilespmem:$0x9600] =	vst v63  }
0x10d: {  	s13 =	sadd.s32 $0x10, s0;
	s2 =	sor.u32 $0x4880, s23  }
0x10e: {  	[tilespmem:s2], [sflag:$0x1] =	stream.linear.gather [hbm4b:s13+s22], $0x10, $0x38;
	[tilespmem:$0x9600] =	vst v63  }
0x10f: {  	s20 =	sor.u32 $0x4900, s23;
	s17 =	sadd.s32 $0x20, s0  }
0x110: {  	[tilespmem:s20], [sflag:$0x1] =	stream.linear.gather [hbm4b:s17+s22], $0x10, $0x38;
	[tilespmem:$0x9600] =	vst v63  }
0x111: {  	s21 =	sadd.s32 $0x30, s0;
	s24 =	sor.u32 $0x4980, s23  }
0x112: {  	[tilespmem:s24], [sflag:$0x1] =	stream.linear.gather [hbm4b:s21+s22], $0x10, $0x38;
	[tilespmem:$0x9600] =	vst v63  }
0x113: {  	s25 =	sadd.s32 $0x40, s0;
	s26 =	sor.u32 $0x4A00, s23  }
0x114: {  	[tilespmem:s26], [sflag:$0x1] =	stream.linear.gather [hbm4b:s25+s22], $0x10, $0x38;
	[tilespmem:$0x9600] =	vst v63  }
0x115: {  	s28 =	sadd.s32 $0x50, s0;
	s29 =	sor.u32 $0x4A80, s23  }
0x116: {  	[tilespmem:s29], [sflag:$0x1] =	stream.linear.gather [hbm4b:s28+s22], $0x10, $0x38;
	[tilespmem:$0x9600] =	vst v63  }
0x117: {  	s3 =	sor.u32 $0x4B00, s23;
	s9 =	sadd.s32 $0x60, s0  }
0x118: {  	[tilespmem:s3], [sflag:$0x1] =	stream.linear.gather [hbm4b:s9+s22], $0x10, $0x38;
	[tilespmem:$0x9600] =	vst v63  }
0x119: {  	s0 =	sadd.s32 $0x70, s0;
	s13 =	sor.u32 $0x4B80, s23  }
0x11a: {  	[tilespmem:s13], [sflag:$0x1] =	stream.linear.gather [hbm4b:s0+s22], $0x10, $0x38;
	[tilespmem:$0x9600] =	vst v63  }
0x11b: {  	s17 =	sor.u32 $0x4C00, s23;
	s20 =	sadd.s32 $0x30E00, s8  }
0x11c: {  	[tilespmem:s17], [sflag:$0x1] =	stream.linear.gather [hbm4b:s20+s22], $0x10, $0x38;
	[tilespmem:$0x9600] =	vst v63  }
0x11d: {  	s21 =	sor.u32 $0x4C80, s23;
	s24 =	sadd.s32 $0x10, s20  }
0x11e: {  	[tilespmem:s21], [sflag:$0x1] =	stream.linear.gather [hbm4b:s24+s22], $0x10, $0x38;
	[tilespmem:$0x9600] =	vst v63  }
0x11f: {  	s25 =	sor.u32 $0x4D00, s23;
	s26 =	sadd.s32 $0x20, s20  }
0x120: {  	[tilespmem:s25], [sflag:$0x1] =	stream.linear.gather [hbm4b:s26+s22], $0x10, $0x38;
	[tilespmem:$0x9600] =	vst v63  }
0x121: {  	s28 =	sor.u32 $0x4D80, s23;
	s29 =	sadd.s32 $0x30, s20  }
0x122: {  	[tilespmem:s28], [sflag:$0x1] =	stream.linear.gather [hbm4b:s29+s22], $0x10, $0x38;
	[tilespmem:$0x9600] =	vst v63  }
0x123: {  	s2 =	sadd.s32 $0x40, s20  }
0x124: {  	[tilespmem:s7], [sflag:$0x1] =	stream.linear.gather [hbm4b:s2+s22], $0x10, $0x38;
	[tilespmem:$0x9600] =	vst v63  }
0x125: {  	s3 =	sadd.s32 $0x50, s20  }
0x126: {  	[tilespmem:s6], [sflag:$0x1] =	stream.linear.gather [hbm4b:s3+s22], $0x10, $0x38;
	[tilespmem:$0x9600] =	vst v63  }
0x127: {  	s7 =	sadd.s32 $0x60, s20  }
0x128: {  	[tilespmem:s11], [sflag:$0x1] =	stream.linear.gather [hbm4b:s7+s22], $0x10, $0x38;
	[tilespmem:$0x9600] =	vst v63  }
0x129: {  	s9 =	sadd.s32 $0x70, s20  }
0x12a: {  	[tilespmem:s4], [sflag:$0x1] =	stream.linear.gather [hbm4b:s9+s22], $0x10, $0x38;
	[tilespmem:$0x9600] =	vst v63  }
0x12b: {  	s11 =	sadd.s32 $0x49500, s8  }
0x12c: {  	[tilespmem:s31], [sflag:$0x1] =	stream.linear.gather [hbm4b:s11+s22], $0x10, $0x38;
	[tilespmem:$0x9600] =	vst v63  }
0x12d: {  	s13 =	sadd.s32 $0x10, s11  }
0x12e: {  	[tilespmem:s15], [sflag:$0x1] =	stream.linear.gather [hbm4b:s13+s22], $0x10, $0x38;
	[tilespmem:$0x9600] =	vst v63  }
0x12f: {  	s17 =	sadd.s32 $0x20, s11  }
0x130: {  	[tilespmem:s12], [sflag:$0x1] =	stream.linear.gather [hbm4b:s17+s22], $0x10, $0x38;
	[tilespmem:$0x9600] =	vst v63  }
0x131: {  	s20 =	sadd.s32 $0x30, s11  }
0x132: {  	[tilespmem:s10], [sflag:$0x1] =	stream.linear.gather [hbm4b:s20+s22], $0x10, $0x38;
	[tilespmem:$0x9600] =	vst v63  }
0x133: {  	s21 =	sadd.s32 $0x40, s11  }
0x134: {  	[tilespmem:s14], [sflag:$0x1] =	stream.linear.gather [hbm4b:s21+s22], $0x10, $0x38;
	[tilespmem:$0x9600] =	vst v63  }
0x135: {  	s25 =	sadd.s32 $0x5280, s23;
	s24 =	sadd.s32 $0x50, s11  }
0x136: {  	[tilespmem:s25], [sflag:$0x1] =	stream.linear.gather [hbm4b:s24+s22], $0x10, $0x38;
	[tilespmem:$0x9600] =	vst v63  }
0x137: {  	s28 =	sadd.s32 $0x5300, s23;
	s26 =	sadd.s32 $0x60, s11  }
0x138: {  	[tilespmem:s28], [sflag:$0x1] =	stream.linear.gather [hbm4b:s26+s22], $0x10, $0x38;
	[tilespmem:$0x9600] =	vst v63  }
0x139: {  	s29 =	sadd.s32 $0x5380, s23;
	s0 =	sadd.s32 $0x70, s11;
	s31 =	rddreg [dreg:$0x2]  }
0x13a: {  	[tilespmem:s29], [sflag:$0x1] =	stream.linear.gather [hbm4b:s0+s22], $0x10, $0x38;
	[tilespmem:$0x9600] =	vst v63  }
0x13b: {  	s1 =	simm.s32 $0x0;
	s15 =	rddreg [dreg:$0x4];
	s0 =	simm.s32 $0x8C00  }
.LBB2_4:
0x13c: {  	s6 =	sshll.u32 s1, $0x5  }
0x13d: {  	v5 =	vld [tilespmem:s6+$0x10]  }
0x13e: {  	v6 =	vld [tilespmem:s6+$0x210];
	_ =	sdelay $0x1  }
0x13f: {  	v7 =	vmov s22  }
0x140: {  	vm1 =	veq.s32 v7, v1  }
0x141: {  	v7 =	vnsel vm1, $0x0, v5  }
0x142: {  	v8 =	vnsel vm1, $0x0, v6;
	(xrf0) =	vadd.scan.msk.s32 $0xffff, v7  }
0x143: {  	(xrf0) =	vadd.scan.msk.s32 $0xffff, v8;
	_ =	sdelay $0x4  }
0x144: {  	v7, _, _ =	vpop (xrf0)  }
0x145: {  	v8, _, _ =	vpop (xrf0)  }
0x146: {  	(v2sf) =	vpush v8, $0xF  }
0x147: {  	(v2sf) =	vpush v7, $0xF;
	_ =	sdelay $0x3  }
0x148: {  	v8 =	vand.u32 $0x7F, v6;
	v7 =	vshra.s32 v6, $0x1F  }
0x149: {  	vm1 =	vlt.s32 v6, $0x1;
	vm2 =	vne.s32 v8, $0x0;
	v7 =	vshrl.u32 v7, $0x19  }
0x14a: {  	vm1 =	vmand vm1, vm2;
	v7 =	vadd.s32 v7, v6  }
0x14b: {  	v8 =	vsel vm1, $0xFFFFFFFF, v0;
	v7 =	vshra.s32 v7, $0x7  }
0x14c: {  	v7 =	vadd.s32 v8, v7;
	_ =	sdelay $0x4  }
0x14d: {  	[tilespmem:s0], [sflag:$0x2] =	stream.indirect_vreg.gather [hbm4b:s15+s22], $0x80, v7, vm0, $0xb8;
	[tilespmem:$0x9600] =	vst v63  }
0x14e: {  	s0 =	spop (v2sf)  }
0x14f: {  	s23 =	spop (v2sf)  }
0x150: {  	s2 =	sand.u32 $0xF, s23  }
0x151: {  	s3 =	sshra.s32 s23, $0x1F;
	p0 =	slt.s32 s23, $0x1;
	p1 =	sne.s32 s2, $0x0  }
0x152: {  	[dreg:$0xf] =	wrdreg s1;
	s24 =	sshrl.u32 s3, $0x1C;
	p0 =	por !p0, !p1  }
0x153: {  	s2 =	simm.s32 $0x1;
	s1 =	sadd.s32 s24, s23;
	p0 =	por !p0, !p0  }
0x154: {  	s1 =	sshra.s32 s1, $0x4;
	s2 =	simm.s32 @!p0 $0x0  }
0x155: {  	s1 =	ssub.s32 s1, s2  }
0x156: {  	s2 =	sshll.u32 s1, $0x7;
	s1 =	sshll.u32 s1, $0x4  }
0x157: {  	s25 =	sand.u32 $0x1000, s22;
	s2 =	sand.u32 $0xFFFFFC00, s2;
	s1 =	sand.u32 $0x70, s1  }
0x158: {  	s26 =	sand.u32 $0x70, s22;
	s28 =	simm.s32 $0x1;
	s1 =	sor.u32 s1, s2  }
0x159: {  	s29 =	simm.s32 $0x0;
	s26 =	sor.u32 s26, s25;
	s1 =	sshrl.u32 s1, $0x3  }
0x15a: {  	[dreg:$0x11] =	wrdreg s6;
	s2 =	sor.u32 $0x2400, s26;
	s4 =	sadd.s32 s31, s1  }
0x15b: {  	[tilespmem:s2], [sflag:$0x2] =	stream.linear.gather [hbm4b:s4+s5], $0x10, $0x38;
	[tilespmem:$0x9600] =	vst v63  }
0x15c: {  	s20 =	sor.u32 $0x10, s6;
	s3 =	sadd.s32 $0x10, s4;
	s2 =	sor.u32 $0x2480, s26  }
0x15d: {  	[tilespmem:s2], [sflag:$0x2] =	stream.linear.gather [hbm4b:s3+s5], $0x10, $0x38;
	[tilespmem:$0x9600] =	vst v63  }
0x15e: {  	s8 =	sor.u32 $0x2500, s26;
	s10 =	sor.u32 $0x2580, s26;
	s7 =	sadd.s32 $0x20, s4  }
0x15f: {  	[tilespmem:s8], [sflag:$0x2] =	stream.linear.gather [hbm4b:s7+s5], $0x10, $0x38;
	[tilespmem:$0x9600] =	vst v63  }
0x160: {  	s12 =	sor.u32 $0x2600, s26;
	s14 =	sor.u32 $0x2680, s26;
	s9 =	sadd.s32 $0x30, s4  }
0x161: {  	[tilespmem:s10], [sflag:$0x2] =	stream.linear.gather [hbm4b:s9+s5], $0x10, $0x38;
	[tilespmem:$0x9600] =	vst v63  }
0x162: {  	s17 =	sor.u32 $0x2700, s26;
	[dreg:$0x10] =	wrdreg s20;
	s11 =	sadd.s32 $0x40, s4  }
0x163: {  	[tilespmem:s12], [sflag:$0x2] =	stream.linear.gather [hbm4b:s11+s5], $0x10, $0x38;
	[tilespmem:$0x9600] =	vst v63  }
0x164: {  	s6 =	sadd.s32 $0x3000, s26;
	p5 =	slt.s32 s0, $0x1;
	s13 =	sadd.s32 $0x50, s4  }
0x165: {  	[tilespmem:s14], [sflag:$0x2] =	stream.linear.gather [hbm4b:s13+s5], $0x10, $0x38;
	[tilespmem:$0x9600] =	vst v63  }
0x166: {  	s23 =	sor.u32 $0x2780, s26;
	s24 =	sshra.s32 s0, $0x1F;
	s15 =	sadd.s32 $0x60, s4  }
0x167: {  	[tilespmem:s17], [sflag:$0x2] =	stream.linear.gather [hbm4b:s15+s5], $0x10, $0x38;
	[tilespmem:$0x9600] =	vst v63  }
0x168: {  	s1 =	sshrl.u32 s24, $0x1C;
	s21 =	sadd.s32 $0x70, s4;
	s25 =	sadd.s32 $0xF4280, s4  }
0x169: {  	[tilespmem:s23], [sflag:$0x2] =	stream.linear.gather [hbm4b:s21+s5], $0x10, $0x38;
	[tilespmem:$0x9600] =	vst v63  }
0x16a: {  	s24 =	sor.u32 $0x2B80, s26;
	s20 =	sadd.s32 $0x60, s25;
	s3 =	sor.u32 $0x2800, s26  }
0x16b: {  	[tilespmem:s3], [sflag:$0x2] =	stream.linear.gather [hbm4b:s25+s5], $0x10, $0x38;
	[tilespmem:$0x9600] =	vst v63  }
0x16c: {  	s2 =	simm.s32 $0x1;
	s7 =	sadd.s32 $0x10, s25;
	s8 =	sor.u32 $0x2880, s26  }
0x16d: {  	[tilespmem:s8], [sflag:$0x2] =	stream.linear.gather [hbm4b:s7+s5], $0x10, $0x38;
	[tilespmem:$0x9600] =	vst v63  }
0x16e: {  	s9 =	sand.u32 $0xF, s0;
	s10 =	sadd.s32 $0x20, s25;
	s7 =	sor.u32 $0x2900, s26  }
0x16f: {  	[tilespmem:s7], [sflag:$0x2] =	stream.linear.gather [hbm4b:s10+s5], $0x10, $0x38;
	[tilespmem:$0x9600] =	vst v63  }
0x170: {  	s0 =	sadd.s32 s1, s0;
	s11 =	sadd.s32 $0x30, s25;
	s12 =	sor.u32 $0x2980, s26  }
0x171: {  	[tilespmem:s12], [sflag:$0x2] =	stream.linear.gather [hbm4b:s11+s5], $0x10, $0x38;
	[tilespmem:$0x9600] =	vst v63  }
0x172: {  	p6 =	sne.s32 s9, $0x0;
	s13 =	sadd.s32 $0x40, s25;
	s14 =	sor.u32 $0x2A00, s26  }
0x173: {  	[tilespmem:s14], [sflag:$0x2] =	stream.linear.gather [hbm4b:s13+s5], $0x10, $0x38;
	[tilespmem:$0x9600] =	vst v63  }
0x174: {  	p0 =	por !p5, !p6;
	s15 =	sadd.s32 $0x50, s25;
	s17 =	sor.u32 $0x2A80, s26  }
0x175: {  	[tilespmem:s17], [sflag:$0x2] =	stream.linear.gather [hbm4b:s15+s5], $0x10, $0x38;
	[tilespmem:$0x9600] =	vst v63  }
0x176: {  	s0 =	sshra.s32 s0, $0x4;
	p0 =	por !p0, !p0;
	s21 =	sor.u32 $0x2B00, s26  }
0x177: {  	[tilespmem:s21], [sflag:$0x2] =	stream.linear.gather [hbm4b:s20+s5], $0x10, $0x38;
	[tilespmem:$0x9600] =	vst v63  }
0x178: {  	s9 =	sor.u32 $0x2C80, s26;
	s2 =	simm.s32 @!p0 $0x0;
	s23 =	sadd.s32 $0x70, s25  }
0x179: {  	[tilespmem:s24], [sflag:$0x2] =	stream.linear.gather [hbm4b:s23+s5], $0x10, $0x38;
	[tilespmem:$0x9600] =	vst v63  }
0x17a: {  	s0 =	ssub.s32 s0, s2;
	s25 =	sadd.s32 $0x1E8500, s4;
	s7 =	sor.u32 $0x2C00, s26  }
0x17b: {  	[tilespmem:s7], [sflag:$0x2] =	stream.linear.gather [hbm4b:s25+s5], $0x10, $0x38;
	[tilespmem:$0x9600] =	vst v63  }
0x17c: {  	s4 =	sadd.s32 $0x2DC780, s4;
	s1 =	sadd.s32 $0x70, s25;
	s8 =	sadd.s32 $0x10, s25  }
0x17d: {  	[tilespmem:s9], [sflag:$0x2] =	stream.linear.gather [hbm4b:s8+s5], $0x10, $0x38;
	[tilespmem:$0x9600] =	vst v63  }
0x17e: {  	s10 =	sadd.s32 $0x20, s25;
	s11 =	sor.u32 $0x2D00, s26;
	s12 =	sadd.s32 $0x30, s25  }
0x17f: {  	[tilespmem:s11], [sflag:$0x2] =	stream.linear.gather [hbm4b:s10+s5], $0x10, $0x38;
	[tilespmem:$0x9600] =	vst v63  }
0x180: {  	s13 =	sor.u32 $0x2D80, s26;
	s14 =	sshll.u32 s0, $0x4;
	s0 =	sshll.u32 s0, $0x7  }
0x181: {  	[tilespmem:s13], [sflag:$0x2] =	stream.linear.gather [hbm4b:s12+s5], $0x10, $0x38;
	[tilespmem:$0x9600] =	vst v63  }
0x182: {  	s0 =	sand.u32 $0xFFFFFC00, s0;
	s15 =	sadd.s32 $0x40, s25;
	s17 =	sor.u32 $0x2E00, s26  }
0x183: {  	[tilespmem:s17], [sflag:$0x2] =	stream.linear.gather [hbm4b:s15+s5], $0x10, $0x38;
	[tilespmem:$0x9600] =	vst v63  }
0x184: {  	s2 =	sand.u32 $0x70, s14;
	s20 =	sadd.s32 $0x50, s25;
	s21 =	sor.u32 $0x2E80, s26  }
0x185: {  	[tilespmem:s21], [sflag:$0x2] =	stream.linear.gather [hbm4b:s20+s5], $0x10, $0x38;
	[tilespmem:$0x9600] =	vst v63  }
0x186: {  	s0 =	sor.u32 s2, s0;
	s23 =	sadd.s32 $0x60, s25;
	s24 =	sor.u32 $0x2F00, s26  }
0x187: {  	[tilespmem:s24], [sflag:$0x2] =	stream.linear.gather [hbm4b:s23+s5], $0x10, $0x38;
	[tilespmem:$0x9600] =	vst v63  }
0x188: {  	s25 =	sor.u32 $0x2F80, s26;
	s15 =	smov.u32 s30;
	s30 =	simm.s32 $0x0  }
0x189: {  	[tilespmem:s25], [sflag:$0x2] =	stream.linear.gather [hbm4b:s1+s5], $0x10, $0x38;
	[tilespmem:$0x9600] =	vst v63  }
.LBB2_5:
0x18a: {  	v7 =	vmov s28;
	p0 =	sne.s32 s28, $0xF;
	s28 =	sadd.s32 $0x1, s28  }
0x18b: {  	vm1 =	veq.s32 v7, v1;
	[tilespmem:s6], [sflag:$0x2] =	stream.linear.gather [hbm4b:s4+s5], $0x10, $0x38;
	[tilespmem:$0x9600] =	vst v63  }
0x18c: {  	s1 =	sadd.s32 $0x10, s4;
	s2 =	sadd.s32 $0x3080, s26;
	s29 =	sadd.s32 $0x200, s29;
	v7 =	vnsel vm1, $0x0, v5;
	v8 =	vnsel vm1, $0x0, v6  }
0x18d: {  	s30 =	sadd.s32 $0x10, s30;
	(xrf0) =	vadd.scan.msk.s32 $0xffff, v7  }
0x18e: {  	[tilespmem:s2], [sflag:$0x2] =	stream.linear.gather [hbm4b:s1+s5], $0x10, $0x38;
	[tilespmem:$0x9600] =	vst v63  }
0x18f: {  	s11 =	sadd.s32 $0x7000, s26;
	s1 =	sadd.s32 $0x20, s4;
	s2 =	sadd.s32 $0x3100, s26;
	(xrf0) =	vadd.scan.msk.s32 $0xffff, v8  }
0x190: {  	[tilespmem:s2], [sflag:$0x2] =	stream.linear.gather [hbm4b:s1+s5], $0x10, $0x38;
	[tilespmem:$0x9600] =	vst v63  }
0x191: {  	s0 =	sshrl.u32 s0, $0x3;
	s1 =	sadd.s32 $0x30, s4;
	s2 =	sadd.s32 $0x3180, s26  }
0x192: {  	[tilespmem:s2], [sflag:$0x2] =	stream.linear.gather [hbm4b:s1+s5], $0x10, $0x38;
	[tilespmem:$0x9600] =	vst v63  }
0x193: {  	s6 =	sor.u32 $0x6F80, s26;
	s1 =	sadd.s32 $0x40, s4;
	s2 =	sadd.s32 $0x3200, s26  }
0x194: {  	v7, _, _ =	vpop (xrf0);
	[tilespmem:s2], [sflag:$0x2] =	stream.linear.gather [hbm4b:s1+s5], $0x10, $0x38;
	[tilespmem:$0x9600] =	vst v63  }
0x195: {  	s7 =	sor.u32 $0x6D80, s26;
	s1 =	sadd.s32 $0x50, s4;
	s2 =	sadd.s32 $0x3280, s26;
	v8, _, _ =	vpop (xrf0)  }
0x196: {  	(v2sf) =	vpush v8, $0xF;
	[tilespmem:s2], [sflag:$0x2] =	stream.linear.gather [hbm4b:s1+s5], $0x10, $0x38;
	[tilespmem:$0x9600] =	vst v63  }
0x197: {  	s0 =	sadd.s32 s15, s0;
	s1 =	sadd.s32 $0x60, s4;
	s2 =	sadd.s32 $0x3300, s26  }
0x198: {  	(v2sf) =	vpush v7, $0xF;
	[tilespmem:s2], [sflag:$0x2] =	stream.linear.gather [hbm4b:s1+s5], $0x10, $0x38;
	[tilespmem:$0x9600] =	vst v63  }
0x199: {  	s3 =	sadd.s32 $0x10, s0;
	s1 =	sadd.s32 $0x70, s4;
	s2 =	sadd.s32 $0x3380, s26  }
0x19a: {  	[tilespmem:s2], [sflag:$0x2] =	stream.linear.gather [hbm4b:s1+s5], $0x10, $0x38;
	[tilespmem:$0x9600] =	vst v63  }
0x19b: {  	s4 =	sor.u32 $0x6E80, s26;
	s1 =	sor.u32 $0x6400, s26;
	s2 =	sadd.s32 $0x20, s0  }
0x19c: {  	[tilespmem:s1], [sflag:$0x2] =	stream.linear.gather [hbm4b:s0+s5], $0x10, $0x38;
	[tilespmem:$0x9600] =	vst v63  }
0x19d: {  	s8 =	sor.u32 $0x6D00, s26;
	s9 =	sadd.s32 $0x30, s0;
	s1 =	sor.u32 $0x6480, s26  }
0x19e: {  	[tilespmem:s1], [sflag:$0x2] =	stream.linear.gather [hbm4b:s3+s5], $0x10, $0x38;
	[tilespmem:$0x9600] =	vst v63  }
0x19f: {  	s10 =	sor.u32 $0x6680, s26;
	s1 =	sor.u32 $0x6500, s26;
	s3 =	sadd.s32 $0x40, s0  }
0x1a0: {  	[tilespmem:s1], [sflag:$0x2] =	stream.linear.gather [hbm4b:s2+s5], $0x10, $0x38;
	[tilespmem:$0x9600] =	vst v63  }
0x1a1: {  	s25 =	smov.u32 s31;
	s1 =	sor.u32 $0x6580, s26;
	s2 =	sadd.s32 $0x50, s0  }
0x1a2: {  	[tilespmem:s1], [sflag:$0x2] =	stream.linear.gather [hbm4b:s9+s5], $0x10, $0x38;
	[tilespmem:$0x9600] =	vst v63  }
0x1a3: {  	s12 =	sadd.s32 $0x70, s0;
	s1 =	sor.u32 $0x6600, s26;
	s9 =	sadd.s32 $0x18700, s0  }
0x1a4: {  	[tilespmem:s1], [sflag:$0x2] =	stream.linear.gather [hbm4b:s3+s5], $0x10, $0x38;
	[tilespmem:$0x9600] =	vst v63  }
0x1a5: {  	s13 =	sadd.s32 $0x50, s9;
	s1 =	sadd.s32 $0x40, s9;
	s31 =	spop (v2sf)  }
0x1a6: {  	[tilespmem:s10], [sflag:$0x2] =	stream.linear.gather [hbm4b:s2+s5], $0x10, $0x38;
	[tilespmem:$0x9600] =	vst v63  }
0x1a7: {  	s3 =	sadd.s32 $0x60, s0;
	s10 =	sor.u32 $0x6700, s26;
	s2 =	spop (v2sf)  }
0x1a8: {  	[tilespmem:s10], [sflag:$0x2] =	stream.linear.gather [hbm4b:s3+s5], $0x10, $0x38;
	[tilespmem:$0x9600] =	vst v63  }
0x1a9: {  	s17 =	sor.u32 $0x6B00, s26;
	s14 =	sshra.s32 s2, $0x1F;
	s3 =	sor.u32 $0x6C80, s26  }
0x1aa: {  	s20 =	sor.u32 $0x6800, s26;
	s21 =	sor.u32 $0x6880, s26;
	s10 =	sshra.s32 s31, $0x1F  }
0x1ab: {  	s23 =	sor.u32 $0x6780, s26;
	s24 =	sand.u32 $0xF, s2;
	s14 =	sshrl.u32 s14, $0x1C  }
0x1ac: {  	[tilespmem:s23], [sflag:$0x2] =	stream.linear.gather [hbm4b:s12+s5], $0x10, $0x38;
	[tilespmem:$0x9600] =	vst v63  }
0x1ad: {  	p1 =	slt.s32 s2, $0x1;
	p2 =	sne.s32 s24, $0x0;
	s12 =	sadd.s32 $0x10, s9  }
0x1ae: {  	[tilespmem:s20], [sflag:$0x2] =	stream.linear.gather [hbm4b:s9+s5], $0x10, $0x38;
	[tilespmem:$0x9600] =	vst v63  }
0x1af: {  	s2 =	sadd.s32 s14, s2;
	p1 =	por !p1, !p2;
	s14 =	sadd.s32 $0x20, s9  }
0x1b0: {  	[tilespmem:s21], [sflag:$0x2] =	stream.linear.gather [hbm4b:s12+s5], $0x10, $0x38;
	[tilespmem:$0x9600] =	vst v63  }
0x1b1: {  	p1 =	por !p1, !p1;
	s20 =	sadd.s32 $0x30, s9;
	s12 =	sor.u32 $0x6900, s26  }
0x1b2: {  	[tilespmem:s12], [sflag:$0x2] =	stream.linear.gather [hbm4b:s14+s5], $0x10, $0x38;
	[tilespmem:$0x9600] =	vst v63  }
0x1b3: {  	s12 =	simm.s32 $0x1  }
0x1b4: {  	s2 =	sshra.s32 s2, $0x4;
	s14 =	sor.u32 $0x6980, s26;
	s12 =	simm.s32 @!p1 $0x0  }
0x1b5: {  	[tilespmem:s14], [sflag:$0x2] =	stream.linear.gather [hbm4b:s20+s5], $0x10, $0x38;
	[tilespmem:$0x9600] =	vst v63  }
0x1b6: {  	s2 =	ssub.s32 s2, s12;
	s12 =	sor.u32 $0x6A00, s26;
	s14 =	sor.u32 $0x6A80, s26  }
0x1b7: {  	[tilespmem:s12], [sflag:$0x2] =	stream.linear.gather [hbm4b:s1+s5], $0x10, $0x38;
	[tilespmem:$0x9600] =	vst v63  }
0x1b8: {  	s1 =	sshll.u32 s2, $0x7;
	s2 =	sshll.u32 s2, $0x4  }
0x1b9: {  	s12 =	sadd.s32 $0x60, s9;
	s1 =	sand.u32 $0xFFFFFC00, s1;
	s2 =	sand.u32 $0x70, s2  }
0x1ba: {  	[tilespmem:s14], [sflag:$0x2] =	stream.linear.gather [hbm4b:s13+s5], $0x10, $0x38;
	[tilespmem:$0x9600] =	vst v63  }
0x1bb: {  	p1 =	slt.s32 s31, $0x1;
	s9 =	sadd.s32 $0x70, s9;
	s1 =	sor.u32 s2, s1  }
0x1bc: {  	[tilespmem:s17], [sflag:$0x2] =	stream.linear.gather [hbm4b:s12+s5], $0x10, $0x38;
	[tilespmem:$0x9600] =	vst v63  }
0x1bd: {  	s2 =	sor.u32 $0x6B80, s26;
	s20 =	sshrl.u32 s1, $0x3;
	s12 =	sadd.s32 $0x30E00, s0  }
0x1be: {  	[tilespmem:s2], [sflag:$0x2] =	stream.linear.gather [hbm4b:s9+s5], $0x10, $0x38;
	[tilespmem:$0x9600] =	vst v63  }
0x1bf: {  	s1 =	sor.u32 $0x6C00, s26;
	s2 =	sadd.s32 $0x10, s12;
	s9 =	sand.u32 $0xF, s31  }
0x1c0: {  	[tilespmem:s1], [sflag:$0x2] =	stream.linear.gather [hbm4b:s12+s5], $0x10, $0x38;
	[tilespmem:$0x9600] =	vst v63  }
0x1c1: {  	p2 =	sne.s32 s9, $0x0;
	s1 =	sshrl.u32 s10, $0x1C;
	s10 =	sadd.s32 $0x20, s12  }
0x1c2: {  	[tilespmem:s3], [sflag:$0x2] =	stream.linear.gather [hbm4b:s2+s5], $0x10, $0x38;
	[tilespmem:$0x9600] =	vst v63  }
0x1c3: {  	p1 =	por !p1, !p2;
	s2 =	sadd.s32 $0x30, s12  }
0x1c4: {  	[tilespmem:s8], [sflag:$0x2] =	stream.linear.gather [hbm4b:s10+s5], $0x10, $0x38;
	[tilespmem:$0x9600] =	vst v63  }
0x1c5: {  	s1 =	sadd.s32 s1, s31;
	s31 =	smov.u32 s25;
	s3 =	sadd.s32 $0x40, s12  }
0x1c6: {  	[tilespmem:s7], [sflag:$0x2] =	stream.linear.gather [hbm4b:s2+s5], $0x10, $0x38;
	[tilespmem:$0x9600] =	vst v63  }
0x1c7: {  	p1 =	por !p1, !p1;
	s2 =	sor.u32 $0x6E00, s26;
	s7 =	sadd.s32 $0x50, s12  }
0x1c8: {  	[tilespmem:s2], [sflag:$0x2] =	stream.linear.gather [hbm4b:s3+s5], $0x10, $0x38;
	[tilespmem:$0x9600] =	vst v63  }
0x1c9: {  	s2 =	simm.s32 $0x1  }
0x1ca: {  	s1 =	sshra.s32 s1, $0x4;
	s3 =	sadd.s32 $0x60, s12;
	s2 =	simm.s32 @!p1 $0x0  }
0x1cb: {  	[tilespmem:s4], [sflag:$0x2] =	stream.linear.gather [hbm4b:s7+s5], $0x10, $0x38;
	[tilespmem:$0x9600] =	vst v63  }
0x1cc: {  	s1 =	ssub.s32 s1, s2;
	s2 =	sor.u32 $0x6F00, s26;
	s4 =	sadd.s32 $0x70, s12  }
0x1cd: {  	[tilespmem:s2], [sflag:$0x2] =	stream.linear.gather [hbm4b:s3+s5], $0x10, $0x38;
	[tilespmem:$0x9600] =	vst v63  }
0x1ce: {  	s2 =	sshll.u32 s1, $0x4;
	s1 =	sshll.u32 s1, $0x7;
	s3 =	sadd.s32 $0x49500, s0  }
0x1cf: {  	[tilespmem:s6], [sflag:$0x2] =	stream.linear.gather [hbm4b:s4+s5], $0x10, $0x38;
	[tilespmem:$0x9600] =	vst v63  }
0x1d0: {  	s0 =	sand.u32 $0xFFFFFC00, s1;
	s1 =	sand.u32 $0x70, s2;
	s2 =	sadd.s32 $0x10, s3  }
0x1d1: {  	[tilespmem:s11], [sflag:$0x2] =	stream.linear.gather [hbm4b:s3+s5], $0x10, $0x38;
	[tilespmem:$0x9600] =	vst v63  }
0x1d2: {  	s0 =	sor.u32 s1, s0;
	s1 =	sadd.s32 $0x7080, s26;
	s4 =	sadd.s32 $0x20, s3  }
0x1d3: {  	[tilespmem:s1], [sflag:$0x2] =	stream.linear.gather [hbm4b:s2+s5], $0x10, $0x38;
	[tilespmem:$0x9600] =	vst v63  }
0x1d4: {  	s1 =	sadd.s32 $0x7100, s26;
	s2 =	sadd.s32 $0x30, s3  }
0x1d5: {  	[tilespmem:s1], [sflag:$0x2] =	stream.linear.gather [hbm4b:s4+s5], $0x10, $0x38;
	[tilespmem:$0x9600] =	vst v63  }
0x1d6: {  	s1 =	sadd.s32 $0x7180, s26;
	s4 =	sadd.s32 $0x40, s3  }
0x1d7: {  	[tilespmem:s1], [sflag:$0x2] =	stream.linear.gather [hbm4b:s2+s5], $0x10, $0x38;
	[tilespmem:$0x9600] =	vst v63  }
0x1d8: {  	s1 =	sadd.s32 $0x7200, s26;
	s2 =	sadd.s32 $0x50, s3  }
0x1d9: {  	[tilespmem:s1], [sflag:$0x2] =	stream.linear.gather [hbm4b:s4+s5], $0x10, $0x38;
	[tilespmem:$0x9600] =	vst v63  }
0x1da: {  	s6 =	sadd.s32 $0x7300, s26;
	s1 =	sadd.s32 $0x7280, s26;
	s4 =	sadd.s32 $0x60, s3  }
0x1db: {  	[tilespmem:s1], [sflag:$0x2] =	stream.linear.gather [hbm4b:s2+s5], $0x10, $0x38;
	[tilespmem:$0x9600] =	vst v63  }
0x1dc: {  	s3 =	sadd.s32 $0x70, s3;
	s1 =	sand.u32 $0x1000, s29;
	s2 =	sand.u32 $0x70, s30  }
0x1dd: {  	[tilespmem:s6], [sflag:$0x2] =	stream.linear.gather [hbm4b:s4+s5], $0x10, $0x38;
	[tilespmem:$0x9600] =	vst v63  }
0x1de: {  	s4 =	sadd.s32 $0x7380, s26;
	s26 =	sor.u32 s2, s1  }
0x1df: {  	[tilespmem:s4], [sflag:$0x2] =	stream.linear.gather [hbm4b:s3+s5], $0x10, $0x38;
	[tilespmem:$0x9600] =	vst v63  }
0x1e0: {  	s7 =	sadd.s32 s25, s20;
	s1 =	sor.u32 $0x2400, s26;
	s6 =	sadd.s32 $0x3000, s26  }
0x1e1: {  	[tilespmem:s1], [sflag:$0x2] =	stream.linear.gather [hbm4b:s7+s5], $0x10, $0x38;
	[tilespmem:$0x9600] =	vst v63  }
0x1e2: {  	s2 =	sor.u32 $0x2480, s26;
	s4 =	sadd.s32 $0x2DC780, s7;
	s1 =	sadd.s32 $0x10, s7  }
0x1e3: {  	[tilespmem:s2], [sflag:$0x2] =	stream.linear.gather [hbm4b:s1+s5], $0x10, $0x38;
	[tilespmem:$0x9600] =	vst v63  }
0x1e4: {  	s1 =	sadd.s32 $0x20, s7;
	s2 =	sor.u32 $0x2500, s26  }
0x1e5: {  	[tilespmem:s2], [sflag:$0x2] =	stream.linear.gather [hbm4b:s1+s5], $0x10, $0x38;
	[tilespmem:$0x9600] =	vst v63  }
0x1e6: {  	s1 =	sadd.s32 $0x30, s7;
	s2 =	sor.u32 $0x2580, s26  }
0x1e7: {  	[tilespmem:s2], [sflag:$0x2] =	stream.linear.gather [hbm4b:s1+s5], $0x10, $0x38;
	[tilespmem:$0x9600] =	vst v63  }
0x1e8: {  	s1 =	sadd.s32 $0x40, s7;
	s2 =	sor.u32 $0x2600, s26  }
0x1e9: {  	[tilespmem:s2], [sflag:$0x2] =	stream.linear.gather [hbm4b:s1+s5], $0x10, $0x38;
	[tilespmem:$0x9600] =	vst v63  }
0x1ea: {  	s1 =	sadd.s32 $0x50, s7;
	s2 =	sor.u32 $0x2680, s26  }
0x1eb: {  	[tilespmem:s2], [sflag:$0x2] =	stream.linear.gather [hbm4b:s1+s5], $0x10, $0x38;
	[tilespmem:$0x9600] =	vst v63  }
0x1ec: {  	s1 =	sadd.s32 $0x60, s7;
	s2 =	sor.u32 $0x2700, s26  }
0x1ed: {  	[tilespmem:s2], [sflag:$0x2] =	stream.linear.gather [hbm4b:s1+s5], $0x10, $0x38;
	[tilespmem:$0x9600] =	vst v63  }
0x1ee: {  	s1 =	sadd.s32 $0x70, s7;
	s2 =	sor.u32 $0x2780, s26  }
0x1ef: {  	[tilespmem:s2], [sflag:$0x2] =	stream.linear.gather [hbm4b:s1+s5], $0x10, $0x38;
	[tilespmem:$0x9600] =	vst v63  }
0x1f0: {  	s1 =	sadd.s32 $0xF4280, s7;
	s2 =	sor.u32 $0x2800, s26  }
0x1f1: {  	[tilespmem:s2], [sflag:$0x2] =	stream.linear.gather [hbm4b:s1+s5], $0x10, $0x38;
	[tilespmem:$0x9600] =	vst v63  }
0x1f2: {  	s3 =	sor.u32 $0x2880, s26;
	s2 =	sadd.s32 $0x10, s1  }
0x1f3: {  	[tilespmem:s3], [sflag:$0x2] =	stream.linear.gather [hbm4b:s2+s5], $0x10, $0x38;
	[tilespmem:$0x9600] =	vst v63  }
0x1f4: {  	s2 =	sadd.s32 $0x20, s1;
	s3 =	sor.u32 $0x2900, s26  }
0x1f5: {  	[tilespmem:s3], [sflag:$0x2] =	stream.linear.gather [hbm4b:s2+s5], $0x10, $0x38;
	[tilespmem:$0x9600] =	vst v63  }
0x1f6: {  	s2 =	sadd.s32 $0x30, s1;
	s3 =	sor.u32 $0x2980, s26  }
0x1f7: {  	[tilespmem:s3], [sflag:$0x2] =	stream.linear.gather [hbm4b:s2+s5], $0x10, $0x38;
	[tilespmem:$0x9600] =	vst v63  }
0x1f8: {  	s2 =	sadd.s32 $0x40, s1;
	s3 =	sor.u32 $0x2A00, s26  }
0x1f9: {  	[tilespmem:s3], [sflag:$0x2] =	stream.linear.gather [hbm4b:s2+s5], $0x10, $0x38;
	[tilespmem:$0x9600] =	vst v63  }
0x1fa: {  	s2 =	sadd.s32 $0x50, s1;
	s3 =	sor.u32 $0x2A80, s26  }
0x1fb: {  	[tilespmem:s3], [sflag:$0x2] =	stream.linear.gather [hbm4b:s2+s5], $0x10, $0x38;
	[tilespmem:$0x9600] =	vst v63  }
0x1fc: {  	s2 =	sadd.s32 $0x60, s1;
	s3 =	sor.u32 $0x2B00, s26  }
0x1fd: {  	[tilespmem:s3], [sflag:$0x2] =	stream.linear.gather [hbm4b:s2+s5], $0x10, $0x38;
	[tilespmem:$0x9600] =	vst v63  }
0x1fe: {  	s1 =	sadd.s32 $0x70, s1;
	s2 =	sor.u32 $0x2B80, s26  }
0x1ff: {  	[tilespmem:s2], [sflag:$0x2] =	stream.linear.gather [hbm4b:s1+s5], $0x10, $0x38;
	[tilespmem:$0x9600] =	vst v63  }
0x200: {  	s1 =	sadd.s32 $0x1E8500, s7;
	s2 =	sor.u32 $0x2C00, s26  }
0x201: {  	[tilespmem:s2], [sflag:$0x2] =	stream.linear.gather [hbm4b:s1+s5], $0x10, $0x38;
	[tilespmem:$0x9600] =	vst v63  }
0x202: {  	s3 =	sor.u32 $0x2C80, s26;
	s2 =	sadd.s32 $0x10, s1  }
0x203: {  	[tilespmem:s3], [sflag:$0x2] =	stream.linear.gather [hbm4b:s2+s5], $0x10, $0x38;
	[tilespmem:$0x9600] =	vst v63  }
0x204: {  	s2 =	sadd.s32 $0x20, s1;
	s3 =	sor.u32 $0x2D00, s26  }
0x205: {  	[tilespmem:s3], [sflag:$0x2] =	stream.linear.gather [hbm4b:s2+s5], $0x10, $0x38;
	[tilespmem:$0x9600] =	vst v63  }
0x206: {  	s2 =	sadd.s32 $0x30, s1;
	s3 =	sor.u32 $0x2D80, s26  }
0x207: {  	[tilespmem:s3], [sflag:$0x2] =	stream.linear.gather [hbm4b:s2+s5], $0x10, $0x38;
	[tilespmem:$0x9600] =	vst v63  }
0x208: {  	s2 =	sadd.s32 $0x40, s1;
	s3 =	sor.u32 $0x2E00, s26  }
0x209: {  	[tilespmem:s3], [sflag:$0x2] =	stream.linear.gather [hbm4b:s2+s5], $0x10, $0x38;
	[tilespmem:$0x9600] =	vst v63  }
0x20a: {  	s2 =	sadd.s32 $0x50, s1;
	s3 =	sor.u32 $0x2E80, s26  }
0x20b: {  	[tilespmem:s3], [sflag:$0x2] =	stream.linear.gather [hbm4b:s2+s5], $0x10, $0x38;
	[tilespmem:$0x9600] =	vst v63  }
.Ltmp1:
0x20c: {  	_ = 	snop;
	(pc) =	sbr.rel @p0 .LBB2_5-.Ltmp1, $4  }
0x20d: {  	s2 =	sadd.s32 $0x60, s1;
	s3 =	sor.u32 $0x2F00, s26  }
0x20e: {  	[tilespmem:s3], [sflag:$0x2] =	stream.linear.gather [hbm4b:s2+s5], $0x10, $0x38;
	[tilespmem:$0x9600] =	vst v63  }
0x20f: {  	s1 =	sadd.s32 $0x70, s1;
	s2 =	sor.u32 $0x2F80, s26  }
0x210: {  	[tilespmem:s2], [sflag:$0x2] =	stream.linear.gather [hbm4b:s1+s5], $0x10, $0x38;
	[tilespmem:$0x9600] =	vst v63  }
0x211: {  	[tilespmem:s6], [sflag:$0x2] =	stream.linear.gather [hbm4b:s4+s5], $0x10, $0x38;
	[tilespmem:$0x9600] =	vst v63  }
0x212: {  	s1 =	sadd.s32 $0x10, s4;
	s2 =	sadd.s32 $0x3080, s26  }
0x213: {  	[tilespmem:s2], [sflag:$0x2] =	stream.linear.gather [hbm4b:s1+s5], $0x10, $0x38;
	[tilespmem:$0x9600] =	vst v63  }
0x214: {  	s11 =	sadd.s32 $0x20, s4;
	s12 =	sadd.s32 $0x3100, s26  }
0x215: {  	[tilespmem:s12], [sflag:$0x2] =	stream.linear.gather [hbm4b:s11+s5], $0x10, $0x38;
	[tilespmem:$0x9600] =	vst v63  }
0x216: {  	s13 =	sadd.s32 $0x30, s4;
	s14 =	sadd.s32 $0x3180, s26  }
0x217: {  	[tilespmem:s14], [sflag:$0x2] =	stream.linear.gather [hbm4b:s13+s5], $0x10, $0x38;
	[tilespmem:$0x9600] =	vst v63  }
0x218: {  	s17 =	sadd.s32 $0x40, s4;
	s20 =	sadd.s32 $0x3200, s26  }
0x219: {  	[tilespmem:s20], [sflag:$0x2] =	stream.linear.gather [hbm4b:s17+s5], $0x10, $0x38;
	[tilespmem:$0x9600] =	vst v63  }
0x21a: {  	s21 =	sadd.s32 $0x50, s4;
	s23 =	sadd.s32 $0x3280, s26  }
0x21b: {  	[tilespmem:s23], [sflag:$0x2] =	stream.linear.gather [hbm4b:s21+s5], $0x10, $0x38;
	[tilespmem:$0x9600] =	vst v63  }
0x21c: {  	s24 =	sadd.s32 $0x60, s4;
	s25 =	sadd.s32 $0x3300, s26  }
0x21d: {  	[tilespmem:s25], [sflag:$0x2] =	stream.linear.gather [hbm4b:s24+s5], $0x10, $0x38;
	[tilespmem:$0x9600] =	vst v63  }
0x21e: {  	s0 =	sshrl.u32 s0, $0x3;
	s28 =	sadd.s32 $0x70, s4;
	s29 =	sadd.s32 $0x3380, s26  }
0x21f: {  	[tilespmem:s29], [sflag:$0x2] =	stream.linear.gather [hbm4b:s28+s5], $0x10, $0x38;
	[tilespmem:$0x9600] =	vst v63  }
0x220: {  	s0 =	sadd.s32 s15, s0;
	s2 =	sor.u32 $0x6400, s26  }
0x221: {  	[tilespmem:s2], [sflag:$0x2] =	stream.linear.gather [hbm4b:s0+s5], $0x10, $0x38;
	[tilespmem:$0x9600] =	vst v63  }
0x222: {  	s4 =	sor.u32 $0x6480, s26;
	s3 =	sadd.s32 $0x10, s0  }
0x223: {  	[tilespmem:s4], [sflag:$0x2] =	stream.linear.gather [hbm4b:s3+s5], $0x10, $0x38;
	[tilespmem:$0x9600] =	vst v63  }
0x224: {  	s7 =	sor.u32 $0x6500, s26;
	s6 =	sadd.s32 $0x20, s0  }
0x225: {  	[tilespmem:s7], [sflag:$0x2] =	stream.linear.gather [hbm4b:s6+s5], $0x10, $0x38;
	[tilespmem:$0x9600] =	vst v63  }
0x226: {  	s9 =	sor.u32 $0x6580, s26;
	s8 =	sadd.s32 $0x30, s0  }
0x227: {  	[tilespmem:s9], [sflag:$0x2] =	stream.linear.gather [hbm4b:s8+s5], $0x10, $0x38;
	[tilespmem:$0x9600] =	vst v63  }
0x228: {  	s10 =	sadd.s32 $0x40, s0;
	s11 =	sor.u32 $0x6600, s26  }
0x229: {  	[tilespmem:s11], [sflag:$0x2] =	stream.linear.gather [hbm4b:s10+s5], $0x10, $0x38;
	[tilespmem:$0x9600] =	vst v63  }
0x22a: {  	s12 =	sadd.s32 $0x50, s0;
	s13 =	sor.u32 $0x6680, s26  }
0x22b: {  	[tilespmem:s13], [sflag:$0x2] =	stream.linear.gather [hbm4b:s12+s5], $0x10, $0x38;
	[tilespmem:$0x9600] =	vst v63  }
0x22c: {  	s14 =	sadd.s32 $0x60, s0;
	s17 =	sor.u32 $0x6700, s26  }
0x22d: {  	[tilespmem:s17], [sflag:$0x2] =	stream.linear.gather [hbm4b:s14+s5], $0x10, $0x38;
	[tilespmem:$0x9600] =	vst v63  }
0x22e: {  	s20 =	sadd.s32 $0x70, s0;
	s21 =	sor.u32 $0x6780, s26  }
0x22f: {  	[tilespmem:s21], [sflag:$0x2] =	stream.linear.gather [hbm4b:s20+s5], $0x10, $0x38;
	[tilespmem:$0x9600] =	vst v63  }
0x230: {  	s23 =	sadd.s32 $0x18700, s0;
	s24 =	sor.u32 $0x6800, s26  }
0x231: {  	[tilespmem:s24], [sflag:$0x2] =	stream.linear.gather [hbm4b:s23+s5], $0x10, $0x38;
	[tilespmem:$0x9600] =	vst v63  }
0x232: {  	s25 =	sor.u32 $0x6880, s26;
	s3 =	sadd.s32 $0x10, s23  }
0x233: {  	[tilespmem:s25], [sflag:$0x2] =	stream.linear.gather [hbm4b:s3+s5], $0x10, $0x38;
	[tilespmem:$0x9600] =	vst v63  }
0x234: {  	s28 =	sadd.s32 $0x20, s23;
	s29 =	sor.u32 $0x6900, s26  }
0x235: {  	[tilespmem:s29], [sflag:$0x2] =	stream.linear.gather [hbm4b:s28+s5], $0x10, $0x38;
	[tilespmem:$0x9600] =	vst v63  }
0x236: {  	s4 =	sor.u32 $0x6980, s26;
	s3 =	sadd.s32 $0x30, s23  }
0x237: {  	[tilespmem:s4], [sflag:$0x2] =	stream.linear.gather [hbm4b:s3+s5], $0x10, $0x38;
	[tilespmem:$0x9600] =	vst v63  }
0x238: {  	s6 =	sadd.s32 $0x40, s23;
	s7 =	sor.u32 $0x6A00, s26  }
0x239: {  	[tilespmem:s7], [sflag:$0x2] =	stream.linear.gather [hbm4b:s6+s5], $0x10, $0x38;
	[tilespmem:$0x9600] =	vst v63  }
0x23a: {  	s8 =	sadd.s32 $0x50, s23;
	s9 =	sor.u32 $0x6A80, s26  }
0x23b: {  	[tilespmem:s9], [sflag:$0x2] =	stream.linear.gather [hbm4b:s8+s5], $0x10, $0x38;
	[tilespmem:$0x9600] =	vst v63  }
0x23c: {  	s10 =	sor.u32 $0x6B00, s26;
	s11 =	sadd.s32 $0x60, s23  }
0x23d: {  	[tilespmem:s10], [sflag:$0x2] =	stream.linear.gather [hbm4b:s11+s5], $0x10, $0x38;
	[tilespmem:$0x9600] =	vst v63  }
0x23e: {  	s1 =	sadd.s32 $0x70, s23;
	s12 =	sor.u32 $0x6B80, s26  }
0x23f: {  	[tilespmem:s12], [sflag:$0x2] =	stream.linear.gather [hbm4b:s1+s5], $0x10, $0x38;
	[tilespmem:$0x9600] =	vst v63  }
0x240: {  	s13 =	sadd.s32 $0x30E00, s0;
	s14 =	sor.u32 $0x6C00, s26  }
0x241: {  	[tilespmem:s14], [sflag:$0x2] =	stream.linear.gather [hbm4b:s13+s5], $0x10, $0x38;
	[tilespmem:$0x9600] =	vst v63  }
0x242: {  	s17 =	sor.u32 $0x6C80, s26;
	s20 =	sadd.s32 $0x10, s13  }
0x243: {  	[tilespmem:s17], [sflag:$0x2] =	stream.linear.gather [hbm4b:s20+s5], $0x10, $0x38;
	[tilespmem:$0x9600] =	vst v63  }
0x244: {  	s21 =	sor.u32 $0x6D00, s26;
	s23 =	sadd.s32 $0x20, s13  }
0x245: {  	[tilespmem:s21], [sflag:$0x2] =	stream.linear.gather [hbm4b:s23+s5], $0x10, $0x38;
	[tilespmem:$0x9600] =	vst v63  }
0x246: {  	s24 =	sor.u32 $0x6D80, s26;
	s25 =	sadd.s32 $0x30, s13  }
0x247: {  	[tilespmem:s24], [sflag:$0x2] =	stream.linear.gather [hbm4b:s25+s5], $0x10, $0x38;
	[tilespmem:$0x9600] =	vst v63  }
0x248: {  	s28 =	sadd.s32 $0x40, s13;
	s29 =	sor.u32 $0x6E00, s26  }
0x249: {  	[tilespmem:s29], [sflag:$0x2] =	stream.linear.gather [hbm4b:s28+s5], $0x10, $0x38;
	[tilespmem:$0x9600] =	vst v63  }
0x24a: {  	s4 =	sor.u32 $0x6E80, s26;
	s6 =	sadd.s32 $0x50, s13  }
0x24b: {  	[tilespmem:s4], [sflag:$0x2] =	stream.linear.gather [hbm4b:s6+s5], $0x10, $0x38;
	[tilespmem:$0x9600] =	vst v63  }
0x24c: {  	s7 =	sadd.s32 $0x60, s13;
	s8 =	sor.u32 $0x6F00, s26  }
0x24d: {  	[tilespmem:s8], [sflag:$0x2] =	stream.linear.gather [hbm4b:s7+s5], $0x10, $0x38;
	[tilespmem:$0x9600] =	vst v63  }
0x24e: {  	s9 =	sor.u32 $0x6F80, s26;
	s1 =	sadd.s32 $0x70, s13  }
0x24f: {  	[tilespmem:s9], [sflag:$0x2] =	stream.linear.gather [hbm4b:s1+s5], $0x10, $0x38;
	[tilespmem:$0x9600] =	vst v63  }
0x250: {  	s0 =	sadd.s32 $0x49500, s0;
	s10 =	sadd.s32 $0x7000, s26  }
0x251: {  	[tilespmem:s10], [sflag:$0x2] =	stream.linear.gather [hbm4b:s0+s5], $0x10, $0x38;
	[tilespmem:$0x9600] =	vst v63  }
0x252: {  	s11 =	sadd.s32 $0x10, s0;
	s12 =	sadd.s32 $0x7080, s26  }
0x253: {  	[tilespmem:s12], [sflag:$0x2] =	stream.linear.gather [hbm4b:s11+s5], $0x10, $0x38;
	[tilespmem:$0x9600] =	vst v63  }
0x254: {  	s13 =	sadd.s32 $0x20, s0;
	s14 =	sadd.s32 $0x7100, s26  }
0x255: {  	[tilespmem:s14], [sflag:$0x2] =	stream.linear.gather [hbm4b:s13+s5], $0x10, $0x38;
	[tilespmem:$0x9600] =	vst v63  }
0x256: {  	s17 =	sadd.s32 $0x30, s0;
	s20 =	sadd.s32 $0x7180, s26  }
0x257: {  	[tilespmem:s20], [sflag:$0x2] =	stream.linear.gather [hbm4b:s17+s5], $0x10, $0x38;
	[tilespmem:$0x9600] =	vst v63  }
0x258: {  	s21 =	sadd.s32 $0x40, s0;
	s23 =	sadd.s32 $0x7200, s26  }
0x259: {  	[tilespmem:s23], [sflag:$0x2] =	stream.linear.gather [hbm4b:s21+s5], $0x10, $0x38;
	[tilespmem:$0x9600] =	vst v63  }
0x25a: {  	s24 =	sadd.s32 $0x50, s0;
	s25 =	sadd.s32 $0x7280, s26  }
0x25b: {  	[tilespmem:s25], [sflag:$0x2] =	stream.linear.gather [hbm4b:s24+s5], $0x10, $0x38;
	[tilespmem:$0x9600] =	vst v63  }
0x25c: {  	s28 =	sadd.s32 $0x60, s0;
	s29 =	sadd.s32 $0x7300, s26  }
0x25d: {  	[tilespmem:s29], [sflag:$0x2] =	stream.linear.gather [hbm4b:s28+s5], $0x10, $0x38;
	[tilespmem:$0x9600] =	vst v63  }
0x25e: {  	s3 =	sadd.s32 $0x7380, s26;
	s4 =	simm.s32 $0x1;
	s0 =	sadd.s32 $0x70, s0  }
0x25f: {  	[tilespmem:s3], [sflag:$0x2] =	stream.linear.gather [hbm4b:s0+s5], $0x10, $0x38;
	[tilespmem:$0x9600] =	vst v63  }
0x260: {  	_ =	swait.ge [sflag:s4], $0x1000  }
0x261: {  	[sflag:s4] =	ssyncset.done $0x0  }
0x262: {  	[sflag:s4] =	ssyncadd.s32 $0xFFFFF000  }
0x263: {  	_ =	swait.ge [sflag:s4], $0x1000  }
0x264: {  	[sflag:s4] =	ssyncset.done $0x0  }
0x265: {  	[sflag:s4] =	ssyncadd.s32 $0xFFFFF000  }
0x266: {  	_ =	swait.ge [sflag:s4], $0x1000  }
0x267: {  	[sflag:s4] =	ssyncset.done $0x0  }
0x268: {  	[sflag:s4] =	ssyncadd.s32 $0xFFFFF000  }
0x269: {  	_ =	swait.ge [sflag:s4], $0x1000  }
0x26a: {  	[sflag:s4] =	ssyncset.done $0x0  }
0x26b: {  	[sflag:s4] =	ssyncadd.s32 $0xFFFFF000  }
0x26c: {  	_ =	swait.ge [sflag:s4], $0x800  }
0x26d: {  	[sflag:s4] =	ssyncset.done $0x0  }
0x26e: {  	s8 =	rddreg [dreg:$0x11];
	[sflag:s4] =	ssyncadd.s32 $0xFFFFF800  }
0x26f: {  	v5 =	vld [tilespmem:s8+$0x200];
	_ =	sdelay $0x4  }
0x270: {  	v6 =	vshra.s32 v5, $0x1F  }
0x271: {  	s6 =	simm.s32 $0x0;
	v7 =	vshrl.u32 v6, $0x1C  }
0x272: {  	s7 =	simm.s32 $0x0;
	s0 =	sand.u32 $0x4, s6;
	v7 =	vadd.s32 v7, v5  }
0x273: {  	s1 =	sand.u32 $0xFFFFFC00, s7;
	s0 =	sshll.u32 s0, $0x7;
	v7 =	vshrl.u32 v7, $0x4  }
0x274: {  	s0 =	sor.u32 s1, s0;
	v7 =	vshll.u32 v7, $0x4  }
0x275: {  	s1 =	sor.u32 $0x180, s0;
	v7 =	vsub.s32 v5, v7  }
0x276: {  	v11 =	vor.u32 s1, v3;
	v9 =	vadd.s32 v2, v7  }
0x277: {  	v7 =	vadd.s32 v9, v11;
	_ =	sdelay $0x4  }
0x278: {  	v7 =	vld.idx.msk [tilespmem:v7+s16+$0x0], $0xffff;
	_ =	sdelay $0x1  }
0x279: {  	s10 =	simm.s32 $0x4;
	s9 =	sor.u32 $0x80, s0  }
0x27a: {  	s12 =	sand.u32 $0x4, s10;
	s13 =	simm.s32 $0x200;
	s11 =	sor.u32 $0x100, s0;
	v10 =	vor.u32 s9, v3  }
0x27b: {  	s2 =	sand.u32 $0xFFFFFC00, s13;
	v12 =	vor.u32 s11, v3;
	s1 =	sshll.u32 s12, $0x7;
	v8 =	vadd.s32 v9, v10  }
0x27c: {  	v14 =	vor.u32 s0, v3;
	s14 =	sor.u32 s2, s1;
	v15 =	vadd.s32 v9, v12;
	v7 =	vsub.f32 $0.0e+00, v7  }
0x27d: {  	s1 =	sor.u32 $0x180, s14;
	v13 =	vld [tilespmem:s8+$0x0];
	v16 =	vadd.s32 v9, v14  }
0x27e: {  	v17 =	vor.u32 s1, v3;
	v7 =	vmul.f32 $1.442695020e+00, v7  }
0x27f: {  	v18 =	vadd.s32 v9, v17  }
0x280: {  	v8 =	vld.idx.msk [tilespmem:v8+s16+$0x0], $0xffff;
	(erf) = vpow2.f32 v7  }
0x281: {  	s17 =	sor.u32 $0x80, s14;
	v15 =	vld.idx.msk [tilespmem:v15+s16+$0x0], $0xffff  }
0x282: {  	s2 =	sor.u32 $0x100, s14;
	v19 =	vor.u32 s17, v3;
	v16 =	vld.idx.msk [tilespmem:v16+s16+$0x0], $0xffff;
	v7 =	vshra.s32 v13, $0x1F  }
0x283: {  	v21 =	vor.u32 s2, v3;
	v20 =	vadd.s32 v9, v19;
	v7 =	vshrl.u32 v7, $0x1C  }
0x284: {  	v23 =	vadd.s32 v9, v21;
	v18 =	vld.idx.msk [tilespmem:v18+s16+$0x0], $0xffff;
	v7 =	vadd.s32 v7, v13  }
0x285: {  	v22 =	vor.u32 s14, v3;
	v8 =	vsub.f32 $0.0e+00, v8;
	v7 =	vshrl.u32 v7, $0x4  }
0x286: {  	v24 =	vadd.s32 v9, v22;
	v15 =	vsub.f32 $0.0e+00, v15;
	v7 =	vshll.u32 v7, $0x4  }
0x287: {  	s20 =	simm.s32 $0x8;
	v7 =	vsub.s32 v13, v7;
	v13 =	vsub.f32 $0.0e+00, v16;
	v16 =	vmul.f32 $1.442695020e+00, v8  }
0x288: {  	s21 =	simm.s32 $0x400;
	s0 =	sand.u32 $0x4, s20;
	v20 =	vld.idx.msk [tilespmem:v20+s16+$0x0], $0xffff;
	v15 =	vmul.f32 $1.442695020e+00, v15  }
0x289: {  	s0 =	sshll.u32 s0, $0x7;
	s1 =	sand.u32 $0xFFFFFC00, s21;
	v23 =	vld.idx.msk [tilespmem:v23+s16+$0x0], $0xffff;
	v13 =	vmul.f32 $1.442695020e+00, v13;
	(erf) = vpow2.f32 v16;
	v16 =	vsub.f32 $0.0e+00, v18;
	v18 =	vpop (erf)  }
0x28a: {  	s0 =	sor.u32 s1, s0;
	v7 =	vadd.s32 v2, v7;
	(erf) = vpow2.f32 v15;
	v15 =	vadd.f32 $1.000000000e+00, v18  }
0x28b: {  	s1 =	sor.u32 $0x180, s0;
	v25 =	vadd.s32 v7, v10;
	(erf) = vpow2.f32 v13;
	v13 =	vmul.f32 $1.442695020e+00, v16  }
0x28c: {  	v10 =	vor.u32 s1, v3;
	v11 =	vadd.s32 v7, v11;
	v18 =	vld.idx.msk [tilespmem:v24+s16+$0x0], $0xffff;
	(erf) = vrcp.f32 v15  }
0x28d: {  	v12 =	vadd.s32 v7, v12;
	v16 =	vsub.f32 $0.0e+00, v20;
	(erf) = vpow2.f32 v13  }
0x28e: {  	v13 =	vadd.s32 v7, v19;
	v19 =	vadd.s32 v7, v22;
	v22 =	vsub.f32 $0.0e+00, v23  }
0x28f: {  	v16 =	vmul.f32 $1.442695020e+00, v16;
	v15 =	vadd.s32 v9, v10  }
0x290: {  	s7 =	simm.s32 $0x400;
	s23 =	sor.u32 $0x80, s0;
	v14 =	vadd.s32 v7, v14;
	v20 =	vadd.s32 v7, v21  }
0x291: {  	v21 =	vor.u32 s0, v3;
	s0 =	sor.u32 $0x100, s0;
	v24 =	vor.u32 s23, v3;
	v27 =	vld.idx.msk [tilespmem:v11+s7+$0x0], $0xffff;
	v18 =	vsub.f32 $0.0e+00, v18  }
0x292: {  	v26 =	vor.u32 s0, v3;
	v23 =	vld.idx.msk [tilespmem:v25+s7+$0x0], $0xffff;
	v25 =	vadd.s32 v9, v24;
	v11 =	vmul.f32 $1.442695020e+00, v22;
	v22 =	vpop (erf)  }
0x293: {  	s24 =	simm.s32 $0xC;
	v28 =	vadd.s32 v9, v26;
	v31 =	vld.idx.msk [tilespmem:v12+s7+$0x0], $0xffff;
	(erf) = vpow2.f32 v16;
	v18 =	vmul.f32 $1.442695020e+00, v18;
	v16 =	vpop (erf)  }
0x294: {  	s25 =	simm.s32 $0x600;
	s0 =	sand.u32 $0x4, s24;
	v12 =	vadd.s32 v9, v21;
	v15 =	vld.idx.msk [tilespmem:v15+s16+$0x0], $0xffff;
	v16 =	vadd.f32 $1.000000000e+00, v16  }
0x295: {  	v8 =	vimm.f32 $0.0e+00;
	s1 =	sand.u32 $0xFFFFFC00, s25;
	s0 =	sshll.u32 s0, $0x7;
	v32 =	vld.idx.msk [tilespmem:v14+s7+$0x0], $0xffff;
	(erf) = vpow2.f32 v11;
	v22 =	vadd.f32 $1.000000000e+00, v22  }
0x296: {  	v14 =	vadd.s32 v7, v24;
	v21 =	vadd.s32 v7, v21;
	s0 =	sor.u32 s1, s0;
	v11 =	vld.idx.msk [tilespmem:v13+s7+$0x0], $0xffff;
	v24 =	vpop (erf);
	(erf) = vpow2.f32 v18  }
0x297: {  	s1 =	sor.u32 $0x80, s0;
	v13 =	vadd.f32 $1.000000000e+00, v24;
	(erf) = vrcp.f32 v22;
	v22 =	vld.idx.msk [tilespmem:v25+s16+$0x0], $0xffff;
	v24 =	vadd.s32 v7, v26;
	v18 =	vpop (erf)  }
0x298: {  	v25 =	vld.idx.msk [tilespmem:v28+s16+$0x0], $0xffff;
	v28 =	vor.u32 s1, v3;
	(erf) = vrcp.f32 v16;
	v18 =	vmul.f32 v18, v27;
	v16 =	vpop (erf)  }
0x299: {  	s26 =	sor.u32 $0x180, s0;
	v26 =	vld.idx.msk [tilespmem:v12+s16+$0x0], $0xffff;
	v15 =	vsub.f32 $0.0e+00, v15;
	(erf) = vrcp.f32 v13;
	v13 =	vadd.f32 $1.000000000e+00, v16  }
0x29a: {  	v12 =	vadd.f32 v18, v8;
	v16 =	vld.idx.msk [tilespmem:v20+s7+$0x0], $0xffff;
	v18 =	vor.u32 s26, v3;
	v20 =	vadd.s32 v7, v17  }
0x29b: {  	v17 =	vld.idx.msk [tilespmem:v19+s7+$0x0], $0xffff;
	v15 =	vmul.f32 $1.442695020e+00, v15;
	v19 =	vadd.s32 v9, v18;
	(erf) = vrcp.f32 v13  }
0x29c: {  	v34 =	vadd.s32 v9, v28;
	v27 =	vor.u32 s0, v3;
	s0 =	sor.u32 $0x100, s0;
	v22 =	vsub.f32 $0.0e+00, v22;
	v13 =	vld.idx.msk [tilespmem:v14+s7+$0x0], $0xffff  }
0x29d: {  	v35 =	vor.u32 s0, v3;
	v25 =	vsub.f32 $0.0e+00, v25;
	v14 =	vld.idx.msk [tilespmem:v24+s7+$0x0], $0xffff;
	v24 =	vpop (erf);
	(erf) = vpow2.f32 v15  }
0x29e: {  	v36 =	vadd.s32 v9, v35;
	v26 =	vsub.f32 $0.0e+00, v26;
	v15 =	vld.idx.msk [tilespmem:v21+s7+$0x0], $0xffff;
	v21 =	vpop (erf);
	v22 =	vmul.f32 $1.442695020e+00, v22  }
0x29f: {  	v37 =	vadd.s32 v7, v28;
	v33 =	vadd.s32 v9, v27;
	v28 =	vpop (erf);
	v38 =	vld.idx.msk [tilespmem:v20+s7+$0x0], $0xffff;
	v20 =	vmul.f32 $1.442695020e+00, v25  }
0x2a0: {  	v24 =	vadd.f32 $1.000000000e+00, v24;
	v39 =	vpop (erf);
	(erf) = vpow2.f32 v22;
	v30 =	vld.idx.msk [tilespmem:v19+s16+$0x0], $0xffff;
	v19 =	vmul.f32 $1.442695020e+00, v26  }
0x2a1: {  	(erf) = vpow2.f32 v20;
	v20 =	vmul.f32 v39, v23;
	v23 =	vadd.s32 v7, v35  }
0x2a2: {  	v29 =	vadd.f32 $1.000000000e+00, v28;
	v22 =	vadd.s32 v7, v27;
	v25 =	vld.idx.msk [tilespmem:v34+s16+$0x0], $0xffff;
	v28 =	vpop (erf)  }
0x2a3: {  	s0 =	simm.s32 $0x10;
	v21 =	vadd.f32 $1.000000000e+00, v21;
	v26 =	vld.idx.msk [tilespmem:v36+s16+$0x0], $0xffff;
	v31 =	vmul.f32 v28, v31;
	v27 =	vpop (erf);
	(erf) = vpow2.f32 v19  }
0x2a4: {  	s30 =	smov.u32 s15;
	s29 =	simm.s32 $0x800;
	s28 =	sand.u32 $0x4, s0;
	v28 =	vld.idx.msk [tilespmem:v33+s16+$0x0], $0xffff;
	(erf) = vrcp.f32 v24;
	v27 =	vmul.f32 v27, v32;
	v20 =	vadd.f32 v20, v8;
	v24 =	vpop (erf)  }
0x2a5: {  	s3 =	sand.u32 $0xFFFFFC00, s29;
	s4 =	simm.s32 $0x5;
	s6 =	sshll.u32 s28, $0x7;
	v19 =	vld.idx.msk [tilespmem:v37+s7+$0x0], $0xffff;
	(erf) = vrcp.f32 v21;
	v21 =	vadd.f32 v31, v8;
	v24 =	vmul.f32 v24, v38  }
.LBB2_7:
0x2a6: {  	p0 =	sne.s32 s4, $0x7;
	s1 =	sor.u32 s3, s6;
	v31 =	vld.idx.msk [tilespmem:v23+s7+$0x0], $0xffff;
	v23 =	vsub.f32 $0.0e+00, v30;
	v30 =	vpop (erf);
	(erf) = vrcp.f32 v29;
	v8 =	vadd.f32 v27, v8  }
0x2a7: {  	v27 =	vor.u32 s1, v3;
	s2 =	sor.u32 $0x80, s1;
	s3 =	sor.u32 $0x100, s1;
	s1 =	sor.u32 $0x180, s1;
	v32 =	vld.idx.msk [tilespmem:v22+s7+$0x0], $0xffff;
	v36 =	vadd.f32 $1.000000000e+00, v30;
	v12 =	vadd.f32 v24, v12  }
0x2a8: {  	v29 =	vadd.s32 v7, v10;
	v10 =	vmovc v18;
	v24 =	vor.u32 s2, v3;
	v18 =	vor.u32 s1, v3  }
0x2a9: {  	v38 =	vmul.f32 $1.442695020e+00, v23;
	v30 =	vadd.s32 v9, v18;
	(erf) = vrcp.f32 v36  }
0x2aa: {  	v33 =	vadd.s32 v9, v27;
	v35 =	vor.u32 s3, v3;
	v34 =	vadd.s32 v9, v24;
	v22 =	vpop (erf)  }
0x2ab: {  	v25 =	vsub.f32 $0.0e+00, v25;
	v36 =	vadd.s32 v9, v35;
	(erf) = vpow2.f32 v38;
	v23 =	vpop (erf)  }
0x2ac: {  	v26 =	vsub.f32 $0.0e+00, v26;
	v28 =	vsub.f32 $0.0e+00, v28;
	v24 =	vadd.s32 v7, v24;
	v37 =	vpop (erf)  }
0x2ad: {  	v38 =	vmul.f32 $1.442695020e+00, v25;
	v39 =	vadd.f32 $1.000000000e+00, v22;
	v40 =	vadd.f32 $1.000000000e+00, v23;
	v41 =	vld.idx.msk [tilespmem:v29+s7+$0x0], $0xffff;
	v42 =	vpop (erf)  }
0x2ae: {  	v43 =	vmul.f32 $1.442695020e+00, v28;
	v28 =	vmul.f32 $1.442695020e+00, v26;
	v29 =	vadd.f32 $1.000000000e+00, v37;
	v30 =	vld.idx.msk [tilespmem:v30+s16+$0x0], $0xffff;
	v37 =	vpop (erf)  }
.Ltmp2:
0x2af: {  	v22 =	vadd.s32 v7, v27;
	v23 =	vadd.s32 v7, v35;
	v25 =	vld.idx.msk [tilespmem:v34+s16+$0x0], $0xffff;
	(erf) = vpow2.f32 v38;
	v27 =	vpop (erf);
	(pc) =	sbr.rel @p0 .LBB2_7-.Ltmp2, $4  }
0x2b0: {  	v34 =	vmul.f32 v42, v11;
	v11 =	vmovc v13;
	v13 =	vmov v19;
	v26 =	vld.idx.msk [tilespmem:v36+s16+$0x0], $0xffff;
	(erf) = vpow2.f32 v28  }
0x2b1: {  	s0 =	sadd.s32 $0x4, s0;
	v28 =	vld.idx.msk [tilespmem:v33+s16+$0x0], $0xffff;
	(erf) = vpow2.f32 v43;
	v33 =	vmul.f32 v37, v16;
	v16 =	vmovc v14;
	v14 =	vmov v31  }
0x2b2: {  	s1 =	sand.u32 $0x4, s0;
	s2 =	sshll.u32 s4, $0x9;
	v27 =	vmul.f32 v27, v17;
	v20 =	vadd.f32 v34, v20;
	v19 =	vld.idx.msk [tilespmem:v24+s7+$0x0], $0xffff;
	(erf) = vrcp.f32 v39;
	v24 =	vpop (erf)  }
0x2b3: {  	s4 =	sadd.s32 $0x1, s4;
	s3 =	sand.u32 $0xFFFFFC00, s2;
	s6 =	sshll.u32 s1, $0x7;
	v17 =	vmovc v15;
	v15 =	vmovc v32;
	v24 =	vmul.f32 v24, v41;
	(erf) = vrcp.f32 v40;
	v21 =	vadd.f32 v33, v21  }
0x2b4: {  	s0 =	sor.u32 s3, s6;
	v30 =	vsub.f32 $0.0e+00, v30;
	v31 =	vpop (erf)  }
0x2b5: {  	s1 =	sor.u32 $0x180, s0;
	v31 =	vadd.f32 $1.000000000e+00, v31  }
0x2b6: {  	(erf) = vrcp.f32 v29;
	s2 =	sor.u32 $0x80, s0;
	v48 =	vor.u32 s1, v3;
	v30 =	vmul.f32 $1.442695020e+00, v30  }
0x2b7: {  	s10 =	sor.u32 $0x100, s0;
	v32 =	vor.u32 s2, v3;
	v33 =	vadd.s32 v9, v48;
	(erf) = vrcp.f32 v31  }
0x2b8: {  	v34 =	vor.u32 s10, v3;
	v49 =	vadd.s32 v9, v32;
	(erf) = vpow2.f32 v30  }
0x2b9: {  	v50 =	vor.u32 s0, v3;
	v35 =	vadd.s32 v9, v34  }
0x2ba: {  	v25 =	vsub.f32 $0.0e+00, v25;
	v51 =	vadd.s32 v9, v50;
	v36 =	vpop (erf)  }
0x2bb: {  	v26 =	vsub.f32 $0.0e+00, v26;
	v37 =	vpop (erf)  }
0x2bc: {  	v28 =	vsub.f32 $0.0e+00, v28;
	v25 =	vmul.f32 $1.442695020e+00, v25;
	v38 =	vpop (erf);
	v33 =	vld.idx.msk [tilespmem:v33+s16+$0x0], $0xffff  }
0x2bd: {  	v26 =	vmul.f32 $1.442695020e+00, v26;
	v39 =	vpop (erf);
	v31 =	vld.idx.msk [tilespmem:v49+s16+$0x0], $0xffff  }
0x2be: {  	v28 =	vmul.f32 $1.442695020e+00, v28;
	(erf) = vpow2.f32 v25;
	v52 =	vpop (erf);
	v35 =	vld.idx.msk [tilespmem:v35+s16+$0x0], $0xffff  }
0x2bf: {  	v36 =	vadd.f32 $1.000000000e+00, v36;
	(erf) = vpow2.f32 v26;
	v9 =	vld.idx.msk [tilespmem:v51+s16+$0x0], $0xffff;
	v53 =	vpop (erf)  }
0x2c0: {  	v37 =	vadd.f32 $1.000000000e+00, v37;
	(erf) = vpow2.f32 v28;
	v54 =	vpop (erf)  }
0x2c1: {  	v38 =	vadd.f32 $1.000000000e+00, v38;
	(erf) = vrcp.f32 v36;
	v33 =	vsub.f32 $0.0e+00, v33;
	v55 =	vpop (erf)  }
0x2c2: {  	(erf) = vrcp.f32 v37;
	v31 =	vsub.f32 $0.0e+00, v31;
	v36 =	vadd.f32 $1.000000000e+00, v55  }
0x2c3: {  	(erf) = vrcp.f32 v38;
	v35 =	vsub.f32 $0.0e+00, v35;
	v33 =	vmul.f32 $1.442695020e+00, v33  }
0x2c4: {  	v9 =	vsub.f32 $0.0e+00, v9;
	v31 =	vmul.f32 $1.442695020e+00, v31;
	(erf) = vrcp.f32 v36  }
0x2c5: {  	v56 =	vmul.f32 $1.442695020e+00, v35;
	(erf) = vpow2.f32 v33  }
0x2c6: {  	v9 =	vmul.f32 $1.442695020e+00, v9;
	(erf) = vpow2.f32 v31  }
0x2c7: {  	v57 =	vpop (erf);
	(erf) = vpow2.f32 v56  }
0x2c8: {  	v58 =	vpop (erf);
	(erf) = vpow2.f32 v9  }
0x2c9: {  	v59 =	vpop (erf)  }
0x2ca: {  	v60 =	vpop (erf)  }
0x2cb: {  	v61 =	vpop (erf)  }
0x2cc: {  	v31 =	vadd.f32 $1.000000000e+00, v57;
	v62 =	vpop (erf)  }
0x2cd: {  	v10 =	vadd.s32 v7, v10;
	v33 =	vadd.f32 $1.000000000e+00, v58;
	v63 =	vpop (erf)  }
0x2ce: {  	v8 =	vadd.f32 v27, v8;
	v9 =	vadd.f32 $1.000000000e+00, v59;
	(erf) = vrcp.f32 v31;
	v40 =	vpop (erf)  }
0x2cf: {  	v18 =	vadd.s32 v7, v18;
	(erf) = vrcp.f32 v33;
	v27 =	vadd.f32 $1.000000000e+00, v40;
	v41 =	vpop (erf)  }
0x2d0: {  	v6 =	vshrl.u32 v6, $0x19;
	(erf) = vrcp.f32 v9;
	v42 =	vpop (erf);
	v31 =	vadd.f32 $1.000000000e+00, v41  }
0x2d1: {  	v32 =	vadd.s32 v7, v32;
	(erf) = vrcp.f32 v27;
	v44 =	vpop (erf);
	v9 =	vadd.f32 $1.000000000e+00, v42  }
0x2d2: {  	v43 =	vadd.s32 v7, v34;
	v10 =	vld.idx.msk [tilespmem:v10+s7+$0x0], $0xffff;
	v27 =	vadd.f32 $1.000000000e+00, v44;
	(erf) = vrcp.f32 v31  }
0x2d3: {  	v23 =	vld.idx.msk [tilespmem:v23+s7+$0x0], $0xffff;
	v6 =	vadd.s32 v6, v5;
	v45 =	vadd.s32 v7, v48;
	(erf) = vrcp.f32 v9  }
0x2d4: {  	v6 =	vshrl.u32 v6, $0x7;
	v7 =	vadd.s32 v7, v50;
	v48 =	vld.idx.msk [tilespmem:v22+s7+$0x0], $0xffff;
	(erf) = vrcp.f32 v27  }
0x2d5: {  	v12 =	vadd.f32 v24, v12;
	v6 =	vshll.u32 v6, $0x7;
	v47 =	vld.idx.msk [tilespmem:v18+s7+$0x0], $0xffff;
	v11 =	vmul.f32 v39, v11  }
0x2d6: {  	v5 =	vsub.s32 v5, v6;
	v49 =	vld.idx.msk [tilespmem:v32+s7+$0x0], $0xffff;
	v16 =	vmul.f32 v52, v16;
	v46 =	vmul.f32 v53, v17  }
0x2d7: {  	v5 =	vadd.s32 v4, v5;
	v51 =	vld.idx.msk [tilespmem:v43+s7+$0x0], $0xffff;
	v11 =	vadd.f32 v11, v20;
	v10 =	vmul.f32 v54, v10;
	v53 =	vpop (erf)  }
0x2d8: {  	v16 =	vadd.f32 v16, v21;
	v8 =	vadd.f32 v46, v8;
	v54 =	vld.idx.msk [tilespmem:v45+s7+$0x0], $0xffff;
	v50 =	vmul.f32 v60, v13;
	v55 =	vpop (erf)  }
0x2d9: {  	v7 =	vld.idx.msk [tilespmem:v7+s7+$0x0], $0xffff;
	v10 =	vadd.f32 v10, v12;
	v52 =	vmul.f32 v61, v14;
	v15 =	vmul.f32 v62, v15;
	v56 =	vpop (erf)  }
0x2da: {  	v17 =	vmul.f32 v63, v47;
	v9 =	vadd.f32 v50, v11;
	v14 =	vmul.f32 v53, v19;
	v57 =	vpop (erf)  }
0x2db: {  	v12 =	vadd.f32 v52, v16;
	v8 =	vadd.f32 v15, v8;
	v58 =	vmul.f32 v55, v23;
	v59 =	vpop (erf)  }
0x2dc: {  	v10 =	vadd.f32 v17, v10;
	v6 =	vmul.f32 v56, v48;
	v9 =	vadd.f32 v14, v9;
	v60 =	vpop (erf)  }
0x2dd: {  	v12 =	vadd.f32 v58, v12;
	v11 =	vmul.f32 v57, v54;
	v62 =	vmul.f32 v59, v49;
	v61 =	vpop (erf)  }
0x2de: {  	v6 =	vadd.f32 v6, v8;
	v8 =	vmul.f32 v60, v51;
	v7 =	vmul.f32 v61, v7  }
0x2df: {  	v10 =	vadd.f32 v11, v10;
	v9 =	vadd.f32 v62, v9  }
0x2e0: {  	s11 =	simm.s32 $0x8400;
	v8 =	vadd.f32 v8, v12;
	v6 =	vadd.f32 v7, v6  }
0x2e1: {  	v5 =	vld.idx.msk [tilespmem:v5+s11+$0x0], $0xffff  }
0x2e2: {  	v7 =	vadd.f32 v10, v8;
	v6 =	vadd.f32 v9, v6;
	_ =	sdelay $0x1  }
0x2e3: {  	v6 =	vadd.f32 v7, v6;
	_ =	sdelay $0x1  }
0x2e4: {  	v6 =	vsub.f32 v5, v6  }
0x2e5: {  	v5 =	vld [tilespmem:s8+$0x20]  }
0x2e6: {  	v7 =	vadd.f32 $0.0e+00, v6;
	v6 =	vld [tilespmem:s8+$0x220]  }
0x2e7: {  	s26 =	simm.s32 $0x0  }
0x2e8: {  	v8 =	vmov s26;
	v7 =	vmul.f32 $1.442695020e+00, v7  }
0x2e9: {  	vm1 =	veq.s32 v8, v1  }
0x2ea: {  	(erf) = vpow2.f32 v7;
	v7 =	vnsel vm1, $0x0, v5  }
0x2eb: {  	v8 =	vnsel vm1, $0x0, v6;
	(xrf0) =	vadd.scan.msk.s32 $0xffff, v7  }
0x2ec: {  	(xrf0) =	vadd.scan.msk.s32 $0xffff, v8;
	_ =	sdelay $0x4  }
0x2ed: {  	v7, _, _ =	vpop (xrf0)  }
0x2ee: {  	v8, _, _ =	vpop (xrf0)  }
0x2ef: {  	v63 =	vpop (erf);
	(v2sf) =	vpush v8, $0xF  }
0x2f0: {  	v8 =	vadd.f32 $1.000000000e+00, v63;
	(v2sf) =	vpush v7, $0xF;
	_ =	sdelay $0x1  }
0x2f1: {  	(erf) = vrcp.f32 v8;
	_ =	sdelay $0x1  }
0x2f2: {  	v7 =	vshra.s32 v6, $0x1F;
	v8 =	vand.u32 $0x7F, v6  }
0x2f3: {  	vm1 =	vlt.s32 v6, $0x1;
	v7 =	vshrl.u32 v7, $0x19;
	vm2 =	vne.s32 v8, $0x0  }
0x2f4: {  	v7 =	vadd.s32 v7, v6;
	vm1 =	vmand vm1, vm2  }
0x2f5: {  	v7 =	vshra.s32 v7, $0x7;
	v8 =	vsel vm1, $0xFFFFFFFF, v0  }
0x2f6: {  	v7 =	vadd.s32 v8, v7;
	_ =	sdelay $0x2  }
0x2f7: {  	v8 =	vpop (erf)  }
0x2f8: {  	s15 =	rddreg [dreg:$0x4];
	[tilespmem:s8+$0x9400] =	vst v8  }
0x2f9: {  	[tilespmem:s11], [sflag:$0x1] =	stream.indirect_vreg.gather [hbm4b:s15+s26], $0x80, v7, vm0, $0xb8;
	[tilespmem:$0x9600] =	vst v63  }
0x2fa: {  	s0 =	spop (v2sf)  }
0x2fb: {  	s12 =	spop (v2sf)  }
0x2fc: {  	s13 =	sand.u32 $0xF, s12  }
0x2fd: {  	s14 =	sshra.s32 s12, $0x1F;
	p0 =	slt.s32 s12, $0x1;
	p1 =	sne.s32 s13, $0x0  }
0x2fe: {  	s17 =	sshrl.u32 s14, $0x1C;
	p0 =	por !p0, !p1  }
0x2ff: {  	s2 =	simm.s32 $0x1;
	s1 =	sadd.s32 s17, s12;
	p0 =	por !p0, !p0  }
0x300: {  	s1 =	sshra.s32 s1, $0x4;
	s2 =	simm.s32 @!p0 $0x0  }
0x301: {  	s1 =	ssub.s32 s1, s2  }
0x302: {  	s2 =	sshll.u32 s1, $0x7;
	s1 =	sshll.u32 s1, $0x4  }
0x303: {  	s2 =	sand.u32 $0xFFFFFC00, s2;
	s1 =	sand.u32 $0x70, s1  }
0x304: {  	s20 =	sand.u32 $0x1000, s26;
	s21 =	sand.u32 $0x70, s26;
	s1 =	sor.u32 s1, s2  }
0x305: {  	s25 =	sor.u32 s21, s20;
	s1 =	sshrl.u32 s1, $0x3  }
0x306: {  	s23 =	sor.u32 $0x400, s25;
	s4 =	sadd.s32 s31, s1  }
0x307: {  	[tilespmem:s23], [sflag:$0x1] =	stream.linear.gather [hbm4b:s4+s5], $0x10, $0x38;
	[tilespmem:$0x9600] =	vst v63  }
0x308: {  	s2 =	sor.u32 $0x480, s25;
	s24 =	sadd.s32 $0x10, s4  }
0x309: {  	[tilespmem:s2], [sflag:$0x1] =	stream.linear.gather [hbm4b:s24+s5], $0x10, $0x38;
	[tilespmem:$0x9600] =	vst v63  }
0x30a: {  	s3 =	sor.u32 $0x500, s25;
	s2 =	sadd.s32 $0x20, s4  }
0x30b: {  	[tilespmem:s3], [sflag:$0x1] =	stream.linear.gather [hbm4b:s2+s5], $0x10, $0x38;
	[tilespmem:$0x9600] =	vst v63  }
0x30c: {  	s28 =	simm.s32 $0x1;
	s7 =	sor.u32 $0x580, s25;
	s6 =	sadd.s32 $0x30, s4  }
0x30d: {  	[tilespmem:s7], [sflag:$0x1] =	stream.linear.gather [hbm4b:s6+s5], $0x10, $0x38;
	[tilespmem:$0x9600] =	vst v63  }
0x30e: {  	s29 =	simm.s32 $0x0;
	s9 =	sor.u32 $0x600, s25;
	s8 =	sadd.s32 $0x40, s4  }
0x30f: {  	[tilespmem:s9], [sflag:$0x1] =	stream.linear.gather [hbm4b:s8+s5], $0x10, $0x38;
	[tilespmem:$0x9600] =	vst v63  }
0x310: {  	s11 =	sor.u32 $0x680, s25;
	s20 =	sshra.s32 s0, $0x1F;
	s10 =	sadd.s32 $0x50, s4  }
0x311: {  	[tilespmem:s11], [sflag:$0x1] =	stream.linear.gather [hbm4b:s10+s5], $0x10, $0x38;
	[tilespmem:$0x9600] =	vst v63  }
0x312: {  	p5 =	slt.s32 s0, $0x1;
	s13 =	sor.u32 $0x700, s25;
	s12 =	sadd.s32 $0x60, s4  }
0x313: {  	[tilespmem:s13], [sflag:$0x1] =	stream.linear.gather [hbm4b:s12+s5], $0x10, $0x38;
	[tilespmem:$0x9600] =	vst v63  }
0x314: {  	s17 =	sor.u32 $0x780, s25;
	s1 =	sshrl.u32 s20, $0x1C;
	s14 =	sadd.s32 $0x70, s4  }
0x315: {  	[tilespmem:s17], [sflag:$0x1] =	stream.linear.gather [hbm4b:s14+s5], $0x10, $0x38;
	[tilespmem:$0x9600] =	vst v63  }
0x316: {  	s20 =	sor.u32 $0xB00, s25;
	s2 =	sadd.s32 $0xF4280, s4;
	s3 =	sor.u32 $0x800, s25  }
0x317: {  	[tilespmem:s3], [sflag:$0x1] =	stream.linear.gather [hbm4b:s2+s5], $0x10, $0x38;
	[tilespmem:$0x9600] =	vst v63  }
0x318: {  	s23 =	sor.u32 $0x880, s25;
	s24 =	sand.u32 $0xF, s0;
	s21 =	sadd.s32 $0x10, s2  }
0x319: {  	[tilespmem:s23], [sflag:$0x1] =	stream.linear.gather [hbm4b:s21+s5], $0x10, $0x38;
	[tilespmem:$0x9600] =	vst v63  }
0x31a: {  	s0 =	sadd.s32 s1, s0;
	s7 =	sadd.s32 $0x20, s2;
	s8 =	sor.u32 $0x900, s25  }
0x31b: {  	[tilespmem:s8], [sflag:$0x1] =	stream.linear.gather [hbm4b:s7+s5], $0x10, $0x38;
	[tilespmem:$0x9600] =	vst v63  }
0x31c: {  	p6 =	sne.s32 s24, $0x0;
	s9 =	sadd.s32 $0x30, s2;
	s10 =	sor.u32 $0x980, s25  }
0x31d: {  	[tilespmem:s10], [sflag:$0x1] =	stream.linear.gather [hbm4b:s9+s5], $0x10, $0x38;
	[tilespmem:$0x9600] =	vst v63  }
0x31e: {  	s0 =	sshra.s32 s0, $0x4;
	s11 =	sadd.s32 $0x40, s2;
	s12 =	sor.u32 $0xA00, s25  }
0x31f: {  	[tilespmem:s12], [sflag:$0x1] =	stream.linear.gather [hbm4b:s11+s5], $0x10, $0x38;
	[tilespmem:$0x9600] =	vst v63  }
0x320: {  	s24 =	sadd.s32 $0x1E8500, s4;
	s13 =	sadd.s32 $0x50, s2;
	s14 =	sor.u32 $0xA80, s25  }
0x321: {  	[tilespmem:s14], [sflag:$0x1] =	stream.linear.gather [hbm4b:s13+s5], $0x10, $0x38;
	[tilespmem:$0x9600] =	vst v63  }
0x322: {  	p0 =	por !p5, !p6;
	s1 =	sadd.s32 $0x70, s24;
	s17 =	sadd.s32 $0x60, s2  }
0x323: {  	[tilespmem:s20], [sflag:$0x1] =	stream.linear.gather [hbm4b:s17+s5], $0x10, $0x38;
	[tilespmem:$0x9600] =	vst v63  }
0x324: {  	s4 =	sadd.s32 $0x2DC780, s4;
	s21 =	sadd.s32 $0x70, s2;
	s23 =	sor.u32 $0xB80, s25  }
0x325: {  	[tilespmem:s23], [sflag:$0x1] =	stream.linear.gather [hbm4b:s21+s5], $0x10, $0x38;
	[tilespmem:$0x9600] =	vst v63  }
0x326: {  	p0 =	por !p0, !p0;
	s3 =	sor.u32 $0xC00, s25;
	s2 =	simm.s32 $0x1  }
0x327: {  	[tilespmem:s3], [sflag:$0x1] =	stream.linear.gather [hbm4b:s24+s5], $0x10, $0x38;
	[tilespmem:$0x9600] =	vst v63  }
0x328: {  	s6 =	sadd.s32 $0x10, s24;
	s2 =	simm.s32 @!p0 $0x0;
	s7 =	sor.u32 $0xC80, s25  }
0x329: {  	[tilespmem:s7], [sflag:$0x1] =	stream.linear.gather [hbm4b:s6+s5], $0x10, $0x38;
	[tilespmem:$0x9600] =	vst v63  }
0x32a: {  	s8 =	sadd.s32 $0x20, s24;
	s0 =	ssub.s32 s0, s2;
	s9 =	sor.u32 $0xD00, s25  }
0x32b: {  	[tilespmem:s9], [sflag:$0x1] =	stream.linear.gather [hbm4b:s8+s5], $0x10, $0x38;
	[tilespmem:$0x9600] =	vst v63  }
0x32c: {  	s10 =	sadd.s32 $0x30, s24;
	s11 =	sor.u32 $0xD80, s25;
	s12 =	sshll.u32 s0, $0x4  }
0x32d: {  	[tilespmem:s11], [sflag:$0x1] =	stream.linear.gather [hbm4b:s10+s5], $0x10, $0x38;
	[tilespmem:$0x9600] =	vst v63  }
0x32e: {  	s0 =	sshll.u32 s0, $0x7;
	s13 =	sadd.s32 $0x40, s24;
	s14 =	sor.u32 $0xE00, s25  }
0x32f: {  	[tilespmem:s14], [sflag:$0x1] =	stream.linear.gather [hbm4b:s13+s5], $0x10, $0x38;
	[tilespmem:$0x9600] =	vst v63  }
0x330: {  	s0 =	sand.u32 $0xFFFFFC00, s0;
	s17 =	sadd.s32 $0x50, s24;
	s20 =	sor.u32 $0xE80, s25  }
0x331: {  	[tilespmem:s20], [sflag:$0x1] =	stream.linear.gather [hbm4b:s17+s5], $0x10, $0x38;
	[tilespmem:$0x9600] =	vst v63  }
0x332: {  	s2 =	sand.u32 $0x70, s12;
	s21 =	sadd.s32 $0x60, s24;
	s23 =	sor.u32 $0xF00, s25  }
0x333: {  	[tilespmem:s23], [sflag:$0x1] =	stream.linear.gather [hbm4b:s21+s5], $0x10, $0x38;
	[tilespmem:$0x9600] =	vst v63  }
0x334: {  	s0 =	sor.u32 s2, s0;
	s24 =	sor.u32 $0xF80, s25;
	s6 =	sadd.s32 $0x1000, s25  }
0x335: {  	[tilespmem:s24], [sflag:$0x1] =	stream.linear.gather [hbm4b:s1+s5], $0x10, $0x38;
	[tilespmem:$0x9600] =	vst v63  }
.LBB2_9:
0x336: {  	[tilespmem:s6], [sflag:$0x1] =	stream.linear.gather [hbm4b:s4+s5], $0x10, $0x38;
	[tilespmem:$0x9600] =	vst v63  }
0x337: {  	v7 =	vmov s28;
	s1 =	sadd.s32 $0x10, s4  }
0x338: {  	s2 =	sadd.s32 $0x1080, s25;
	s26 =	sadd.s32 $0x200, s26;
	s3 =	sadd.s32 $0x20, s4;
	vm1 =	veq.s32 v7, v1  }
0x339: {  	v7 =	vnsel vm1, $0x0, v5;
	[tilespmem:s2], [sflag:$0x1] =	stream.linear.gather [hbm4b:s1+s5], $0x10, $0x38;
	[tilespmem:$0x9600] =	vst v63  }
0x33a: {  	s6 =	sadd.s32 $0x1100, s25;
	s29 =	sadd.s32 $0x10, s29;
	s7 =	sadd.s32 $0x30, s4;
	(xrf0) =	vadd.scan.msk.s32 $0xffff, v7  }
0x33b: {  	v8 =	vnsel vm1, $0x0, v6;
	[tilespmem:s6], [sflag:$0x1] =	stream.linear.gather [hbm4b:s3+s5], $0x10, $0x38;
	[tilespmem:$0x9600] =	vst v63  }
0x33c: {  	s8 =	sadd.s32 $0x1180, s25;
	s9 =	sadd.s32 $0x40, s4;
	s10 =	sadd.s32 $0x1200, s25;
	(xrf0) =	vadd.scan.msk.s32 $0xffff, v8  }
0x33d: {  	[tilespmem:s8], [sflag:$0x1] =	stream.linear.gather [hbm4b:s7+s5], $0x10, $0x38;
	[tilespmem:$0x9600] =	vst v63  }
0x33e: {  	s12 =	sadd.s32 $0x50, s4;
	s13 =	sadd.s32 $0x1280, s25;
	s0 =	sshrl.u32 s0, $0x3  }
0x33f: {  	[tilespmem:s10], [sflag:$0x1] =	stream.linear.gather [hbm4b:s9+s5], $0x10, $0x38;
	[tilespmem:$0x9600] =	vst v63  }
0x340: {  	s14 =	sadd.s32 $0x60, s4;
	s17 =	sadd.s32 $0x1300, s25;
	s20 =	sadd.s32 $0x70, s4  }
0x341: {  	v7, _, _ =	vpop (xrf0);
	[tilespmem:s13], [sflag:$0x1] =	stream.linear.gather [hbm4b:s12+s5], $0x10, $0x38;
	[tilespmem:$0x9600] =	vst v63  }
0x342: {  	s21 =	sadd.s32 $0x1380, s25;
	s23 =	sor.u32 $0x4400, s25;
	s0 =	sadd.s32 s30, s0;
	v8, _, _ =	vpop (xrf0)  }
0x343: {  	(v2sf) =	vpush v8, $0xF;
	[tilespmem:s17], [sflag:$0x1] =	stream.linear.gather [hbm4b:s14+s5], $0x10, $0x38;
	[tilespmem:$0x9600] =	vst v63  }
0x344: {  	s4 =	sor.u32 $0x4E80, s25;
	s24 =	sadd.s32 $0x20, s0;
	s3 =	sadd.s32 $0x10, s0;
	(v2sf) =	vpush v7, $0xF  }
0x345: {  	[tilespmem:s21], [sflag:$0x1] =	stream.linear.gather [hbm4b:s20+s5], $0x10, $0x38;
	[tilespmem:$0x9600] =	vst v63  }
0x346: {  	s7 =	sor.u32 $0x4D80, s25;
	s8 =	sor.u32 $0x4D00, s25;
	s10 =	sor.u32 $0x4480, s25  }
0x347: {  	[tilespmem:s23], [sflag:$0x1] =	stream.linear.gather [hbm4b:s0+s5], $0x10, $0x38;
	[tilespmem:$0x9600] =	vst v63  }
0x348: {  	s9 =	sadd.s32 $0x30, s0;
	s12 =	sor.u32 $0x4500, s25;
	s13 =	sadd.s32 $0x40, s0  }
0x349: {  	[tilespmem:s10], [sflag:$0x1] =	stream.linear.gather [hbm4b:s3+s5], $0x10, $0x38;
	[tilespmem:$0x9600] =	vst v63  }
0x34a: {  	s14 =	sor.u32 $0x4580, s25;
	s17 =	sadd.s32 $0x50, s0;
	s20 =	sor.u32 $0x4600, s25  }
0x34b: {  	[tilespmem:s12], [sflag:$0x1] =	stream.linear.gather [hbm4b:s24+s5], $0x10, $0x38;
	[tilespmem:$0x9600] =	vst v63  }
0x34c: {  	s21 =	sadd.s32 $0x60, s0;
	s23 =	sor.u32 $0x4700, s25;
	s10 =	sor.u32 $0x4680, s25  }
0x34d: {  	[tilespmem:s14], [sflag:$0x1] =	stream.linear.gather [hbm4b:s9+s5], $0x10, $0x38;
	[tilespmem:$0x9600] =	vst v63  }
0x34e: {  	s3 =	sor.u32 $0x4C80, s25;
	s12 =	sadd.s32 $0x70, s0;
	s9 =	sadd.s32 $0x18700, s0  }
0x34f: {  	[tilespmem:s20], [sflag:$0x1] =	stream.linear.gather [hbm4b:s13+s5], $0x10, $0x38;
	[tilespmem:$0x9600] =	vst v63  }
0x350: {  	s24 =	sor.u32 $0x4780, s25;
	s1 =	sadd.s32 $0x40, s9;
	s13 =	sadd.s32 $0x50, s9  }
0x351: {  	[tilespmem:s10], [sflag:$0x1] =	stream.linear.gather [hbm4b:s17+s5], $0x10, $0x38;
	[tilespmem:$0x9600] =	vst v63  }
0x352: {  	s20 =	sor.u32 $0x4800, s25;
	s30 =	spop (v2sf);
	s17 =	sor.u32 $0x4B00, s25  }
0x353: {  	s2 =	spop (v2sf);
	s10 =	sshra.s32 s30, $0x1F;
	p5 =	slt.s32 s30, $0x1  }
0x354: {  	[tilespmem:s23], [sflag:$0x1] =	stream.linear.gather [hbm4b:s21+s5], $0x10, $0x38;
	[tilespmem:$0x9600] =	vst v63  }
0x355: {  	s14 =	sshra.s32 s2, $0x1F;
	s21 =	sor.u32 $0x4880, s25;
	s23 =	sand.u32 $0xF, s2  }
0x356: {  	[tilespmem:s24], [sflag:$0x1] =	stream.linear.gather [hbm4b:s12+s5], $0x10, $0x38;
	[tilespmem:$0x9600] =	vst v63  }
0x357: {  	p1 =	slt.s32 s2, $0x1;
	s14 =	sshrl.u32 s14, $0x1C;
	p2 =	sne.s32 s23, $0x0  }
0x358: {  	[tilespmem:s20], [sflag:$0x1] =	stream.linear.gather [hbm4b:s9+s5], $0x10, $0x38;
	[tilespmem:$0x9600] =	vst v63  }
0x359: {  	s23 =	sadd.s32 $0x30, s9;
	s24 =	sadd.s32 $0x10, s9;
	s2 =	sadd.s32 s14, s2  }
0x35a: {  	[tilespmem:s21], [sflag:$0x1] =	stream.linear.gather [hbm4b:s24+s5], $0x10, $0x38;
	[tilespmem:$0x9600] =	vst v63  }
0x35b: {  	p1 =	por !p1, !p2;
	s20 =	sadd.s32 $0x20, s9;
	s21 =	sor.u32 $0x4900, s25  }
0x35c: {  	[tilespmem:s21], [sflag:$0x1] =	stream.linear.gather [hbm4b:s20+s5], $0x10, $0x38;
	[tilespmem:$0x9600] =	vst v63  }
0x35d: {  	s12 =	simm.s32 $0x1;
	p1 =	por !p1, !p1;
	s24 =	sor.u32 $0x4980, s25  }
0x35e: {  	[tilespmem:s24], [sflag:$0x1] =	stream.linear.gather [hbm4b:s23+s5], $0x10, $0x38;
	[tilespmem:$0x9600] =	vst v63  }
0x35f: {  	s2 =	sshra.s32 s2, $0x4;
	s12 =	simm.s32 @!p1 $0x0;
	s20 =	sor.u32 $0x4A00, s25  }
0x360: {  	[tilespmem:s20], [sflag:$0x1] =	stream.linear.gather [hbm4b:s1+s5], $0x10, $0x38;
	[tilespmem:$0x9600] =	vst v63  }
0x361: {  	s2 =	ssub.s32 s2, s12;
	s12 =	sadd.s32 $0x30E00, s0;
	s21 =	sor.u32 $0x4A80, s25  }
0x362: {  	[tilespmem:s21], [sflag:$0x1] =	stream.linear.gather [hbm4b:s13+s5], $0x10, $0x38;
	[tilespmem:$0x9600] =	vst v63  }
0x363: {  	s14 =	sadd.s32 $0x30, s12;
	s23 =	sshll.u32 s2, $0x7;
	s24 =	sadd.s32 $0x60, s9  }
0x364: {  	[tilespmem:s17], [sflag:$0x1] =	stream.linear.gather [hbm4b:s24+s5], $0x10, $0x38;
	[tilespmem:$0x9600] =	vst v63  }
0x365: {  	s2 =	sshll.u32 s2, $0x4;
	s9 =	sadd.s32 $0x70, s9;
	s20 =	sor.u32 $0x4B80, s25  }
0x366: {  	[tilespmem:s20], [sflag:$0x1] =	stream.linear.gather [hbm4b:s9+s5], $0x10, $0x38;
	[tilespmem:$0x9600] =	vst v63  }
0x367: {  	s2 =	sand.u32 $0x70, s2;
	s1 =	sand.u32 $0xFFFFFC00, s23;
	s21 =	sor.u32 $0x4C00, s25  }
0x368: {  	[tilespmem:s21], [sflag:$0x1] =	stream.linear.gather [hbm4b:s12+s5], $0x10, $0x38;
	[tilespmem:$0x9600] =	vst v63  }
0x369: {  	s23 =	sadd.s32 $0x10, s12;
	s1 =	sor.u32 s2, s1;
	s2 =	simm.s32 $0x1  }
0x36a: {  	[tilespmem:s3], [sflag:$0x1] =	stream.linear.gather [hbm4b:s23+s5], $0x10, $0x38;
	[tilespmem:$0x9600] =	vst v63  }
0x36b: {  	s13 =	sadd.s32 $0x20, s12;
	s24 =	sshrl.u32 s10, $0x1C;
	s10 =	sand.u32 $0xF, s30  }
0x36c: {  	[tilespmem:s8], [sflag:$0x1] =	stream.linear.gather [hbm4b:s13+s5], $0x10, $0x38;
	[tilespmem:$0x9600] =	vst v63  }
0x36d: {  	s17 =	sadd.s32 $0x40, s12;
	p6 =	sne.s32 s10, $0x0;
	s20 =	sshrl.u32 s1, $0x3  }
0x36e: {  	[tilespmem:s7], [sflag:$0x1] =	stream.linear.gather [hbm4b:s14+s5], $0x10, $0x38;
	[tilespmem:$0x9600] =	vst v63  }
0x36f: {  	s1 =	sadd.s32 s24, s30;
	p1 =	por !p5, !p6;
	s21 =	sor.u32 $0x4E00, s25  }
0x370: {  	[tilespmem:s21], [sflag:$0x1] =	stream.linear.gather [hbm4b:s17+s5], $0x10, $0x38;
	[tilespmem:$0x9600] =	vst v63  }
0x371: {  	s24 =	sadd.s32 $0x60, s12;
	p1 =	por !p1, !p1;
	s23 =	sadd.s32 $0x50, s12  }
0x372: {  	[tilespmem:s4], [sflag:$0x1] =	stream.linear.gather [hbm4b:s23+s5], $0x10, $0x38;
	[tilespmem:$0x9600] =	vst v63  }
0x373: {  	s1 =	sshra.s32 s1, $0x4;
	s2 =	simm.s32 @!p1 $0x0;
	s8 =	sor.u32 $0x4F00, s25  }
0x374: {  	[tilespmem:s8], [sflag:$0x1] =	stream.linear.gather [hbm4b:s24+s5], $0x10, $0x38;
	[tilespmem:$0x9600] =	vst v63  }
0x375: {  	s6 =	sor.u32 $0x4F80, s25;
	s9 =	sadd.s32 $0x70, s12;
	s1 =	ssub.s32 s1, s2  }
0x376: {  	[tilespmem:s6], [sflag:$0x1] =	stream.linear.gather [hbm4b:s9+s5], $0x10, $0x38;
	[tilespmem:$0x9600] =	vst v63  }
0x377: {  	s11 =	sadd.s32 $0x5000, s25;
	s10 =	sshll.u32 s1, $0x4;
	s3 =	sadd.s32 $0x49500, s0  }
0x378: {  	[tilespmem:s11], [sflag:$0x1] =	stream.linear.gather [hbm4b:s3+s5], $0x10, $0x38;
	[tilespmem:$0x9600] =	vst v63  }
0x379: {  	s1 =	sshll.u32 s1, $0x7;
	s14 =	sadd.s32 $0x10, s3;
	s17 =	sadd.s32 $0x5080, s25  }
0x37a: {  	[tilespmem:s17], [sflag:$0x1] =	stream.linear.gather [hbm4b:s14+s5], $0x10, $0x38;
	[tilespmem:$0x9600] =	vst v63  }
0x37b: {  	s12 =	sand.u32 $0xFFFFFC00, s1;
	s21 =	sadd.s32 $0x20, s3;
	s23 =	sadd.s32 $0x5100, s25  }
0x37c: {  	[tilespmem:s23], [sflag:$0x1] =	stream.linear.gather [hbm4b:s21+s5], $0x10, $0x38;
	[tilespmem:$0x9600] =	vst v63  }
0x37d: {  	s13 =	sand.u32 $0x70, s10;
	s24 =	sadd.s32 $0x30, s3;
	s6 =	sadd.s32 $0x5180, s25  }
0x37e: {  	[tilespmem:s6], [sflag:$0x1] =	stream.linear.gather [hbm4b:s24+s5], $0x10, $0x38;
	[tilespmem:$0x9600] =	vst v63  }
0x37f: {  	s10 =	sadd.s32 $0x5280, s25;
	s7 =	sadd.s32 $0x40, s3;
	s8 =	sadd.s32 $0x5200, s25  }
0x380: {  	[tilespmem:s8], [sflag:$0x1] =	stream.linear.gather [hbm4b:s7+s5], $0x10, $0x38;
	[tilespmem:$0x9600] =	vst v63  }
0x381: {  	s0 =	sor.u32 s13, s12;
	s12 =	sadd.s32 $0x5300, s25;
	s9 =	sadd.s32 $0x50, s3  }
0x382: {  	[tilespmem:s10], [sflag:$0x1] =	stream.linear.gather [hbm4b:s9+s5], $0x10, $0x38;
	[tilespmem:$0x9600] =	vst v63  }
0x383: {  	s13 =	sand.u32 $0x1000, s26;
	s11 =	sadd.s32 $0x60, s3;
	s14 =	sand.u32 $0x70, s29  }
0x384: {  	[tilespmem:s12], [sflag:$0x1] =	stream.linear.gather [hbm4b:s11+s5], $0x10, $0x38;
	[tilespmem:$0x9600] =	vst v63  }
0x385: {  	s3 =	sadd.s32 $0x70, s3;
	s17 =	sadd.s32 $0x5380, s25;
	s25 =	sor.u32 s14, s13  }
0x386: {  	[tilespmem:s17], [sflag:$0x1] =	stream.linear.gather [hbm4b:s3+s5], $0x10, $0x38;
	[tilespmem:$0x9600] =	vst v63  }
0x387: {  	s1 =	sor.u32 $0x400, s25;
	s7 =	sadd.s32 s31, s20  }
0x388: {  	[tilespmem:s1], [sflag:$0x1] =	stream.linear.gather [hbm4b:s7+s5], $0x10, $0x38;
	[tilespmem:$0x9600] =	vst v63  }
0x389: {  	s2 =	sor.u32 $0x480, s25;
	s21 =	sadd.s32 $0x10, s7  }
0x38a: {  	[tilespmem:s2], [sflag:$0x1] =	stream.linear.gather [hbm4b:s21+s5], $0x10, $0x38;
	[tilespmem:$0x9600] =	vst v63  }
0x38b: {  	s24 =	sor.u32 $0x500, s25;
	s23 =	sadd.s32 $0x20, s7  }
0x38c: {  	[tilespmem:s24], [sflag:$0x1] =	stream.linear.gather [hbm4b:s23+s5], $0x10, $0x38;
	[tilespmem:$0x9600] =	vst v63  }
0x38d: {  	s8 =	sor.u32 $0x580, s25;
	s3 =	sadd.s32 $0x30, s7  }
0x38e: {  	[tilespmem:s8], [sflag:$0x1] =	stream.linear.gather [hbm4b:s3+s5], $0x10, $0x38;
	[tilespmem:$0x9600] =	vst v63  }
0x38f: {  	s9 =	sadd.s32 $0x40, s7;
	s10 =	sor.u32 $0x600, s25  }
0x390: {  	[tilespmem:s10], [sflag:$0x1] =	stream.linear.gather [hbm4b:s9+s5], $0x10, $0x38;
	[tilespmem:$0x9600] =	vst v63  }
0x391: {  	s11 =	sadd.s32 $0x50, s7;
	s12 =	sor.u32 $0x680, s25  }
0x392: {  	[tilespmem:s12], [sflag:$0x1] =	stream.linear.gather [hbm4b:s11+s5], $0x10, $0x38;
	[tilespmem:$0x9600] =	vst v63  }
0x393: {  	s14 =	sor.u32 $0x700, s25;
	s13 =	sadd.s32 $0x60, s7  }
0x394: {  	[tilespmem:s14], [sflag:$0x1] =	stream.linear.gather [hbm4b:s13+s5], $0x10, $0x38;
	[tilespmem:$0x9600] =	vst v63  }
0x395: {  	s20 =	sor.u32 $0x780, s25;
	s17 =	sadd.s32 $0x70, s7  }
0x396: {  	[tilespmem:s20], [sflag:$0x1] =	stream.linear.gather [hbm4b:s17+s5], $0x10, $0x38;
	[tilespmem:$0x9600] =	vst v63  }
0x397: {  	s1 =	sadd.s32 $0xF4280, s7;
	s21 =	sor.u32 $0x800, s25  }
0x398: {  	[tilespmem:s21], [sflag:$0x1] =	stream.linear.gather [hbm4b:s1+s5], $0x10, $0x38;
	[tilespmem:$0x9600] =	vst v63  }
0x399: {  	s23 =	sadd.s32 $0x10, s1;
	s24 =	sor.u32 $0x880, s25  }
0x39a: {  	[tilespmem:s24], [sflag:$0x1] =	stream.linear.gather [hbm4b:s23+s5], $0x10, $0x38;
	[tilespmem:$0x9600] =	vst v63  }
0x39b: {  	s8 =	sadd.s32 $0x20, s1;
	s9 =	sor.u32 $0x900, s25  }
0x39c: {  	[tilespmem:s9], [sflag:$0x1] =	stream.linear.gather [hbm4b:s8+s5], $0x10, $0x38;
	[tilespmem:$0x9600] =	vst v63  }
0x39d: {  	s10 =	sadd.s32 $0x30, s1;
	s11 =	sor.u32 $0x980, s25  }
0x39e: {  	[tilespmem:s11], [sflag:$0x1] =	stream.linear.gather [hbm4b:s10+s5], $0x10, $0x38;
	[tilespmem:$0x9600] =	vst v63  }
0x39f: {  	s12 =	sadd.s32 $0x40, s1;
	s13 =	sor.u32 $0xA00, s25  }
0x3a0: {  	[tilespmem:s13], [sflag:$0x1] =	stream.linear.gather [hbm4b:s12+s5], $0x10, $0x38;
	[tilespmem:$0x9600] =	vst v63  }
0x3a1: {  	s14 =	sadd.s32 $0x50, s1;
	s17 =	sor.u32 $0xA80, s25  }
0x3a2: {  	[tilespmem:s17], [sflag:$0x1] =	stream.linear.gather [hbm4b:s14+s5], $0x10, $0x38;
	[tilespmem:$0x9600] =	vst v63  }
0x3a3: {  	s20 =	sadd.s32 $0x60, s1;
	s21 =	sor.u32 $0xB00, s25  }
0x3a4: {  	[tilespmem:s21], [sflag:$0x1] =	stream.linear.gather [hbm4b:s20+s5], $0x10, $0x38;
	[tilespmem:$0x9600] =	vst v63  }
0x3a5: {  	s1 =	sadd.s32 $0x70, s1;
	s23 =	sor.u32 $0xB80, s25  }
0x3a6: {  	[tilespmem:s23], [sflag:$0x1] =	stream.linear.gather [hbm4b:s1+s5], $0x10, $0x38;
	[tilespmem:$0x9600] =	vst v63  }
0x3a7: {  	s3 =	sor.u32 $0xC00, s25;
	s24 =	sadd.s32 $0x1E8500, s7  }
0x3a8: {  	[tilespmem:s3], [sflag:$0x1] =	stream.linear.gather [hbm4b:s24+s5], $0x10, $0x38;
	[tilespmem:$0x9600] =	vst v63  }
0x3a9: {  	s4 =	sadd.s32 $0x2DC780, s7;
	s7 =	sadd.s32 $0x10, s24;
	s8 =	sor.u32 $0xC80, s25  }
0x3aa: {  	[tilespmem:s8], [sflag:$0x1] =	stream.linear.gather [hbm4b:s7+s5], $0x10, $0x38;
	[tilespmem:$0x9600] =	vst v63  }
0x3ab: {  	s9 =	sadd.s32 $0x20, s24;
	s10 =	sor.u32 $0xD00, s25  }
0x3ac: {  	[tilespmem:s10], [sflag:$0x1] =	stream.linear.gather [hbm4b:s9+s5], $0x10, $0x38;
	[tilespmem:$0x9600] =	vst v63  }
0x3ad: {  	s11 =	sadd.s32 $0x30, s24;
	s12 =	sor.u32 $0xD80, s25  }
0x3ae: {  	[tilespmem:s12], [sflag:$0x1] =	stream.linear.gather [hbm4b:s11+s5], $0x10, $0x38;
	[tilespmem:$0x9600] =	vst v63  }
0x3af: {  	s13 =	sadd.s32 $0x40, s24;
	s14 =	sor.u32 $0xE00, s25  }
0x3b0: {  	[tilespmem:s14], [sflag:$0x1] =	stream.linear.gather [hbm4b:s13+s5], $0x10, $0x38;
	[tilespmem:$0x9600] =	vst v63  }
0x3b1: {  	p0 =	sne.s32 s28, $0xF;
	s17 =	sadd.s32 $0x50, s24;
	s20 =	sor.u32 $0xE80, s25  }
0x3b2: {  	[tilespmem:s20], [sflag:$0x1] =	stream.linear.gather [hbm4b:s17+s5], $0x10, $0x38;
	[tilespmem:$0x9600] =	vst v63  }
.Ltmp3:
0x3b3: {  	s28 =	sadd.s32 $0x1, s28;
	(pc) =	sbr.rel @p0 .LBB2_9-.Ltmp3, $4  }
0x3b4: {  	s30 =	rddreg [dreg:$0x3];
	s21 =	sadd.s32 $0x60, s24;
	s23 =	sor.u32 $0xF00, s25  }
0x3b5: {  	[tilespmem:s23], [sflag:$0x1] =	stream.linear.gather [hbm4b:s21+s5], $0x10, $0x38;
	[tilespmem:$0x9600] =	vst v63  }
0x3b6: {  	s6 =	sadd.s32 $0x1000, s25;
	s1 =	sadd.s32 $0x70, s24;
	s24 =	sor.u32 $0xF80, s25  }
0x3b7: {  	[tilespmem:s24], [sflag:$0x1] =	stream.linear.gather [hbm4b:s1+s5], $0x10, $0x38;
	[tilespmem:$0x9600] =	vst v63  }
0x3b8: {  	[tilespmem:s6], [sflag:$0x1] =	stream.linear.gather [hbm4b:s4+s5], $0x10, $0x38;
	[tilespmem:$0x9600] =	vst v63  }
0x3b9: {  	s1 =	sadd.s32 $0x10, s4;
	s2 =	sadd.s32 $0x1080, s25  }
0x3ba: {  	[tilespmem:s2], [sflag:$0x1] =	stream.linear.gather [hbm4b:s1+s5], $0x10, $0x38;
	[tilespmem:$0x9600] =	vst v63  }
0x3bb: {  	s11 =	sadd.s32 $0x20, s4;
	s12 =	sadd.s32 $0x1100, s25  }
0x3bc: {  	[tilespmem:s12], [sflag:$0x1] =	stream.linear.gather [hbm4b:s11+s5], $0x10, $0x38;
	[tilespmem:$0x9600] =	vst v63  }
0x3bd: {  	s13 =	sadd.s32 $0x30, s4;
	s14 =	sadd.s32 $0x1180, s25  }
0x3be: {  	[tilespmem:s14], [sflag:$0x1] =	stream.linear.gather [hbm4b:s13+s5], $0x10, $0x38;
	[tilespmem:$0x9600] =	vst v63  }
0x3bf: {  	s17 =	sadd.s32 $0x40, s4;
	s20 =	sadd.s32 $0x1200, s25  }
0x3c0: {  	[tilespmem:s20], [sflag:$0x1] =	stream.linear.gather [hbm4b:s17+s5], $0x10, $0x38;
	[tilespmem:$0x9600] =	vst v63  }
0x3c1: {  	s21 =	sadd.s32 $0x50, s4;
	s23 =	sadd.s32 $0x1280, s25  }
0x3c2: {  	[tilespmem:s23], [sflag:$0x1] =	stream.linear.gather [hbm4b:s21+s5], $0x10, $0x38;
	[tilespmem:$0x9600] =	vst v63  }
0x3c3: {  	s24 =	sadd.s32 $0x60, s4;
	s26 =	sadd.s32 $0x1300, s25  }
0x3c4: {  	[tilespmem:s26], [sflag:$0x1] =	stream.linear.gather [hbm4b:s24+s5], $0x10, $0x38;
	[tilespmem:$0x9600] =	vst v63  }
0x3c5: {  	s0 =	sshrl.u32 s0, $0x3;
	s28 =	sadd.s32 $0x70, s4;
	s29 =	sadd.s32 $0x1380, s25  }
0x3c6: {  	[tilespmem:s29], [sflag:$0x1] =	stream.linear.gather [hbm4b:s28+s5], $0x10, $0x38;
	[tilespmem:$0x9600] =	vst v63  }
0x3c7: {  	s0 =	sadd.s32 s30, s0;
	s2 =	sor.u32 $0x4400, s25  }
0x3c8: {  	[tilespmem:s2], [sflag:$0x1] =	stream.linear.gather [hbm4b:s0+s5], $0x10, $0x38;
	[tilespmem:$0x9600] =	vst v63  }
0x3c9: {  	s4 =	sor.u32 $0x4480, s25;
	s3 =	sadd.s32 $0x10, s0  }
0x3ca: {  	[tilespmem:s4], [sflag:$0x1] =	stream.linear.gather [hbm4b:s3+s5], $0x10, $0x38;
	[tilespmem:$0x9600] =	vst v63  }
0x3cb: {  	s7 =	sor.u32 $0x4500, s25;
	s6 =	sadd.s32 $0x20, s0  }
0x3cc: {  	[tilespmem:s7], [sflag:$0x1] =	stream.linear.gather [hbm4b:s6+s5], $0x10, $0x38;
	[tilespmem:$0x9600] =	vst v63  }
0x3cd: {  	s9 =	sor.u32 $0x4580, s25;
	s8 =	sadd.s32 $0x30, s0  }
0x3ce: {  	[tilespmem:s9], [sflag:$0x1] =	stream.linear.gather [hbm4b:s8+s5], $0x10, $0x38;
	[tilespmem:$0x9600] =	vst v63  }
0x3cf: {  	s10 =	sadd.s32 $0x40, s0;
	s11 =	sor.u32 $0x4600, s25  }
0x3d0: {  	[tilespmem:s11], [sflag:$0x1] =	stream.linear.gather [hbm4b:s10+s5], $0x10, $0x38;
	[tilespmem:$0x9600] =	vst v63  }
0x3d1: {  	s12 =	sadd.s32 $0x50, s0;
	s13 =	sor.u32 $0x4680, s25  }
0x3d2: {  	[tilespmem:s13], [sflag:$0x1] =	stream.linear.gather [hbm4b:s12+s5], $0x10, $0x38;
	[tilespmem:$0x9600] =	vst v63  }
0x3d3: {  	s14 =	sadd.s32 $0x60, s0;
	s17 =	sor.u32 $0x4700, s25  }
0x3d4: {  	[tilespmem:s17], [sflag:$0x1] =	stream.linear.gather [hbm4b:s14+s5], $0x10, $0x38;
	[tilespmem:$0x9600] =	vst v63  }
0x3d5: {  	s20 =	sadd.s32 $0x70, s0;
	s21 =	sor.u32 $0x4780, s25  }
0x3d6: {  	[tilespmem:s21], [sflag:$0x1] =	stream.linear.gather [hbm4b:s20+s5], $0x10, $0x38;
	[tilespmem:$0x9600] =	vst v63  }
0x3d7: {  	s23 =	sadd.s32 $0x18700, s0;
	s24 =	sor.u32 $0x4800, s25  }
0x3d8: {  	[tilespmem:s24], [sflag:$0x1] =	stream.linear.gather [hbm4b:s23+s5], $0x10, $0x38;
	[tilespmem:$0x9600] =	vst v63  }
0x3d9: {  	s26 =	sor.u32 $0x4880, s25;
	s3 =	sadd.s32 $0x10, s23  }
0x3da: {  	[tilespmem:s26], [sflag:$0x1] =	stream.linear.gather [hbm4b:s3+s5], $0x10, $0x38;
	[tilespmem:$0x9600] =	vst v63  }
0x3db: {  	s28 =	sadd.s32 $0x20, s23;
	s29 =	sor.u32 $0x4900, s25  }
0x3dc: {  	[tilespmem:s29], [sflag:$0x1] =	stream.linear.gather [hbm4b:s28+s5], $0x10, $0x38;
	[tilespmem:$0x9600] =	vst v63  }
0x3dd: {  	s4 =	sor.u32 $0x4980, s25;
	s3 =	sadd.s32 $0x30, s23  }
0x3de: {  	[tilespmem:s4], [sflag:$0x1] =	stream.linear.gather [hbm4b:s3+s5], $0x10, $0x38;
	[tilespmem:$0x9600] =	vst v63  }
0x3df: {  	s6 =	sadd.s32 $0x40, s23;
	s7 =	sor.u32 $0x4A00, s25  }
0x3e0: {  	[tilespmem:s7], [sflag:$0x1] =	stream.linear.gather [hbm4b:s6+s5], $0x10, $0x38;
	[tilespmem:$0x9600] =	vst v63  }
0x3e1: {  	s8 =	sadd.s32 $0x50, s23;
	s9 =	sor.u32 $0x4A80, s25  }
0x3e2: {  	[tilespmem:s9], [sflag:$0x1] =	stream.linear.gather [hbm4b:s8+s5], $0x10, $0x38;
	[tilespmem:$0x9600] =	vst v63  }
0x3e3: {  	s10 =	sor.u32 $0x4B00, s25;
	s11 =	sadd.s32 $0x60, s23  }
0x3e4: {  	[tilespmem:s10], [sflag:$0x1] =	stream.linear.gather [hbm4b:s11+s5], $0x10, $0x38;
	[tilespmem:$0x9600] =	vst v63  }
0x3e5: {  	s1 =	sadd.s32 $0x70, s23;
	s12 =	sor.u32 $0x4B80, s25  }
0x3e6: {  	[tilespmem:s12], [sflag:$0x1] =	stream.linear.gather [hbm4b:s1+s5], $0x10, $0x38;
	[tilespmem:$0x9600] =	vst v63  }
0x3e7: {  	s13 =	sadd.s32 $0x30E00, s0;
	s14 =	sor.u32 $0x4C00, s25  }
0x3e8: {  	[tilespmem:s14], [sflag:$0x1] =	stream.linear.gather [hbm4b:s13+s5], $0x10, $0x38;
	[tilespmem:$0x9600] =	vst v63  }
0x3e9: {  	s17 =	sor.u32 $0x4C80, s25;
	s20 =	sadd.s32 $0x10, s13  }
0x3ea: {  	[tilespmem:s17], [sflag:$0x1] =	stream.linear.gather [hbm4b:s20+s5], $0x10, $0x38;
	[tilespmem:$0x9600] =	vst v63  }
0x3eb: {  	s21 =	sor.u32 $0x4D00, s25;
	s23 =	sadd.s32 $0x20, s13  }
0x3ec: {  	[tilespmem:s21], [sflag:$0x1] =	stream.linear.gather [hbm4b:s23+s5], $0x10, $0x38;
	[tilespmem:$0x9600] =	vst v63  }
0x3ed: {  	s24 =	sor.u32 $0x4D80, s25;
	s26 =	sadd.s32 $0x30, s13  }
0x3ee: {  	[tilespmem:s24], [sflag:$0x1] =	stream.linear.gather [hbm4b:s26+s5], $0x10, $0x38;
	[tilespmem:$0x9600] =	vst v63  }
0x3ef: {  	s28 =	sadd.s32 $0x40, s13;
	s29 =	sor.u32 $0x4E00, s25  }
0x3f0: {  	[tilespmem:s29], [sflag:$0x1] =	stream.linear.gather [hbm4b:s28+s5], $0x10, $0x38;
	[tilespmem:$0x9600] =	vst v63  }
0x3f1: {  	s4 =	sor.u32 $0x4E80, s25;
	s6 =	sadd.s32 $0x50, s13  }
0x3f2: {  	[tilespmem:s4], [sflag:$0x1] =	stream.linear.gather [hbm4b:s6+s5], $0x10, $0x38;
	[tilespmem:$0x9600] =	vst v63  }
0x3f3: {  	s7 =	sadd.s32 $0x60, s13;
	s8 =	sor.u32 $0x4F00, s25  }
0x3f4: {  	[tilespmem:s8], [sflag:$0x1] =	stream.linear.gather [hbm4b:s7+s5], $0x10, $0x38;
	[tilespmem:$0x9600] =	vst v63  }
0x3f5: {  	s9 =	sor.u32 $0x4F80, s25;
	s1 =	sadd.s32 $0x70, s13  }
0x3f6: {  	[tilespmem:s9], [sflag:$0x1] =	stream.linear.gather [hbm4b:s1+s5], $0x10, $0x38;
	[tilespmem:$0x9600] =	vst v63  }
0x3f7: {  	s0 =	sadd.s32 $0x49500, s0;
	s10 =	sadd.s32 $0x5000, s25  }
0x3f8: {  	[tilespmem:s10], [sflag:$0x1] =	stream.linear.gather [hbm4b:s0+s5], $0x10, $0x38;
	[tilespmem:$0x9600] =	vst v63  }
0x3f9: {  	s11 =	sadd.s32 $0x10, s0;
	s12 =	sadd.s32 $0x5080, s25  }
0x3fa: {  	[tilespmem:s12], [sflag:$0x1] =	stream.linear.gather [hbm4b:s11+s5], $0x10, $0x38;
	[tilespmem:$0x9600] =	vst v63  }
0x3fb: {  	s13 =	sadd.s32 $0x20, s0;
	s14 =	sadd.s32 $0x5100, s25  }
0x3fc: {  	[tilespmem:s14], [sflag:$0x1] =	stream.linear.gather [hbm4b:s13+s5], $0x10, $0x38;
	[tilespmem:$0x9600] =	vst v63  }
0x3fd: {  	s17 =	sadd.s32 $0x30, s0;
	s20 =	sadd.s32 $0x5180, s25  }
0x3fe: {  	[tilespmem:s20], [sflag:$0x1] =	stream.linear.gather [hbm4b:s17+s5], $0x10, $0x38;
	[tilespmem:$0x9600] =	vst v63  }
0x3ff: {  	s21 =	sadd.s32 $0x40, s0;
	s23 =	sadd.s32 $0x5200, s25  }
0x400: {  	[tilespmem:s23], [sflag:$0x1] =	stream.linear.gather [hbm4b:s21+s5], $0x10, $0x38;
	[tilespmem:$0x9600] =	vst v63  }
0x401: {  	s24 =	sadd.s32 $0x50, s0;
	s26 =	sadd.s32 $0x5280, s25  }
0x402: {  	[tilespmem:s26], [sflag:$0x1] =	stream.linear.gather [hbm4b:s24+s5], $0x10, $0x38;
	[tilespmem:$0x9600] =	vst v63  }
0x403: {  	s28 =	sadd.s32 $0x60, s0;
	s29 =	sadd.s32 $0x5300, s25  }
0x404: {  	[tilespmem:s29], [sflag:$0x1] =	stream.linear.gather [hbm4b:s28+s5], $0x10, $0x38;
	[tilespmem:$0x9600] =	vst v63  }
0x405: {  	s3 =	sadd.s32 $0x5380, s25;
	s4 =	simm.s32 $0x2;
	s0 =	sadd.s32 $0x70, s0  }
0x406: {  	[tilespmem:s3], [sflag:$0x1] =	stream.linear.gather [hbm4b:s0+s5], $0x10, $0x38;
	[tilespmem:$0x9600] =	vst v63  }
0x407: {  	_ =	swait.ge [sflag:s4], $0x1000  }
0x408: {  	[sflag:s4] =	ssyncset.done $0x0  }
0x409: {  	[sflag:s4] =	ssyncadd.s32 $0xFFFFF000  }
0x40a: {  	_ =	swait.ge [sflag:s4], $0x1000  }
0x40b: {  	[sflag:s4] =	ssyncset.done $0x0  }
0x40c: {  	[sflag:s4] =	ssyncadd.s32 $0xFFFFF000  }
0x40d: {  	_ =	swait.ge [sflag:s4], $0x1000  }
0x40e: {  	[sflag:s4] =	ssyncset.done $0x0  }
0x40f: {  	[sflag:s4] =	ssyncadd.s32 $0xFFFFF000  }
0x410: {  	_ =	swait.ge [sflag:s4], $0x1000  }
0x411: {  	[sflag:s4] =	ssyncset.done $0x0  }
0x412: {  	[sflag:s4] =	ssyncadd.s32 $0xFFFFF000  }
0x413: {  	_ =	swait.ge [sflag:s4], $0x800  }
0x414: {  	[sflag:s4] =	ssyncset.done $0x0  }
0x415: {  	s7 =	rddreg [dreg:$0x10];
	[sflag:s4] =	ssyncadd.s32 $0xFFFFF800  }
0x416: {  	v5 =	vld [tilespmem:s7+$0x200];
	_ =	sdelay $0x4  }
0x417: {  	v6 =	vshra.s32 v5, $0x1F  }
0x418: {  	s6 =	simm.s32 $0x0;
	v7 =	vshrl.u32 v6, $0x1C  }
0x419: {  	s8 =	simm.s32 $0x0;
	s0 =	sand.u32 $0x4, s6;
	v7 =	vadd.s32 v7, v5  }
0x41a: {  	s1 =	sand.u32 $0xFFFFFC00, s8;
	s0 =	sshll.u32 s0, $0x7;
	v7 =	vshrl.u32 v7, $0x4  }
0x41b: {  	s0 =	sor.u32 s1, s0;
	v7 =	vshll.u32 v7, $0x4  }
0x41c: {  	s1 =	sor.u32 $0x180, s0;
	v7 =	vsub.s32 v5, v7  }
0x41d: {  	v11 =	vor.u32 s1, v3;
	v9 =	vadd.s32 v2, v7  }
0x41e: {  	v7 =	vadd.s32 v9, v11;
	_ =	sdelay $0x4  }
0x41f: {  	v7 =	vld.idx.msk [tilespmem:v7+s19+$0x0], $0xffff;
	_ =	sdelay $0x1  }
0x420: {  	s10 =	simm.s32 $0x4;
	s9 =	sor.u32 $0x80, s0  }
0x421: {  	s12 =	sand.u32 $0x4, s10;
	s13 =	simm.s32 $0x200;
	s11 =	sor.u32 $0x100, s0;
	v10 =	vor.u32 s9, v3  }
0x422: {  	s2 =	sand.u32 $0xFFFFFC00, s13;
	v12 =	vor.u32 s11, v3;
	s1 =	sshll.u32 s12, $0x7;
	v8 =	vadd.s32 v9, v10  }
0x423: {  	v14 =	vor.u32 s0, v3;
	s14 =	sor.u32 s2, s1;
	v15 =	vadd.s32 v9, v12;
	v7 =	vsub.f32 $0.0e+00, v7  }
0x424: {  	s1 =	sor.u32 $0x180, s14;
	v13 =	vld [tilespmem:s7+$0x0];
	v16 =	vadd.s32 v9, v14  }
0x425: {  	v17 =	vor.u32 s1, v3;
	v7 =	vmul.f32 $1.442695020e+00, v7  }
0x426: {  	v18 =	vadd.s32 v9, v17  }
0x427: {  	v8 =	vld.idx.msk [tilespmem:v8+s19+$0x0], $0xffff;
	(erf) = vpow2.f32 v7  }
0x428: {  	s17 =	sor.u32 $0x80, s14;
	v15 =	vld.idx.msk [tilespmem:v15+s19+$0x0], $0xffff  }
0x429: {  	s2 =	sor.u32 $0x100, s14;
	v19 =	vor.u32 s17, v3;
	v16 =	vld.idx.msk [tilespmem:v16+s19+$0x0], $0xffff;
	v7 =	vshra.s32 v13, $0x1F  }
0x42a: {  	v21 =	vor.u32 s2, v3;
	v20 =	vadd.s32 v9, v19;
	v7 =	vshrl.u32 v7, $0x1C  }
0x42b: {  	v23 =	vadd.s32 v9, v21;
	v18 =	vld.idx.msk [tilespmem:v18+s19+$0x0], $0xffff;
	v7 =	vadd.s32 v7, v13  }
0x42c: {  	v22 =	vor.u32 s14, v3;
	v8 =	vsub.f32 $0.0e+00, v8;
	v7 =	vshrl.u32 v7, $0x4  }
0x42d: {  	v24 =	vadd.s32 v9, v22;
	v15 =	vsub.f32 $0.0e+00, v15;
	v7 =	vshll.u32 v7, $0x4  }
0x42e: {  	s20 =	simm.s32 $0x8;
	v7 =	vsub.s32 v13, v7;
	v13 =	vsub.f32 $0.0e+00, v16;
	v16 =	vmul.f32 $1.442695020e+00, v8  }
0x42f: {  	s21 =	simm.s32 $0x400;
	s0 =	sand.u32 $0x4, s20;
	v20 =	vld.idx.msk [tilespmem:v20+s19+$0x0], $0xffff;
	v15 =	vmul.f32 $1.442695020e+00, v15  }
0x430: {  	s0 =	sshll.u32 s0, $0x7;
	s1 =	sand.u32 $0xFFFFFC00, s21;
	v23 =	vld.idx.msk [tilespmem:v23+s19+$0x0], $0xffff;
	v13 =	vmul.f32 $1.442695020e+00, v13;
	(erf) = vpow2.f32 v16;
	v16 =	vsub.f32 $0.0e+00, v18;
	v18 =	vpop (erf)  }
0x431: {  	s0 =	sor.u32 s1, s0;
	v7 =	vadd.s32 v2, v7;
	(erf) = vpow2.f32 v15;
	v15 =	vadd.f32 $1.000000000e+00, v18  }
0x432: {  	s1 =	sor.u32 $0x180, s0;
	v25 =	vadd.s32 v7, v10;
	(erf) = vpow2.f32 v13;
	v13 =	vmul.f32 $1.442695020e+00, v16  }
0x433: {  	v10 =	vor.u32 s1, v3;
	v11 =	vadd.s32 v7, v11;
	v18 =	vld.idx.msk [tilespmem:v24+s19+$0x0], $0xffff;
	(erf) = vrcp.f32 v15  }
0x434: {  	v12 =	vadd.s32 v7, v12;
	v16 =	vsub.f32 $0.0e+00, v20;
	(erf) = vpow2.f32 v13  }
0x435: {  	v13 =	vadd.s32 v7, v19;
	v19 =	vadd.s32 v7, v22;
	v22 =	vsub.f32 $0.0e+00, v23  }
0x436: {  	v16 =	vmul.f32 $1.442695020e+00, v16;
	v15 =	vadd.s32 v9, v10  }
0x437: {  	s23 =	sor.u32 $0x80, s0;
	v14 =	vadd.s32 v7, v14;
	v20 =	vadd.s32 v7, v21  }
0x438: {  	v21 =	vor.u32 s0, v3;
	s0 =	sor.u32 $0x100, s0;
	v24 =	vor.u32 s23, v3;
	v27 =	vld.idx.msk [tilespmem:v11+s18+$0x0], $0xffff;
	v18 =	vsub.f32 $0.0e+00, v18  }
0x439: {  	v26 =	vor.u32 s0, v3;
	v23 =	vld.idx.msk [tilespmem:v25+s18+$0x0], $0xffff;
	v25 =	vadd.s32 v9, v24;
	v11 =	vmul.f32 $1.442695020e+00, v22;
	v22 =	vpop (erf)  }
0x43a: {  	s24 =	simm.s32 $0xC;
	v28 =	vadd.s32 v9, v26;
	v31 =	vld.idx.msk [tilespmem:v12+s18+$0x0], $0xffff;
	(erf) = vpow2.f32 v16;
	v18 =	vmul.f32 $1.442695020e+00, v18;
	v16 =	vpop (erf)  }
0x43b: {  	s25 =	simm.s32 $0x600;
	s0 =	sand.u32 $0x4, s24;
	v12 =	vadd.s32 v9, v21;
	v15 =	vld.idx.msk [tilespmem:v15+s19+$0x0], $0xffff;
	v16 =	vadd.f32 $1.000000000e+00, v16  }
0x43c: {  	v8 =	vimm.f32 $0.0e+00;
	s1 =	sand.u32 $0xFFFFFC00, s25;
	s0 =	sshll.u32 s0, $0x7;
	v32 =	vld.idx.msk [tilespmem:v14+s18+$0x0], $0xffff;
	(erf) = vpow2.f32 v11;
	v22 =	vadd.f32 $1.000000000e+00, v22  }
0x43d: {  	v14 =	vadd.s32 v7, v24;
	v21 =	vadd.s32 v7, v21;
	s0 =	sor.u32 s1, s0;
	v11 =	vld.idx.msk [tilespmem:v13+s18+$0x0], $0xffff;
	v24 =	vpop (erf);
	(erf) = vpow2.f32 v18  }
0x43e: {  	s1 =	sor.u32 $0x80, s0;
	v13 =	vadd.f32 $1.000000000e+00, v24;
	(erf) = vrcp.f32 v22;
	v22 =	vld.idx.msk [tilespmem:v25+s19+$0x0], $0xffff;
	v24 =	vadd.s32 v7, v26;
	v18 =	vpop (erf)  }
0x43f: {  	v25 =	vld.idx.msk [tilespmem:v28+s19+$0x0], $0xffff;
	v28 =	vor.u32 s1, v3;
	(erf) = vrcp.f32 v16;
	v18 =	vmul.f32 v18, v27;
	v16 =	vpop (erf)  }
0x440: {  	s26 =	sor.u32 $0x180, s0;
	v26 =	vld.idx.msk [tilespmem:v12+s19+$0x0], $0xffff;
	v15 =	vsub.f32 $0.0e+00, v15;
	(erf) = vrcp.f32 v13;
	v13 =	vadd.f32 $1.000000000e+00, v16  }
0x441: {  	v12 =	vadd.f32 v18, v8;
	v16 =	vld.idx.msk [tilespmem:v20+s18+$0x0], $0xffff;
	v18 =	vor.u32 s26, v3;
	v20 =	vadd.s32 v7, v17  }
0x442: {  	v17 =	vld.idx.msk [tilespmem:v19+s18+$0x0], $0xffff;
	v15 =	vmul.f32 $1.442695020e+00, v15;
	v19 =	vadd.s32 v9, v18;
	(erf) = vrcp.f32 v13  }
0x443: {  	v34 =	vadd.s32 v9, v28;
	v27 =	vor.u32 s0, v3;
	s0 =	sor.u32 $0x100, s0;
	v22 =	vsub.f32 $0.0e+00, v22;
	v13 =	vld.idx.msk [tilespmem:v14+s18+$0x0], $0xffff  }
0x444: {  	v35 =	vor.u32 s0, v3;
	v25 =	vsub.f32 $0.0e+00, v25;
	v14 =	vld.idx.msk [tilespmem:v24+s18+$0x0], $0xffff;
	v24 =	vpop (erf);
	(erf) = vpow2.f32 v15  }
0x445: {  	v36 =	vadd.s32 v9, v35;
	v26 =	vsub.f32 $0.0e+00, v26;
	v15 =	vld.idx.msk [tilespmem:v21+s18+$0x0], $0xffff;
	v21 =	vpop (erf);
	v22 =	vmul.f32 $1.442695020e+00, v22  }
0x446: {  	v37 =	vadd.s32 v7, v28;
	v33 =	vadd.s32 v9, v27;
	v28 =	vpop (erf);
	v38 =	vld.idx.msk [tilespmem:v20+s18+$0x0], $0xffff;
	v20 =	vmul.f32 $1.442695020e+00, v25  }
0x447: {  	v24 =	vadd.f32 $1.000000000e+00, v24;
	v39 =	vpop (erf);
	(erf) = vpow2.f32 v22;
	v30 =	vld.idx.msk [tilespmem:v19+s19+$0x0], $0xffff;
	v19 =	vmul.f32 $1.442695020e+00, v26  }
0x448: {  	(erf) = vpow2.f32 v20;
	v20 =	vmul.f32 v39, v23;
	v23 =	vadd.s32 v7, v35  }
0x449: {  	v29 =	vadd.f32 $1.000000000e+00, v28;
	v22 =	vadd.s32 v7, v27;
	v25 =	vld.idx.msk [tilespmem:v34+s19+$0x0], $0xffff;
	v28 =	vpop (erf)  }
0x44a: {  	s0 =	simm.s32 $0x10;
	v21 =	vadd.f32 $1.000000000e+00, v21;
	v26 =	vld.idx.msk [tilespmem:v36+s19+$0x0], $0xffff;
	v31 =	vmul.f32 v28, v31;
	v27 =	vpop (erf);
	(erf) = vpow2.f32 v19  }
0x44b: {  	s29 =	simm.s32 $0x800;
	s28 =	sand.u32 $0x4, s0;
	v28 =	vld.idx.msk [tilespmem:v33+s19+$0x0], $0xffff;
	(erf) = vrcp.f32 v24;
	v27 =	vmul.f32 v27, v32;
	v20 =	vadd.f32 v20, v8;
	v24 =	vpop (erf)  }
0x44c: {  	s3 =	sand.u32 $0xFFFFFC00, s29;
	s4 =	simm.s32 $0x5;
	s6 =	sshll.u32 s28, $0x7;
	v19 =	vld.idx.msk [tilespmem:v37+s18+$0x0], $0xffff;
	(erf) = vrcp.f32 v21;
	v21 =	vadd.f32 v31, v8;
	v24 =	vmul.f32 v24, v38  }
.LBB2_11:
0x44d: {  	p0 =	sne.s32 s4, $0x7;
	s1 =	sor.u32 s3, s6;
	v31 =	vld.idx.msk [tilespmem:v23+s18+$0x0], $0xffff;
	v23 =	vsub.f32 $0.0e+00, v30;
	v30 =	vpop (erf);
	(erf) = vrcp.f32 v29;
	v8 =	vadd.f32 v27, v8  }
0x44e: {  	v27 =	vor.u32 s1, v3;
	s2 =	sor.u32 $0x80, s1;
	s3 =	sor.u32 $0x100, s1;
	s1 =	sor.u32 $0x180, s1;
	v32 =	vld.idx.msk [tilespmem:v22+s18+$0x0], $0xffff;
	v36 =	vadd.f32 $1.000000000e+00, v30;
	v12 =	vadd.f32 v24, v12  }
0x44f: {  	v29 =	vadd.s32 v7, v10;
	v10 =	vmovc v18;
	v24 =	vor.u32 s2, v3;
	v18 =	vor.u32 s1, v3  }
0x450: {  	v38 =	vmul.f32 $1.442695020e+00, v23;
	v30 =	vadd.s32 v9, v18;
	(erf) = vrcp.f32 v36  }
0x451: {  	v33 =	vadd.s32 v9, v27;
	v35 =	vor.u32 s3, v3;
	v34 =	vadd.s32 v9, v24;
	v22 =	vpop (erf)  }
0x452: {  	v25 =	vsub.f32 $0.0e+00, v25;
	v36 =	vadd.s32 v9, v35;
	(erf) = vpow2.f32 v38;
	v23 =	vpop (erf)  }
0x453: {  	v26 =	vsub.f32 $0.0e+00, v26;
	v28 =	vsub.f32 $0.0e+00, v28;
	v24 =	vadd.s32 v7, v24;
	v37 =	vpop (erf)  }
0x454: {  	v38 =	vmul.f32 $1.442695020e+00, v25;
	v39 =	vadd.f32 $1.000000000e+00, v22;
	v40 =	vadd.f32 $1.000000000e+00, v23;
	v41 =	vld.idx.msk [tilespmem:v29+s18+$0x0], $0xffff;
	v42 =	vpop (erf)  }
0x455: {  	v43 =	vmul.f32 $1.442695020e+00, v28;
	v28 =	vmul.f32 $1.442695020e+00, v26;
	v29 =	vadd.f32 $1.000000000e+00, v37;
	v30 =	vld.idx.msk [tilespmem:v30+s19+$0x0], $0xffff;
	v37 =	vpop (erf)  }
.Ltmp4:
0x456: {  	v22 =	vadd.s32 v7, v27;
	v23 =	vadd.s32 v7, v35;
	v25 =	vld.idx.msk [tilespmem:v34+s19+$0x0], $0xffff;
	(erf) = vpow2.f32 v38;
	v27 =	vpop (erf);
	(pc) =	sbr.rel @p0 .LBB2_11-.Ltmp4, $4  }
0x457: {  	v34 =	vmul.f32 v42, v11;
	v11 =	vmovc v13;
	v13 =	vmov v19;
	v26 =	vld.idx.msk [tilespmem:v36+s19+$0x0], $0xffff;
	(erf) = vpow2.f32 v28  }
0x458: {  	s0 =	sadd.s32 $0x4, s0;
	v28 =	vld.idx.msk [tilespmem:v33+s19+$0x0], $0xffff;
	(erf) = vpow2.f32 v43;
	v33 =	vmul.f32 v37, v16;
	v16 =	vmovc v14;
	v14 =	vmov v31  }
0x459: {  	s1 =	sand.u32 $0x4, s0;
	s2 =	sshll.u32 s4, $0x9;
	v27 =	vmul.f32 v27, v17;
	v20 =	vadd.f32 v34, v20;
	v19 =	vld.idx.msk [tilespmem:v24+s18+$0x0], $0xffff;
	(erf) = vrcp.f32 v39;
	v24 =	vpop (erf)  }
0x45a: {  	s4 =	sadd.s32 $0x1, s4;
	s3 =	sand.u32 $0xFFFFFC00, s2;
	s6 =	sshll.u32 s1, $0x7;
	v17 =	vmovc v15;
	v15 =	vmovc v32;
	v24 =	vmul.f32 v24, v41;
	(erf) = vrcp.f32 v40;
	v21 =	vadd.f32 v33, v21  }
0x45b: {  	s0 =	sor.u32 s3, s6;
	v30 =	vsub.f32 $0.0e+00, v30;
	v31 =	vpop (erf)  }
0x45c: {  	s1 =	sor.u32 $0x180, s0;
	v31 =	vadd.f32 $1.000000000e+00, v31  }
0x45d: {  	(erf) = vrcp.f32 v29;
	s2 =	sor.u32 $0x80, s0;
	v48 =	vor.u32 s1, v3;
	v30 =	vmul.f32 $1.442695020e+00, v30  }
0x45e: {  	s28 =	sor.u32 $0x100, s0;
	v32 =	vor.u32 s2, v3;
	v33 =	vadd.s32 v9, v48;
	(erf) = vrcp.f32 v31  }
0x45f: {  	v34 =	vor.u32 s28, v3;
	v49 =	vadd.s32 v9, v32;
	(erf) = vpow2.f32 v30  }
0x460: {  	v50 =	vor.u32 s0, v3;
	v35 =	vadd.s32 v9, v34  }
0x461: {  	v25 =	vsub.f32 $0.0e+00, v25;
	v51 =	vadd.s32 v9, v50;
	v36 =	vpop (erf)  }
0x462: {  	v26 =	vsub.f32 $0.0e+00, v26;
	v37 =	vpop (erf)  }
0x463: {  	v28 =	vsub.f32 $0.0e+00, v28;
	v25 =	vmul.f32 $1.442695020e+00, v25;
	v38 =	vpop (erf);
	v33 =	vld.idx.msk [tilespmem:v33+s19+$0x0], $0xffff  }
0x464: {  	v26 =	vmul.f32 $1.442695020e+00, v26;
	v39 =	vpop (erf);
	v31 =	vld.idx.msk [tilespmem:v49+s19+$0x0], $0xffff  }
0x465: {  	v28 =	vmul.f32 $1.442695020e+00, v28;
	(erf) = vpow2.f32 v25;
	v52 =	vpop (erf);
	v35 =	vld.idx.msk [tilespmem:v35+s19+$0x0], $0xffff  }
0x466: {  	v36 =	vadd.f32 $1.000000000e+00, v36;
	(erf) = vpow2.f32 v26;
	v9 =	vld.idx.msk [tilespmem:v51+s19+$0x0], $0xffff;
	v53 =	vpop (erf)  }
0x467: {  	v37 =	vadd.f32 $1.000000000e+00, v37;
	(erf) = vpow2.f32 v28;
	v54 =	vpop (erf)  }
0x468: {  	v38 =	vadd.f32 $1.000000000e+00, v38;
	(erf) = vrcp.f32 v36;
	v33 =	vsub.f32 $0.0e+00, v33;
	v55 =	vpop (erf)  }
0x469: {  	(erf) = vrcp.f32 v37;
	v31 =	vsub.f32 $0.0e+00, v31;
	v36 =	vadd.f32 $1.000000000e+00, v55  }
0x46a: {  	(erf) = vrcp.f32 v38;
	v35 =	vsub.f32 $0.0e+00, v35;
	v33 =	vmul.f32 $1.442695020e+00, v33  }
0x46b: {  	v9 =	vsub.f32 $0.0e+00, v9;
	v31 =	vmul.f32 $1.442695020e+00, v31;
	(erf) = vrcp.f32 v36  }
0x46c: {  	v56 =	vmul.f32 $1.442695020e+00, v35;
	(erf) = vpow2.f32 v33  }
0x46d: {  	v9 =	vmul.f32 $1.442695020e+00, v9;
	(erf) = vpow2.f32 v31  }
0x46e: {  	v57 =	vpop (erf);
	(erf) = vpow2.f32 v56  }
0x46f: {  	v58 =	vpop (erf);
	(erf) = vpow2.f32 v9  }
0x470: {  	v59 =	vpop (erf)  }
0x471: {  	v60 =	vpop (erf)  }
0x472: {  	v61 =	vpop (erf)  }
0x473: {  	v31 =	vadd.f32 $1.000000000e+00, v57;
	v62 =	vpop (erf)  }
0x474: {  	v10 =	vadd.s32 v7, v10;
	v33 =	vadd.f32 $1.000000000e+00, v58;
	v63 =	vpop (erf)  }
0x475: {  	v8 =	vadd.f32 v27, v8;
	v9 =	vadd.f32 $1.000000000e+00, v59;
	(erf) = vrcp.f32 v31;
	v40 =	vpop (erf)  }
0x476: {  	v18 =	vadd.s32 v7, v18;
	(erf) = vrcp.f32 v33;
	v27 =	vadd.f32 $1.000000000e+00, v40;
	v41 =	vpop (erf)  }
0x477: {  	v6 =	vshrl.u32 v6, $0x19;
	(erf) = vrcp.f32 v9;
	v42 =	vpop (erf);
	v31 =	vadd.f32 $1.000000000e+00, v41  }
0x478: {  	v32 =	vadd.s32 v7, v32;
	(erf) = vrcp.f32 v27;
	v44 =	vpop (erf);
	v9 =	vadd.f32 $1.000000000e+00, v42  }
0x479: {  	v43 =	vadd.s32 v7, v34;
	v10 =	vld.idx.msk [tilespmem:v10+s18+$0x0], $0xffff;
	v27 =	vadd.f32 $1.000000000e+00, v44;
	(erf) = vrcp.f32 v31  }
0x47a: {  	v23 =	vld.idx.msk [tilespmem:v23+s18+$0x0], $0xffff;
	v6 =	vadd.s32 v6, v5;
	v45 =	vadd.s32 v7, v48;
	(erf) = vrcp.f32 v9  }
0x47b: {  	v6 =	vshrl.u32 v6, $0x7;
	v7 =	vadd.s32 v7, v50;
	v48 =	vld.idx.msk [tilespmem:v22+s18+$0x0], $0xffff;
	(erf) = vrcp.f32 v27  }
0x47c: {  	v12 =	vadd.f32 v24, v12;
	v6 =	vshll.u32 v6, $0x7;
	v47 =	vld.idx.msk [tilespmem:v18+s18+$0x0], $0xffff;
	v11 =	vmul.f32 v39, v11  }
0x47d: {  	v5 =	vsub.s32 v5, v6;
	v49 =	vld.idx.msk [tilespmem:v32+s18+$0x0], $0xffff;
	v16 =	vmul.f32 v52, v16;
	v46 =	vmul.f32 v53, v17  }
0x47e: {  	v5 =	vadd.s32 v4, v5;
	v51 =	vld.idx.msk [tilespmem:v43+s18+$0x0], $0xffff;
	v11 =	vadd.f32 v11, v20;
	v10 =	vmul.f32 v54, v10;
	v53 =	vpop (erf)  }
0x47f: {  	v16 =	vadd.f32 v16, v21;
	v8 =	vadd.f32 v46, v8;
	v54 =	vld.idx.msk [tilespmem:v45+s18+$0x0], $0xffff;
	v50 =	vmul.f32 v60, v13;
	v55 =	vpop (erf)  }
0x480: {  	v7 =	vld.idx.msk [tilespmem:v7+s18+$0x0], $0xffff;
	v10 =	vadd.f32 v10, v12;
	v52 =	vmul.f32 v61, v14;
	v15 =	vmul.f32 v62, v15;
	v56 =	vpop (erf)  }
0x481: {  	v17 =	vmul.f32 v63, v47;
	v9 =	vadd.f32 v50, v11;
	v14 =	vmul.f32 v53, v19;
	v57 =	vpop (erf)  }
0x482: {  	v12 =	vadd.f32 v52, v16;
	v8 =	vadd.f32 v15, v8;
	v58 =	vmul.f32 v55, v23;
	v59 =	vpop (erf)  }
0x483: {  	v10 =	vadd.f32 v17, v10;
	v6 =	vmul.f32 v56, v48;
	v9 =	vadd.f32 v14, v9;
	v60 =	vpop (erf)  }
0x484: {  	v12 =	vadd.f32 v58, v12;
	v11 =	vmul.f32 v57, v54;
	v62 =	vmul.f32 v59, v49;
	v61 =	vpop (erf)  }
0x485: {  	v6 =	vadd.f32 v6, v8;
	v63 =	vmul.f32 v60, v51;
	v7 =	vmul.f32 v61, v7  }
0x486: {  	v10 =	vadd.f32 v11, v10;
	v9 =	vadd.f32 v62, v9  }
0x487: {  	s0 =	simm.s32 $0x8C00;
	v8 =	vadd.f32 v63, v12;
	v6 =	vadd.f32 v7, v6  }
0x488: {  	v5 =	vld.idx.msk [tilespmem:v5+s0+$0x0], $0xffff  }
0x489: {  	v7 =	vadd.f32 v10, v8;
	v6 =	vadd.f32 v9, v6;
	_ =	sdelay $0x1  }
0x48a: {  	v6 =	vadd.f32 v7, v6;
	_ =	sdelay $0x1  }
0x48b: {  	v5 =	vsub.f32 v5, v6;
	_ =	sdelay $0x1  }
0x48c: {  	v5 =	vadd.f32 $0.0e+00, v5;
	_ =	sdelay $0x1  }
0x48d: {  	v5 =	vmul.f32 $1.442695020e+00, v5;
	_ =	sdelay $0x1  }
0x48e: {  	(erf) = vpow2.f32 v5;
	_ =	sdelay $0x8  }
0x48f: {  	v5 =	vpop (erf)  }
0x490: {  	v5 =	vadd.f32 $1.000000000e+00, v5;
	_ =	sdelay $0x1  }
0x491: {  	(erf) = vrcp.f32 v5;
	_ =	sdelay $0x2  }
0x492: {  	s29 =	rddreg [dreg:$0xf]  }
0x493: {  	s1 =	sadd.s32 $0x1, s29  }
0x494: {  	p0 =	sne.s32 s1, $0xF  }
.Ltmp5:
0x495: {  	_ = 	snop;
	(pc) =	sbr.rel @p0 .LBB2_4-.Ltmp5, $3  }
0x496: {  	_ =	sdelay $0x1  }
0x497: {  	v5 =	vpop (erf)  }
0x498: {  	[tilespmem:s7+$0x9400] =	vst v5  }
0x499: {  	v5 =	vld [tilespmem:$0x1F0]  }
0x49a: {  	v6 =	vld [tilespmem:$0x3F0]  }
0x49b: {  	s23 =	simm.s32 $0x0  }
0x49c: {  	v7 =	vmov s23  }
0x49d: {  	vm1 =	veq.s32 v7, v1  }
0x49e: {  	v7 =	vnsel vm1, $0x0, v5  }
0x49f: {  	v8 =	vnsel vm1, $0x0, v6;
	(xrf0) =	vadd.scan.msk.s32 $0xffff, v7  }
0x4a0: {  	(xrf0) =	vadd.scan.msk.s32 $0xffff, v8;
	_ =	sdelay $0x4  }
0x4a1: {  	v7, _, _ =	vpop (xrf0)  }
0x4a2: {  	v8, _, _ =	vpop (xrf0)  }
0x4a3: {  	(v2sf) =	vpush v8, $0xF  }
0x4a4: {  	(v2sf) =	vpush v7, $0xF;
	_ =	sdelay $0x3  }
0x4a5: {  	v8 =	vand.u32 $0x7F, v6;
	v7 =	vshra.s32 v6, $0x1F  }
0x4a6: {  	vm1 =	vlt.s32 v6, $0x1;
	vm2 =	vne.s32 v8, $0x0;
	v7 =	vshrl.u32 v7, $0x19  }
0x4a7: {  	vm1 =	vmand vm1, vm2;
	v7 =	vadd.s32 v7, v6  }
0x4a8: {  	v8 =	vsel vm1, $0xFFFFFFFF, v0;
	v7 =	vshra.s32 v7, $0x7  }
0x4a9: {  	v7 =	vadd.s32 v8, v7;
	_ =	sdelay $0x4  }
0x4aa: {  	[tilespmem:s0], [sflag:$0x2] =	stream.indirect_vreg.gather [hbm4b:s15+s23], $0x80, v7, vm0, $0xb8;
	[tilespmem:$0x9600] =	vst v63  }
0x4ab: {  	s0 =	spop (v2sf)  }
0x4ac: {  	s1 =	spop (v2sf)  }
0x4ad: {  	s2 =	sand.u32 $0xF, s1  }
0x4ae: {  	s3 =	sshra.s32 s1, $0x1F;
	p0 =	slt.s32 s1, $0x1;
	p1 =	sne.s32 s2, $0x0  }
0x4af: {  	s12 =	sshrl.u32 s3, $0x1C;
	p0 =	por !p0, !p1  }
0x4b0: {  	s2 =	simm.s32 $0x1;
	s1 =	sadd.s32 s12, s1;
	p0 =	por !p0, !p0  }
0x4b1: {  	s1 =	sshra.s32 s1, $0x4;
	s2 =	simm.s32 @!p0 $0x0  }
0x4b2: {  	s1 =	ssub.s32 s1, s2  }
0x4b3: {  	s2 =	sshll.u32 s1, $0x7;
	s1 =	sshll.u32 s1, $0x4  }
0x4b4: {  	s2 =	sand.u32 $0xFFFFFC00, s2;
	s1 =	sand.u32 $0x70, s1  }
0x4b5: {  	s13 =	sand.u32 $0x1000, s23;
	s14 =	sand.u32 $0x70, s23;
	s1 =	sor.u32 s1, s2  }
0x4b6: {  	s22 =	sor.u32 s14, s13;
	s1 =	sshrl.u32 s1, $0x3  }
0x4b7: {  	s17 =	sor.u32 $0x2400, s22;
	s4 =	sadd.s32 s31, s1  }
0x4b8: {  	[tilespmem:s17], [sflag:$0x2] =	stream.linear.gather [hbm4b:s4+s5], $0x10, $0x38;
	[tilespmem:$0x9600] =	vst v63  }
0x4b9: {  	s2 =	sor.u32 $0x2480, s22;
	s20 =	sadd.s32 $0x10, s4  }
0x4ba: {  	[tilespmem:s2], [sflag:$0x2] =	stream.linear.gather [hbm4b:s20+s5], $0x10, $0x38;
	[tilespmem:$0x9600] =	vst v63  }
0x4bb: {  	s24 =	sor.u32 $0x2500, s22;
	s21 =	sadd.s32 $0x20, s4  }
0x4bc: {  	[tilespmem:s24], [sflag:$0x2] =	stream.linear.gather [hbm4b:s21+s5], $0x10, $0x38;
	[tilespmem:$0x9600] =	vst v63  }
0x4bd: {  	s26 =	sor.u32 $0x2580, s22;
	s29 =	sor.u32 $0x2600, s22;
	s25 =	sadd.s32 $0x30, s4  }
0x4be: {  	[tilespmem:s26], [sflag:$0x2] =	stream.linear.gather [hbm4b:s25+s5], $0x10, $0x38;
	[tilespmem:$0x9600] =	vst v63  }
0x4bf: {  	s7 =	sor.u32 $0x2700, s22;
	s9 =	sor.u32 $0x2780, s22;
	s28 =	sadd.s32 $0x40, s4  }
0x4c0: {  	[tilespmem:s29], [sflag:$0x2] =	stream.linear.gather [hbm4b:s28+s5], $0x10, $0x38;
	[tilespmem:$0x9600] =	vst v63  }
0x4c1: {  	s13 =	sand.u32 $0xF, s0;
	s3 =	sor.u32 $0x2680, s22;
	s2 =	sadd.s32 $0x50, s4  }
0x4c2: {  	[tilespmem:s3], [sflag:$0x2] =	stream.linear.gather [hbm4b:s2+s5], $0x10, $0x38;
	[tilespmem:$0x9600] =	vst v63  }
0x4c3: {  	p5 =	slt.s32 s0, $0x1;
	p6 =	sne.s32 s13, $0x0;
	s6 =	sadd.s32 $0x60, s4  }
0x4c4: {  	[tilespmem:s7], [sflag:$0x2] =	stream.linear.gather [hbm4b:s6+s5], $0x10, $0x38;
	[tilespmem:$0x9600] =	vst v63  }
0x4c5: {  	s10 =	sshra.s32 s0, $0x1F;
	p0 =	por !p5, !p6;
	s8 =	sadd.s32 $0x70, s4  }
0x4c6: {  	[tilespmem:s9], [sflag:$0x2] =	stream.linear.gather [hbm4b:s8+s5], $0x10, $0x38;
	[tilespmem:$0x9600] =	vst v63  }
0x4c7: {  	p0 =	por !p0, !p0;
	s11 =	sadd.s32 $0xF4280, s4;
	s3 =	sor.u32 $0x2800, s22  }
0x4c8: {  	[tilespmem:s3], [sflag:$0x2] =	stream.linear.gather [hbm4b:s11+s5], $0x10, $0x38;
	[tilespmem:$0x9600] =	vst v63  }
0x4c9: {  	s1 =	sshrl.u32 s10, $0x1C;
	s12 =	sadd.s32 $0x10, s11;
	s6 =	sor.u32 $0x2880, s22  }
0x4ca: {  	[tilespmem:s6], [sflag:$0x2] =	stream.linear.gather [hbm4b:s12+s5], $0x10, $0x38;
	[tilespmem:$0x9600] =	vst v63  }
0x4cb: {  	s10 =	sor.u32 $0x2C80, s22;
	s14 =	sadd.s32 $0x20, s11;
	s7 =	sor.u32 $0x2900, s22  }
0x4cc: {  	[tilespmem:s7], [sflag:$0x2] =	stream.linear.gather [hbm4b:s14+s5], $0x10, $0x38;
	[tilespmem:$0x9600] =	vst v63  }
0x4cd: {  	s0 =	sadd.s32 s1, s0;
	s17 =	sadd.s32 $0x30, s11;
	s20 =	sor.u32 $0x2980, s22  }
0x4ce: {  	[tilespmem:s20], [sflag:$0x2] =	stream.linear.gather [hbm4b:s17+s5], $0x10, $0x38;
	[tilespmem:$0x9600] =	vst v63  }
0x4cf: {  	s0 =	sshra.s32 s0, $0x4;
	s21 =	sadd.s32 $0x40, s11;
	s24 =	sor.u32 $0x2A00, s22  }
0x4d0: {  	[tilespmem:s24], [sflag:$0x2] =	stream.linear.gather [hbm4b:s21+s5], $0x10, $0x38;
	[tilespmem:$0x9600] =	vst v63  }
0x4d1: {  	s25 =	sadd.s32 $0x50, s11;
	s26 =	sor.u32 $0x2A80, s22;
	s2 =	simm.s32 $0x1  }
0x4d2: {  	[tilespmem:s26], [sflag:$0x2] =	stream.linear.gather [hbm4b:s25+s5], $0x10, $0x38;
	[tilespmem:$0x9600] =	vst v63  }
0x4d3: {  	s28 =	sadd.s32 $0x60, s11;
	s29 =	sor.u32 $0x2B00, s22;
	s2 =	simm.s32 @!p0 $0x0  }
0x4d4: {  	[tilespmem:s29], [sflag:$0x2] =	stream.linear.gather [hbm4b:s28+s5], $0x10, $0x38;
	[tilespmem:$0x9600] =	vst v63  }
0x4d5: {  	s0 =	ssub.s32 s0, s2;
	s3 =	sadd.s32 $0x70, s11;
	s6 =	sor.u32 $0x2B80, s22  }
0x4d6: {  	[tilespmem:s6], [sflag:$0x2] =	stream.linear.gather [hbm4b:s3+s5], $0x10, $0x38;
	[tilespmem:$0x9600] =	vst v63  }
0x4d7: {  	s8 =	sor.u32 $0x2C00, s22;
	s12 =	sor.u32 $0x2D00, s22;
	s7 =	sadd.s32 $0x1E8500, s4  }
0x4d8: {  	[tilespmem:s8], [sflag:$0x2] =	stream.linear.gather [hbm4b:s7+s5], $0x10, $0x38;
	[tilespmem:$0x9600] =	vst v63  }
0x4d9: {  	s14 =	sor.u32 $0x2D80, s22;
	s4 =	sadd.s32 $0x2DC780, s4;
	s9 =	sadd.s32 $0x10, s7  }
0x4da: {  	[tilespmem:s10], [sflag:$0x2] =	stream.linear.gather [hbm4b:s9+s5], $0x10, $0x38;
	[tilespmem:$0x9600] =	vst v63  }
0x4db: {  	s11 =	sadd.s32 $0x20, s7;
	s13 =	sadd.s32 $0x30, s7;
	s1 =	sadd.s32 $0x70, s7  }
0x4dc: {  	[tilespmem:s12], [sflag:$0x2] =	stream.linear.gather [hbm4b:s11+s5], $0x10, $0x38;
	[tilespmem:$0x9600] =	vst v63  }
0x4dd: {  	s17 =	sshll.u32 s0, $0x4;
	s20 =	sadd.s32 $0x40, s7;
	s0 =	sshll.u32 s0, $0x7  }
0x4de: {  	[tilespmem:s14], [sflag:$0x2] =	stream.linear.gather [hbm4b:s13+s5], $0x10, $0x38;
	[tilespmem:$0x9600] =	vst v63  }
0x4df: {  	s0 =	sand.u32 $0xFFFFFC00, s0;
	s2 =	sand.u32 $0x70, s17;
	s21 =	sor.u32 $0x2E00, s22  }
0x4e0: {  	[tilespmem:s21], [sflag:$0x2] =	stream.linear.gather [hbm4b:s20+s5], $0x10, $0x38;
	[tilespmem:$0x9600] =	vst v63  }
0x4e1: {  	s24 =	sadd.s32 $0x50, s7;
	s0 =	sor.u32 s2, s0;
	s25 =	sor.u32 $0x2E80, s22  }
0x4e2: {  	[tilespmem:s25], [sflag:$0x2] =	stream.linear.gather [hbm4b:s24+s5], $0x10, $0x38;
	[tilespmem:$0x9600] =	vst v63  }
0x4e3: {  	s26 =	sadd.s32 $0x60, s7;
	s28 =	sor.u32 $0x2F00, s22;
	s29 =	sor.u32 $0x2F80, s22  }
0x4e4: {  	[tilespmem:s28], [sflag:$0x2] =	stream.linear.gather [hbm4b:s26+s5], $0x10, $0x38;
	[tilespmem:$0x9600] =	vst v63  }
0x4e5: {  	s6 =	sadd.s32 $0x3000, s22;
	s24 =	simm.s32 $0x1;
	s25 =	simm.s32 $0x0  }
0x4e6: {  	[tilespmem:s29], [sflag:$0x2] =	stream.linear.gather [hbm4b:s1+s5], $0x10, $0x38;
	[tilespmem:$0x9600] =	vst v63  }
.LBB2_14:
0x4e7: {  	v7 =	vmov s24;
	p0 =	sne.s32 s24, $0xF;
	s24 =	sadd.s32 $0x1, s24  }
0x4e8: {  	vm1 =	veq.s32 v7, v1;
	[tilespmem:s6], [sflag:$0x2] =	stream.linear.gather [hbm4b:s4+s5], $0x10, $0x38;
	[tilespmem:$0x9600] =	vst v63  }
0x4e9: {  	s1 =	sadd.s32 $0x10, s4;
	s2 =	sadd.s32 $0x3080, s22;
	s23 =	sadd.s32 $0x200, s23;
	v7 =	vnsel vm1, $0x0, v5;
	v8 =	vnsel vm1, $0x0, v6  }
0x4ea: {  	(xrf0) =	vadd.scan.msk.s32 $0xffff, v7  }
0x4eb: {  	[tilespmem:s2], [sflag:$0x2] =	stream.linear.gather [hbm4b:s1+s5], $0x10, $0x38;
	[tilespmem:$0x9600] =	vst v63  }
0x4ec: {  	s25 =	sadd.s32 $0x10, s25;
	s1 =	sadd.s32 $0x20, s4;
	s2 =	sadd.s32 $0x3100, s22;
	(xrf0) =	vadd.scan.msk.s32 $0xffff, v8  }
0x4ed: {  	[tilespmem:s2], [sflag:$0x2] =	stream.linear.gather [hbm4b:s1+s5], $0x10, $0x38;
	[tilespmem:$0x9600] =	vst v63  }
0x4ee: {  	s11 =	sadd.s32 $0x7000, s22;
	s1 =	sadd.s32 $0x30, s4;
	s2 =	sadd.s32 $0x3180, s22  }
0x4ef: {  	[tilespmem:s2], [sflag:$0x2] =	stream.linear.gather [hbm4b:s1+s5], $0x10, $0x38;
	[tilespmem:$0x9600] =	vst v63  }
0x4f0: {  	s6 =	sor.u32 $0x6F80, s22;
	s1 =	sadd.s32 $0x40, s4;
	s2 =	sadd.s32 $0x3200, s22  }
0x4f1: {  	v7, _, _ =	vpop (xrf0);
	[tilespmem:s2], [sflag:$0x2] =	stream.linear.gather [hbm4b:s1+s5], $0x10, $0x38;
	[tilespmem:$0x9600] =	vst v63  }
0x4f2: {  	s0 =	sshrl.u32 s0, $0x3;
	s1 =	sadd.s32 $0x50, s4;
	s2 =	sadd.s32 $0x3280, s22;
	v8, _, _ =	vpop (xrf0)  }
0x4f3: {  	(v2sf) =	vpush v8, $0xF;
	[tilespmem:s2], [sflag:$0x2] =	stream.linear.gather [hbm4b:s1+s5], $0x10, $0x38;
	[tilespmem:$0x9600] =	vst v63  }
0x4f4: {  	s0 =	sadd.s32 s30, s0;
	s1 =	sadd.s32 $0x60, s4;
	s2 =	sadd.s32 $0x3300, s22  }
0x4f5: {  	(v2sf) =	vpush v7, $0xF;
	[tilespmem:s2], [sflag:$0x2] =	stream.linear.gather [hbm4b:s1+s5], $0x10, $0x38;
	[tilespmem:$0x9600] =	vst v63  }
0x4f6: {  	s3 =	sadd.s32 $0x10, s0;
	s1 =	sadd.s32 $0x70, s4;
	s2 =	sadd.s32 $0x3380, s22  }
0x4f7: {  	[tilespmem:s2], [sflag:$0x2] =	stream.linear.gather [hbm4b:s1+s5], $0x10, $0x38;
	[tilespmem:$0x9600] =	vst v63  }
0x4f8: {  	s4 =	sor.u32 $0x6E80, s22;
	s1 =	sor.u32 $0x6400, s22;
	s2 =	sadd.s32 $0x20, s0  }
0x4f9: {  	[tilespmem:s1], [sflag:$0x2] =	stream.linear.gather [hbm4b:s0+s5], $0x10, $0x38;
	[tilespmem:$0x9600] =	vst v63  }
0x4fa: {  	s7 =	sor.u32 $0x6D80, s22;
	s9 =	sadd.s32 $0x30, s0;
	s1 =	sor.u32 $0x6480, s22  }
0x4fb: {  	[tilespmem:s1], [sflag:$0x2] =	stream.linear.gather [hbm4b:s3+s5], $0x10, $0x38;
	[tilespmem:$0x9600] =	vst v63  }
0x4fc: {  	s8 =	sor.u32 $0x6D00, s22;
	s1 =	sor.u32 $0x6500, s22;
	s3 =	sadd.s32 $0x40, s0  }
0x4fd: {  	[tilespmem:s1], [sflag:$0x2] =	stream.linear.gather [hbm4b:s2+s5], $0x10, $0x38;
	[tilespmem:$0x9600] =	vst v63  }
0x4fe: {  	s10 =	sor.u32 $0x6680, s22;
	s1 =	sor.u32 $0x6580, s22;
	s2 =	sadd.s32 $0x50, s0  }
0x4ff: {  	[tilespmem:s1], [sflag:$0x2] =	stream.linear.gather [hbm4b:s9+s5], $0x10, $0x38;
	[tilespmem:$0x9600] =	vst v63  }
0x500: {  	s12 =	sadd.s32 $0x70, s0;
	s1 =	sor.u32 $0x6600, s22;
	s9 =	sadd.s32 $0x18700, s0  }
0x501: {  	[tilespmem:s1], [sflag:$0x2] =	stream.linear.gather [hbm4b:s3+s5], $0x10, $0x38;
	[tilespmem:$0x9600] =	vst v63  }
0x502: {  	s13 =	sadd.s32 $0x50, s9;
	s1 =	sadd.s32 $0x40, s9;
	s26 =	spop (v2sf)  }
0x503: {  	[tilespmem:s10], [sflag:$0x2] =	stream.linear.gather [hbm4b:s2+s5], $0x10, $0x38;
	[tilespmem:$0x9600] =	vst v63  }
0x504: {  	s3 =	sadd.s32 $0x60, s0;
	s10 =	sor.u32 $0x6700, s22;
	s2 =	spop (v2sf)  }
0x505: {  	[tilespmem:s10], [sflag:$0x2] =	stream.linear.gather [hbm4b:s3+s5], $0x10, $0x38;
	[tilespmem:$0x9600] =	vst v63  }
0x506: {  	s17 =	sor.u32 $0x6B00, s22;
	s14 =	sshra.s32 s2, $0x1F;
	s3 =	sor.u32 $0x6C80, s22  }
0x507: {  	s20 =	sor.u32 $0x6800, s22;
	s21 =	sor.u32 $0x6880, s22;
	s10 =	sshra.s32 s26, $0x1F  }
0x508: {  	s29 =	sor.u32 $0x6780, s22;
	s28 =	sand.u32 $0xF, s2;
	s14 =	sshrl.u32 s14, $0x1C  }
0x509: {  	[tilespmem:s29], [sflag:$0x2] =	stream.linear.gather [hbm4b:s12+s5], $0x10, $0x38;
	[tilespmem:$0x9600] =	vst v63  }
0x50a: {  	p1 =	slt.s32 s2, $0x1;
	p2 =	sne.s32 s28, $0x0;
	s12 =	sadd.s32 $0x10, s9  }
0x50b: {  	[tilespmem:s20], [sflag:$0x2] =	stream.linear.gather [hbm4b:s9+s5], $0x10, $0x38;
	[tilespmem:$0x9600] =	vst v63  }
0x50c: {  	s2 =	sadd.s32 s14, s2;
	p1 =	por !p1, !p2;
	s14 =	sadd.s32 $0x20, s9  }
0x50d: {  	[tilespmem:s21], [sflag:$0x2] =	stream.linear.gather [hbm4b:s12+s5], $0x10, $0x38;
	[tilespmem:$0x9600] =	vst v63  }
0x50e: {  	p1 =	por !p1, !p1;
	s20 =	sadd.s32 $0x30, s9;
	s12 =	sor.u32 $0x6900, s22  }
0x50f: {  	[tilespmem:s12], [sflag:$0x2] =	stream.linear.gather [hbm4b:s14+s5], $0x10, $0x38;
	[tilespmem:$0x9600] =	vst v63  }
0x510: {  	s12 =	simm.s32 $0x1  }
0x511: {  	s2 =	sshra.s32 s2, $0x4;
	s14 =	sor.u32 $0x6980, s22;
	s12 =	simm.s32 @!p1 $0x0  }
0x512: {  	[tilespmem:s14], [sflag:$0x2] =	stream.linear.gather [hbm4b:s20+s5], $0x10, $0x38;
	[tilespmem:$0x9600] =	vst v63  }
0x513: {  	s2 =	ssub.s32 s2, s12;
	s12 =	sor.u32 $0x6A00, s22;
	s14 =	sor.u32 $0x6A80, s22  }
0x514: {  	[tilespmem:s12], [sflag:$0x2] =	stream.linear.gather [hbm4b:s1+s5], $0x10, $0x38;
	[tilespmem:$0x9600] =	vst v63  }
0x515: {  	s1 =	sshll.u32 s2, $0x7;
	s2 =	sshll.u32 s2, $0x4;
	s12 =	sadd.s32 $0x60, s9  }
0x516: {  	[tilespmem:s14], [sflag:$0x2] =	stream.linear.gather [hbm4b:s13+s5], $0x10, $0x38;
	[tilespmem:$0x9600] =	vst v63  }
0x517: {  	s9 =	sadd.s32 $0x70, s9;
	s1 =	sand.u32 $0xFFFFFC00, s1;
	s2 =	sand.u32 $0x70, s2  }
0x518: {  	[tilespmem:s17], [sflag:$0x2] =	stream.linear.gather [hbm4b:s12+s5], $0x10, $0x38;
	[tilespmem:$0x9600] =	vst v63  }
0x519: {  	s1 =	sor.u32 s2, s1;
	s2 =	sor.u32 $0x6B80, s22;
	s12 =	sadd.s32 $0x30E00, s0  }
0x51a: {  	[tilespmem:s2], [sflag:$0x2] =	stream.linear.gather [hbm4b:s9+s5], $0x10, $0x38;
	[tilespmem:$0x9600] =	vst v63  }
0x51b: {  	s20 =	sshrl.u32 s1, $0x3;
	s1 =	sor.u32 $0x6C00, s22;
	s2 =	sadd.s32 $0x10, s12  }
0x51c: {  	[tilespmem:s1], [sflag:$0x2] =	stream.linear.gather [hbm4b:s12+s5], $0x10, $0x38;
	[tilespmem:$0x9600] =	vst v63  }
0x51d: {  	s9 =	sand.u32 $0xF, s26;
	s1 =	sshrl.u32 s10, $0x1C;
	s10 =	sadd.s32 $0x20, s12  }
0x51e: {  	[tilespmem:s3], [sflag:$0x2] =	stream.linear.gather [hbm4b:s2+s5], $0x10, $0x38;
	[tilespmem:$0x9600] =	vst v63  }
0x51f: {  	p1 =	slt.s32 s26, $0x1;
	p2 =	sne.s32 s9, $0x0;
	s2 =	sadd.s32 $0x30, s12  }
0x520: {  	[tilespmem:s8], [sflag:$0x2] =	stream.linear.gather [hbm4b:s10+s5], $0x10, $0x38;
	[tilespmem:$0x9600] =	vst v63  }
0x521: {  	p1 =	por !p1, !p2;
	s1 =	sadd.s32 s1, s26;
	s3 =	sadd.s32 $0x40, s12  }
0x522: {  	[tilespmem:s7], [sflag:$0x2] =	stream.linear.gather [hbm4b:s2+s5], $0x10, $0x38;
	[tilespmem:$0x9600] =	vst v63  }
0x523: {  	p1 =	por !p1, !p1;
	s2 =	sor.u32 $0x6E00, s22;
	s7 =	sadd.s32 $0x50, s12  }
0x524: {  	[tilespmem:s2], [sflag:$0x2] =	stream.linear.gather [hbm4b:s3+s5], $0x10, $0x38;
	[tilespmem:$0x9600] =	vst v63  }
0x525: {  	s2 =	simm.s32 $0x1  }
0x526: {  	s1 =	sshra.s32 s1, $0x4;
	s3 =	sadd.s32 $0x60, s12;
	s2 =	simm.s32 @!p1 $0x0  }
0x527: {  	[tilespmem:s4], [sflag:$0x2] =	stream.linear.gather [hbm4b:s7+s5], $0x10, $0x38;
	[tilespmem:$0x9600] =	vst v63  }
0x528: {  	s1 =	ssub.s32 s1, s2;
	s2 =	sor.u32 $0x6F00, s22;
	s4 =	sadd.s32 $0x70, s12  }
0x529: {  	[tilespmem:s2], [sflag:$0x2] =	stream.linear.gather [hbm4b:s3+s5], $0x10, $0x38;
	[tilespmem:$0x9600] =	vst v63  }
0x52a: {  	s2 =	sshll.u32 s1, $0x4;
	s1 =	sshll.u32 s1, $0x7;
	s3 =	sadd.s32 $0x49500, s0  }
0x52b: {  	[tilespmem:s6], [sflag:$0x2] =	stream.linear.gather [hbm4b:s4+s5], $0x10, $0x38;
	[tilespmem:$0x9600] =	vst v63  }
0x52c: {  	s0 =	sand.u32 $0xFFFFFC00, s1;
	s1 =	sand.u32 $0x70, s2;
	s2 =	sadd.s32 $0x10, s3  }
0x52d: {  	[tilespmem:s11], [sflag:$0x2] =	stream.linear.gather [hbm4b:s3+s5], $0x10, $0x38;
	[tilespmem:$0x9600] =	vst v63  }
0x52e: {  	s0 =	sor.u32 s1, s0;
	s1 =	sadd.s32 $0x7080, s22;
	s4 =	sadd.s32 $0x20, s3  }
0x52f: {  	[tilespmem:s1], [sflag:$0x2] =	stream.linear.gather [hbm4b:s2+s5], $0x10, $0x38;
	[tilespmem:$0x9600] =	vst v63  }
0x530: {  	s1 =	sadd.s32 $0x7100, s22;
	s2 =	sadd.s32 $0x30, s3  }
0x531: {  	[tilespmem:s1], [sflag:$0x2] =	stream.linear.gather [hbm4b:s4+s5], $0x10, $0x38;
	[tilespmem:$0x9600] =	vst v63  }
0x532: {  	s1 =	sadd.s32 $0x7180, s22;
	s4 =	sadd.s32 $0x40, s3  }
0x533: {  	[tilespmem:s1], [sflag:$0x2] =	stream.linear.gather [hbm4b:s2+s5], $0x10, $0x38;
	[tilespmem:$0x9600] =	vst v63  }
0x534: {  	s1 =	sadd.s32 $0x7200, s22;
	s2 =	sadd.s32 $0x50, s3  }
0x535: {  	[tilespmem:s1], [sflag:$0x2] =	stream.linear.gather [hbm4b:s4+s5], $0x10, $0x38;
	[tilespmem:$0x9600] =	vst v63  }
0x536: {  	s6 =	sadd.s32 $0x7300, s22;
	s1 =	sadd.s32 $0x7280, s22;
	s4 =	sadd.s32 $0x60, s3  }
0x537: {  	[tilespmem:s1], [sflag:$0x2] =	stream.linear.gather [hbm4b:s2+s5], $0x10, $0x38;
	[tilespmem:$0x9600] =	vst v63  }
0x538: {  	s3 =	sadd.s32 $0x70, s3;
	s1 =	sand.u32 $0x1000, s23;
	s2 =	sand.u32 $0x70, s25  }
0x539: {  	[tilespmem:s6], [sflag:$0x2] =	stream.linear.gather [hbm4b:s4+s5], $0x10, $0x38;
	[tilespmem:$0x9600] =	vst v63  }
0x53a: {  	s4 =	sadd.s32 $0x7380, s22;
	s22 =	sor.u32 s2, s1  }
0x53b: {  	[tilespmem:s4], [sflag:$0x2] =	stream.linear.gather [hbm4b:s3+s5], $0x10, $0x38;
	[tilespmem:$0x9600] =	vst v63  }
0x53c: {  	s7 =	sadd.s32 s31, s20;
	s1 =	sor.u32 $0x2400, s22;
	s6 =	sadd.s32 $0x3000, s22  }
0x53d: {  	[tilespmem:s1], [sflag:$0x2] =	stream.linear.gather [hbm4b:s7+s5], $0x10, $0x38;
	[tilespmem:$0x9600] =	vst v63  }
0x53e: {  	s2 =	sor.u32 $0x2480, s22;
	s4 =	sadd.s32 $0x2DC780, s7;
	s1 =	sadd.s32 $0x10, s7  }
0x53f: {  	[tilespmem:s2], [sflag:$0x2] =	stream.linear.gather [hbm4b:s1+s5], $0x10, $0x38;
	[tilespmem:$0x9600] =	vst v63  }
0x540: {  	s1 =	sadd.s32 $0x20, s7;
	s2 =	sor.u32 $0x2500, s22  }
0x541: {  	[tilespmem:s2], [sflag:$0x2] =	stream.linear.gather [hbm4b:s1+s5], $0x10, $0x38;
	[tilespmem:$0x9600] =	vst v63  }
0x542: {  	s1 =	sadd.s32 $0x30, s7;
	s2 =	sor.u32 $0x2580, s22  }
0x543: {  	[tilespmem:s2], [sflag:$0x2] =	stream.linear.gather [hbm4b:s1+s5], $0x10, $0x38;
	[tilespmem:$0x9600] =	vst v63  }
0x544: {  	s1 =	sadd.s32 $0x40, s7;
	s2 =	sor.u32 $0x2600, s22  }
0x545: {  	[tilespmem:s2], [sflag:$0x2] =	stream.linear.gather [hbm4b:s1+s5], $0x10, $0x38;
	[tilespmem:$0x9600] =	vst v63  }
0x546: {  	s1 =	sadd.s32 $0x50, s7;
	s2 =	sor.u32 $0x2680, s22  }
0x547: {  	[tilespmem:s2], [sflag:$0x2] =	stream.linear.gather [hbm4b:s1+s5], $0x10, $0x38;
	[tilespmem:$0x9600] =	vst v63  }
0x548: {  	s1 =	sadd.s32 $0x60, s7;
	s2 =	sor.u32 $0x2700, s22  }
0x549: {  	[tilespmem:s2], [sflag:$0x2] =	stream.linear.gather [hbm4b:s1+s5], $0x10, $0x38;
	[tilespmem:$0x9600] =	vst v63  }
0x54a: {  	s1 =	sadd.s32 $0x70, s7;
	s2 =	sor.u32 $0x2780, s22  }
0x54b: {  	[tilespmem:s2], [sflag:$0x2] =	stream.linear.gather [hbm4b:s1+s5], $0x10, $0x38;
	[tilespmem:$0x9600] =	vst v63  }
0x54c: {  	s1 =	sadd.s32 $0xF4280, s7;
	s2 =	sor.u32 $0x2800, s22  }
0x54d: {  	[tilespmem:s2], [sflag:$0x2] =	stream.linear.gather [hbm4b:s1+s5], $0x10, $0x38;
	[tilespmem:$0x9600] =	vst v63  }
0x54e: {  	s3 =	sor.u32 $0x2880, s22;
	s2 =	sadd.s32 $0x10, s1  }
0x54f: {  	[tilespmem:s3], [sflag:$0x2] =	stream.linear.gather [hbm4b:s2+s5], $0x10, $0x38;
	[tilespmem:$0x9600] =	vst v63  }
0x550: {  	s2 =	sadd.s32 $0x20, s1;
	s3 =	sor.u32 $0x2900, s22  }
0x551: {  	[tilespmem:s3], [sflag:$0x2] =	stream.linear.gather [hbm4b:s2+s5], $0x10, $0x38;
	[tilespmem:$0x9600] =	vst v63  }
0x552: {  	s2 =	sadd.s32 $0x30, s1;
	s3 =	sor.u32 $0x2980, s22  }
0x553: {  	[tilespmem:s3], [sflag:$0x2] =	stream.linear.gather [hbm4b:s2+s5], $0x10, $0x38;
	[tilespmem:$0x9600] =	vst v63  }
0x554: {  	s2 =	sadd.s32 $0x40, s1;
	s3 =	sor.u32 $0x2A00, s22  }
0x555: {  	[tilespmem:s3], [sflag:$0x2] =	stream.linear.gather [hbm4b:s2+s5], $0x10, $0x38;
	[tilespmem:$0x9600] =	vst v63  }
0x556: {  	s2 =	sadd.s32 $0x50, s1;
	s3 =	sor.u32 $0x2A80, s22  }
0x557: {  	[tilespmem:s3], [sflag:$0x2] =	stream.linear.gather [hbm4b:s2+s5], $0x10, $0x38;
	[tilespmem:$0x9600] =	vst v63  }
0x558: {  	s2 =	sadd.s32 $0x60, s1;
	s3 =	sor.u32 $0x2B00, s22  }
0x559: {  	[tilespmem:s3], [sflag:$0x2] =	stream.linear.gather [hbm4b:s2+s5], $0x10, $0x38;
	[tilespmem:$0x9600] =	vst v63  }
0x55a: {  	s1 =	sadd.s32 $0x70, s1;
	s2 =	sor.u32 $0x2B80, s22  }
0x55b: {  	[tilespmem:s2], [sflag:$0x2] =	stream.linear.gather [hbm4b:s1+s5], $0x10, $0x38;
	[tilespmem:$0x9600] =	vst v63  }
0x55c: {  	s1 =	sadd.s32 $0x1E8500, s7;
	s2 =	sor.u32 $0x2C00, s22  }
0x55d: {  	[tilespmem:s2], [sflag:$0x2] =	stream.linear.gather [hbm4b:s1+s5], $0x10, $0x38;
	[tilespmem:$0x9600] =	vst v63  }
0x55e: {  	s3 =	sor.u32 $0x2C80, s22;
	s2 =	sadd.s32 $0x10, s1  }
0x55f: {  	[tilespmem:s3], [sflag:$0x2] =	stream.linear.gather [hbm4b:s2+s5], $0x10, $0x38;
	[tilespmem:$0x9600] =	vst v63  }
0x560: {  	s2 =	sadd.s32 $0x20, s1;
	s3 =	sor.u32 $0x2D00, s22  }
0x561: {  	[tilespmem:s3], [sflag:$0x2] =	stream.linear.gather [hbm4b:s2+s5], $0x10, $0x38;
	[tilespmem:$0x9600] =	vst v63  }
0x562: {  	s2 =	sadd.s32 $0x30, s1;
	s3 =	sor.u32 $0x2D80, s22  }
0x563: {  	[tilespmem:s3], [sflag:$0x2] =	stream.linear.gather [hbm4b:s2+s5], $0x10, $0x38;
	[tilespmem:$0x9600] =	vst v63  }
0x564: {  	s2 =	sadd.s32 $0x40, s1;
	s3 =	sor.u32 $0x2E00, s22  }
0x565: {  	[tilespmem:s3], [sflag:$0x2] =	stream.linear.gather [hbm4b:s2+s5], $0x10, $0x38;
	[tilespmem:$0x9600] =	vst v63  }
0x566: {  	s2 =	sadd.s32 $0x50, s1;
	s3 =	sor.u32 $0x2E80, s22  }
0x567: {  	[tilespmem:s3], [sflag:$0x2] =	stream.linear.gather [hbm4b:s2+s5], $0x10, $0x38;
	[tilespmem:$0x9600] =	vst v63  }
.Ltmp6:
0x568: {  	_ = 	snop;
	(pc) =	sbr.rel @p0 .LBB2_14-.Ltmp6, $4  }
0x569: {  	s2 =	sadd.s32 $0x60, s1;
	s3 =	sor.u32 $0x2F00, s22  }
0x56a: {  	[tilespmem:s3], [sflag:$0x2] =	stream.linear.gather [hbm4b:s2+s5], $0x10, $0x38;
	[tilespmem:$0x9600] =	vst v63  }
0x56b: {  	s1 =	sadd.s32 $0x70, s1;
	s2 =	sor.u32 $0x2F80, s22  }
0x56c: {  	[tilespmem:s2], [sflag:$0x2] =	stream.linear.gather [hbm4b:s1+s5], $0x10, $0x38;
	[tilespmem:$0x9600] =	vst v63  }
0x56d: {  	[tilespmem:s6], [sflag:$0x2] =	stream.linear.gather [hbm4b:s4+s5], $0x10, $0x38;
	[tilespmem:$0x9600] =	vst v63  }
0x56e: {  	s1 =	sadd.s32 $0x10, s4;
	s2 =	sadd.s32 $0x3080, s22  }
0x56f: {  	[tilespmem:s2], [sflag:$0x2] =	stream.linear.gather [hbm4b:s1+s5], $0x10, $0x38;
	[tilespmem:$0x9600] =	vst v63  }
0x570: {  	s20 =	sadd.s32 $0x20, s4;
	s21 =	sadd.s32 $0x3100, s22  }
0x571: {  	[tilespmem:s21], [sflag:$0x2] =	stream.linear.gather [hbm4b:s20+s5], $0x10, $0x38;
	[tilespmem:$0x9600] =	vst v63  }
0x572: {  	s23 =	sadd.s32 $0x30, s4;
	s24 =	sadd.s32 $0x3180, s22  }
0x573: {  	[tilespmem:s24], [sflag:$0x2] =	stream.linear.gather [hbm4b:s23+s5], $0x10, $0x38;
	[tilespmem:$0x9600] =	vst v63  }
0x574: {  	s25 =	sadd.s32 $0x40, s4;
	s26 =	sadd.s32 $0x3200, s22  }
0x575: {  	[tilespmem:s26], [sflag:$0x2] =	stream.linear.gather [hbm4b:s25+s5], $0x10, $0x38;
	[tilespmem:$0x9600] =	vst v63  }
0x576: {  	s28 =	sadd.s32 $0x50, s4;
	s29 =	sadd.s32 $0x3280, s22  }
0x577: {  	[tilespmem:s29], [sflag:$0x2] =	stream.linear.gather [hbm4b:s28+s5], $0x10, $0x38;
	[tilespmem:$0x9600] =	vst v63  }
0x578: {  	s3 =	sadd.s32 $0x3300, s22;
	s2 =	sadd.s32 $0x60, s4  }
0x579: {  	[tilespmem:s3], [sflag:$0x2] =	stream.linear.gather [hbm4b:s2+s5], $0x10, $0x38;
	[tilespmem:$0x9600] =	vst v63  }
0x57a: {  	s0 =	sshrl.u32 s0, $0x3;
	s6 =	sadd.s32 $0x70, s4;
	s7 =	sadd.s32 $0x3380, s22  }
0x57b: {  	[tilespmem:s7], [sflag:$0x2] =	stream.linear.gather [hbm4b:s6+s5], $0x10, $0x38;
	[tilespmem:$0x9600] =	vst v63  }
0x57c: {  	s8 =	sor.u32 $0x6400, s22;
	s0 =	sadd.s32 s30, s0  }
0x57d: {  	[tilespmem:s8], [sflag:$0x2] =	stream.linear.gather [hbm4b:s0+s5], $0x10, $0x38;
	[tilespmem:$0x9600] =	vst v63  }
0x57e: {  	s10 =	sor.u32 $0x6480, s22;
	s9 =	sadd.s32 $0x10, s0  }
0x57f: {  	[tilespmem:s10], [sflag:$0x2] =	stream.linear.gather [hbm4b:s9+s5], $0x10, $0x38;
	[tilespmem:$0x9600] =	vst v63  }
0x580: {  	s12 =	sor.u32 $0x6500, s22;
	s11 =	sadd.s32 $0x20, s0  }
0x581: {  	[tilespmem:s12], [sflag:$0x2] =	stream.linear.gather [hbm4b:s11+s5], $0x10, $0x38;
	[tilespmem:$0x9600] =	vst v63  }
0x582: {  	s14 =	sor.u32 $0x6580, s22;
	s13 =	sadd.s32 $0x30, s0  }
0x583: {  	[tilespmem:s14], [sflag:$0x2] =	stream.linear.gather [hbm4b:s13+s5], $0x10, $0x38;
	[tilespmem:$0x9600] =	vst v63  }
0x584: {  	s17 =	sadd.s32 $0x40, s0;
	s20 =	sor.u32 $0x6600, s22  }
0x585: {  	[tilespmem:s20], [sflag:$0x2] =	stream.linear.gather [hbm4b:s17+s5], $0x10, $0x38;
	[tilespmem:$0x9600] =	vst v63  }
0x586: {  	s21 =	sadd.s32 $0x50, s0;
	s23 =	sor.u32 $0x6680, s22  }
0x587: {  	[tilespmem:s23], [sflag:$0x2] =	stream.linear.gather [hbm4b:s21+s5], $0x10, $0x38;
	[tilespmem:$0x9600] =	vst v63  }
0x588: {  	s24 =	sadd.s32 $0x60, s0;
	s25 =	sor.u32 $0x6700, s22  }
0x589: {  	[tilespmem:s25], [sflag:$0x2] =	stream.linear.gather [hbm4b:s24+s5], $0x10, $0x38;
	[tilespmem:$0x9600] =	vst v63  }
0x58a: {  	s26 =	sadd.s32 $0x70, s0;
	s28 =	sor.u32 $0x6780, s22  }
0x58b: {  	[tilespmem:s28], [sflag:$0x2] =	stream.linear.gather [hbm4b:s26+s5], $0x10, $0x38;
	[tilespmem:$0x9600] =	vst v63  }
0x58c: {  	s4 =	sor.u32 $0x6800, s22;
	s29 =	sadd.s32 $0x18700, s0  }
0x58d: {  	[tilespmem:s4], [sflag:$0x2] =	stream.linear.gather [hbm4b:s29+s5], $0x10, $0x38;
	[tilespmem:$0x9600] =	vst v63  }
0x58e: {  	s3 =	sadd.s32 $0x10, s29;
	s6 =	sor.u32 $0x6880, s22  }
0x58f: {  	[tilespmem:s6], [sflag:$0x2] =	stream.linear.gather [hbm4b:s3+s5], $0x10, $0x38;
	[tilespmem:$0x9600] =	vst v63  }
0x590: {  	s7 =	sadd.s32 $0x20, s29;
	s8 =	sor.u32 $0x6900, s22  }
0x591: {  	[tilespmem:s8], [sflag:$0x2] =	stream.linear.gather [hbm4b:s7+s5], $0x10, $0x38;
	[tilespmem:$0x9600] =	vst v63  }
0x592: {  	s9 =	sadd.s32 $0x30, s29;
	s10 =	sor.u32 $0x6980, s22  }
0x593: {  	[tilespmem:s10], [sflag:$0x2] =	stream.linear.gather [hbm4b:s9+s5], $0x10, $0x38;
	[tilespmem:$0x9600] =	vst v63  }
0x594: {  	s11 =	sadd.s32 $0x40, s29;
	s12 =	sor.u32 $0x6A00, s22  }
0x595: {  	[tilespmem:s12], [sflag:$0x2] =	stream.linear.gather [hbm4b:s11+s5], $0x10, $0x38;
	[tilespmem:$0x9600] =	vst v63  }
0x596: {  	s13 =	sadd.s32 $0x50, s29;
	s14 =	sor.u32 $0x6A80, s22  }
0x597: {  	[tilespmem:s14], [sflag:$0x2] =	stream.linear.gather [hbm4b:s13+s5], $0x10, $0x38;
	[tilespmem:$0x9600] =	vst v63  }
0x598: {  	s17 =	sor.u32 $0x6B00, s22;
	s20 =	sadd.s32 $0x60, s29  }
0x599: {  	[tilespmem:s17], [sflag:$0x2] =	stream.linear.gather [hbm4b:s20+s5], $0x10, $0x38;
	[tilespmem:$0x9600] =	vst v63  }
0x59a: {  	s1 =	sadd.s32 $0x70, s29;
	s21 =	sor.u32 $0x6B80, s22  }
0x59b: {  	[tilespmem:s21], [sflag:$0x2] =	stream.linear.gather [hbm4b:s1+s5], $0x10, $0x38;
	[tilespmem:$0x9600] =	vst v63  }
0x59c: {  	s23 =	sadd.s32 $0x30E00, s0;
	s24 =	sor.u32 $0x6C00, s22  }
0x59d: {  	[tilespmem:s24], [sflag:$0x2] =	stream.linear.gather [hbm4b:s23+s5], $0x10, $0x38;
	[tilespmem:$0x9600] =	vst v63  }
0x59e: {  	s25 =	sor.u32 $0x6C80, s22;
	s26 =	sadd.s32 $0x10, s23  }
0x59f: {  	[tilespmem:s25], [sflag:$0x2] =	stream.linear.gather [hbm4b:s26+s5], $0x10, $0x38;
	[tilespmem:$0x9600] =	vst v63  }
0x5a0: {  	s28 =	sor.u32 $0x6D00, s22;
	s29 =	sadd.s32 $0x20, s23  }
0x5a1: {  	[tilespmem:s28], [sflag:$0x2] =	stream.linear.gather [hbm4b:s29+s5], $0x10, $0x38;
	[tilespmem:$0x9600] =	vst v63  }
0x5a2: {  	s4 =	sadd.s32 $0x30, s23;
	s3 =	sor.u32 $0x6D80, s22  }
0x5a3: {  	[tilespmem:s3], [sflag:$0x2] =	stream.linear.gather [hbm4b:s4+s5], $0x10, $0x38;
	[tilespmem:$0x9600] =	vst v63  }
0x5a4: {  	s6 =	sadd.s32 $0x40, s23;
	s7 =	sor.u32 $0x6E00, s22  }
0x5a5: {  	[tilespmem:s7], [sflag:$0x2] =	stream.linear.gather [hbm4b:s6+s5], $0x10, $0x38;
	[tilespmem:$0x9600] =	vst v63  }
0x5a6: {  	s8 =	sor.u32 $0x6E80, s22;
	s9 =	sadd.s32 $0x50, s23  }
0x5a7: {  	[tilespmem:s8], [sflag:$0x2] =	stream.linear.gather [hbm4b:s9+s5], $0x10, $0x38;
	[tilespmem:$0x9600] =	vst v63  }
0x5a8: {  	s10 =	sadd.s32 $0x60, s23;
	s11 =	sor.u32 $0x6F00, s22  }
0x5a9: {  	[tilespmem:s11], [sflag:$0x2] =	stream.linear.gather [hbm4b:s10+s5], $0x10, $0x38;
	[tilespmem:$0x9600] =	vst v63  }
0x5aa: {  	s12 =	sor.u32 $0x6F80, s22;
	s1 =	sadd.s32 $0x70, s23  }
0x5ab: {  	[tilespmem:s12], [sflag:$0x2] =	stream.linear.gather [hbm4b:s1+s5], $0x10, $0x38;
	[tilespmem:$0x9600] =	vst v63  }
0x5ac: {  	s0 =	sadd.s32 $0x49500, s0;
	s13 =	sadd.s32 $0x7000, s22  }
0x5ad: {  	[tilespmem:s13], [sflag:$0x2] =	stream.linear.gather [hbm4b:s0+s5], $0x10, $0x38;
	[tilespmem:$0x9600] =	vst v63  }
0x5ae: {  	s14 =	sadd.s32 $0x10, s0;
	s17 =	sadd.s32 $0x7080, s22  }
0x5af: {  	[tilespmem:s17], [sflag:$0x2] =	stream.linear.gather [hbm4b:s14+s5], $0x10, $0x38;
	[tilespmem:$0x9600] =	vst v63  }
0x5b0: {  	s20 =	sadd.s32 $0x20, s0;
	s21 =	sadd.s32 $0x7100, s22  }
0x5b1: {  	[tilespmem:s21], [sflag:$0x2] =	stream.linear.gather [hbm4b:s20+s5], $0x10, $0x38;
	[tilespmem:$0x9600] =	vst v63  }
0x5b2: {  	s23 =	sadd.s32 $0x30, s0;
	s24 =	sadd.s32 $0x7180, s22  }
0x5b3: {  	[tilespmem:s24], [sflag:$0x2] =	stream.linear.gather [hbm4b:s23+s5], $0x10, $0x38;
	[tilespmem:$0x9600] =	vst v63  }
0x5b4: {  	s25 =	sadd.s32 $0x40, s0;
	s26 =	sadd.s32 $0x7200, s22  }
0x5b5: {  	[tilespmem:s26], [sflag:$0x2] =	stream.linear.gather [hbm4b:s25+s5], $0x10, $0x38;
	[tilespmem:$0x9600] =	vst v63  }
0x5b6: {  	s28 =	sadd.s32 $0x50, s0;
	s29 =	sadd.s32 $0x7280, s22  }
0x5b7: {  	[tilespmem:s29], [sflag:$0x2] =	stream.linear.gather [hbm4b:s28+s5], $0x10, $0x38;
	[tilespmem:$0x9600] =	vst v63  }
0x5b8: {  	s3 =	sadd.s32 $0x60, s0;
	s4 =	sadd.s32 $0x7300, s22  }
0x5b9: {  	[tilespmem:s4], [sflag:$0x2] =	stream.linear.gather [hbm4b:s3+s5], $0x10, $0x38;
	[tilespmem:$0x9600] =	vst v63  }
0x5ba: {  	s6 =	sadd.s32 $0x7380, s22;
	s7 =	simm.s32 $0x1;
	s0 =	sadd.s32 $0x70, s0  }
0x5bb: {  	[tilespmem:s6], [sflag:$0x2] =	stream.linear.gather [hbm4b:s0+s5], $0x10, $0x38;
	[tilespmem:$0x9600] =	vst v63  }
0x5bc: {  	_ =	swait.ge [sflag:s7], $0x1000  }
0x5bd: {  	[sflag:s7] =	ssyncset.done $0x0  }
0x5be: {  	[sflag:s7] =	ssyncadd.s32 $0xFFFFF000  }
0x5bf: {  	_ =	swait.ge [sflag:s7], $0x1000  }
0x5c0: {  	[sflag:s7] =	ssyncset.done $0x0  }
0x5c1: {  	[sflag:s7] =	ssyncadd.s32 $0xFFFFF000  }
0x5c2: {  	_ =	swait.ge [sflag:s7], $0x1000  }
0x5c3: {  	[sflag:s7] =	ssyncset.done $0x0  }
0x5c4: {  	[sflag:s7] =	ssyncadd.s32 $0xFFFFF000  }
0x5c5: {  	_ =	swait.ge [sflag:s7], $0x1000  }
0x5c6: {  	[sflag:s7] =	ssyncset.done $0x0  }
0x5c7: {  	[sflag:s7] =	ssyncadd.s32 $0xFFFFF000  }
0x5c8: {  	_ =	swait.ge [sflag:s7], $0x800  }
0x5c9: {  	[sflag:s7] =	ssyncset.done $0x0  }
0x5ca: {  	[sflag:s7] =	ssyncadd.s32 $0xFFFFF800  }
0x5cb: {  	v5 =	vld [tilespmem:$0x3E0];
	_ =	sdelay $0x4  }
0x5cc: {  	v6 =	vshra.s32 v5, $0x1F  }
0x5cd: {  	s8 =	simm.s32 $0x0;
	v7 =	vshrl.u32 v6, $0x1C  }
0x5ce: {  	s9 =	simm.s32 $0x0;
	s0 =	sand.u32 $0x4, s8;
	v7 =	vadd.s32 v7, v5  }
0x5cf: {  	s1 =	sand.u32 $0xFFFFFC00, s9;
	s0 =	sshll.u32 s0, $0x7;
	v7 =	vshrl.u32 v7, $0x4  }
0x5d0: {  	s0 =	sor.u32 s1, s0;
	v7 =	vshll.u32 v7, $0x4  }
0x5d1: {  	s1 =	sor.u32 $0x180, s0;
	v7 =	vsub.s32 v5, v7  }
0x5d2: {  	v11 =	vor.u32 s1, v3;
	v9 =	vadd.s32 v2, v7  }
0x5d3: {  	v7 =	vadd.s32 v9, v11;
	_ =	sdelay $0x4  }
0x5d4: {  	v7 =	vld.idx.msk [tilespmem:v7+s16+$0x0], $0xffff;
	_ =	sdelay $0x1  }
0x5d5: {  	s11 =	simm.s32 $0x4;
	s10 =	sor.u32 $0x80, s0  }
0x5d6: {  	s13 =	sand.u32 $0x4, s11;
	s14 =	simm.s32 $0x200;
	s12 =	sor.u32 $0x100, s0;
	v10 =	vor.u32 s10, v3  }
0x5d7: {  	s2 =	sand.u32 $0xFFFFFC00, s14;
	v12 =	vor.u32 s12, v3;
	s1 =	sshll.u32 s13, $0x7;
	v8 =	vadd.s32 v9, v10  }
0x5d8: {  	v14 =	vor.u32 s0, v3;
	s17 =	sor.u32 s2, s1;
	v15 =	vadd.s32 v9, v12;
	v7 =	vsub.f32 $0.0e+00, v7  }
0x5d9: {  	s1 =	sor.u32 $0x180, s17;
	v13 =	vld [tilespmem:$0x1E0];
	v16 =	vadd.s32 v9, v14  }
0x5da: {  	v17 =	vor.u32 s1, v3;
	v7 =	vmul.f32 $1.442695020e+00, v7  }
0x5db: {  	v18 =	vadd.s32 v9, v17  }
0x5dc: {  	v8 =	vld.idx.msk [tilespmem:v8+s16+$0x0], $0xffff;
	(erf) = vpow2.f32 v7  }
0x5dd: {  	s20 =	sor.u32 $0x80, s17;
	v15 =	vld.idx.msk [tilespmem:v15+s16+$0x0], $0xffff  }
0x5de: {  	s2 =	sor.u32 $0x100, s17;
	v19 =	vor.u32 s20, v3;
	v16 =	vld.idx.msk [tilespmem:v16+s16+$0x0], $0xffff;
	v7 =	vshra.s32 v13, $0x1F  }
0x5df: {  	v21 =	vor.u32 s2, v3;
	v20 =	vadd.s32 v9, v19;
	v7 =	vshrl.u32 v7, $0x1C  }
0x5e0: {  	v23 =	vadd.s32 v9, v21;
	v18 =	vld.idx.msk [tilespmem:v18+s16+$0x0], $0xffff;
	v7 =	vadd.s32 v7, v13  }
0x5e1: {  	v22 =	vor.u32 s17, v3;
	v8 =	vsub.f32 $0.0e+00, v8;
	v7 =	vshrl.u32 v7, $0x4  }
0x5e2: {  	v24 =	vadd.s32 v9, v22;
	v15 =	vsub.f32 $0.0e+00, v15;
	v7 =	vshll.u32 v7, $0x4  }
0x5e3: {  	s21 =	simm.s32 $0x8;
	v7 =	vsub.s32 v13, v7;
	v13 =	vsub.f32 $0.0e+00, v16;
	v16 =	vmul.f32 $1.442695020e+00, v8  }
0x5e4: {  	s22 =	simm.s32 $0x400;
	s0 =	sand.u32 $0x4, s21;
	v20 =	vld.idx.msk [tilespmem:v20+s16+$0x0], $0xffff;
	v15 =	vmul.f32 $1.442695020e+00, v15  }
0x5e5: {  	s0 =	sshll.u32 s0, $0x7;
	s1 =	sand.u32 $0xFFFFFC00, s22;
	v23 =	vld.idx.msk [tilespmem:v23+s16+$0x0], $0xffff;
	v13 =	vmul.f32 $1.442695020e+00, v13;
	(erf) = vpow2.f32 v16;
	v16 =	vsub.f32 $0.0e+00, v18;
	v18 =	vpop (erf)  }
0x5e6: {  	s0 =	sor.u32 s1, s0;
	v7 =	vadd.s32 v2, v7;
	(erf) = vpow2.f32 v15;
	v15 =	vadd.f32 $1.000000000e+00, v18  }
0x5e7: {  	s1 =	sor.u32 $0x180, s0;
	v25 =	vadd.s32 v7, v10;
	(erf) = vpow2.f32 v13;
	v13 =	vmul.f32 $1.442695020e+00, v16  }
0x5e8: {  	v10 =	vor.u32 s1, v3;
	v11 =	vadd.s32 v7, v11;
	v18 =	vld.idx.msk [tilespmem:v24+s16+$0x0], $0xffff;
	(erf) = vrcp.f32 v15  }
0x5e9: {  	v12 =	vadd.s32 v7, v12;
	v16 =	vsub.f32 $0.0e+00, v20;
	(erf) = vpow2.f32 v13  }
0x5ea: {  	v13 =	vadd.s32 v7, v19;
	v19 =	vadd.s32 v7, v22;
	v22 =	vsub.f32 $0.0e+00, v23  }
0x5eb: {  	v16 =	vmul.f32 $1.442695020e+00, v16;
	v15 =	vadd.s32 v9, v10  }
0x5ec: {  	s23 =	sor.u32 $0x80, s0;
	s7 =	simm.s32 $0x400;
	v14 =	vadd.s32 v7, v14;
	v20 =	vadd.s32 v7, v21  }
0x5ed: {  	v21 =	vor.u32 s0, v3;
	s0 =	sor.u32 $0x100, s0;
	v24 =	vor.u32 s23, v3;
	v27 =	vld.idx.msk [tilespmem:v11+s7+$0x0], $0xffff;
	v18 =	vsub.f32 $0.0e+00, v18  }
0x5ee: {  	v26 =	vor.u32 s0, v3;
	v23 =	vld.idx.msk [tilespmem:v25+s7+$0x0], $0xffff;
	v25 =	vadd.s32 v9, v24;
	v11 =	vmul.f32 $1.442695020e+00, v22;
	v22 =	vpop (erf)  }
0x5ef: {  	s24 =	simm.s32 $0xC;
	v28 =	vadd.s32 v9, v26;
	v31 =	vld.idx.msk [tilespmem:v12+s7+$0x0], $0xffff;
	(erf) = vpow2.f32 v16;
	v18 =	vmul.f32 $1.442695020e+00, v18;
	v16 =	vpop (erf)  }
0x5f0: {  	s25 =	simm.s32 $0x600;
	s0 =	sand.u32 $0x4, s24;
	v12 =	vadd.s32 v9, v21;
	v15 =	vld.idx.msk [tilespmem:v15+s16+$0x0], $0xffff;
	v16 =	vadd.f32 $1.000000000e+00, v16  }
0x5f1: {  	v8 =	vimm.f32 $0.0e+00;
	s1 =	sand.u32 $0xFFFFFC00, s25;
	s0 =	sshll.u32 s0, $0x7;
	v32 =	vld.idx.msk [tilespmem:v14+s7+$0x0], $0xffff;
	(erf) = vpow2.f32 v11;
	v22 =	vadd.f32 $1.000000000e+00, v22  }
0x5f2: {  	v14 =	vadd.s32 v7, v24;
	v21 =	vadd.s32 v7, v21;
	s0 =	sor.u32 s1, s0;
	v11 =	vld.idx.msk [tilespmem:v13+s7+$0x0], $0xffff;
	v24 =	vpop (erf);
	(erf) = vpow2.f32 v18  }
0x5f3: {  	s1 =	sor.u32 $0x80, s0;
	v13 =	vadd.f32 $1.000000000e+00, v24;
	(erf) = vrcp.f32 v22;
	v22 =	vld.idx.msk [tilespmem:v25+s16+$0x0], $0xffff;
	v24 =	vadd.s32 v7, v26;
	v18 =	vpop (erf)  }
0x5f4: {  	v25 =	vld.idx.msk [tilespmem:v28+s16+$0x0], $0xffff;
	v28 =	vor.u32 s1, v3;
	(erf) = vrcp.f32 v16;
	v18 =	vmul.f32 v18, v27;
	v16 =	vpop (erf)  }
0x5f5: {  	s26 =	sor.u32 $0x180, s0;
	v26 =	vld.idx.msk [tilespmem:v12+s16+$0x0], $0xffff;
	v15 =	vsub.f32 $0.0e+00, v15;
	(erf) = vrcp.f32 v13;
	v13 =	vadd.f32 $1.000000000e+00, v16  }
0x5f6: {  	v12 =	vadd.f32 v18, v8;
	v16 =	vld.idx.msk [tilespmem:v20+s7+$0x0], $0xffff;
	v18 =	vor.u32 s26, v3;
	v20 =	vadd.s32 v7, v17  }
0x5f7: {  	v17 =	vld.idx.msk [tilespmem:v19+s7+$0x0], $0xffff;
	v15 =	vmul.f32 $1.442695020e+00, v15;
	v19 =	vadd.s32 v9, v18;
	(erf) = vrcp.f32 v13  }
0x5f8: {  	v34 =	vadd.s32 v9, v28;
	v27 =	vor.u32 s0, v3;
	s0 =	sor.u32 $0x100, s0;
	v22 =	vsub.f32 $0.0e+00, v22;
	v13 =	vld.idx.msk [tilespmem:v14+s7+$0x0], $0xffff  }
0x5f9: {  	v35 =	vor.u32 s0, v3;
	v25 =	vsub.f32 $0.0e+00, v25;
	v14 =	vld.idx.msk [tilespmem:v24+s7+$0x0], $0xffff;
	v24 =	vpop (erf);
	(erf) = vpow2.f32 v15  }
0x5fa: {  	v36 =	vadd.s32 v9, v35;
	v26 =	vsub.f32 $0.0e+00, v26;
	v15 =	vld.idx.msk [tilespmem:v21+s7+$0x0], $0xffff;
	v21 =	vpop (erf);
	v22 =	vmul.f32 $1.442695020e+00, v22  }
0x5fb: {  	v37 =	vadd.s32 v7, v28;
	v33 =	vadd.s32 v9, v27;
	v28 =	vpop (erf);
	v38 =	vld.idx.msk [tilespmem:v20+s7+$0x0], $0xffff;
	v20 =	vmul.f32 $1.442695020e+00, v25  }
0x5fc: {  	v24 =	vadd.f32 $1.000000000e+00, v24;
	v39 =	vpop (erf);
	(erf) = vpow2.f32 v22;
	v30 =	vld.idx.msk [tilespmem:v19+s16+$0x0], $0xffff;
	v19 =	vmul.f32 $1.442695020e+00, v26  }
0x5fd: {  	(erf) = vpow2.f32 v20;
	v20 =	vmul.f32 v39, v23;
	v23 =	vadd.s32 v7, v35  }
0x5fe: {  	v29 =	vadd.f32 $1.000000000e+00, v28;
	v22 =	vadd.s32 v7, v27;
	v25 =	vld.idx.msk [tilespmem:v34+s16+$0x0], $0xffff;
	v28 =	vpop (erf)  }
0x5ff: {  	s0 =	simm.s32 $0x10;
	v21 =	vadd.f32 $1.000000000e+00, v21;
	v26 =	vld.idx.msk [tilespmem:v36+s16+$0x0], $0xffff;
	v31 =	vmul.f32 v28, v31;
	v27 =	vpop (erf);
	(erf) = vpow2.f32 v19  }
0x600: {  	s29 =	simm.s32 $0x800;
	s28 =	sand.u32 $0x4, s0;
	v28 =	vld.idx.msk [tilespmem:v33+s16+$0x0], $0xffff;
	(erf) = vrcp.f32 v24;
	v27 =	vmul.f32 v27, v32;
	v20 =	vadd.f32 v20, v8;
	v24 =	vpop (erf)  }
0x601: {  	s3 =	sand.u32 $0xFFFFFC00, s29;
	s4 =	simm.s32 $0x5;
	s6 =	sshll.u32 s28, $0x7;
	v19 =	vld.idx.msk [tilespmem:v37+s7+$0x0], $0xffff;
	(erf) = vrcp.f32 v21;
	v21 =	vadd.f32 v31, v8;
	v24 =	vmul.f32 v24, v38  }
.LBB2_16:
0x602: {  	p0 =	sne.s32 s4, $0x7;
	s1 =	sor.u32 s3, s6;
	v31 =	vld.idx.msk [tilespmem:v23+s7+$0x0], $0xffff;
	v23 =	vsub.f32 $0.0e+00, v30;
	v30 =	vpop (erf);
	(erf) = vrcp.f32 v29;
	v8 =	vadd.f32 v27, v8  }
0x603: {  	v27 =	vor.u32 s1, v3;
	s2 =	sor.u32 $0x80, s1;
	s3 =	sor.u32 $0x100, s1;
	s1 =	sor.u32 $0x180, s1;
	v32 =	vld.idx.msk [tilespmem:v22+s7+$0x0], $0xffff;
	v36 =	vadd.f32 $1.000000000e+00, v30;
	v12 =	vadd.f32 v24, v12  }
0x604: {  	v29 =	vadd.s32 v7, v10;
	v10 =	vmovc v18;
	v24 =	vor.u32 s2, v3;
	v18 =	vor.u32 s1, v3  }
0x605: {  	v38 =	vmul.f32 $1.442695020e+00, v23;
	v30 =	vadd.s32 v9, v18;
	(erf) = vrcp.f32 v36  }
0x606: {  	v33 =	vadd.s32 v9, v27;
	v35 =	vor.u32 s3, v3;
	v34 =	vadd.s32 v9, v24;
	v22 =	vpop (erf)  }
0x607: {  	v25 =	vsub.f32 $0.0e+00, v25;
	v36 =	vadd.s32 v9, v35;
	(erf) = vpow2.f32 v38;
	v23 =	vpop (erf)  }
0x608: {  	v26 =	vsub.f32 $0.0e+00, v26;
	v28 =	vsub.f32 $0.0e+00, v28;
	v24 =	vadd.s32 v7, v24;
	v37 =	vpop (erf)  }
0x609: {  	v38 =	vmul.f32 $1.442695020e+00, v25;
	v39 =	vadd.f32 $1.000000000e+00, v22;
	v40 =	vadd.f32 $1.000000000e+00, v23;
	v41 =	vld.idx.msk [tilespmem:v29+s7+$0x0], $0xffff;
	v42 =	vpop (erf)  }
0x60a: {  	v43 =	vmul.f32 $1.442695020e+00, v28;
	v28 =	vmul.f32 $1.442695020e+00, v26;
	v29 =	vadd.f32 $1.000000000e+00, v37;
	v30 =	vld.idx.msk [tilespmem:v30+s16+$0x0], $0xffff;
	v37 =	vpop (erf)  }
.Ltmp7:
0x60b: {  	v22 =	vadd.s32 v7, v27;
	v23 =	vadd.s32 v7, v35;
	v25 =	vld.idx.msk [tilespmem:v34+s16+$0x0], $0xffff;
	(erf) = vpow2.f32 v38;
	v27 =	vpop (erf);
	(pc) =	sbr.rel @p0 .LBB2_16-.Ltmp7, $4  }
0x60c: {  	v34 =	vmul.f32 v42, v11;
	v11 =	vmovc v13;
	v13 =	vmov v19;
	v26 =	vld.idx.msk [tilespmem:v36+s16+$0x0], $0xffff;
	(erf) = vpow2.f32 v28  }
0x60d: {  	s0 =	sadd.s32 $0x4, s0;
	v28 =	vld.idx.msk [tilespmem:v33+s16+$0x0], $0xffff;
	(erf) = vpow2.f32 v43;
	v33 =	vmul.f32 v37, v16;
	v16 =	vmovc v14;
	v14 =	vmov v31  }
0x60e: {  	s1 =	sand.u32 $0x4, s0;
	s2 =	sshll.u32 s4, $0x9;
	v27 =	vmul.f32 v27, v17;
	v20 =	vadd.f32 v34, v20;
	v19 =	vld.idx.msk [tilespmem:v24+s7+$0x0], $0xffff;
	(erf) = vrcp.f32 v39;
	v24 =	vpop (erf)  }
0x60f: {  	s4 =	sadd.s32 $0x1, s4;
	s3 =	sand.u32 $0xFFFFFC00, s2;
	s6 =	sshll.u32 s1, $0x7;
	v17 =	vmovc v15;
	v15 =	vmovc v32;
	v24 =	vmul.f32 v24, v41;
	(erf) = vrcp.f32 v40;
	v21 =	vadd.f32 v33, v21  }
0x610: {  	s0 =	sor.u32 s3, s6  }
0x611: {  	v30 =	vsub.f32 $0.0e+00, v30;
	v31 =	vpop (erf);
	s1 =	sor.u32 $0x180, s0  }
0x612: {  	(erf) = vrcp.f32 v29;
	v31 =	vadd.f32 $1.000000000e+00, v31;
	s2 =	sor.u32 $0x80, s0;
	v29 =	vor.u32 s1, v3  }
0x613: {  	v30 =	vmul.f32 $1.442695020e+00, v30;
	v32 =	vor.u32 s2, v3;
	v33 =	vadd.s32 v9, v29  }
0x614: {  	v25 =	vsub.f32 $0.0e+00, v25;
	s4 =	sor.u32 $0x100, s0;
	(erf) = vrcp.f32 v31;
	v31 =	vadd.s32 v9, v32  }
0x615: {  	v34 =	vor.u32 s4, v3;
	(erf) = vpow2.f32 v30;
	v30 =	vor.u32 s0, v3  }
0x616: {  	v26 =	vsub.f32 $0.0e+00, v26;
	v35 =	vadd.s32 v9, v34;
	v9 =	vadd.s32 v9, v30  }
0x617: {  	v28 =	vsub.f32 $0.0e+00, v28;
	v25 =	vmul.f32 $1.442695020e+00, v25;
	v36 =	vpop (erf)  }
0x618: {  	v26 =	vmul.f32 $1.442695020e+00, v26;
	v37 =	vpop (erf);
	v33 =	vld.idx.msk [tilespmem:v33+s16+$0x0], $0xffff  }
0x619: {  	v28 =	vmul.f32 $1.442695020e+00, v28;
	v38 =	vpop (erf);
	v31 =	vld.idx.msk [tilespmem:v31+s16+$0x0], $0xffff  }
0x61a: {  	(erf) = vpow2.f32 v25;
	v39 =	vpop (erf)  }
0x61b: {  	v36 =	vadd.f32 $1.000000000e+00, v36;
	(erf) = vpow2.f32 v26;
	v25 =	vpop (erf);
	v9 =	vld.idx.msk [tilespmem:v9+s16+$0x0], $0xffff  }
0x61c: {  	v37 =	vadd.f32 $1.000000000e+00, v37;
	(erf) = vpow2.f32 v28;
	v35 =	vld.idx.msk [tilespmem:v35+s16+$0x0], $0xffff;
	v26 =	vpop (erf)  }
0x61d: {  	v38 =	vadd.f32 $1.000000000e+00, v38;
	(erf) = vrcp.f32 v36;
	v28 =	vpop (erf)  }
0x61e: {  	(erf) = vrcp.f32 v37;
	v33 =	vsub.f32 $0.0e+00, v33;
	v48 =	vpop (erf);
	v31 =	vsub.f32 $0.0e+00, v31  }
0x61f: {  	(erf) = vrcp.f32 v38;
	v36 =	vadd.f32 $1.000000000e+00, v48  }
0x620: {  	v33 =	vmul.f32 $1.442695020e+00, v33;
	v9 =	vsub.f32 $0.0e+00, v9;
	v31 =	vmul.f32 $1.442695020e+00, v31  }
0x621: {  	v35 =	vsub.f32 $0.0e+00, v35;
	(erf) = vrcp.f32 v36  }
0x622: {  	(erf) = vpow2.f32 v33;
	v9 =	vmul.f32 $1.442695020e+00, v9  }
0x623: {  	v49 =	vmul.f32 $1.442695020e+00, v35  }
0x624: {  	(erf) = vpow2.f32 v31;
	v31 =	vpop (erf)  }
0x625: {  	(erf) = vpow2.f32 v49;
	v50 =	vpop (erf)  }
0x626: {  	(erf) = vpow2.f32 v9;
	v9 =	vpop (erf)  }
0x627: {  	v51 =	vpop (erf)  }
0x628: {  	v52 =	vpop (erf)  }
0x629: {  	v53 =	vpop (erf)  }
0x62a: {  	v10 =	vadd.s32 v7, v10;
	v31 =	vadd.f32 $1.000000000e+00, v31;
	v54 =	vpop (erf)  }
0x62b: {  	v8 =	vadd.f32 v27, v8;
	v9 =	vadd.f32 $1.000000000e+00, v9;
	v27 =	vpop (erf)  }
0x62c: {  	v33 =	vadd.f32 $1.000000000e+00, v50;
	v27 =	vadd.f32 $1.000000000e+00, v27  }
0x62d: {  	v18 =	vadd.s32 v7, v18;
	v32 =	vadd.s32 v7, v32;
	(erf) = vrcp.f32 v31  }
0x62e: {  	v55 =	vadd.s32 v7, v34;
	v11 =	vmul.f32 v39, v11;
	(erf) = vrcp.f32 v33;
	v31 =	vpop (erf)  }
0x62f: {  	v10 =	vld.idx.msk [tilespmem:v10+s7+$0x0], $0xffff;
	v16 =	vmul.f32 v25, v16;
	(erf) = vrcp.f32 v9;
	v9 =	vpop (erf);
	v31 =	vadd.f32 $1.000000000e+00, v31  }
0x630: {  	v25 =	vadd.s32 v7, v29;
	(erf) = vrcp.f32 v27;
	v9 =	vadd.f32 $1.000000000e+00, v9;
	v27 =	vpop (erf)  }
0x631: {  	v7 =	vadd.s32 v7, v30;
	(erf) = vrcp.f32 v31;
	v27 =	vadd.f32 $1.000000000e+00, v27  }
0x632: {  	v23 =	vld.idx.msk [tilespmem:v23+s7+$0x0], $0xffff;
	v6 =	vshrl.u32 v6, $0x19;
	(erf) = vrcp.f32 v9  }
0x633: {  	v11 =	vadd.f32 v11, v20;
	v20 =	vld.idx.msk [tilespmem:v32+s7+$0x0], $0xffff;
	v9 =	vmul.f32 v26, v17;
	(erf) = vrcp.f32 v27  }
0x634: {  	v12 =	vadd.f32 v24, v12;
	v16 =	vadd.f32 v16, v21;
	v10 =	vmul.f32 v28, v10;
	v17 =	vld.idx.msk [tilespmem:v18+s7+$0x0], $0xffff  }
0x635: {  	v15 =	vmul.f32 v53, v15;
	v18 =	vld.idx.msk [tilespmem:v22+s7+$0x0], $0xffff;
	v8 =	vadd.f32 v9, v8;
	v9 =	vmul.f32 v51, v13  }
0x636: {  	v6 =	vadd.s32 v6, v5;
	v7 =	vld.idx.msk [tilespmem:v7+s7+$0x0], $0xffff;
	v10 =	vadd.f32 v10, v12;
	v12 =	vmul.f32 v52, v14;
	v14 =	vpop (erf)  }
0x637: {  	v6 =	vshrl.u32 v6, $0x7;
	v21 =	vpop (erf);
	v14 =	vmul.f32 v14, v19;
	v9 =	vadd.f32 v9, v11;
	v11 =	vld.idx.msk [tilespmem:v25+s7+$0x0], $0xffff  }
0x638: {  	v6 =	vshll.u32 v6, $0x7;
	v12 =	vadd.f32 v12, v16;
	v13 =	vld.idx.msk [tilespmem:v55+s7+$0x0], $0xffff;
	v16 =	vpop (erf)  }
0x639: {  	v5 =	vsub.s32 v5, v6;
	v8 =	vadd.f32 v15, v8;
	v17 =	vmul.f32 v54, v17;
	v15 =	vpop (erf)  }
0x63a: {  	v5 =	vadd.s32 v4, v5;
	v6 =	vmul.f32 v16, v18;
	v19 =	vpop (erf)  }
0x63b: {  	v9 =	vadd.f32 v14, v9;
	v10 =	vadd.f32 v17, v10;
	v17 =	vmul.f32 v21, v23;
	v14 =	vpop (erf)  }
0x63c: {  	v6 =	vadd.f32 v6, v8;
	v11 =	vmul.f32 v15, v11;
	v16 =	vmul.f32 v19, v20;
	v15 =	vpop (erf)  }
0x63d: {  	v12 =	vadd.f32 v17, v12;
	v8 =	vmul.f32 v14, v13;
	v7 =	vmul.f32 v15, v7  }
0x63e: {  	v10 =	vadd.f32 v11, v10;
	v9 =	vadd.f32 v16, v9  }
0x63f: {  	s6 =	simm.s32 $0x8400;
	v8 =	vadd.f32 v8, v12;
	v6 =	vadd.f32 v7, v6  }
0x640: {  	v5 =	vld.idx.msk [tilespmem:v5+s6+$0x0], $0xffff  }
0x641: {  	v7 =	vadd.f32 v10, v8;
	v6 =	vadd.f32 v9, v6;
	_ =	sdelay $0x1  }
0x642: {  	v6 =	vadd.f32 v7, v6;
	_ =	sdelay $0x1  }
0x643: {  	v5 =	vsub.f32 v5, v6;
	_ =	sdelay $0x1  }
0x644: {  	v5 =	vadd.f32 $0.0e+00, v5;
	_ =	sdelay $0x1  }
0x645: {  	v5 =	vmul.f32 $1.442695020e+00, v5;
	_ =	sdelay $0x1  }
0x646: {  	(erf) = vpow2.f32 v5;
	_ =	sdelay $0x8  }
0x647: {  	v5 =	vpop (erf)  }
0x648: {  	v5 =	vadd.f32 $1.000000000e+00, v5;
	_ =	sdelay $0x1  }
0x649: {  	(erf) = vrcp.f32 v5;
	_ =	sdelay $0x8  }
0x64a: {  	v5 =	vpop (erf)  }
0x64b: {  	s7 =	simm.s32 $0x2;
	[tilespmem:$0x95E0] =	vst v5  }
0x64c: {  	_ =	swait.ge [sflag:s7], $0x1000  }
0x64d: {  	[sflag:s7] =	ssyncset.done $0x0  }
0x64e: {  	[sflag:s7] =	ssyncadd.s32 $0xFFFFF000  }
0x64f: {  	_ =	swait.ge [sflag:s7], $0x1000  }
0x650: {  	[sflag:s7] =	ssyncset.done $0x0  }
0x651: {  	[sflag:s7] =	ssyncadd.s32 $0xFFFFF000  }
0x652: {  	_ =	swait.ge [sflag:s7], $0x1000  }
0x653: {  	[sflag:s7] =	ssyncset.done $0x0  }
0x654: {  	[sflag:s7] =	ssyncadd.s32 $0xFFFFF000  }
0x655: {  	_ =	swait.ge [sflag:s7], $0x1000  }
0x656: {  	[sflag:s7] =	ssyncset.done $0x0  }
0x657: {  	[sflag:s7] =	ssyncadd.s32 $0xFFFFF000  }
0x658: {  	_ =	swait.ge [sflag:s7], $0x800  }
0x659: {  	[sflag:s7] =	ssyncset.done $0x0  }
0x65a: {  	[sflag:s7] =	ssyncadd.s32 $0xFFFFF800  }
0x65b: {  	v5 =	vld [tilespmem:$0x3F0];
	_ =	sdelay $0x4  }
0x65c: {  	v6 =	vshra.s32 v5, $0x1F  }
0x65d: {  	s8 =	simm.s32 $0x0;
	v7 =	vshrl.u32 v6, $0x1C  }
0x65e: {  	s9 =	simm.s32 $0x0;
	s0 =	sand.u32 $0x4, s8;
	v7 =	vadd.s32 v7, v5  }
0x65f: {  	s1 =	sand.u32 $0xFFFFFC00, s9;
	s0 =	sshll.u32 s0, $0x7;
	v7 =	vshrl.u32 v7, $0x4  }
0x660: {  	s0 =	sor.u32 s1, s0;
	v7 =	vshll.u32 v7, $0x4  }
0x661: {  	s1 =	sor.u32 $0x180, s0;
	v7 =	vsub.s32 v5, v7  }
0x662: {  	v11 =	vor.u32 s1, v3;
	v9 =	vadd.s32 v2, v7  }
0x663: {  	v7 =	vadd.s32 v9, v11;
	_ =	sdelay $0x4  }
0x664: {  	v7 =	vld.idx.msk [tilespmem:v7+s19+$0x0], $0xffff;
	_ =	sdelay $0x1  }
0x665: {  	s11 =	simm.s32 $0x4;
	s10 =	sor.u32 $0x80, s0  }
0x666: {  	s14 =	simm.s32 $0x200;
	s13 =	sand.u32 $0x4, s11;
	s12 =	sor.u32 $0x100, s0;
	v10 =	vor.u32 s10, v3  }
0x667: {  	s2 =	sand.u32 $0xFFFFFC00, s14;
	s1 =	sshll.u32 s13, $0x7;
	v12 =	vor.u32 s12, v3;
	v8 =	vadd.s32 v9, v10  }
0x668: {  	v14 =	vor.u32 s0, v3;
	s17 =	sor.u32 s2, s1;
	v15 =	vadd.s32 v9, v12;
	v7 =	vsub.f32 $0.0e+00, v7  }
0x669: {  	s1 =	sor.u32 $0x180, s17;
	v13 =	vld [tilespmem:$0x1F0];
	v16 =	vadd.s32 v9, v14  }
0x66a: {  	v17 =	vor.u32 s1, v3;
	v7 =	vmul.f32 $1.442695020e+00, v7  }
0x66b: {  	v18 =	vadd.s32 v9, v17  }
0x66c: {  	v8 =	vld.idx.msk [tilespmem:v8+s19+$0x0], $0xffff;
	(erf) = vpow2.f32 v7  }
0x66d: {  	s20 =	sor.u32 $0x80, s17;
	v15 =	vld.idx.msk [tilespmem:v15+s19+$0x0], $0xffff  }
0x66e: {  	s2 =	sor.u32 $0x100, s17;
	v19 =	vor.u32 s20, v3;
	v16 =	vld.idx.msk [tilespmem:v16+s19+$0x0], $0xffff;
	v7 =	vshra.s32 v13, $0x1F  }
0x66f: {  	v21 =	vor.u32 s2, v3;
	v20 =	vadd.s32 v9, v19;
	v7 =	vshrl.u32 v7, $0x1C  }
0x670: {  	v23 =	vadd.s32 v9, v21;
	v18 =	vld.idx.msk [tilespmem:v18+s19+$0x0], $0xffff;
	v7 =	vadd.s32 v7, v13  }
0x671: {  	v22 =	vor.u32 s17, v3;
	v8 =	vsub.f32 $0.0e+00, v8;
	v7 =	vshrl.u32 v7, $0x4  }
0x672: {  	v24 =	vadd.s32 v9, v22;
	v15 =	vsub.f32 $0.0e+00, v15;
	v7 =	vshll.u32 v7, $0x4  }
0x673: {  	s21 =	simm.s32 $0x8;
	v7 =	vsub.s32 v13, v7;
	v13 =	vsub.f32 $0.0e+00, v16;
	v16 =	vmul.f32 $1.442695020e+00, v8  }
0x674: {  	s22 =	simm.s32 $0x400;
	s0 =	sand.u32 $0x4, s21;
	v20 =	vld.idx.msk [tilespmem:v20+s19+$0x0], $0xffff;
	v15 =	vmul.f32 $1.442695020e+00, v15  }
0x675: {  	s0 =	sshll.u32 s0, $0x7;
	s1 =	sand.u32 $0xFFFFFC00, s22;
	v23 =	vld.idx.msk [tilespmem:v23+s19+$0x0], $0xffff;
	v13 =	vmul.f32 $1.442695020e+00, v13;
	(erf) = vpow2.f32 v16;
	v16 =	vsub.f32 $0.0e+00, v18;
	v18 =	vpop (erf)  }
0x676: {  	s0 =	sor.u32 s1, s0;
	v7 =	vadd.s32 v2, v7;
	(erf) = vpow2.f32 v15;
	v15 =	vadd.f32 $1.000000000e+00, v18  }
0x677: {  	s1 =	sor.u32 $0x180, s0;
	v25 =	vadd.s32 v7, v10;
	(erf) = vpow2.f32 v13;
	v13 =	vmul.f32 $1.442695020e+00, v16  }
0x678: {  	v10 =	vor.u32 s1, v3;
	v11 =	vadd.s32 v7, v11;
	v18 =	vld.idx.msk [tilespmem:v24+s19+$0x0], $0xffff;
	(erf) = vrcp.f32 v15  }
0x679: {  	v12 =	vadd.s32 v7, v12;
	v16 =	vsub.f32 $0.0e+00, v20;
	(erf) = vpow2.f32 v13  }
0x67a: {  	v13 =	vadd.s32 v7, v19;
	v19 =	vadd.s32 v7, v22;
	v22 =	vsub.f32 $0.0e+00, v23  }
0x67b: {  	v16 =	vmul.f32 $1.442695020e+00, v16;
	v15 =	vadd.s32 v9, v10  }
0x67c: {  	s23 =	sor.u32 $0x80, s0;
	v14 =	vadd.s32 v7, v14;
	v20 =	vadd.s32 v7, v21  }
0x67d: {  	v21 =	vor.u32 s0, v3;
	s0 =	sor.u32 $0x100, s0;
	v24 =	vor.u32 s23, v3;
	v27 =	vld.idx.msk [tilespmem:v11+s18+$0x0], $0xffff;
	v18 =	vsub.f32 $0.0e+00, v18  }
0x67e: {  	v26 =	vor.u32 s0, v3;
	v23 =	vld.idx.msk [tilespmem:v25+s18+$0x0], $0xffff;
	v25 =	vadd.s32 v9, v24;
	v11 =	vmul.f32 $1.442695020e+00, v22;
	v22 =	vpop (erf)  }
0x67f: {  	s24 =	simm.s32 $0xC;
	v28 =	vadd.s32 v9, v26;
	v31 =	vld.idx.msk [tilespmem:v12+s18+$0x0], $0xffff;
	(erf) = vpow2.f32 v16;
	v18 =	vmul.f32 $1.442695020e+00, v18;
	v16 =	vpop (erf)  }
0x680: {  	s25 =	simm.s32 $0x600;
	s0 =	sand.u32 $0x4, s24;
	v12 =	vadd.s32 v9, v21;
	v15 =	vld.idx.msk [tilespmem:v15+s19+$0x0], $0xffff;
	v16 =	vadd.f32 $1.000000000e+00, v16  }
0x681: {  	v8 =	vimm.f32 $0.0e+00;
	s1 =	sand.u32 $0xFFFFFC00, s25;
	s0 =	sshll.u32 s0, $0x7;
	v56 =	vld.idx.msk [tilespmem:v14+s18+$0x0], $0xffff;
	(erf) = vpow2.f32 v11;
	v22 =	vadd.f32 $1.000000000e+00, v22  }
0x682: {  	v14 =	vadd.s32 v7, v24;
	v21 =	vadd.s32 v7, v21;
	s0 =	sor.u32 s1, s0;
	v11 =	vld.idx.msk [tilespmem:v13+s18+$0x0], $0xffff;
	v24 =	vpop (erf);
	(erf) = vpow2.f32 v18  }
0x683: {  	s1 =	sor.u32 $0x80, s0;
	v13 =	vadd.f32 $1.000000000e+00, v24;
	(erf) = vrcp.f32 v22;
	v22 =	vld.idx.msk [tilespmem:v25+s19+$0x0], $0xffff;
	v24 =	vadd.s32 v7, v26;
	v18 =	vpop (erf)  }
0x684: {  	v25 =	vld.idx.msk [tilespmem:v28+s19+$0x0], $0xffff;
	v28 =	vor.u32 s1, v3;
	(erf) = vrcp.f32 v16;
	v18 =	vmul.f32 v18, v27;
	v16 =	vpop (erf)  }
0x685: {  	s26 =	sor.u32 $0x180, s0;
	v26 =	vld.idx.msk [tilespmem:v12+s19+$0x0], $0xffff;
	v15 =	vsub.f32 $0.0e+00, v15;
	(erf) = vrcp.f32 v13;
	v13 =	vadd.f32 $1.000000000e+00, v16  }
0x686: {  	v12 =	vadd.f32 v18, v8;
	v16 =	vld.idx.msk [tilespmem:v20+s18+$0x0], $0xffff;
	v18 =	vor.u32 s26, v3;
	v20 =	vadd.s32 v7, v17  }
0x687: {  	v17 =	vld.idx.msk [tilespmem:v19+s18+$0x0], $0xffff;
	v15 =	vmul.f32 $1.442695020e+00, v15;
	v19 =	vadd.s32 v9, v18;
	(erf) = vrcp.f32 v13  }
0x688: {  	v58 =	vadd.s32 v9, v28;
	v27 =	vor.u32 s0, v3;
	s0 =	sor.u32 $0x100, s0;
	v22 =	vsub.f32 $0.0e+00, v22;
	v13 =	vld.idx.msk [tilespmem:v14+s18+$0x0], $0xffff  }
0x689: {  	v59 =	vor.u32 s0, v3;
	v25 =	vsub.f32 $0.0e+00, v25;
	v14 =	vld.idx.msk [tilespmem:v24+s18+$0x0], $0xffff;
	v24 =	vpop (erf);
	(erf) = vpow2.f32 v15  }
0x68a: {  	v60 =	vadd.s32 v9, v59;
	v26 =	vsub.f32 $0.0e+00, v26;
	v15 =	vld.idx.msk [tilespmem:v21+s18+$0x0], $0xffff;
	v21 =	vpop (erf);
	v22 =	vmul.f32 $1.442695020e+00, v22  }
0x68b: {  	v61 =	vadd.s32 v7, v28;
	v57 =	vadd.s32 v9, v27;
	v28 =	vpop (erf);
	v62 =	vld.idx.msk [tilespmem:v20+s18+$0x0], $0xffff;
	v20 =	vmul.f32 $1.442695020e+00, v25  }
0x68c: {  	v24 =	vadd.f32 $1.000000000e+00, v24;
	v63 =	vpop (erf);
	(erf) = vpow2.f32 v22;
	v30 =	vld.idx.msk [tilespmem:v19+s19+$0x0], $0xffff;
	v19 =	vmul.f32 $1.442695020e+00, v26  }
0x68d: {  	(erf) = vpow2.f32 v20;
	v20 =	vmul.f32 v63, v23;
	v23 =	vadd.s32 v7, v59  }
0x68e: {  	v29 =	vadd.f32 $1.000000000e+00, v28;
	v22 =	vadd.s32 v7, v27;
	v25 =	vld.idx.msk [tilespmem:v58+s19+$0x0], $0xffff;
	v28 =	vpop (erf)  }
0x68f: {  	s0 =	simm.s32 $0x10;
	v21 =	vadd.f32 $1.000000000e+00, v21;
	v26 =	vld.idx.msk [tilespmem:v60+s19+$0x0], $0xffff;
	v27 =	vpop (erf);
	v31 =	vmul.f32 v28, v31;
	(erf) = vpow2.f32 v19  }
0x690: {  	s29 =	simm.s32 $0x800;
	s28 =	sand.u32 $0x4, s0;
	v28 =	vld.idx.msk [tilespmem:v57+s19+$0x0], $0xffff;
	v27 =	vmul.f32 v27, v56;
	(erf) = vrcp.f32 v24;
	v20 =	vadd.f32 v20, v8;
	v24 =	vpop (erf)  }
0x691: {  	s3 =	sand.u32 $0xFFFFFC00, s29;
	s4 =	simm.s32 $0x5;
	s6 =	sshll.u32 s28, $0x7;
	v19 =	vld.idx.msk [tilespmem:v61+s18+$0x0], $0xffff;
	(erf) = vrcp.f32 v21;
	v21 =	vadd.f32 v31, v8;
	v24 =	vmul.f32 v24, v62  }
.LBB2_18:
0x692: {  	p0 =	sne.s32 s4, $0x7;
	s1 =	sor.u32 s3, s6;
	v31 =	vld.idx.msk [tilespmem:v23+s18+$0x0], $0xffff;
	v23 =	vsub.f32 $0.0e+00, v30;
	v30 =	vpop (erf);
	(erf) = vrcp.f32 v29;
	v8 =	vadd.f32 v27, v8  }
0x693: {  	v27 =	vor.u32 s1, v3;
	s2 =	sor.u32 $0x80, s1;
	s3 =	sor.u32 $0x100, s1;
	s1 =	sor.u32 $0x180, s1;
	v32 =	vld.idx.msk [tilespmem:v22+s18+$0x0], $0xffff;
	v36 =	vadd.f32 $1.000000000e+00, v30;
	v12 =	vadd.f32 v24, v12  }
0x694: {  	v29 =	vadd.s32 v7, v10;
	v10 =	vmovc v18;
	v24 =	vor.u32 s2, v3;
	v18 =	vor.u32 s1, v3  }
0x695: {  	v38 =	vmul.f32 $1.442695020e+00, v23;
	v30 =	vadd.s32 v9, v18;
	(erf) = vrcp.f32 v36  }
0x696: {  	v33 =	vadd.s32 v9, v27;
	v35 =	vor.u32 s3, v3;
	v34 =	vadd.s32 v9, v24;
	v22 =	vpop (erf)  }
0x697: {  	v25 =	vsub.f32 $0.0e+00, v25;
	v36 =	vadd.s32 v9, v35;
	(erf) = vpow2.f32 v38;
	v23 =	vpop (erf)  }
0x698: {  	v26 =	vsub.f32 $0.0e+00, v26;
	v28 =	vsub.f32 $0.0e+00, v28;
	v24 =	vadd.s32 v7, v24;
	v37 =	vpop (erf)  }
0x699: {  	v38 =	vmul.f32 $1.442695020e+00, v25;
	v39 =	vadd.f32 $1.000000000e+00, v22;
	v40 =	vadd.f32 $1.000000000e+00, v23;
	v41 =	vld.idx.msk [tilespmem:v29+s18+$0x0], $0xffff;
	v42 =	vpop (erf)  }
0x69a: {  	v43 =	vmul.f32 $1.442695020e+00, v28;
	v28 =	vmul.f32 $1.442695020e+00, v26;
	v29 =	vadd.f32 $1.000000000e+00, v37;
	v30 =	vld.idx.msk [tilespmem:v30+s19+$0x0], $0xffff;
	v37 =	vpop (erf)  }
.Ltmp8:
0x69b: {  	v22 =	vadd.s32 v7, v27;
	v23 =	vadd.s32 v7, v35;
	v25 =	vld.idx.msk [tilespmem:v34+s19+$0x0], $0xffff;
	(erf) = vpow2.f32 v38;
	v27 =	vpop (erf);
	(pc) =	sbr.rel @p0 .LBB2_18-.Ltmp8, $4  }
0x69c: {  	v34 =	vmul.f32 v42, v11;
	v11 =	vmovc v13;
	v13 =	vmov v19;
	v26 =	vld.idx.msk [tilespmem:v36+s19+$0x0], $0xffff;
	(erf) = vpow2.f32 v28  }
0x69d: {  	s0 =	sadd.s32 $0x4, s0;
	v28 =	vld.idx.msk [tilespmem:v33+s19+$0x0], $0xffff;
	(erf) = vpow2.f32 v43;
	v33 =	vmul.f32 v37, v16;
	v16 =	vmovc v14;
	v14 =	vmov v31  }
0x69e: {  	s1 =	sand.u32 $0x4, s0;
	s2 =	sshll.u32 s4, $0x9;
	v27 =	vmul.f32 v27, v17;
	v20 =	vadd.f32 v34, v20;
	v19 =	vld.idx.msk [tilespmem:v24+s18+$0x0], $0xffff;
	(erf) = vrcp.f32 v39;
	v24 =	vpop (erf)  }
0x69f: {  	s4 =	sadd.s32 $0x1, s4;
	s3 =	sand.u32 $0xFFFFFC00, s2;
	s6 =	sshll.u32 s1, $0x7;
	v17 =	vmovc v15;
	v15 =	vmovc v32;
	v24 =	vmul.f32 v24, v41;
	(erf) = vrcp.f32 v40;
	v21 =	vadd.f32 v33, v21  }
0x6a0: {  	s0 =	sor.u32 s3, s6;
	v30 =	vsub.f32 $0.0e+00, v30;
	v31 =	vpop (erf)  }
0x6a1: {  	s1 =	sor.u32 $0x180, s0;
	v31 =	vadd.f32 $1.000000000e+00, v31  }
0x6a2: {  	(erf) = vrcp.f32 v29;
	s2 =	sor.u32 $0x80, s0;
	v48 =	vor.u32 s1, v3;
	v30 =	vmul.f32 $1.442695020e+00, v30  }
0x6a3: {  	s23 =	sor.u32 $0x100, s0;
	v32 =	vor.u32 s2, v3;
	v33 =	vadd.s32 v9, v48;
	(erf) = vrcp.f32 v31  }
0x6a4: {  	v34 =	vor.u32 s23, v3;
	v49 =	vadd.s32 v9, v32;
	(erf) = vpow2.f32 v30  }
0x6a5: {  	v50 =	vor.u32 s0, v3;
	v35 =	vadd.s32 v9, v34  }
0x6a6: {  	v25 =	vsub.f32 $0.0e+00, v25;
	v51 =	vadd.s32 v9, v50;
	v36 =	vpop (erf)  }
0x6a7: {  	v26 =	vsub.f32 $0.0e+00, v26;
	v37 =	vpop (erf)  }
0x6a8: {  	v28 =	vsub.f32 $0.0e+00, v28;
	v25 =	vmul.f32 $1.442695020e+00, v25;
	v38 =	vpop (erf);
	v33 =	vld.idx.msk [tilespmem:v33+s19+$0x0], $0xffff  }
0x6a9: {  	v26 =	vmul.f32 $1.442695020e+00, v26;
	v39 =	vpop (erf);
	v31 =	vld.idx.msk [tilespmem:v49+s19+$0x0], $0xffff  }
0x6aa: {  	v28 =	vmul.f32 $1.442695020e+00, v28;
	(erf) = vpow2.f32 v25;
	v52 =	vpop (erf);
	v35 =	vld.idx.msk [tilespmem:v35+s19+$0x0], $0xffff  }
0x6ab: {  	v36 =	vadd.f32 $1.000000000e+00, v36;
	(erf) = vpow2.f32 v26;
	v9 =	vld.idx.msk [tilespmem:v51+s19+$0x0], $0xffff;
	v53 =	vpop (erf)  }
0x6ac: {  	v37 =	vadd.f32 $1.000000000e+00, v37;
	(erf) = vpow2.f32 v28;
	v54 =	vpop (erf)  }
0x6ad: {  	v38 =	vadd.f32 $1.000000000e+00, v38;
	(erf) = vrcp.f32 v36;
	v33 =	vsub.f32 $0.0e+00, v33;
	v55 =	vpop (erf)  }
0x6ae: {  	(erf) = vrcp.f32 v37;
	v31 =	vsub.f32 $0.0e+00, v31;
	v36 =	vadd.f32 $1.000000000e+00, v55  }
0x6af: {  	(erf) = vrcp.f32 v38;
	v35 =	vsub.f32 $0.0e+00, v35;
	v33 =	vmul.f32 $1.442695020e+00, v33  }
0x6b0: {  	v9 =	vsub.f32 $0.0e+00, v9;
	v31 =	vmul.f32 $1.442695020e+00, v31;
	(erf) = vrcp.f32 v36  }
0x6b1: {  	v56 =	vmul.f32 $1.442695020e+00, v35;
	(erf) = vpow2.f32 v33  }
0x6b2: {  	v9 =	vmul.f32 $1.442695020e+00, v9;
	(erf) = vpow2.f32 v31  }
0x6b3: {  	v57 =	vpop (erf);
	(erf) = vpow2.f32 v56  }
0x6b4: {  	v58 =	vpop (erf);
	(erf) = vpow2.f32 v9  }
0x6b5: {  	v59 =	vpop (erf)  }
0x6b6: {  	v60 =	vpop (erf)  }
0x6b7: {  	v61 =	vpop (erf)  }
0x6b8: {  	v31 =	vadd.f32 $1.000000000e+00, v57;
	v62 =	vpop (erf)  }
0x6b9: {  	v10 =	vadd.s32 v7, v10;
	v33 =	vadd.f32 $1.000000000e+00, v58;
	v63 =	vpop (erf)  }
0x6ba: {  	v8 =	vadd.f32 v27, v8;
	v9 =	vadd.f32 $1.000000000e+00, v59;
	(erf) = vrcp.f32 v31;
	v40 =	vpop (erf)  }
0x6bb: {  	v18 =	vadd.s32 v7, v18;
	(erf) = vrcp.f32 v33;
	v27 =	vadd.f32 $1.000000000e+00, v40;
	v41 =	vpop (erf)  }
0x6bc: {  	v6 =	vshrl.u32 v6, $0x19;
	(erf) = vrcp.f32 v9;
	v42 =	vpop (erf);
	v31 =	vadd.f32 $1.000000000e+00, v41  }
0x6bd: {  	v32 =	vadd.s32 v7, v32;
	(erf) = vrcp.f32 v27;
	v44 =	vpop (erf);
	v9 =	vadd.f32 $1.000000000e+00, v42  }
0x6be: {  	v43 =	vadd.s32 v7, v34;
	v10 =	vld.idx.msk [tilespmem:v10+s18+$0x0], $0xffff;
	v27 =	vadd.f32 $1.000000000e+00, v44;
	(erf) = vrcp.f32 v31  }
0x6bf: {  	v23 =	vld.idx.msk [tilespmem:v23+s18+$0x0], $0xffff;
	v6 =	vadd.s32 v6, v5;
	v45 =	vadd.s32 v7, v48;
	(erf) = vrcp.f32 v9  }
0x6c0: {  	v6 =	vshrl.u32 v6, $0x7;
	v7 =	vadd.s32 v7, v50;
	v48 =	vld.idx.msk [tilespmem:v22+s18+$0x0], $0xffff;
	(erf) = vrcp.f32 v27  }
0x6c1: {  	v12 =	vadd.f32 v24, v12;
	v6 =	vshll.u32 v6, $0x7;
	v47 =	vld.idx.msk [tilespmem:v18+s18+$0x0], $0xffff;
	v11 =	vmul.f32 v39, v11  }
0x6c2: {  	v5 =	vsub.s32 v5, v6;
	v49 =	vld.idx.msk [tilespmem:v32+s18+$0x0], $0xffff;
	v16 =	vmul.f32 v52, v16;
	v46 =	vmul.f32 v53, v17  }
0x6c3: {  	v5 =	vadd.s32 v4, v5;
	v51 =	vld.idx.msk [tilespmem:v43+s18+$0x0], $0xffff;
	v11 =	vadd.f32 v11, v20;
	v10 =	vmul.f32 v54, v10;
	v53 =	vpop (erf)  }
0x6c4: {  	v16 =	vadd.f32 v16, v21;
	v8 =	vadd.f32 v46, v8;
	v54 =	vld.idx.msk [tilespmem:v45+s18+$0x0], $0xffff;
	v50 =	vmul.f32 v60, v13;
	v55 =	vpop (erf)  }
0x6c5: {  	v7 =	vld.idx.msk [tilespmem:v7+s18+$0x0], $0xffff;
	v10 =	vadd.f32 v10, v12;
	v52 =	vmul.f32 v61, v14;
	v15 =	vmul.f32 v62, v15;
	v56 =	vpop (erf)  }
0x6c6: {  	v17 =	vmul.f32 v63, v47;
	v9 =	vadd.f32 v50, v11;
	v14 =	vmul.f32 v53, v19;
	v57 =	vpop (erf)  }
0x6c7: {  	v12 =	vadd.f32 v52, v16;
	v8 =	vadd.f32 v15, v8;
	v58 =	vmul.f32 v55, v23;
	v59 =	vpop (erf)  }
0x6c8: {  	v10 =	vadd.f32 v17, v10;
	v6 =	vmul.f32 v56, v48;
	v9 =	vadd.f32 v14, v9;
	v60 =	vpop (erf)  }
0x6c9: {  	v12 =	vadd.f32 v58, v12;
	v11 =	vmul.f32 v57, v54;
	v62 =	vmul.f32 v59, v49;
	v61 =	vpop (erf)  }
0x6ca: {  	v6 =	vadd.f32 v6, v8;
	v63 =	vmul.f32 v60, v51;
	v7 =	vmul.f32 v61, v7  }
0x6cb: {  	v10 =	vadd.f32 v11, v10;
	v9 =	vadd.f32 v62, v9  }
0x6cc: {  	s24 =	simm.s32 $0x8C00;
	v8 =	vadd.f32 v63, v12;
	v6 =	vadd.f32 v7, v6  }
0x6cd: {  	v5 =	vld.idx.msk [tilespmem:v5+s24+$0x0], $0xffff  }
0x6ce: {  	v7 =	vadd.f32 v10, v8;
	v6 =	vadd.f32 v9, v6;
	_ =	sdelay $0x1  }
0x6cf: {  	v6 =	vadd.f32 v7, v6;
	_ =	sdelay $0x1  }
0x6d0: {  	v5 =	vsub.f32 v5, v6;
	_ =	sdelay $0x1  }
0x6d1: {  	v5 =	vadd.f32 $0.0e+00, v5;
	_ =	sdelay $0x1  }
0x6d2: {  	v5 =	vmul.f32 $1.442695020e+00, v5;
	_ =	sdelay $0x1  }
0x6d3: {  	(erf) = vpow2.f32 v5;
	_ =	sdelay $0x8  }
0x6d4: {  	v5 =	vpop (erf)  }
0x6d5: {  	v5 =	vadd.f32 $1.000000000e+00, v5;
	_ =	sdelay $0x1  }
0x6d6: {  	(erf) = vrcp.f32 v5;
	_ =	sdelay $0x8  }
0x6d7: {  	v5 =	vpop (erf)  }
0x6d8: {  	s25 =	rddreg [dreg:$0xc];
	s26 =	simm.s32 $0x9400;
	s1 =	simm.s32 $0x3;
	[tilespmem:$0x95F0] =	vst v5  }
0x6d9: {  	[hbm4b:s25+s5] =	stream.linear.scatter [tilespmem:s26], [sflag:$0x3], $0x200, $0x38;
	[tilespmem:$0x9600] =	vst v63  }
0x6da: {  	_ =	swait.ge [sflag:s1], $0x200  }
0x6db: {  	s28 =	rddreg [dreg:$0xe]  }
0x6dc: {  	s29 =	rddreg [dreg:$0xd];
	s2 =	sadd.s32 $0x1, s28  }
0x6dd: {  	p0 =	sne.s32 s2, s29  }
.Ltmp9:
0x6de: {  	_ = 	snop;
	(pc) =	sbr.rel @p0 .LBB2_1-.Ltmp9, $3  }
0x6df: {  	_ =	sdelay $0x1  }
0x6e0: {  	[sflag:s1] =	ssyncset.done $0x0  }
0x6e1: {  	[sflag:s1] =	ssyncadd.s32 $0xFFFFFE00  }
0x6e2: {  	_ =	sfence.sel $0x180000  }
0x6e3: {  	[bflag:$0x0] =	sbarrier.arrive $0xFFFF  }
0x6e4: {  	_ =	strace $0x90000047  }
0x6e5: {  	s0 =	stileid.u32;
	[bflag:$0x2] =	sbarrier.arrive $0xFFFF  }
0x6e6: {  	p0 =	sne.s32 s0, $0x0;
	s0 =	rddreg [dreg:$0x6]  }
0x6e7: {  	s0 =	sadd.s32 @!p0 $0x100000, s0  }
0x6e8: {  	[sflag:s0] =	ssyncadd.tile.s32 @!p0 $0x1;
	_ =	shalt  }
.Lfunc_end2:
_tile_overlayer_lowered:
.L_overlay_start_2:
0x6e9: {  	(tag) =	ssettag $0x2  }
0x6ea: {  	s0 =	rddreg [dreg:$0x0];
	s2 =	stileid.u32  }
0x6eb: {  	s1 =	rddreg [dreg:$0x1];
	p0 =	sne.s32 s2, $0x0  }
0x6ec: {  	s3 =	rddreg [dreg:$0x2];
	[bflag:$0x3] =	sbarrier.arrive $0xFFFF;
	s2 =	simm.s32 @!p0 $0x1C03  }
0x6ed: {  	[timem:s3], [sflag:s2] =	dma.local @!p0 [hbm:s0], s1  }
0x6ee: {  	s0 =	simm.s32 @!p0 $0x3  }
0x6ef: {  	_ =	swait.ge @!p0 [sflag:s0], s1  }
0x6f0: {  	s1 =	ssub.s32 @!p0 $0x0, s1;
	[sflag:s0] =	ssyncset.done @!p0 $0x0  }
0x6f1: {  	[sflag:s0] =	ssyncadd.s32 @!p0 s1  }
0x6f2: {  	[bflag:$0x3] =	sbarrier.arrive $0xFFFF  }
0x6f3: {  	_ =	shalt  }

</sc_bundles>
